<compile_context>
chip_gen: v7x
topology: tpu7x:2x2x1
jax: 0.10.2.dev20260603
libtpu: 0.0.44.dev20260713+nightly
codegen_flags: <defaults>
</compile_context>

<pallas_src>
import jax
import jax.numpy as jnp
from jax import lax
from jax.experimental import pallas as pl
from jax.experimental.pallas import tpu as pltpu
from jax.experimental.pallas import tpu_sc as plsc

N = 50000
E = 800000
NBUS = 500
NITER = 11
NC = 2
NS = 16
NW = NC * NS
LN = 16

NT = 1568
NP = NW * NT
NZ = NP // NS
ET = 26112
EP = NW * ET
CH = 512
NCH = ET // CH
NBLK = 112


def _body(pk1, d1, pk2, d2, inp_h, den_h, bid_h, blk_h,
          theta_h, errp_h, accp_h, u_h,
          theta_v, acc_s, pkb, dstb, valb, sem_in, sem_sc, gsem,
          inp_v, den_v, bid_v, acc_v, accb_v, u_v, tn_v, ublk_v, blk_v,
          zer_v, exp_v, err_v):
  cid = lax.axis_index("c")
  sid = lax.axis_index("s")
  wid = cid * NS + sid
  nbase = wid * NT
  zbase = sid * NZ

  def gbar():
    plsc.subcore_barrier()
    @pl.when(sid == 0)
    def _sg():
      pltpu.semaphore_signal(gsem, 1, core_index=1 - cid)
      pltpu.semaphore_wait(gsem, 1)
    plsc.subcore_barrier()

  pltpu.sync_copy(inp_h.at[pl.ds(nbase, NT)], inp_v)
  pltpu.sync_copy(den_h.at[pl.ds(nbase, NT)], den_v)
  pltpu.sync_copy(bid_h.at[pl.ds(nbase, NT)], bid_v)
  pltpu.sync_copy(blk_h, blk_v)

  def zer16(k, carry):
    for u in range(4):
      zer_v[pl.ds((k * 4 + u) * LN, LN)] = jnp.zeros((LN,), jnp.float32)
    return carry
  lax.fori_loop(0, NZ // LN // 4, zer16, 0)

  def zero_acc():
    pltpu.sync_copy(zer_v, acc_s.at[pl.ds(zbase, NZ)])
    plsc.subcore_barrier()

  def export_acc():
    plsc.subcore_barrier()
    pltpu.sync_copy(acc_s.at[pl.ds(zbase, NZ)], exp_v)
    pltpu.sync_copy(exp_v, accp_h.at[pl.ds(cid * NP + zbase, NZ)])
    gbar()

  def spmv(pk_h, dst_h):
    zero_acc()
    pbase = wid * (NCH * 2 * CH)
    ebase = wid * ET

    def issue_in(c, s):
      pltpu.async_copy(
          pk_h.at[pl.ds(pbase + c * 2 * CH, 2 * CH)], pkb[s], sem_in[s])
      pltpu.async_copy(
          dst_h.at[pl.ds(ebase + c * CH, CH)], dstb[s], sem_in[s])

    def wait_in(c, s):
      pltpu.make_async_copy(
          pk_h.at[pl.ds(pbase + c * 2 * CH, 2 * CH)], pkb[s], sem_in[s]).wait()
      pltpu.make_async_copy(
          dst_h.at[pl.ds(ebase + c * CH, CH)], dstb[s], sem_in[s]).wait()

    def wait_sc(s):
      pltpu.make_async_copy(valb[s], acc_s.at[dstb[s]], sem_sc[s]).wait()

    issue_in(0, 0)

    def triple(p, carry):
      for b in range(3):
        c = p * 3 + b
        s = b
        sn = (b + 1) % 3
        wait_in(c, s)
        if b == 2:
          wait_sc(sn)
        else:
          @pl.when(p > 0)
          def _wsc():
            wait_sc(sn)
        if b == 2:
          @pl.when(p < NCH // 3 - 1)
          def _nxt():
            issue_in(c + 1, sn)
        else:
          issue_in(c + 1, sn)

        def g16(k16, carry2):
          for u in range(16):
            o = (k16 * 16 + u) * LN
            g = plsc.load_gather(theta_v, [pkb[s][pl.ds(o, LN)]])
            valb[s][pl.ds(o, LN)] = g * plsc.bitcast(
                pkb[s][pl.ds(CH + o, LN)], jnp.float32)
          return carry2
        lax.fori_loop(0, CH // LN // 16, g16, 0)
        pltpu.async_copy(valb[s], acc_s.at[dstb[s]], sem_sc[s], add=True)
      return carry
    lax.fori_loop(0, NCH // 3, triple, 0)
    wait_sc((NCH - 2) % 3)
    wait_sc((NCH - 1) % 3)
    export_acc()

  def load_acc():
    pltpu.sync_copy(accp_h.at[pl.ds(nbase, NT)], acc_v)
    pltpu.sync_copy(accp_h.at[pl.ds(NP + nbase, NT)], accb_v)

  def iter_body(i, carry):
    @pl.when(i > 0)
    def _run_gpg():
      spmv(pk1, d1)

    @pl.when(i == 0)
    def _zero_only():
      zero_acc()
      export_acc()

    load_acc()

    def e16(k, carry2):
      for u in range(7):
        sl = pl.ds((k * 7 + u) * LN, LN)
        u_v[sl] = (inp_v[sl] - (acc_v[sl] + accb_v[sl])) / den_v[sl]
      return carry2
    lax.fori_loop(0, NT // LN // 7, e16, 0)
    pltpu.sync_copy(u_v, u_h.at[pl.ds(nbase, NT)])
    gbar()

    pltpu.sync_copy(u_h.at[blk_v], ublk_v)

    def r16(k, carry2):
      for u in range(7):
        sl = pl.ds((k * 7 + u) * LN, LN)
        ub = plsc.load_gather(ublk_v, [bid_v[sl]])
        tn_v[sl] = u_v[sl] - ub
      return carry2
    lax.fori_loop(0, NT // LN // 7, r16, 0)
    pltpu.sync_copy(tn_v, theta_h.at[pl.ds(nbase, NT)])
    gbar()
    pltpu.sync_copy(theta_h, theta_v)

    spmv(pk2, d2)

    load_acc()

    def a16(k, vacc):
      for u in range(7):
        sl = pl.ds((k * 7 + u) * LN, LN)
        vacc = vacc + jnp.abs(inp_v[sl] - (acc_v[sl] + accb_v[sl]))
      return vacc
    vacc = lax.fori_loop(0, NT // LN // 7, a16, jnp.zeros((LN,), jnp.float32))
    err_v[...] = jnp.full((LN,), jnp.sum(vacc), jnp.float32)
    pltpu.sync_copy(err_v, errp_h.at[i, wid])
    return carry

  lax.fori_loop(0, NITER, iter_body, 0)


_mesh = plsc.VectorSubcoreMesh(
    core_axis_name="c", subcore_axis_name="s", num_cores=2)

_gpg = pl.kernel(
    _body,
    out_type=(
        jax.ShapeDtypeStruct((NP,), jnp.float32),
        jax.ShapeDtypeStruct((NITER, NW, LN), jnp.float32),
        jax.ShapeDtypeStruct((NC * NP,), jnp.float32),
        jax.ShapeDtypeStruct((NP,), jnp.float32),
    ),
    mesh=_mesh,
    compiler_params=pltpu.CompilerParams(needs_layout_passes=False),
    scratch_types=[
        pltpu.VMEM((NP,), jnp.float32),
        pltpu.VMEM_SHARED((NP,), jnp.float32),
        [pltpu.VMEM((2 * CH,), jnp.int32)] * 3,
        [pltpu.VMEM((CH,), jnp.int32)] * 3,
        [pltpu.VMEM((CH,), jnp.float32)] * 3,
        [pltpu.SemaphoreType.DMA] * 3,
        [pltpu.SemaphoreType.DMA] * 3,
        pltpu.SemaphoreType.REGULAR,
        pltpu.VMEM((NT,), jnp.float32),
        pltpu.VMEM((NT,), jnp.float32),
        pltpu.VMEM((NT,), jnp.int32),
        pltpu.VMEM((NT,), jnp.float32),
        pltpu.VMEM((NT,), jnp.float32),
        pltpu.VMEM((NT,), jnp.float32),
        pltpu.VMEM((NT,), jnp.float32),
        pltpu.VMEM((NBLK,), jnp.float32),
        pltpu.VMEM((NBLK,), jnp.int32),
        pltpu.VMEM((NZ,), jnp.float32),
        pltpu.VMEM((NZ,), jnp.float32),
        pltpu.VMEM((LN,), jnp.float32),
    ],
)


def _prep_edges(ei, ea):
  src = jnp.concatenate(
      [ei[0].astype(jnp.int32), jnp.zeros((EP - E,), jnp.int32)])
  dst = jnp.concatenate(
      [ei[1].astype(jnp.int32), jnp.zeros((EP - E,), jnp.int32)])
  w = jnp.concatenate(
      [ea.astype(jnp.float32) * 100.0, jnp.zeros((EP - E,), jnp.float32)])
  wbits = jax.lax.bitcast_convert_type(w, jnp.int32)
  pk = jnp.stack(
      [src.reshape(NW, NCH, CH), wbits.reshape(NW, NCH, CH)], axis=2)
  return pk.reshape(NW * NCH * 2 * CH), dst


@jax.jit
def kernel(x, y, edge_index_no_diag, edge_attr_no_diag, edge_index, edge_attr,
           ybus):
  del y
  inp = x[:, 0] - x[:, 1]
  den = jnp.diagonal(ybus, axis1=1, axis2=2).reshape(-1) * 100.0
  inp_p = jnp.concatenate([inp, jnp.zeros((NP - N,), jnp.float32)])
  den_p = jnp.concatenate([den, jnp.ones((NP - N,), jnp.float32)])
  ar = jnp.arange(NP, dtype=jnp.int32)
  bid = jnp.where(ar < N, ar // NBUS, 0).astype(jnp.int32)
  blk = (jnp.arange(NBLK, dtype=jnp.int32) % (N // NBUS)) * NBUS

  pk1, d1 = _prep_edges(edge_index_no_diag, edge_attr_no_diag)
  pk2, d2 = _prep_edges(edge_index, edge_attr)

  theta, errp, _, _ = _gpg(pk1, d1, pk2, d2, inp_p, den_p, bid, blk)
  out = theta[:N].reshape(N, 1)
  errors = errp[:, :, 0].sum(axis=1)
  return (out, errors)

# --- scband reference (transcript-rebuilt; emitter-appended) ---
"""Pipeline reference for scband-gpgmodel-without-nn-38208029065944 (READ-ONLY COPY).

The authoritative reference and input builder live on the scoring server;
editing this copy changes nothing except your own understanding.
"""

import jax, jax.numpy as jnp
import numpy as np

N = 50000
E = 800000
B = 100
NB = 500
L = 10
REF = 0


def setup_inputs(seed: int = 0) -> dict:
    key = jax.random.key(seed)
    ks = jax.random.split(key, 7)
    x = jax.random.normal(ks[0], (N, 2), dtype=jnp.float32)
    y = jax.random.normal(ks[1], (N, 1), dtype=jnp.float32)
    edge_index_no_diag = jax.random.randint(ks[2], (2, E), 0, N)
    edge_attr_no_diag = jax.random.uniform(ks[3], (E,), dtype=jnp.float32)
    edge_index = jax.random.randint(ks[4], (2, E), 0, N)
    edge_attr = jax.random.uniform(ks[5], (E,), dtype=jnp.float32)
    ybus = jax.random.normal(ks[6], (B, NB, NB), dtype=jnp.float32)
    return {
        "x": x,
        "y": y,
        "edge_index_no_diag": edge_index_no_diag,
        "edge_attr_no_diag": edge_attr_no_diag,
        "edge_index": edge_index,
        "edge_attr": edge_attr,
        "ybus": ybus,
    }


def _propagate(edge_index, theta, edge_weights, num_nodes):
    # MessagePassing(aggr='add'): message = y_j * w, scatter-add at dst
    msg = theta[edge_index[0]] * edge_weights.reshape(-1, 1)
    return jax.ops.segment_sum(msg, edge_index[1], num_segments=num_nodes)


def _gpg_layer(theta, x, edge_index_no_diag, edge_attr_no_diag, ybus, ref_node):
    num_nodes = x.shape[0]
    aggr_msg = _propagate(edge_index_no_diag, theta, edge_attr_no_diag * 100.0, num_nodes)
    n_bus = ybus.shape[1]
    yb = ybus.reshape(-1, n_bus, n_bus) * 100.0
    # ybus * eye then gather nonzeros == the diagonal (diagonals are nonzero a.s.)
    denominator = jnp.diagonal(yb, axis1=1, axis2=2).reshape(-1, 1)
    input_node_power = (x[:, 0] - x[:, 1]).reshape(-1, 1)
    out = (input_node_power - aggr_msg) / denominator
    out3 = out.reshape(-1, n_bus, 1)
    # subtract ref-node angle (repeat_interleave == broadcast)
    out3 = out3 - out3[:, ref_node:ref_node + 1, :]
    out = out3.reshape(-1, 1)
    return out, aggr_msg


def _lc_layer(theta, x, edge_index, edge_attr):
    num_nodes = x.shape[0]
    aggr = _propagate(edge_index, theta, edge_attr * 100.0, num_nodes)
    input_node_power = (x[:, 0] - x[:, 1]).reshape(-1, 1)
    return input_node_power - aggr


def reference(x, y, edge_index_no_diag, edge_attr_no_diag, edge_index, edge_attr, ybus):
    theta = jnp.zeros_like(y)
    errors = []
    out, _ = _gpg_layer(theta, x, edge_index_no_diag, edge_attr_no_diag, ybus, REF)
    nodal_error = _lc_layer(out, x, edge_index, edge_attr)
    errors.append(jnp.abs(nodal_error).sum())
    for _ in range(L):
        out, _ = _gpg_layer(out, x, edge_index_no_diag, edge_attr_no_diag, ybus, REF)
        nodal_error = _lc_layer(out, x, edge_index, edge_attr)
        errors.append(jnp.abs(nodal_error).sum())
    return (out, jnp.stack(errors))

if __name__ == "__main__":
    import jax
    _d = setup_inputs()
    print(jax.jit(kernel)(*tuple(_d.values())))

</pallas_src>

<mosaic_0001>
#map = affine_map<(d0, d1) -> (0)>
#map1 = affine_map<(d0, d1) -> (0, 0, 0)>
module attributes {stable_mosaic.version = 14 : i64} {
  func.func @_body(%arg0: i32, %arg1: i32, %arg2: memref<1671168xi32, #tpu.memory_space<hbm>>, %arg3: memref<835584xi32, #tpu.memory_space<hbm>>, %arg4: memref<1671168xi32, #tpu.memory_space<hbm>>, %arg5: memref<835584xi32, #tpu.memory_space<hbm>>, %arg6: memref<50176xf32, #tpu.memory_space<hbm>>, %arg7: memref<50176xf32, #tpu.memory_space<hbm>>, %arg8: memref<50176xi32, #tpu.memory_space<hbm>>, %arg9: memref<112xi32, #tpu.memory_space<hbm>>, %arg10: memref<50176xf32, #tpu.memory_space<hbm>>, %arg11: memref<11x32x16xf32, #tpu.memory_space<hbm>>, %arg12: memref<100352xf32, #tpu.memory_space<hbm>>, %arg13: memref<50176xf32, #tpu.memory_space<hbm>>, %arg14: memref<50176xf32, #tpu.memory_space<vmem>>, %arg15: memref<50176xf32, #tpu.memory_space<vmem_shared>>, %arg16: memref<1024xi32, #tpu.memory_space<vmem>>, %arg17: memref<1024xi32, #tpu.memory_space<vmem>>, %arg18: memref<1024xi32, #tpu.memory_space<vmem>>, %arg19: memref<512xi32, #tpu.memory_space<vmem>>, %arg20: memref<512xi32, #tpu.memory_space<vmem>>, %arg21: memref<512xi32, #tpu.memory_space<vmem>>, %arg22: memref<512xf32, #tpu.memory_space<vmem>>, %arg23: memref<512xf32, #tpu.memory_space<vmem>>, %arg24: memref<512xf32, #tpu.memory_space<vmem>>, %arg25: memref<!tpu.dma_semaphore, #tpu.memory_space<semaphore_mem>>, %arg26: memref<!tpu.dma_semaphore, #tpu.memory_space<semaphore_mem>>, %arg27: memref<!tpu.dma_semaphore, #tpu.memory_space<semaphore_mem>>, %arg28: memref<!tpu.dma_semaphore, #tpu.memory_space<semaphore_mem>>, %arg29: memref<!tpu.dma_semaphore, #tpu.memory_space<semaphore_mem>>, %arg30: memref<!tpu.dma_semaphore, #tpu.memory_space<semaphore_mem>>, %arg31: memref<!tpu.semaphore, #tpu.memory_space<semaphore_mem>>, %arg32: memref<1568xf32, #tpu.memory_space<vmem>>, %arg33: memref<1568xf32, #tpu.memory_space<vmem>>, %arg34: memref<1568xi32, #tpu.memory_space<vmem>>, %arg35: memref<1568xf32, #tpu.memory_space<vmem>>, %arg36: memref<1568xf32, #tpu.memory_space<vmem>>, %arg37: memref<1568xf32, #tpu.memory_space<vmem>>, %arg38: memref<1568xf32, #tpu.memory_space<vmem>>, %arg39: memref<112xf32, #tpu.memory_space<vmem>>, %arg40: memref<112xi32, #tpu.memory_space<vmem>>, %arg41: memref<3136xf32, #tpu.memory_space<vmem>>, %arg42: memref<3136xf32, #tpu.memory_space<vmem>>, %arg43: memref<16xf32, #tpu.memory_space<vmem>>) attributes {dimension_semantics = [#tpu.dimension_semantics<core_parallel>, #tpu.dimension_semantics<subcore_parallel>], iteration_bounds = array<i64: 2, 16>, scalar_prefetch = 0 : i64, scratch_operands = 30 : i64, tpu.core_type = #tpu.core_type<sc_vector_subcore>, window_params = [{transform_indices = #map}, {transform_indices = #map}, {transform_indices = #map}, {transform_indices = #map}, {transform_indices = #map}, {transform_indices = #map}, {transform_indices = #map}, {transform_indices = #map}, {transform_indices = #map}, {transform_indices = #map1}, {transform_indices = #map}, {transform_indices = #map}]} {
    %mul3A = arith.constant 16 : i32
    %mul3A_0 = arith.muli %arg0, %mul3A : i32
    %add3A = arith.addi %mul3A_0, %arg1 : i32
    %mul3A_1 = arith.constant 1568 : i32
    %mul3A_2 = arith.muli %add3A, %mul3A_1 : i32
    %mul3A_3 = arith.constant 3136 : i32
    %mul3A_4 = arith.muli %arg1, %mul3A_3 : i32
    "tpu.region"() ({
      %run_scoped3A = tpu.sem_alloc : memref<!tpu.dma_semaphore, #tpu.memory_space<semaphore_mem>>
      %dma_start3A = tpu.memref_slice %arg6[%mul3A_2] : memref<50176xf32, #tpu.memory_space<hbm>> -> memref<1568xf32, #tpu.memory_space<hbm>>
      %dma_start3A_16 = tpu.memref_slice %arg6[%mul3A_2] : memref<50176xf32, #tpu.memory_space<hbm>> -> memref<1568xf32, #tpu.memory_space<hbm>>
      tpu.enqueue_dma source(%dma_start3A_16 : memref<1568xf32, #tpu.memory_space<hbm>>) target(%arg32 : memref<1568xf32, #tpu.memory_space<vmem>>) target_semaphore(%run_scoped3A : memref<!tpu.dma_semaphore, #tpu.memory_space<semaphore_mem>>)
      %dma_wait3A = tpu.memref_slice %arg6[%mul3A_2] : memref<50176xf32, #tpu.memory_space<hbm>> -> memref<1568xf32, #tpu.memory_space<hbm>>
      %dma_wait3A_17 = tpu.memref_slice %arg6[%mul3A_2] : memref<50176xf32, #tpu.memory_space<hbm>> -> memref<1568xf32, #tpu.memory_space<hbm>>
      tpu.wait_dma2 semaphore(%run_scoped3A : memref<!tpu.dma_semaphore, #tpu.memory_space<semaphore_mem>>) src(%dma_wait3A_17 : memref<1568xf32, #tpu.memory_space<hbm>>) dst(%arg32 : memref<1568xf32, #tpu.memory_space<vmem>>)
      tpu.yield
    }) : () -> ()
    "tpu.region"() ({
      %run_scoped3A = tpu.sem_alloc : memref<!tpu.dma_semaphore, #tpu.memory_space<semaphore_mem>>
      %dma_start3A = tpu.memref_slice %arg7[%mul3A_2] : memref<50176xf32, #tpu.memory_space<hbm>> -> memref<1568xf32, #tpu.memory_space<hbm>>
      %dma_start3A_16 = tpu.memref_slice %arg7[%mul3A_2] : memref<50176xf32, #tpu.memory_space<hbm>> -> memref<1568xf32, #tpu.memory_space<hbm>>
      tpu.enqueue_dma source(%dma_start3A_16 : memref<1568xf32, #tpu.memory_space<hbm>>) target(%arg33 : memref<1568xf32, #tpu.memory_space<vmem>>) target_semaphore(%run_scoped3A : memref<!tpu.dma_semaphore, #tpu.memory_space<semaphore_mem>>)
      %dma_wait3A = tpu.memref_slice %arg7[%mul3A_2] : memref<50176xf32, #tpu.memory_space<hbm>> -> memref<1568xf32, #tpu.memory_space<hbm>>
      %dma_wait3A_17 = tpu.memref_slice %arg7[%mul3A_2] : memref<50176xf32, #tpu.memory_space<hbm>> -> memref<1568xf32, #tpu.memory_space<hbm>>
      tpu.wait_dma2 semaphore(%run_scoped3A : memref<!tpu.dma_semaphore, #tpu.memory_space<semaphore_mem>>) src(%dma_wait3A_17 : memref<1568xf32, #tpu.memory_space<hbm>>) dst(%arg33 : memref<1568xf32, #tpu.memory_space<vmem>>)
      tpu.yield
    }) : () -> ()
    "tpu.region"() ({
      %run_scoped3A = tpu.sem_alloc : memref<!tpu.dma_semaphore, #tpu.memory_space<semaphore_mem>>
      %dma_start3A = tpu.memref_slice %arg8[%mul3A_2] : memref<50176xi32, #tpu.memory_space<hbm>> -> memref<1568xi32, #tpu.memory_space<hbm>>
      %dma_start3A_16 = tpu.memref_slice %arg8[%mul3A_2] : memref<50176xi32, #tpu.memory_space<hbm>> -> memref<1568xi32, #tpu.memory_space<hbm>>
      tpu.enqueue_dma source(%dma_start3A_16 : memref<1568xi32, #tpu.memory_space<hbm>>) target(%arg34 : memref<1568xi32, #tpu.memory_space<vmem>>) target_semaphore(%run_scoped3A : memref<!tpu.dma_semaphore, #tpu.memory_space<semaphore_mem>>)
      %dma_wait3A = tpu.memref_slice %arg8[%mul3A_2] : memref<50176xi32, #tpu.memory_space<hbm>> -> memref<1568xi32, #tpu.memory_space<hbm>>
      %dma_wait3A_17 = tpu.memref_slice %arg8[%mul3A_2] : memref<50176xi32, #tpu.memory_space<hbm>> -> memref<1568xi32, #tpu.memory_space<hbm>>
      tpu.wait_dma2 semaphore(%run_scoped3A : memref<!tpu.dma_semaphore, #tpu.memory_space<semaphore_mem>>) src(%dma_wait3A_17 : memref<1568xi32, #tpu.memory_space<hbm>>) dst(%arg34 : memref<1568xi32, #tpu.memory_space<vmem>>)
      tpu.yield
    }) : () -> ()
    "tpu.region"() ({
      %run_scoped3A = tpu.sem_alloc : memref<!tpu.dma_semaphore, #tpu.memory_space<semaphore_mem>>
      tpu.enqueue_dma source(%arg9 : memref<112xi32, #tpu.memory_space<hbm>>) target(%arg40 : memref<112xi32, #tpu.memory_space<vmem>>) target_semaphore(%run_scoped3A : memref<!tpu.dma_semaphore, #tpu.memory_space<semaphore_mem>>)
      tpu.wait_dma2 semaphore(%run_scoped3A : memref<!tpu.dma_semaphore, #tpu.memory_space<semaphore_mem>>) src(%arg9 : memref<112xi32, #tpu.memory_space<hbm>>) dst(%arg40 : memref<112xi32, #tpu.memory_space<vmem>>)
      tpu.yield
    }) : () -> ()
    %scan3A = arith.constant 0 : i32
    %scan3A_5 = arith.constant 0 : i32
    %scan3A_6 = arith.constant 49 : i32
    %scan3A_7 = arith.addi %scan3A_5, %scan3A_6 : i32
    %scan3A_8 = arith.constant 1 : i32
    scf.for %scan3A_16 = %scan3A_5 to %scan3A_7 step %scan3A_8  : i32 {
      %broadcast_in_dim3A = arith.constant 0.000000e+00 : f32
      %broadcast_in_dim3A_17 = vector.broadcast %broadcast_in_dim3A : f32 to vector<16xf32>
      %mul3A_18 = arith.constant 4 : i32
      %mul3A_19 = arith.muli %scan3A_16, %mul3A_18 : i32
      %add3A_20 = arith.constant 0 : i32
      %add3A_21 = arith.addi %mul3A_19, %add3A_20 : i32
      %mul3A_22 = arith.constant 16 : i32
      %mul3A_23 = arith.muli %add3A_21, %mul3A_22 : i32
      %swap3A = arith.index_cast %mul3A_23 : i32 to index
      %swap3A_24 = tpu.vector_load %arg41[%swap3A] {strides = array<i32>} : memref<3136xf32, #tpu.memory_space<vmem>>, vector<16xf32>,
      tpu.vector_store %arg41[%swap3A], %broadcast_in_dim3A_17 {strides = array<i32>} : memref<3136xf32, #tpu.memory_space<vmem>>, vector<16xf32>,
      %broadcast_in_dim3A_25 = arith.constant 0.000000e+00 : f32
      %broadcast_in_dim3A_26 = vector.broadcast %broadcast_in_dim3A_25 : f32 to vector<16xf32>
      %mul3A_27 = arith.constant 4 : i32
      %mul3A_28 = arith.muli %scan3A_16, %mul3A_27 : i32
      %add3A_29 = arith.constant 1 : i32
      %add3A_30 = arith.addi %mul3A_28, %add3A_29 : i32
      %mul3A_31 = arith.constant 16 : i32
      %mul3A_32 = arith.muli %add3A_30, %mul3A_31 : i32
      %swap3A_33 = arith.index_cast %mul3A_32 : i32 to index
      %swap3A_34 = tpu.vector_load %arg41[%swap3A_33] {strides = array<i32>} : memref<3136xf32, #tpu.memory_space<vmem>>, vector<16xf32>,
      tpu.vector_store %arg41[%swap3A_33], %broadcast_in_dim3A_26 {strides = array<i32>} : memref<3136xf32, #tpu.memory_space<vmem>>, vector<16xf32>,
      %broadcast_in_dim3A_35 = arith.constant 0.000000e+00 : f32
      %broadcast_in_dim3A_36 = vector.broadcast %broadcast_in_dim3A_35 : f32 to vector<16xf32>
      %mul3A_37 = arith.constant 4 : i32
      %mul3A_38 = arith.muli %scan3A_16, %mul3A_37 : i32
      %add3A_39 = arith.constant 2 : i32
      %add3A_40 = arith.addi %mul3A_38, %add3A_39 : i32
      %mul3A_41 = arith.constant 16 : i32
      %mul3A_42 = arith.muli %add3A_40, %mul3A_41 : i32
      %swap3A_43 = arith.index_cast %mul3A_42 : i32 to index
      %swap3A_44 = tpu.vector_load %arg41[%swap3A_43] {strides = array<i32>} : memref<3136xf32, #tpu.memory_space<vmem>>, vector<16xf32>,
      tpu.vector_store %arg41[%swap3A_43], %broadcast_in_dim3A_36 {strides = array<i32>} : memref<3136xf32, #tpu.memory_space<vmem>>, vector<16xf32>,
      %broadcast_in_dim3A_45 = arith.constant 0.000000e+00 : f32
      %broadcast_in_dim3A_46 = vector.broadcast %broadcast_in_dim3A_45 : f32 to vector<16xf32>
      %mul3A_47 = arith.constant 4 : i32
      %mul3A_48 = arith.muli %scan3A_16, %mul3A_47 : i32
      %add3A_49 = arith.constant 3 : i32
      %add3A_50 = arith.addi %mul3A_48, %add3A_49 : i32
      %mul3A_51 = arith.constant 16 : i32
      %mul3A_52 = arith.muli %add3A_50, %mul3A_51 : i32
      %swap3A_53 = arith.index_cast %mul3A_52 : i32 to index
      %swap3A_54 = tpu.vector_load %arg41[%swap3A_53] {strides = array<i32>} : memref<3136xf32, #tpu.memory_space<vmem>>, vector<16xf32>,
      tpu.vector_store %arg41[%swap3A_53], %broadcast_in_dim3A_46 {strides = array<i32>} : memref<3136xf32, #tpu.memory_space<vmem>>, vector<16xf32>,
    }
    %scan3A_9 = arith.constant 49 : i32
    %scan3A_10 = arith.constant 0 : i32
    %scan3A_11 = arith.constant 0 : i32
    %scan3A_12 = arith.constant 11 : i32
    %scan3A_13 = arith.addi %scan3A_11, %scan3A_12 : i32
    %scan3A_14 = arith.constant 1 : i32
    scf.for %scan3A_16 = %scan3A_11 to %scan3A_13 step %scan3A_14  : i32 {
      %gt3A = arith.constant 0 : i32
      %gt3A_17 = arith.cmpi sgt, %scan3A_16, %gt3A : i32
      %convert_element_type3A = arith.extui %gt3A_17 : i1 to i32
      %cond3A = arith.constant 0 : i32
      %cond3A_18 = arith.cmpi ne, %convert_element_type3A, %cond3A : i32
      scf.if %cond3A_18 {
        "tpu.region"() ({
          %run_scoped3A = tpu.sem_alloc : memref<!tpu.dma_semaphore, #tpu.memory_space<semaphore_mem>>
          %dma_start3A_130 = tpu.memref_slice %arg15[%mul3A_4] : memref<50176xf32, #tpu.memory_space<vmem_shared>> -> memref<3136xf32, #tpu.memory_space<vmem_shared>>
          %dma_start3A_131 = tpu.memref_slice %arg15[%mul3A_4] : memref<50176xf32, #tpu.memory_space<vmem_shared>> -> memref<3136xf32, #tpu.memory_space<vmem_shared>>
          tpu.enqueue_dma source(%arg41 : memref<3136xf32, #tpu.memory_space<vmem>>) target(%dma_start3A_131 : memref<3136xf32, #tpu.memory_space<vmem_shared>>) target_semaphore(%run_scoped3A : memref<!tpu.dma_semaphore, #tpu.memory_space<semaphore_mem>>)
          %dma_wait3A_132 = tpu.memref_slice %arg15[%mul3A_4] : memref<50176xf32, #tpu.memory_space<vmem_shared>> -> memref<3136xf32, #tpu.memory_space<vmem_shared>>
          %dma_wait3A_133 = tpu.memref_slice %arg15[%mul3A_4] : memref<50176xf32, #tpu.memory_space<vmem_shared>> -> memref<3136xf32, #tpu.memory_space<vmem_shared>>
          tpu.wait_dma2 semaphore(%run_scoped3A : memref<!tpu.dma_semaphore, #tpu.memory_space<semaphore_mem>>) src(%arg41 : memref<3136xf32, #tpu.memory_space<vmem>>) dst(%dma_wait3A_133 : memref<3136xf32, #tpu.memory_space<vmem_shared>>)
          tpu.yield
        }) : () -> ()
        %barrier3A_96 = arith.constant 0 : index
        tpu.barrier barrier_id(%barrier3A_96)
        %mul3A_97 = arith.constant 52224 : i32
        %mul3A_98 = arith.muli %add3A, %mul3A_97 : i32
        %mul3A_99 = arith.constant 26112 : i32
        %mul3A_100 = arith.muli %add3A, %mul3A_99 : i32
        %add3A_101 = arith.constant 0 : i32
        %add3A_102 = arith.addi %mul3A_98, %add3A_101 : i32
        %dma_start3A_103 = tpu.memref_slice %arg2[%add3A_102] : memref<1671168xi32, #tpu.memory_space<hbm>> -> memref<1024xi32, #tpu.memory_space<hbm>>
        %dma_start3A_104 = tpu.memref_slice %arg2[%add3A_102] : memref<1671168xi32, #tpu.memory_space<hbm>> -> memref<1024xi32, #tpu.memory_space<hbm>>
        tpu.enqueue_dma source(%dma_start3A_104 : memref<1024xi32, #tpu.memory_space<hbm>>) target(%arg16 : memref<1024xi32, #tpu.memory_space<vmem>>) target_semaphore(%arg25 : memref<!tpu.dma_semaphore, #tpu.memory_space<semaphore_mem>>)
        %add3A_105 = arith.constant 0 : i32
        %add3A_106 = arith.addi %mul3A_100, %add3A_105 : i32
        %dma_start3A_107 = tpu.memref_slice %arg3[%add3A_106] : memref<835584xi32, #tpu.memory_space<hbm>> -> memref<512xi32, #tpu.memory_space<hbm>>
        %dma_start3A_108 = tpu.memref_slice %arg3[%add3A_106] : memref<835584xi32, #tpu.memory_space<hbm>> -> memref<512xi32, #tpu.memory_space<hbm>>
        tpu.enqueue_dma source(%dma_start3A_108 : memref<512xi32, #tpu.memory_space<hbm>>) target(%arg19 : memref<512xi32, #tpu.memory_space<vmem>>) target_semaphore(%arg25 : memref<!tpu.dma_semaphore, #tpu.memory_space<semaphore_mem>>)
        %scan3A_109 = arith.constant 0 : i32
        %scan3A_110 = arith.constant 0 : i32
        %scan3A_111 = arith.constant 17 : i32
        %scan3A_112 = arith.addi %scan3A_110, %scan3A_111 : i32
        %scan3A_113 = arith.constant 1 : i32
        scf.for %scan3A_130 = %scan3A_110 to %scan3A_112 step %scan3A_113  : i32 {
          %mul3A_131 = arith.constant 3 : i32
          %mul3A_132 = arith.muli %scan3A_130, %mul3A_131 : i32
          %add3A_133 = arith.constant 0 : i32
          %add3A_134 = arith.addi %mul3A_132, %add3A_133 : i32
          %mul3A_135 = arith.constant 2 : i32
          %mul3A_136 = arith.muli %add3A_134, %mul3A_135 : i32
          %mul3A_137 = arith.constant 512 : i32
          %mul3A_138 = arith.muli %mul3A_136, %mul3A_137 : i32
          %add3A_139 = arith.addi %mul3A_98, %mul3A_138 : i32
          %dma_wait3A_140 = tpu.memref_slice %arg2[%add3A_139] : memref<1671168xi32, #tpu.memory_space<hbm>> -> memref<1024xi32, #tpu.memory_space<hbm>>
          %dma_wait3A_141 = tpu.memref_slice %arg2[%add3A_139] : memref<1671168xi32, #tpu.memory_space<hbm>> -> memref<1024xi32, #tpu.memory_space<hbm>>
          tpu.wait_dma2 semaphore(%arg25 : memref<!tpu.dma_semaphore, #tpu.memory_space<semaphore_mem>>) src(%dma_wait3A_141 : memref<1024xi32, #tpu.memory_space<hbm>>) dst(%arg16 : memref<1024xi32, #tpu.memory_space<vmem>>)
          %mul3A_142 = arith.constant 512 : i32
          %mul3A_143 = arith.muli %add3A_134, %mul3A_142 : i32
          %add3A_144 = arith.addi %mul3A_100, %mul3A_143 : i32
          %dma_wait3A_145 = tpu.memref_slice %arg3[%add3A_144] : memref<835584xi32, #tpu.memory_space<hbm>> -> memref<512xi32, #tpu.memory_space<hbm>>
          %dma_wait3A_146 = tpu.memref_slice %arg3[%add3A_144] : memref<835584xi32, #tpu.memory_space<hbm>> -> memref<512xi32, #tpu.memory_space<hbm>>
          tpu.wait_dma2 semaphore(%arg25 : memref<!tpu.dma_semaphore, #tpu.memory_space<semaphore_mem>>) src(%dma_wait3A_146 : memref<512xi32, #tpu.memory_space<hbm>>) dst(%arg19 : memref<512xi32, #tpu.memory_space<vmem>>)
          %gt3A_147 = arith.constant 0 : i32
          %gt3A_148 = arith.cmpi sgt, %scan3A_130, %gt3A_147 : i32
          %convert_element_type3A_149 = arith.extui %gt3A_148 : i1 to i32
          %cond3A_150 = arith.constant 0 : i32
          %cond3A_151 = arith.cmpi ne, %convert_element_type3A_149, %cond3A_150 : i32
          scf.if %cond3A_151 {
            %dma_wait3A_247 = arith.constant 0 : i32
            %dma_wait3A_248 = tpu.memref_slice %arg15[%dma_wait3A_247] : memref<50176xf32, #tpu.memory_space<vmem_shared>> -> memref<50176xf32, #tpu.memory_space<vmem_shared>>
            tpu.wait_indirect_dma semaphore(%arg29 : memref<!tpu.dma_semaphore, #tpu.memory_space<semaphore_mem>>) src(%arg23 : memref<512xf32, #tpu.memory_space<vmem>>) dst(%dma_wait3A_248 : memref<50176xf32, #tpu.memory_space<vmem_shared>>)
          } else {
          }
          %add3A_152 = arith.constant 1 : i32
          %add3A_153 = arith.addi %add3A_134, %add3A_152 : i32
          %mul3A_154 = arith.constant 2 : i32
          %mul3A_155 = arith.muli %add3A_153, %mul3A_154 : i32
          %mul3A_156 = arith.constant 512 : i32
          %mul3A_157 = arith.muli %mul3A_155, %mul3A_156 : i32
          %add3A_158 = arith.addi %mul3A_98, %mul3A_157 : i32
          %dma_start3A_159 = tpu.memref_slice %arg2[%add3A_158] : memref<1671168xi32, #tpu.memory_space<hbm>> -> memref<1024xi32, #tpu.memory_space<hbm>>
          %dma_start3A_160 = tpu.memref_slice %arg2[%add3A_158] : memref<1671168xi32, #tpu.memory_space<hbm>> -> memref<1024xi32, #tpu.memory_space<hbm>>
          tpu.enqueue_dma source(%dma_start3A_160 : memref<1024xi32, #tpu.memory_space<hbm>>) target(%arg17 : memref<1024xi32, #tpu.memory_space<vmem>>) target_semaphore(%arg26 : memref<!tpu.dma_semaphore, #tpu.memory_space<semaphore_mem>>)
          %mul3A_161 = arith.constant 512 : i32
          %mul3A_162 = arith.muli %add3A_153, %mul3A_161 : i32
          %add3A_163 = arith.addi %mul3A_100, %mul3A_162 : i32
          %dma_start3A_164 = tpu.memref_slice %arg3[%add3A_163] : memref<835584xi32, #tpu.memory_space<hbm>> -> memref<512xi32, #tpu.memory_space<hbm>>
          %dma_start3A_165 = tpu.memref_slice %arg3[%add3A_163] : memref<835584xi32, #tpu.memory_space<hbm>> -> memref<512xi32, #tpu.memory_space<hbm>>
          tpu.enqueue_dma source(%dma_start3A_165 : memref<512xi32, #tpu.memory_space<hbm>>) target(%arg20 : memref<512xi32, #tpu.memory_space<vmem>>) target_semaphore(%arg26 : memref<!tpu.dma_semaphore, #tpu.memory_space<semaphore_mem>>)
          %scan3A_166 = arith.constant 0 : i32
          %scan3A_167 = arith.constant 0 : i32
          %scan3A_168 = arith.constant 2 : i32
          %scan3A_169 = arith.addi %scan3A_167, %scan3A_168 : i32
          %scan3A_170 = arith.constant 1 : i32
          scf.for %scan3A_247 = %scan3A_167 to %scan3A_169 step %scan3A_170  : i32 {
            %mul3A_248 = arith.constant 16 : i32
            %mul3A_249 = arith.muli %scan3A_247, %mul3A_248 : i32
            %add3A_250 = arith.constant 0 : i32
            %add3A_251 = arith.addi %mul3A_249, %add3A_250 : i32
            %mul3A_252 = arith.constant 16 : i32
            %mul3A_253 = arith.muli %add3A_251, %mul3A_252 : i32
            %get3A = arith.index_cast %mul3A_253 : i32 to index
            %get3A_254 = tpu.vector_load %arg16[%get3A] {strides = array<i32>} : memref<1024xi32, #tpu.memory_space<vmem>>, vector<16xi32>,
            %gather3A = tpu.vector_load_idx %arg14[%get3A_254] : memref<50176xf32, #tpu.memory_space<vmem>>[vector<16xi32>], vector<16xf32>,
            %add3A_255 = arith.constant 512 : i32
            %add3A_256 = arith.addi %add3A_255, %mul3A_253 : i32
            %get3A_257 = arith.index_cast %add3A_256 : i32 to index
            %get3A_258 = tpu.vector_load %arg16[%get3A_257] {strides = array<i32>} : memref<1024xi32, #tpu.memory_space<vmem>>, vector<16xi32>,
            %bitcast3A = vector.bitcast %get3A_258 : vector<16xi32> to vector<16xf32>
            %mul3A_259 = arith.mulf %gather3A, %bitcast3A : vector<16xf32>
            %swap3A_260 = arith.index_cast %mul3A_253 : i32 to index
            %swap3A_261 = tpu.vector_load %arg22[%swap3A_260] {strides = array<i32>} : memref<512xf32, #tpu.memory_space<vmem>>, vector<16xf32>,
            tpu.vector_store %arg22[%swap3A_260], %mul3A_259 {strides = array<i32>} : memref<512xf32, #tpu.memory_space<vmem>>, vector<16xf32>,
            %mul3A_262 = arith.constant 16 : i32
            %mul3A_263 = arith.muli %scan3A_247, %mul3A_262 : i32
            %add3A_264 = arith.constant 1 : i32
            %add3A_265 = arith.addi %mul3A_263, %add3A_264 : i32
            %mul3A_266 = arith.constant 16 : i32
            %mul3A_267 = arith.muli %add3A_265, %mul3A_266 : i32
            %get3A_268 = arith.index_cast %mul3A_267 : i32 to index
            %get3A_269 = tpu.vector_load %arg16[%get3A_268] {strides = array<i32>} : memref<1024xi32, #tpu.memory_space<vmem>>, vector<16xi32>,
            %gather3A_270 = tpu.vector_load_idx %arg14[%get3A_269] : memref<50176xf32, #tpu.memory_space<vmem>>[vector<16xi32>], vector<16xf32>,
            %add3A_271 = arith.constant 512 : i32
            %add3A_272 = arith.addi %add3A_271, %mul3A_267 : i32
            %get3A_273 = arith.index_cast %add3A_272 : i32 to index
            %get3A_274 = tpu.vector_load %arg16[%get3A_273] {strides = array<i32>} : memref<1024xi32, #tpu.memory_space<vmem>>, vector<16xi32>,
            %bitcast3A_275 = vector.bitcast %get3A_274 : vector<16xi32> to vector<16xf32>
            %mul3A_276 = arith.mulf %gather3A_270, %bitcast3A_275 : vector<16xf32>
            %swap3A_277 = arith.index_cast %mul3A_267 : i32 to index
            %swap3A_278 = tpu.vector_load %arg22[%swap3A_277] {strides = array<i32>} : memref<512xf32, #tpu.memory_space<vmem>>, vector<16xf32>,
            tpu.vector_store %arg22[%swap3A_277], %mul3A_276 {strides = array<i32>} : memref<512xf32, #tpu.memory_space<vmem>>, vector<16xf32>,
            %mul3A_279 = arith.constant 16 : i32
            %mul3A_280 = arith.muli %scan3A_247, %mul3A_279 : i32
            %add3A_281 = arith.constant 2 : i32
            %add3A_282 = arith.addi %mul3A_280, %add3A_281 : i32
            %mul3A_283 = arith.constant 16 : i32
            %mul3A_284 = arith.muli %add3A_282, %mul3A_283 : i32
            %get3A_285 = arith.index_cast %mul3A_284 : i32 to index
            %get3A_286 = tpu.vector_load %arg16[%get3A_285] {strides = array<i32>} : memref<1024xi32, #tpu.memory_space<vmem>>, vector<16xi32>,
            %gather3A_287 = tpu.vector_load_idx %arg14[%get3A_286] : memref<50176xf32, #tpu.memory_space<vmem>>[vector<16xi32>], vector<16xf32>,
            %add3A_288 = arith.constant 512 : i32
            %add3A_289 = arith.addi %add3A_288, %mul3A_284 : i32
            %get3A_290 = arith.index_cast %add3A_289 : i32 to index
            %get3A_291 = tpu.vector_load %arg16[%get3A_290] {strides = array<i32>} : memref<1024xi32, #tpu.memory_space<vmem>>, vector<16xi32>,
            %bitcast3A_292 = vector.bitcast %get3A_291 : vector<16xi32> to vector<16xf32>
            %mul3A_293 = arith.mulf %gather3A_287, %bitcast3A_292 : vector<16xf32>
            %swap3A_294 = arith.index_cast %mul3A_284 : i32 to index
            %swap3A_295 = tpu.vector_load %arg22[%swap3A_294] {strides = array<i32>} : memref<512xf32, #tpu.memory_space<vmem>>, vector<16xf32>,
            tpu.vector_store %arg22[%swap3A_294], %mul3A_293 {strides = array<i32>} : memref<512xf32, #tpu.memory_space<vmem>>, vector<16xf32>,
            %mul3A_296 = arith.constant 16 : i32
            %mul3A_297 = arith.muli %scan3A_247, %mul3A_296 : i32
            %add3A_298 = arith.constant 3 : i32
            %add3A_299 = arith.addi %mul3A_297, %add3A_298 : i32
            %mul3A_300 = arith.constant 16 : i32
            %mul3A_301 = arith.muli %add3A_299, %mul3A_300 : i32
            %get3A_302 = arith.index_cast %mul3A_301 : i32 to index
            %get3A_303 = tpu.vector_load %arg16[%get3A_302] {strides = array<i32>} : memref<1024xi32, #tpu.memory_space<vmem>>, vector<16xi32>,
            %gather3A_304 = tpu.vector_load_idx %arg14[%get3A_303] : memref<50176xf32, #tpu.memory_space<vmem>>[vector<16xi32>], vector<16xf32>,
            %add3A_305 = arith.constant 512 : i32
            %add3A_306 = arith.addi %add3A_305, %mul3A_301 : i32
            %get3A_307 = arith.index_cast %add3A_306 : i32 to index
            %get3A_308 = tpu.vector_load %arg16[%get3A_307] {strides = array<i32>} : memref<1024xi32, #tpu.memory_space<vmem>>, vector<16xi32>,
            %bitcast3A_309 = vector.bitcast %get3A_308 : vector<16xi32> to vector<16xf32>
            %mul3A_310 = arith.mulf %gather3A_304, %bitcast3A_309 : vector<16xf32>
            %swap3A_311 = arith.index_cast %mul3A_301 : i32 to index
            %swap3A_312 = tpu.vector_load %arg22[%swap3A_311] {strides = array<i32>} : memref<512xf32, #tpu.memory_space<vmem>>, vector<16xf32>,
            tpu.vector_store %arg22[%swap3A_311], %mul3A_310 {strides = array<i32>} : memref<512xf32, #tpu.memory_space<vmem>>, vector<16xf32>,
            %mul3A_313 = arith.constant 16 : i32
            %mul3A_314 = arith.muli %scan3A_247, %mul3A_313 : i32
            %add3A_315 = arith.constant 4 : i32
            %add3A_316 = arith.addi %mul3A_314, %add3A_315 : i32
            %mul3A_317 = arith.constant 16 : i32
            %mul3A_318 = arith.muli %add3A_316, %mul3A_317 : i32
            %get3A_319 = arith.index_cast %mul3A_318 : i32 to index
            %get3A_320 = tpu.vector_load %arg16[%get3A_319] {strides = array<i32>} : memref<1024xi32, #tpu.memory_space<vmem>>, vector<16xi32>,
            %gather3A_321 = tpu.vector_load_idx %arg14[%get3A_320] : memref<50176xf32, #tpu.memory_space<vmem>>[vector<16xi32>], vector<16xf32>,
            %add3A_322 = arith.constant 512 : i32
            %add3A_323 = arith.addi %add3A_322, %mul3A_318 : i32
            %get3A_324 = arith.index_cast %add3A_323 : i32 to index
            %get3A_325 = tpu.vector_load %arg16[%get3A_324] {strides = array<i32>} : memref<1024xi32, #tpu.memory_space<vmem>>, vector<16xi32>,
            %bitcast3A_326 = vector.bitcast %get3A_325 : vector<16xi32> to vector<16xf32>
            %mul3A_327 = arith.mulf %gather3A_321, %bitcast3A_326 : vector<16xf32>
            %swap3A_328 = arith.index_cast %mul3A_318 : i32 to index
            %swap3A_329 = tpu.vector_load %arg22[%swap3A_328] {strides = array<i32>} : memref<512xf32, #tpu.memory_space<vmem>>, vector<16xf32>,
            tpu.vector_store %arg22[%swap3A_328], %mul3A_327 {strides = array<i32>} : memref<512xf32, #tpu.memory_space<vmem>>, vector<16xf32>,
            %mul3A_330 = arith.constant 16 : i32
            %mul3A_331 = arith.muli %scan3A_247, %mul3A_330 : i32
            %add3A_332 = arith.constant 5 : i32
            %add3A_333 = arith.addi %mul3A_331, %add3A_332 : i32
            %mul3A_334 = arith.constant 16 : i32
            %mul3A_335 = arith.muli %add3A_333, %mul3A_334 : i32
            %get3A_336 = arith.index_cast %mul3A_335 : i32 to index
            %get3A_337 = tpu.vector_load %arg16[%get3A_336] {strides = array<i32>} : memref<1024xi32, #tpu.memory_space<vmem>>, vector<16xi32>,
            %gather3A_338 = tpu.vector_load_idx %arg14[%get3A_337] : memref<50176xf32, #tpu.memory_space<vmem>>[vector<16xi32>], vector<16xf32>,
            %add3A_339 = arith.constant 512 : i32
            %add3A_340 = arith.addi %add3A_339, %mul3A_335 : i32
            %get3A_341 = arith.index_cast %add3A_340 : i32 to index
            %get3A_342 = tpu.vector_load %arg16[%get3A_341] {strides = array<i32>} : memref<1024xi32, #tpu.memory_space<vmem>>, vector<16xi32>,
            %bitcast3A_343 = vector.bitcast %get3A_342 : vector<16xi32> to vector<16xf32>
            %mul3A_344 = arith.mulf %gather3A_338, %bitcast3A_343 : vector<16xf32>
            %swap3A_345 = arith.index_cast %mul3A_335 : i32 to index
            %swap3A_346 = tpu.vector_load %arg22[%swap3A_345] {strides = array<i32>} : memref<512xf32, #tpu.memory_space<vmem>>, vector<16xf32>,
            tpu.vector_store %arg22[%swap3A_345], %mul3A_344 {strides = array<i32>} : memref<512xf32, #tpu.memory_space<vmem>>, vector<16xf32>,
            %mul3A_347 = arith.constant 16 : i32
            %mul3A_348 = arith.muli %scan3A_247, %mul3A_347 : i32
            %add3A_349 = arith.constant 6 : i32
            %add3A_350 = arith.addi %mul3A_348, %add3A_349 : i32
            %mul3A_351 = arith.constant 16 : i32
            %mul3A_352 = arith.muli %add3A_350, %mul3A_351 : i32
            %get3A_353 = arith.index_cast %mul3A_352 : i32 to index
            %get3A_354 = tpu.vector_load %arg16[%get3A_353] {strides = array<i32>} : memref<1024xi32, #tpu.memory_space<vmem>>, vector<16xi32>,
            %gather3A_355 = tpu.vector_load_idx %arg14[%get3A_354] : memref<50176xf32, #tpu.memory_space<vmem>>[vector<16xi32>], vector<16xf32>,
            %add3A_356 = arith.constant 512 : i32
            %add3A_357 = arith.addi %add3A_356, %mul3A_352 : i32
            %get3A_358 = arith.index_cast %add3A_357 : i32 to index
            %get3A_359 = tpu.vector_load %arg16[%get3A_358] {strides = array<i32>} : memref<1024xi32, #tpu.memory_space<vmem>>, vector<16xi32>,
            %bitcast3A_360 = vector.bitcast %get3A_359 : vector<16xi32> to vector<16xf32>
            %mul3A_361 = arith.mulf %gather3A_355, %bitcast3A_360 : vector<16xf32>
            %swap3A_362 = arith.index_cast %mul3A_352 : i32 to index
            %swap3A_363 = tpu.vector_load %arg22[%swap3A_362] {strides = array<i32>} : memref<512xf32, #tpu.memory_space<vmem>>, vector<16xf32>,
            tpu.vector_store %arg22[%swap3A_362], %mul3A_361 {strides = array<i32>} : memref<512xf32, #tpu.memory_space<vmem>>, vector<16xf32>,
            %mul3A_364 = arith.constant 16 : i32
            %mul3A_365 = arith.muli %scan3A_247, %mul3A_364 : i32
            %add3A_366 = arith.constant 7 : i32
            %add3A_367 = arith.addi %mul3A_365, %add3A_366 : i32
            %mul3A_368 = arith.constant 16 : i32
            %mul3A_369 = arith.muli %add3A_367, %mul3A_368 : i32
            %get3A_370 = arith.index_cast %mul3A_369 : i32 to index
            %get3A_371 = tpu.vector_load %arg16[%get3A_370] {strides = array<i32>} : memref<1024xi32, #tpu.memory_space<vmem>>, vector<16xi32>,
            %gather3A_372 = tpu.vector_load_idx %arg14[%get3A_371] : memref<50176xf32, #tpu.memory_space<vmem>>[vector<16xi32>], vector<16xf32>,
            %add3A_373 = arith.constant 512 : i32
            %add3A_374 = arith.addi %add3A_373, %mul3A_369 : i32
            %get3A_375 = arith.index_cast %add3A_374 : i32 to index
            %get3A_376 = tpu.vector_load %arg16[%get3A_375] {strides = array<i32>} : memref<1024xi32, #tpu.memory_space<vmem>>, vector<16xi32>,
            %bitcast3A_377 = vector.bitcast %get3A_376 : vector<16xi32> to vector<16xf32>
            %mul3A_378 = arith.mulf %gather3A_372, %bitcast3A_377 : vector<16xf32>
            %swap3A_379 = arith.index_cast %mul3A_369 : i32 to index
            %swap3A_380 = tpu.vector_load %arg22[%swap3A_379] {strides = array<i32>} : memref<512xf32, #tpu.memory_space<vmem>>, vector<16xf32>,
            tpu.vector_store %arg22[%swap3A_379], %mul3A_378 {strides = array<i32>} : memref<512xf32, #tpu.memory_space<vmem>>, vector<16xf32>,
            %mul3A_381 = arith.constant 16 : i32
            %mul3A_382 = arith.muli %scan3A_247, %mul3A_381 : i32
            %add3A_383 = arith.constant 8 : i32
            %add3A_384 = arith.addi %mul3A_382, %add3A_383 : i32
            %mul3A_385 = arith.constant 16 : i32
            %mul3A_386 = arith.muli %add3A_384, %mul3A_385 : i32
            %get3A_387 = arith.index_cast %mul3A_386 : i32 to index
            %get3A_388 = tpu.vector_load %arg16[%get3A_387] {strides = array<i32>} : memref<1024xi32, #tpu.memory_space<vmem>>, vector<16xi32>,
            %gather3A_389 = tpu.vector_load_idx %arg14[%get3A_388] : memref<50176xf32, #tpu.memory_space<vmem>>[vector<16xi32>], vector<16xf32>,
            %add3A_390 = arith.constant 512 : i32
            %add3A_391 = arith.addi %add3A_390, %mul3A_386 : i32
            %get3A_392 = arith.index_cast %add3A_391 : i32 to index
            %get3A_393 = tpu.vector_load %arg16[%get3A_392] {strides = array<i32>} : memref<1024xi32, #tpu.memory_space<vmem>>, vector<16xi32>,
            %bitcast3A_394 = vector.bitcast %get3A_393 : vector<16xi32> to vector<16xf32>
            %mul3A_395 = arith.mulf %gather3A_389, %bitcast3A_394 : vector<16xf32>
            %swap3A_396 = arith.index_cast %mul3A_386 : i32 to index
            %swap3A_397 = tpu.vector_load %arg22[%swap3A_396] {strides = array<i32>} : memref<512xf32, #tpu.memory_space<vmem>>, vector<16xf32>,
            tpu.vector_store %arg22[%swap3A_396], %mul3A_395 {strides = array<i32>} : memref<512xf32, #tpu.memory_space<vmem>>, vector<16xf32>,
            %mul3A_398 = arith.constant 16 : i32
            %mul3A_399 = arith.muli %scan3A_247, %mul3A_398 : i32
            %add3A_400 = arith.constant 9 : i32
            %add3A_401 = arith.addi %mul3A_399, %add3A_400 : i32
            %mul3A_402 = arith.constant 16 : i32
            %mul3A_403 = arith.muli %add3A_401, %mul3A_402 : i32
            %get3A_404 = arith.index_cast %mul3A_403 : i32 to index
            %get3A_405 = tpu.vector_load %arg16[%get3A_404] {strides = array<i32>} : memref<1024xi32, #tpu.memory_space<vmem>>, vector<16xi32>,
            %gather3A_406 = tpu.vector_load_idx %arg14[%get3A_405] : memref<50176xf32, #tpu.memory_space<vmem>>[vector<16xi32>], vector<16xf32>,
            %add3A_407 = arith.constant 512 : i32
            %add3A_408 = arith.addi %add3A_407, %mul3A_403 : i32
            %get3A_409 = arith.index_cast %add3A_408 : i32 to index
            %get3A_410 = tpu.vector_load %arg16[%get3A_409] {strides = array<i32>} : memref<1024xi32, #tpu.memory_space<vmem>>, vector<16xi32>,
            %bitcast3A_411 = vector.bitcast %get3A_410 : vector<16xi32> to vector<16xf32>
            %mul3A_412 = arith.mulf %gather3A_406, %bitcast3A_411 : vector<16xf32>
            %swap3A_413 = arith.index_cast %mul3A_403 : i32 to index
            %swap3A_414 = tpu.vector_load %arg22[%swap3A_413] {strides = array<i32>} : memref<512xf32, #tpu.memory_space<vmem>>, vector<16xf32>,
            tpu.vector_store %arg22[%swap3A_413], %mul3A_412 {strides = array<i32>} : memref<512xf32, #tpu.memory_space<vmem>>, vector<16xf32>,
            %mul3A_415 = arith.constant 16 : i32
            %mul3A_416 = arith.muli %scan3A_247, %mul3A_415 : i32
            %add3A_417 = arith.constant 10 : i32
            %add3A_418 = arith.addi %mul3A_416, %add3A_417 : i32
            %mul3A_419 = arith.constant 16 : i32
            %mul3A_420 = arith.muli %add3A_418, %mul3A_419 : i32
            %get3A_421 = arith.index_cast %mul3A_420 : i32 to index
            %get3A_422 = tpu.vector_load %arg16[%get3A_421] {strides = array<i32>} : memref<1024xi32, #tpu.memory_space<vmem>>, vector<16xi32>,
            %gather3A_423 = tpu.vector_load_idx %arg14[%get3A_422] : memref<50176xf32, #tpu.memory_space<vmem>>[vector<16xi32>], vector<16xf32>,
            %add3A_424 = arith.constant 512 : i32
            %add3A_425 = arith.addi %add3A_424, %mul3A_420 : i32
            %get3A_426 = arith.index_cast %add3A_425 : i32 to index
            %get3A_427 = tpu.vector_load %arg16[%get3A_426] {strides = array<i32>} : memref<1024xi32, #tpu.memory_space<vmem>>, vector<16xi32>,
            %bitcast3A_428 = vector.bitcast %get3A_427 : vector<16xi32> to vector<16xf32>
            %mul3A_429 = arith.mulf %gather3A_423, %bitcast3A_428 : vector<16xf32>
            %swap3A_430 = arith.index_cast %mul3A_420 : i32 to index
            %swap3A_431 = tpu.vector_load %arg22[%swap3A_430] {strides = array<i32>} : memref<512xf32, #tpu.memory_space<vmem>>, vector<16xf32>,
            tpu.vector_store %arg22[%swap3A_430], %mul3A_429 {strides = array<i32>} : memref<512xf32, #tpu.memory_space<vmem>>, vector<16xf32>,
            %mul3A_432 = arith.constant 16 : i32
            %mul3A_433 = arith.muli %scan3A_247, %mul3A_432 : i32
            %add3A_434 = arith.constant 11 : i32
            %add3A_435 = arith.addi %mul3A_433, %add3A_434 : i32
            %mul3A_436 = arith.constant 16 : i32
            %mul3A_437 = arith.muli %add3A_435, %mul3A_436 : i32
            %get3A_438 = arith.index_cast %mul3A_437 : i32 to index
            %get3A_439 = tpu.vector_load %arg16[%get3A_438] {strides = array<i32>} : memref<1024xi32, #tpu.memory_space<vmem>>, vector<16xi32>,
            %gather3A_440 = tpu.vector_load_idx %arg14[%get3A_439] : memref<50176xf32, #tpu.memory_space<vmem>>[vector<16xi32>], vector<16xf32>,
            %add3A_441 = arith.constant 512 : i32
            %add3A_442 = arith.addi %add3A_441, %mul3A_437 : i32
            %get3A_443 = arith.index_cast %add3A_442 : i32 to index
            %get3A_444 = tpu.vector_load %arg16[%get3A_443] {strides = array<i32>} : memref<1024xi32, #tpu.memory_space<vmem>>, vector<16xi32>,
            %bitcast3A_445 = vector.bitcast %get3A_444 : vector<16xi32> to vector<16xf32>
            %mul3A_446 = arith.mulf %gather3A_440, %bitcast3A_445 : vector<16xf32>
            %swap3A_447 = arith.index_cast %mul3A_437 : i32 to index
            %swap3A_448 = tpu.vector_load %arg22[%swap3A_447] {strides = array<i32>} : memref<512xf32, #tpu.memory_space<vmem>>, vector<16xf32>,
            tpu.vector_store %arg22[%swap3A_447], %mul3A_446 {strides = array<i32>} : memref<512xf32, #tpu.memory_space<vmem>>, vector<16xf32>,
            %mul3A_449 = arith.constant 16 : i32
            %mul3A_450 = arith.muli %scan3A_247, %mul3A_449 : i32
            %add3A_451 = arith.constant 12 : i32
            %add3A_452 = arith.addi %mul3A_450, %add3A_451 : i32
            %mul3A_453 = arith.constant 16 : i32
            %mul3A_454 = arith.muli %add3A_452, %mul3A_453 : i32
            %get3A_455 = arith.index_cast %mul3A_454 : i32 to index
            %get3A_456 = tpu.vector_load %arg16[%get3A_455] {strides = array<i32>} : memref<1024xi32, #tpu.memory_space<vmem>>, vector<16xi32>,
            %gather3A_457 = tpu.vector_load_idx %arg14[%get3A_456] : memref<50176xf32, #tpu.memory_space<vmem>>[vector<16xi32>], vector<16xf32>,
            %add3A_458 = arith.constant 512 : i32
            %add3A_459 = arith.addi %add3A_458, %mul3A_454 : i32
            %get3A_460 = arith.index_cast %add3A_459 : i32 to index
            %get3A_461 = tpu.vector_load %arg16[%get3A_460] {strides = array<i32>} : memref<1024xi32, #tpu.memory_space<vmem>>, vector<16xi32>,
            %bitcast3A_462 = vector.bitcast %get3A_461 : vector<16xi32> to vector<16xf32>
            %mul3A_463 = arith.mulf %gather3A_457, %bitcast3A_462 : vector<16xf32>
            %swap3A_464 = arith.index_cast %mul3A_454 : i32 to index
            %swap3A_465 = tpu.vector_load %arg22[%swap3A_464] {strides = array<i32>} : memref<512xf32, #tpu.memory_space<vmem>>, vector<16xf32>,
            tpu.vector_store %arg22[%swap3A_464], %mul3A_463 {strides = array<i32>} : memref<512xf32, #tpu.memory_space<vmem>>, vector<16xf32>,
            %mul3A_466 = arith.constant 16 : i32
            %mul3A_467 = arith.muli %scan3A_247, %mul3A_466 : i32
            %add3A_468 = arith.constant 13 : i32
            %add3A_469 = arith.addi %mul3A_467, %add3A_468 : i32
            %mul3A_470 = arith.constant 16 : i32
            %mul3A_471 = arith.muli %add3A_469, %mul3A_470 : i32
            %get3A_472 = arith.index_cast %mul3A_471 : i32 to index
            %get3A_473 = tpu.vector_load %arg16[%get3A_472] {strides = array<i32>} : memref<1024xi32, #tpu.memory_space<vmem>>, vector<16xi32>,
            %gather3A_474 = tpu.vector_load_idx %arg14[%get3A_473] : memref<50176xf32, #tpu.memory_space<vmem>>[vector<16xi32>], vector<16xf32>,
            %add3A_475 = arith.constant 512 : i32
            %add3A_476 = arith.addi %add3A_475, %mul3A_471 : i32
            %get3A_477 = arith.index_cast %add3A_476 : i32 to index
            %get3A_478 = tpu.vector_load %arg16[%get3A_477] {strides = array<i32>} : memref<1024xi32, #tpu.memory_space<vmem>>, vector<16xi32>,
            %bitcast3A_479 = vector.bitcast %get3A_478 : vector<16xi32> to vector<16xf32>
            %mul3A_480 = arith.mulf %gather3A_474, %bitcast3A_479 : vector<16xf32>
            %swap3A_481 = arith.index_cast %mul3A_471 : i32 to index
            %swap3A_482 = tpu.vector_load %arg22[%swap3A_481] {strides = array<i32>} : memref<512xf32, #tpu.memory_space<vmem>>, vector<16xf32>,
            tpu.vector_store %arg22[%swap3A_481], %mul3A_480 {strides = array<i32>} : memref<512xf32, #tpu.memory_space<vmem>>, vector<16xf32>,
            %mul3A_483 = arith.constant 16 : i32
            %mul3A_484 = arith.muli %scan3A_247, %mul3A_483 : i32
            %add3A_485 = arith.constant 14 : i32
            %add3A_486 = arith.addi %mul3A_484, %add3A_485 : i32
            %mul3A_487 = arith.constant 16 : i32
            %mul3A_488 = arith.muli %add3A_486, %mul3A_487 : i32
            %get3A_489 = arith.index_cast %mul3A_488 : i32 to index
            %get3A_490 = tpu.vector_load %arg16[%get3A_489] {strides = array<i32>} : memref<1024xi32, #tpu.memory_space<vmem>>, vector<16xi32>,
            %gather3A_491 = tpu.vector_load_idx %arg14[%get3A_490] : memref<50176xf32, #tpu.memory_space<vmem>>[vector<16xi32>], vector<16xf32>,
            %add3A_492 = arith.constant 512 : i32
            %add3A_493 = arith.addi %add3A_492, %mul3A_488 : i32
            %get3A_494 = arith.index_cast %add3A_493 : i32 to index
            %get3A_495 = tpu.vector_load %arg16[%get3A_494] {strides = array<i32>} : memref<1024xi32, #tpu.memory_space<vmem>>, vector<16xi32>,
            %bitcast3A_496 = vector.bitcast %get3A_495 : vector<16xi32> to vector<16xf32>
            %mul3A_497 = arith.mulf %gather3A_491, %bitcast3A_496 : vector<16xf32>
            %swap3A_498 = arith.index_cast %mul3A_488 : i32 to index
            %swap3A_499 = tpu.vector_load %arg22[%swap3A_498] {strides = array<i32>} : memref<512xf32, #tpu.memory_space<vmem>>, vector<16xf32>,
            tpu.vector_store %arg22[%swap3A_498], %mul3A_497 {strides = array<i32>} : memref<512xf32, #tpu.memory_space<vmem>>, vector<16xf32>,
            %mul3A_500 = arith.constant 16 : i32
            %mul3A_501 = arith.muli %scan3A_247, %mul3A_500 : i32
            %add3A_502 = arith.constant 15 : i32
            %add3A_503 = arith.addi %mul3A_501, %add3A_502 : i32
            %mul3A_504 = arith.constant 16 : i32
            %mul3A_505 = arith.muli %add3A_503, %mul3A_504 : i32
            %get3A_506 = arith.index_cast %mul3A_505 : i32 to index
            %get3A_507 = tpu.vector_load %arg16[%get3A_506] {strides = array<i32>} : memref<1024xi32, #tpu.memory_space<vmem>>, vector<16xi32>,
            %gather3A_508 = tpu.vector_load_idx %arg14[%get3A_507] : memref<50176xf32, #tpu.memory_space<vmem>>[vector<16xi32>], vector<16xf32>,
            %add3A_509 = arith.constant 512 : i32
            %add3A_510 = arith.addi %add3A_509, %mul3A_505 : i32
            %get3A_511 = arith.index_cast %add3A_510 : i32 to index
            %get3A_512 = tpu.vector_load %arg16[%get3A_511] {strides = array<i32>} : memref<1024xi32, #tpu.memory_space<vmem>>, vector<16xi32>,
            %bitcast3A_513 = vector.bitcast %get3A_512 : vector<16xi32> to vector<16xf32>
            %mul3A_514 = arith.mulf %gather3A_508, %bitcast3A_513 : vector<16xf32>
            %swap3A_515 = arith.index_cast %mul3A_505 : i32 to index
            %swap3A_516 = tpu.vector_load %arg22[%swap3A_515] {strides = array<i32>} : memref<512xf32, #tpu.memory_space<vmem>>, vector<16xf32>,
            tpu.vector_store %arg22[%swap3A_515], %mul3A_514 {strides = array<i32>} : memref<512xf32, #tpu.memory_space<vmem>>, vector<16xf32>,
          }
          %scan3A_171 = arith.constant 2 : i32
          %dma_start3A_172 = arith.constant 0 : i32
          %dma_start3A_173 = tpu.memref_slice %arg15[%dma_start3A_172] : memref<50176xf32, #tpu.memory_space<vmem_shared>> -> memref<50176xf32, #tpu.memory_space<vmem_shared>>
          tpu.enqueue_indirect_dma source(%arg22 : memref<512xf32, #tpu.memory_space<vmem>>) target(%dma_start3A_173 : memref<50176xf32, #tpu.memory_space<vmem_shared>>) offsets(%arg19 : memref<512xi32, #tpu.memory_space<vmem>>) semaphore(%arg28 : memref<!tpu.dma_semaphore, #tpu.memory_space<semaphore_mem>>) {add = true}
          %mul3A_174 = arith.constant 3 : i32
          %mul3A_175 = arith.muli %scan3A_130, %mul3A_174 : i32
          %add3A_176 = arith.constant 1 : i32
          %add3A_177 = arith.addi %mul3A_175, %add3A_176 : i32
          %mul3A_178 = arith.constant 2 : i32
          %mul3A_179 = arith.muli %add3A_177, %mul3A_178 : i32
          %mul3A_180 = arith.constant 512 : i32
          %mul3A_181 = arith.muli %mul3A_179, %mul3A_180 : i32
          %add3A_182 = arith.addi %mul3A_98, %mul3A_181 : i32
          %dma_wait3A_183 = tpu.memref_slice %arg2[%add3A_182] : memref<1671168xi32, #tpu.memory_space<hbm>> -> memref<1024xi32, #tpu.memory_space<hbm>>
          %dma_wait3A_184 = tpu.memref_slice %arg2[%add3A_182] : memref<1671168xi32, #tpu.memory_space<hbm>> -> memref<1024xi32, #tpu.memory_space<hbm>>
          tpu.wait_dma2 semaphore(%arg26 : memref<!tpu.dma_semaphore, #tpu.memory_space<semaphore_mem>>) src(%dma_wait3A_184 : memref<1024xi32, #tpu.memory_space<hbm>>) dst(%arg17 : memref<1024xi32, #tpu.memory_space<vmem>>)
          %mul3A_185 = arith.constant 512 : i32
          %mul3A_186 = arith.muli %add3A_177, %mul3A_185 : i32
          %add3A_187 = arith.addi %mul3A_100, %mul3A_186 : i32
          %dma_wait3A_188 = tpu.memref_slice %arg3[%add3A_187] : memref<835584xi32, #tpu.memory_space<hbm>> -> memref<512xi32, #tpu.memory_space<hbm>>
          %dma_wait3A_189 = tpu.memref_slice %arg3[%add3A_187] : memref<835584xi32, #tpu.memory_space<hbm>> -> memref<512xi32, #tpu.memory_space<hbm>>
          tpu.wait_dma2 semaphore(%arg26 : memref<!tpu.dma_semaphore, #tpu.memory_space<semaphore_mem>>) src(%dma_wait3A_189 : memref<512xi32, #tpu.memory_space<hbm>>) dst(%arg20 : memref<512xi32, #tpu.memory_space<vmem>>)
          %gt3A_190 = arith.constant 0 : i32
          %gt3A_191 = arith.cmpi sgt, %scan3A_130, %gt3A_190 : i32
          %convert_element_type3A_192 = arith.extui %gt3A_191 : i1 to i32
          %cond3A_193 = arith.constant 0 : i32
          %cond3A_194 = arith.cmpi ne, %convert_element_type3A_192, %cond3A_193 : i32
          scf.if %cond3A_194 {
            %dma_wait3A_247 = arith.constant 0 : i32
            %dma_wait3A_248 = tpu.memref_slice %arg15[%dma_wait3A_247] : memref<50176xf32, #tpu.memory_space<vmem_shared>> -> memref<50176xf32, #tpu.memory_space<vmem_shared>>
            tpu.wait_indirect_dma semaphore(%arg30 : memref<!tpu.dma_semaphore, #tpu.memory_space<semaphore_mem>>) src(%arg24 : memref<512xf32, #tpu.memory_space<vmem>>) dst(%dma_wait3A_248 : memref<50176xf32, #tpu.memory_space<vmem_shared>>)
          } else {
          }
          %add3A_195 = arith.constant 1 : i32
          %add3A_196 = arith.addi %add3A_177, %add3A_195 : i32
          %mul3A_197 = arith.constant 2 : i32
          %mul3A_198 = arith.muli %add3A_196, %mul3A_197 : i32
          %mul3A_199 = arith.constant 512 : i32
          %mul3A_200 = arith.muli %mul3A_198, %mul3A_199 : i32
          %add3A_201 = arith.addi %mul3A_98, %mul3A_200 : i32
          %dma_start3A_202 = tpu.memref_slice %arg2[%add3A_201] : memref<1671168xi32, #tpu.memory_space<hbm>> -> memref<1024xi32, #tpu.memory_space<hbm>>
          %dma_start3A_203 = tpu.memref_slice %arg2[%add3A_201] : memref<1671168xi32, #tpu.memory_space<hbm>> -> memref<1024xi32, #tpu.memory_space<hbm>>
          tpu.enqueue_dma source(%dma_start3A_203 : memref<1024xi32, #tpu.memory_space<hbm>>) target(%arg18 : memref<1024xi32, #tpu.memory_space<vmem>>) target_semaphore(%arg27 : memref<!tpu.dma_semaphore, #tpu.memory_space<semaphore_mem>>)
          %mul3A_204 = arith.constant 512 : i32
          %mul3A_205 = arith.muli %add3A_196, %mul3A_204 : i32
          %add3A_206 = arith.addi %mul3A_100, %mul3A_205 : i32
          %dma_start3A_207 = tpu.memref_slice %arg3[%add3A_206] : memref<835584xi32, #tpu.memory_space<hbm>> -> memref<512xi32, #tpu.memory_space<hbm>>
          %dma_start3A_208 = tpu.memref_slice %arg3[%add3A_206] : memref<835584xi32, #tpu.memory_space<hbm>> -> memref<512xi32, #tpu.memory_space<hbm>>
          tpu.enqueue_dma source(%dma_start3A_208 : memref<512xi32, #tpu.memory_space<hbm>>) target(%arg21 : memref<512xi32, #tpu.memory_space<vmem>>) target_semaphore(%arg27 : memref<!tpu.dma_semaphore, #tpu.memory_space<semaphore_mem>>)
          %scan3A_209 = arith.constant 0 : i32
          %scan3A_210 = arith.constant 0 : i32
          %scan3A_211 = arith.constant 2 : i32
          %scan3A_212 = arith.addi %scan3A_210, %scan3A_211 : i32
          %scan3A_213 = arith.constant 1 : i32
          scf.for %scan3A_247 = %scan3A_210 to %scan3A_212 step %scan3A_213  : i32 {
            %mul3A_248 = arith.constant 16 : i32
            %mul3A_249 = arith.muli %scan3A_247, %mul3A_248 : i32
            %add3A_250 = arith.constant 0 : i32
            %add3A_251 = arith.addi %mul3A_249, %add3A_250 : i32
            %mul3A_252 = arith.constant 16 : i32
            %mul3A_253 = arith.muli %add3A_251, %mul3A_252 : i32
            %get3A = arith.index_cast %mul3A_253 : i32 to index
            %get3A_254 = tpu.vector_load %arg17[%get3A] {strides = array<i32>} : memref<1024xi32, #tpu.memory_space<vmem>>, vector<16xi32>,
            %gather3A = tpu.vector_load_idx %arg14[%get3A_254] : memref<50176xf32, #tpu.memory_space<vmem>>[vector<16xi32>], vector<16xf32>,
            %add3A_255 = arith.constant 512 : i32
            %add3A_256 = arith.addi %add3A_255, %mul3A_253 : i32
            %get3A_257 = arith.index_cast %add3A_256 : i32 to index
            %get3A_258 = tpu.vector_load %arg17[%get3A_257] {strides = array<i32>} : memref<1024xi32, #tpu.memory_space<vmem>>, vector<16xi32>,
            %bitcast3A = vector.bitcast %get3A_258 : vector<16xi32> to vector<16xf32>
            %mul3A_259 = arith.mulf %gather3A, %bitcast3A : vector<16xf32>
            %swap3A_260 = arith.index_cast %mul3A_253 : i32 to index
            %swap3A_261 = tpu.vector_load %arg23[%swap3A_260] {strides = array<i32>} : memref<512xf32, #tpu.memory_space<vmem>>, vector<16xf32>,
            tpu.vector_store %arg23[%swap3A_260], %mul3A_259 {strides = array<i32>} : memref<512xf32, #tpu.memory_space<vmem>>, vector<16xf32>,
            %mul3A_262 = arith.constant 16 : i32
            %mul3A_263 = arith.muli %scan3A_247, %mul3A_262 : i32
            %add3A_264 = arith.constant 1 : i32
            %add3A_265 = arith.addi %mul3A_263, %add3A_264 : i32
            %mul3A_266 = arith.constant 16 : i32
            %mul3A_267 = arith.muli %add3A_265, %mul3A_266 : i32
            %get3A_268 = arith.index_cast %mul3A_267 : i32 to index
            %get3A_269 = tpu.vector_load %arg17[%get3A_268] {strides = array<i32>} : memref<1024xi32, #tpu.memory_space<vmem>>, vector<16xi32>,
            %gather3A_270 = tpu.vector_load_idx %arg14[%get3A_269] : memref<50176xf32, #tpu.memory_space<vmem>>[vector<16xi32>], vector<16xf32>,
            %add3A_271 = arith.constant 512 : i32
            %add3A_272 = arith.addi %add3A_271, %mul3A_267 : i32
            %get3A_273 = arith.index_cast %add3A_272 : i32 to index
            %get3A_274 = tpu.vector_load %arg17[%get3A_273] {strides = array<i32>} : memref<1024xi32, #tpu.memory_space<vmem>>, vector<16xi32>,
            %bitcast3A_275 = vector.bitcast %get3A_274 : vector<16xi32> to vector<16xf32>
            %mul3A_276 = arith.mulf %gather3A_270, %bitcast3A_275 : vector<16xf32>
            %swap3A_277 = arith.index_cast %mul3A_267 : i32 to index
            %swap3A_278 = tpu.vector_load %arg23[%swap3A_277] {strides = array<i32>} : memref<512xf32, #tpu.memory_space<vmem>>, vector<16xf32>,
            tpu.vector_store %arg23[%swap3A_277], %mul3A_276 {strides = array<i32>} : memref<512xf32, #tpu.memory_space<vmem>>, vector<16xf32>,
            %mul3A_279 = arith.constant 16 : i32
            %mul3A_280 = arith.muli %scan3A_247, %mul3A_279 : i32
            %add3A_281 = arith.constant 2 : i32
            %add3A_282 = arith.addi %mul3A_280, %add3A_281 : i32
            %mul3A_283 = arith.constant 16 : i32
            %mul3A_284 = arith.muli %add3A_282, %mul3A_283 : i32
            %get3A_285 = arith.index_cast %mul3A_284 : i32 to index
            %get3A_286 = tpu.vector_load %arg17[%get3A_285] {strides = array<i32>} : memref<1024xi32, #tpu.memory_space<vmem>>, vector<16xi32>,
            %gather3A_287 = tpu.vector_load_idx %arg14[%get3A_286] : memref<50176xf32, #tpu.memory_space<vmem>>[vector<16xi32>], vector<16xf32>,
            %add3A_288 = arith.constant 512 : i32
            %add3A_289 = arith.addi %add3A_288, %mul3A_284 : i32
            %get3A_290 = arith.index_cast %add3A_289 : i32 to index
            %get3A_291 = tpu.vector_load %arg17[%get3A_290] {strides = array<i32>} : memref<1024xi32, #tpu.memory_space<vmem>>, vector<16xi32>,
            %bitcast3A_292 = vector.bitcast %get3A_291 : vector<16xi32> to vector<16xf32>
            %mul3A_293 = arith.mulf %gather3A_287, %bitcast3A_292 : vector<16xf32>
            %swap3A_294 = arith.index_cast %mul3A_284 : i32 to index
            %swap3A_295 = tpu.vector_load %arg23[%swap3A_294] {strides = array<i32>} : memref<512xf32, #tpu.memory_space<vmem>>, vector<16xf32>,
            tpu.vector_store %arg23[%swap3A_294], %mul3A_293 {strides = array<i32>} : memref<512xf32, #tpu.memory_space<vmem>>, vector<16xf32>,
            %mul3A_296 = arith.constant 16 : i32
            %mul3A_297 = arith.muli %scan3A_247, %mul3A_296 : i32
            %add3A_298 = arith.constant 3 : i32
            %add3A_299 = arith.addi %mul3A_297, %add3A_298 : i32
            %mul3A_300 = arith.constant 16 : i32
            %mul3A_301 = arith.muli %add3A_299, %mul3A_300 : i32
            %get3A_302 = arith.index_cast %mul3A_301 : i32 to index
            %get3A_303 = tpu.vector_load %arg17[%get3A_302] {strides = array<i32>} : memref<1024xi32, #tpu.memory_space<vmem>>, vector<16xi32>,
            %gather3A_304 = tpu.vector_load_idx %arg14[%get3A_303] : memref<50176xf32, #tpu.memory_space<vmem>>[vector<16xi32>], vector<16xf32>,
            %add3A_305 = arith.constant 512 : i32
            %add3A_306 = arith.addi %add3A_305, %mul3A_301 : i32
            %get3A_307 = arith.index_cast %add3A_306 : i32 to index
            %get3A_308 = tpu.vector_load %arg17[%get3A_307] {strides = array<i32>} : memref<1024xi32, #tpu.memory_space<vmem>>, vector<16xi32>,
            %bitcast3A_309 = vector.bitcast %get3A_308 : vector<16xi32> to vector<16xf32>
            %mul3A_310 = arith.mulf %gather3A_304, %bitcast3A_309 : vector<16xf32>
            %swap3A_311 = arith.index_cast %mul3A_301 : i32 to index
            %swap3A_312 = tpu.vector_load %arg23[%swap3A_311] {strides = array<i32>} : memref<512xf32, #tpu.memory_space<vmem>>, vector<16xf32>,
            tpu.vector_store %arg23[%swap3A_311], %mul3A_310 {strides = array<i32>} : memref<512xf32, #tpu.memory_space<vmem>>, vector<16xf32>,
            %mul3A_313 = arith.constant 16 : i32
            %mul3A_314 = arith.muli %scan3A_247, %mul3A_313 : i32
            %add3A_315 = arith.constant 4 : i32
            %add3A_316 = arith.addi %mul3A_314, %add3A_315 : i32
            %mul3A_317 = arith.constant 16 : i32
            %mul3A_318 = arith.muli %add3A_316, %mul3A_317 : i32
            %get3A_319 = arith.index_cast %mul3A_318 : i32 to index
            %get3A_320 = tpu.vector_load %arg17[%get3A_319] {strides = array<i32>} : memref<1024xi32, #tpu.memory_space<vmem>>, vector<16xi32>,
            %gather3A_321 = tpu.vector_load_idx %arg14[%get3A_320] : memref<50176xf32, #tpu.memory_space<vmem>>[vector<16xi32>], vector<16xf32>,
            %add3A_322 = arith.constant 512 : i32
            %add3A_323 = arith.addi %add3A_322, %mul3A_318 : i32
            %get3A_324 = arith.index_cast %add3A_323 : i32 to index
            %get3A_325 = tpu.vector_load %arg17[%get3A_324] {strides = array<i32>} : memref<1024xi32, #tpu.memory_space<vmem>>, vector<16xi32>,
            %bitcast3A_326 = vector.bitcast %get3A_325 : vector<16xi32> to vector<16xf32>
            %mul3A_327 = arith.mulf %gather3A_321, %bitcast3A_326 : vector<16xf32>
            %swap3A_328 = arith.index_cast %mul3A_318 : i32 to index
            %swap3A_329 = tpu.vector_load %arg23[%swap3A_328] {strides = array<i32>} : memref<512xf32, #tpu.memory_space<vmem>>, vector<16xf32>,
            tpu.vector_store %arg23[%swap3A_328], %mul3A_327 {strides = array<i32>} : memref<512xf32, #tpu.memory_space<vmem>>, vector<16xf32>,
            %mul3A_330 = arith.constant 16 : i32
            %mul3A_331 = arith.muli %scan3A_247, %mul3A_330 : i32
            %add3A_332 = arith.constant 5 : i32
            %add3A_333 = arith.addi %mul3A_331, %add3A_332 : i32
            %mul3A_334 = arith.constant 16 : i32
            %mul3A_335 = arith.muli %add3A_333, %mul3A_334 : i32
            %get3A_336 = arith.index_cast %mul3A_335 : i32 to index
            %get3A_337 = tpu.vector_load %arg17[%get3A_336] {strides = array<i32>} : memref<1024xi32, #tpu.memory_space<vmem>>, vector<16xi32>,
            %gather3A_338 = tpu.vector_load_idx %arg14[%get3A_337] : memref<50176xf32, #tpu.memory_space<vmem>>[vector<16xi32>], vector<16xf32>,
            %add3A_339 = arith.constant 512 : i32
            %add3A_340 = arith.addi %add3A_339, %mul3A_335 : i32
            %get3A_341 = arith.index_cast %add3A_340 : i32 to index
            %get3A_342 = tpu.vector_load %arg17[%get3A_341] {strides = array<i32>} : memref<1024xi32, #tpu.memory_space<vmem>>, vector<16xi32>,
            %bitcast3A_343 = vector.bitcast %get3A_342 : vector<16xi32> to vector<16xf32>
            %mul3A_344 = arith.mulf %gather3A_338, %bitcast3A_343 : vector<16xf32>
            %swap3A_345 = arith.index_cast %mul3A_335 : i32 to index
            %swap3A_346 = tpu.vector_load %arg23[%swap3A_345] {strides = array<i32>} : memref<512xf32, #tpu.memory_space<vmem>>, vector<16xf32>,
            tpu.vector_store %arg23[%swap3A_345], %mul3A_344 {strides = array<i32>} : memref<512xf32, #tpu.memory_space<vmem>>, vector<16xf32>,
            %mul3A_347 = arith.constant 16 : i32
            %mul3A_348 = arith.muli %scan3A_247, %mul3A_347 : i32
            %add3A_349 = arith.constant 6 : i32
            %add3A_350 = arith.addi %mul3A_348, %add3A_349 : i32
            %mul3A_351 = arith.constant 16 : i32
            %mul3A_352 = arith.muli %add3A_350, %mul3A_351 : i32
            %get3A_353 = arith.index_cast %mul3A_352 : i32 to index
            %get3A_354 = tpu.vector_load %arg17[%get3A_353] {strides = array<i32>} : memref<1024xi32, #tpu.memory_space<vmem>>, vector<16xi32>,
            %gather3A_355 = tpu.vector_load_idx %arg14[%get3A_354] : memref<50176xf32, #tpu.memory_space<vmem>>[vector<16xi32>], vector<16xf32>,
            %add3A_356 = arith.constant 512 : i32
            %add3A_357 = arith.addi %add3A_356, %mul3A_352 : i32
            %get3A_358 = arith.index_cast %add3A_357 : i32 to index
            %get3A_359 = tpu.vector_load %arg17[%get3A_358] {strides = array<i32>} : memref<1024xi32, #tpu.memory_space<vmem>>, vector<16xi32>,
            %bitcast3A_360 = vector.bitcast %get3A_359 : vector<16xi32> to vector<16xf32>
            %mul3A_361 = arith.mulf %gather3A_355, %bitcast3A_360 : vector<16xf32>
            %swap3A_362 = arith.index_cast %mul3A_352 : i32 to index
            %swap3A_363 = tpu.vector_load %arg23[%swap3A_362] {strides = array<i32>} : memref<512xf32, #tpu.memory_space<vmem>>, vector<16xf32>,
            tpu.vector_store %arg23[%swap3A_362], %mul3A_361 {strides = array<i32>} : memref<512xf32, #tpu.memory_space<vmem>>, vector<16xf32>,
            %mul3A_364 = arith.constant 16 : i32
            %mul3A_365 = arith.muli %scan3A_247, %mul3A_364 : i32
            %add3A_366 = arith.constant 7 : i32
            %add3A_367 = arith.addi %mul3A_365, %add3A_366 : i32
            %mul3A_368 = arith.constant 16 : i32
            %mul3A_369 = arith.muli %add3A_367, %mul3A_368 : i32
            %get3A_370 = arith.index_cast %mul3A_369 : i32 to index
            %get3A_371 = tpu.vector_load %arg17[%get3A_370] {strides = array<i32>} : memref<1024xi32, #tpu.memory_space<vmem>>, vector<16xi32>,
            %gather3A_372 = tpu.vector_load_idx %arg14[%get3A_371] : memref<50176xf32, #tpu.memory_space<vmem>>[vector<16xi32>], vector<16xf32>,
            %add3A_373 = arith.constant 512 : i32
            %add3A_374 = arith.addi %add3A_373, %mul3A_369 : i32
            %get3A_375 = arith.index_cast %add3A_374 : i32 to index
            %get3A_376 = tpu.vector_load %arg17[%get3A_375] {strides = array<i32>} : memref<1024xi32, #tpu.memory_space<vmem>>, vector<16xi32>,
            %bitcast3A_377 = vector.bitcast %get3A_376 : vector<16xi32> to vector<16xf32>
            %mul3A_378 = arith.mulf %gather3A_372, %bitcast3A_377 : vector<16xf32>
            %swap3A_379 = arith.index_cast %mul3A_369 : i32 to index
            %swap3A_380 = tpu.vector_load %arg23[%swap3A_379] {strides = array<i32>} : memref<512xf32, #tpu.memory_space<vmem>>, vector<16xf32>,
            tpu.vector_store %arg23[%swap3A_379], %mul3A_378 {strides = array<i32>} : memref<512xf32, #tpu.memory_space<vmem>>, vector<16xf32>,
            %mul3A_381 = arith.constant 16 : i32
            %mul3A_382 = arith.muli %scan3A_247, %mul3A_381 : i32
            %add3A_383 = arith.constant 8 : i32
            %add3A_384 = arith.addi %mul3A_382, %add3A_383 : i32
            %mul3A_385 = arith.constant 16 : i32
            %mul3A_386 = arith.muli %add3A_384, %mul3A_385 : i32
            %get3A_387 = arith.index_cast %mul3A_386 : i32 to index
            %get3A_388 = tpu.vector_load %arg17[%get3A_387] {strides = array<i32>} : memref<1024xi32, #tpu.memory_space<vmem>>, vector<16xi32>,
            %gather3A_389 = tpu.vector_load_idx %arg14[%get3A_388] : memref<50176xf32, #tpu.memory_space<vmem>>[vector<16xi32>], vector<16xf32>,
            %add3A_390 = arith.constant 512 : i32
            %add3A_391 = arith.addi %add3A_390, %mul3A_386 : i32
            %get3A_392 = arith.index_cast %add3A_391 : i32 to index
            %get3A_393 = tpu.vector_load %arg17[%get3A_392] {strides = array<i32>} : memref<1024xi32, #tpu.memory_space<vmem>>, vector<16xi32>,
            %bitcast3A_394 = vector.bitcast %get3A_393 : vector<16xi32> to vector<16xf32>
            %mul3A_395 = arith.mulf %gather3A_389, %bitcast3A_394 : vector<16xf32>
            %swap3A_396 = arith.index_cast %mul3A_386 : i32 to index
            %swap3A_397 = tpu.vector_load %arg23[%swap3A_396] {strides = array<i32>} : memref<512xf32, #tpu.memory_space<vmem>>, vector<16xf32>,
            tpu.vector_store %arg23[%swap3A_396], %mul3A_395 {strides = array<i32>} : memref<512xf32, #tpu.memory_space<vmem>>, vector<16xf32>,
            %mul3A_398 = arith.constant 16 : i32
            %mul3A_399 = arith.muli %scan3A_247, %mul3A_398 : i32
            %add3A_400 = arith.constant 9 : i32
            %add3A_401 = arith.addi %mul3A_399, %add3A_400 : i32
            %mul3A_402 = arith.constant 16 : i32
            %mul3A_403 = arith.muli %add3A_401, %mul3A_402 : i32
            %get3A_404 = arith.index_cast %mul3A_403 : i32 to index
            %get3A_405 = tpu.vector_load %arg17[%get3A_404] {strides = array<i32>} : memref<1024xi32, #tpu.memory_space<vmem>>, vector<16xi32>,
            %gather3A_406 = tpu.vector_load_idx %arg14[%get3A_405] : memref<50176xf32, #tpu.memory_space<vmem>>[vector<16xi32>], vector<16xf32>,
            %add3A_407 = arith.constant 512 : i32
            %add3A_408 = arith.addi %add3A_407, %mul3A_403 : i32
            %get3A_409 = arith.index_cast %add3A_408 : i32 to index
            %get3A_410 = tpu.vector_load %arg17[%get3A_409] {strides = array<i32>} : memref<1024xi32, #tpu.memory_space<vmem>>, vector<16xi32>,
            %bitcast3A_411 = vector.bitcast %get3A_410 : vector<16xi32> to vector<16xf32>
            %mul3A_412 = arith.mulf %gather3A_406, %bitcast3A_411 : vector<16xf32>
            %swap3A_413 = arith.index_cast %mul3A_403 : i32 to index
            %swap3A_414 = tpu.vector_load %arg23[%swap3A_413] {strides = array<i32>} : memref<512xf32, #tpu.memory_space<vmem>>, vector<16xf32>,
            tpu.vector_store %arg23[%swap3A_413], %mul3A_412 {strides = array<i32>} : memref<512xf32, #tpu.memory_space<vmem>>, vector<16xf32>,
            %mul3A_415 = arith.constant 16 : i32
            %mul3A_416 = arith.muli %scan3A_247, %mul3A_415 : i32
            %add3A_417 = arith.constant 10 : i32
            %add3A_418 = arith.addi %mul3A_416, %add3A_417 : i32
            %mul3A_419 = arith.constant 16 : i32
            %mul3A_420 = arith.muli %add3A_418, %mul3A_419 : i32
            %get3A_421 = arith.index_cast %mul3A_420 : i32 to index
            %get3A_422 = tpu.vector_load %arg17[%get3A_421] {strides = array<i32>} : memref<1024xi32, #tpu.memory_space<vmem>>, vector<16xi32>,
            %gather3A_423 = tpu.vector_load_idx %arg14[%get3A_422] : memref<50176xf32, #tpu.memory_space<vmem>>[vector<16xi32>], vector<16xf32>,
            %add3A_424 = arith.constant 512 : i32
            %add3A_425 = arith.addi %add3A_424, %mul3A_420 : i32
            %get3A_426 = arith.index_cast %add3A_425 : i32 to index
            %get3A_427 = tpu.vector_load %arg17[%get3A_426] {strides = array<i32>} : memref<1024xi32, #tpu.memory_space<vmem>>, vector<16xi32>,
            %bitcast3A_428 = vector.bitcast %get3A_427 : vector<16xi32> to vector<16xf32>
            %mul3A_429 = arith.mulf %gather3A_423, %bitcast3A_428 : vector<16xf32>
            %swap3A_430 = arith.index_cast %mul3A_420 : i32 to index
            %swap3A_431 = tpu.vector_load %arg23[%swap3A_430] {strides = array<i32>} : memref<512xf32, #tpu.memory_space<vmem>>, vector<16xf32>,
            tpu.vector_store %arg23[%swap3A_430], %mul3A_429 {strides = array<i32>} : memref<512xf32, #tpu.memory_space<vmem>>, vector<16xf32>,
            %mul3A_432 = arith.constant 16 : i32
            %mul3A_433 = arith.muli %scan3A_247, %mul3A_432 : i32
            %add3A_434 = arith.constant 11 : i32
            %add3A_435 = arith.addi %mul3A_433, %add3A_434 : i32
            %mul3A_436 = arith.constant 16 : i32
            %mul3A_437 = arith.muli %add3A_435, %mul3A_436 : i32
            %get3A_438 = arith.index_cast %mul3A_437 : i32 to index
            %get3A_439 = tpu.vector_load %arg17[%get3A_438] {strides = array<i32>} : memref<1024xi32, #tpu.memory_space<vmem>>, vector<16xi32>,
            %gather3A_440 = tpu.vector_load_idx %arg14[%get3A_439] : memref<50176xf32, #tpu.memory_space<vmem>>[vector<16xi32>], vector<16xf32>,
            %add3A_441 = arith.constant 512 : i32
            %add3A_442 = arith.addi %add3A_441, %mul3A_437 : i32
            %get3A_443 = arith.index_cast %add3A_442 : i32 to index
            %get3A_444 = tpu.vector_load %arg17[%get3A_443] {strides = array<i32>} : memref<1024xi32, #tpu.memory_space<vmem>>, vector<16xi32>,
            %bitcast3A_445 = vector.bitcast %get3A_444 : vector<16xi32> to vector<16xf32>
            %mul3A_446 = arith.mulf %gather3A_440, %bitcast3A_445 : vector<16xf32>
            %swap3A_447 = arith.index_cast %mul3A_437 : i32 to index
            %swap3A_448 = tpu.vector_load %arg23[%swap3A_447] {strides = array<i32>} : memref<512xf32, #tpu.memory_space<vmem>>, vector<16xf32>,
            tpu.vector_store %arg23[%swap3A_447], %mul3A_446 {strides = array<i32>} : memref<512xf32, #tpu.memory_space<vmem>>, vector<16xf32>,
            %mul3A_449 = arith.constant 16 : i32
            %mul3A_450 = arith.muli %scan3A_247, %mul3A_449 : i32
            %add3A_451 = arith.constant 12 : i32
            %add3A_452 = arith.addi %mul3A_450, %add3A_451 : i32
            %mul3A_453 = arith.constant 16 : i32
            %mul3A_454 = arith.muli %add3A_452, %mul3A_453 : i32
            %get3A_455 = arith.index_cast %mul3A_454 : i32 to index
            %get3A_456 = tpu.vector_load %arg17[%get3A_455] {strides = array<i32>} : memref<1024xi32, #tpu.memory_space<vmem>>, vector<16xi32>,
            %gather3A_457 = tpu.vector_load_idx %arg14[%get3A_456] : memref<50176xf32, #tpu.memory_space<vmem>>[vector<16xi32>], vector<16xf32>,
            %add3A_458 = arith.constant 512 : i32
            %add3A_459 = arith.addi %add3A_458, %mul3A_454 : i32
            %get3A_460 = arith.index_cast %add3A_459 : i32 to index
            %get3A_461 = tpu.vector_load %arg17[%get3A_460] {strides = array<i32>} : memref<1024xi32, #tpu.memory_space<vmem>>, vector<16xi32>,
            %bitcast3A_462 = vector.bitcast %get3A_461 : vector<16xi32> to vector<16xf32>
            %mul3A_463 = arith.mulf %gather3A_457, %bitcast3A_462 : vector<16xf32>
            %swap3A_464 = arith.index_cast %mul3A_454 : i32 to index
            %swap3A_465 = tpu.vector_load %arg23[%swap3A_464] {strides = array<i32>} : memref<512xf32, #tpu.memory_space<vmem>>, vector<16xf32>,
            tpu.vector_store %arg23[%swap3A_464], %mul3A_463 {strides = array<i32>} : memref<512xf32, #tpu.memory_space<vmem>>, vector<16xf32>,
            %mul3A_466 = arith.constant 16 : i32
            %mul3A_467 = arith.muli %scan3A_247, %mul3A_466 : i32
            %add3A_468 = arith.constant 13 : i32
            %add3A_469 = arith.addi %mul3A_467, %add3A_468 : i32
            %mul3A_470 = arith.constant 16 : i32
            %mul3A_471 = arith.muli %add3A_469, %mul3A_470 : i32
            %get3A_472 = arith.index_cast %mul3A_471 : i32 to index
            %get3A_473 = tpu.vector_load %arg17[%get3A_472] {strides = array<i32>} : memref<1024xi32, #tpu.memory_space<vmem>>, vector<16xi32>,
            %gather3A_474 = tpu.vector_load_idx %arg14[%get3A_473] : memref<50176xf32, #tpu.memory_space<vmem>>[vector<16xi32>], vector<16xf32>,
            %add3A_475 = arith.constant 512 : i32
            %add3A_476 = arith.addi %add3A_475, %mul3A_471 : i32
            %get3A_477 = arith.index_cast %add3A_476 : i32 to index
            %get3A_478 = tpu.vector_load %arg17[%get3A_477] {strides = array<i32>} : memref<1024xi32, #tpu.memory_space<vmem>>, vector<16xi32>,
            %bitcast3A_479 = vector.bitcast %get3A_478 : vector<16xi32> to vector<16xf32>
            %mul3A_480 = arith.mulf %gather3A_474, %bitcast3A_479 : vector<16xf32>
            %swap3A_481 = arith.index_cast %mul3A_471 : i32 to index
            %swap3A_482 = tpu.vector_load %arg23[%swap3A_481] {strides = array<i32>} : memref<512xf32, #tpu.memory_space<vmem>>, vector<16xf32>,
            tpu.vector_store %arg23[%swap3A_481], %mul3A_480 {strides = array<i32>} : memref<512xf32, #tpu.memory_space<vmem>>, vector<16xf32>,
            %mul3A_483 = arith.constant 16 : i32
            %mul3A_484 = arith.muli %scan3A_247, %mul3A_483 : i32
            %add3A_485 = arith.constant 14 : i32
            %add3A_486 = arith.addi %mul3A_484, %add3A_485 : i32
            %mul3A_487 = arith.constant 16 : i32
            %mul3A_488 = arith.muli %add3A_486, %mul3A_487 : i32
            %get3A_489 = arith.index_cast %mul3A_488 : i32 to index
            %get3A_490 = tpu.vector_load %arg17[%get3A_489] {strides = array<i32>} : memref<1024xi32, #tpu.memory_space<vmem>>, vector<16xi32>,
            %gather3A_491 = tpu.vector_load_idx %arg14[%get3A_490] : memref<50176xf32, #tpu.memory_space<vmem>>[vector<16xi32>], vector<16xf32>,
            %add3A_492 = arith.constant 512 : i32
            %add3A_493 = arith.addi %add3A_492, %mul3A_488 : i32
            %get3A_494 = arith.index_cast %add3A_493 : i32 to index
            %get3A_495 = tpu.vector_load %arg17[%get3A_494] {strides = array<i32>} : memref<1024xi32, #tpu.memory_space<vmem>>, vector<16xi32>,
            %bitcast3A_496 = vector.bitcast %get3A_495 : vector<16xi32> to vector<16xf32>
            %mul3A_497 = arith.mulf %gather3A_491, %bitcast3A_496 : vector<16xf32>
            %swap3A_498 = arith.index_cast %mul3A_488 : i32 to index
            %swap3A_499 = tpu.vector_load %arg23[%swap3A_498] {strides = array<i32>} : memref<512xf32, #tpu.memory_space<vmem>>, vector<16xf32>,
            tpu.vector_store %arg23[%swap3A_498], %mul3A_497 {strides = array<i32>} : memref<512xf32, #tpu.memory_space<vmem>>, vector<16xf32>,
            %mul3A_500 = arith.constant 16 : i32
            %mul3A_501 = arith.muli %scan3A_247, %mul3A_500 : i32
            %add3A_502 = arith.constant 15 : i32
            %add3A_503 = arith.addi %mul3A_501, %add3A_502 : i32
            %mul3A_504 = arith.constant 16 : i32
            %mul3A_505 = arith.muli %add3A_503, %mul3A_504 : i32
            %get3A_506 = arith.index_cast %mul3A_505 : i32 to index
            %get3A_507 = tpu.vector_load %arg17[%get3A_506] {strides = array<i32>} : memref<1024xi32, #tpu.memory_space<vmem>>, vector<16xi32>,
            %gather3A_508 = tpu.vector_load_idx %arg14[%get3A_507] : memref<50176xf32, #tpu.memory_space<vmem>>[vector<16xi32>], vector<16xf32>,
            %add3A_509 = arith.constant 512 : i32
            %add3A_510 = arith.addi %add3A_509, %mul3A_505 : i32
            %get3A_511 = arith.index_cast %add3A_510 : i32 to index
            %get3A_512 = tpu.vector_load %arg17[%get3A_511] {strides = array<i32>} : memref<1024xi32, #tpu.memory_space<vmem>>, vector<16xi32>,
            %bitcast3A_513 = vector.bitcast %get3A_512 : vector<16xi32> to vector<16xf32>
            %mul3A_514 = arith.mulf %gather3A_508, %bitcast3A_513 : vector<16xf32>
            %swap3A_515 = arith.index_cast %mul3A_505 : i32 to index
            %swap3A_516 = tpu.vector_load %arg23[%swap3A_515] {strides = array<i32>} : memref<512xf32, #tpu.memory_space<vmem>>, vector<16xf32>,
            tpu.vector_store %arg23[%swap3A_515], %mul3A_514 {strides = array<i32>} : memref<512xf32, #tpu.memory_space<vmem>>, vector<16xf32>,
          }
          %scan3A_214 = arith.constant 2 : i32
          %dma_start3A_215 = arith.constant 0 : i32
          %dma_start3A_216 = tpu.memref_slice %arg15[%dma_start3A_215] : memref<50176xf32, #tpu.memory_space<vmem_shared>> -> memref<50176xf32, #tpu.memory_space<vmem_shared>>
          tpu.enqueue_indirect_dma source(%arg23 : memref<512xf32, #tpu.memory_space<vmem>>) target(%dma_start3A_216 : memref<50176xf32, #tpu.memory_space<vmem_shared>>) offsets(%arg20 : memref<512xi32, #tpu.memory_space<vmem>>) semaphore(%arg29 : memref<!tpu.dma_semaphore, #tpu.memory_space<semaphore_mem>>) {add = true}
          %mul3A_217 = arith.constant 3 : i32
          %mul3A_218 = arith.muli %scan3A_130, %mul3A_217 : i32
          %add3A_219 = arith.constant 2 : i32
          %add3A_220 = arith.addi %mul3A_218, %add3A_219 : i32
          %mul3A_221 = arith.constant 2 : i32
          %mul3A_222 = arith.muli %add3A_220, %mul3A_221 : i32
          %mul3A_223 = arith.constant 512 : i32
          %mul3A_224 = arith.muli %mul3A_222, %mul3A_223 : i32
          %add3A_225 = arith.addi %mul3A_98, %mul3A_224 : i32
          %dma_wait3A_226 = tpu.memref_slice %arg2[%add3A_225] : memref<1671168xi32, #tpu.memory_space<hbm>> -> memref<1024xi32, #tpu.memory_space<hbm>>
          %dma_wait3A_227 = tpu.memref_slice %arg2[%add3A_225] : memref<1671168xi32, #tpu.memory_space<hbm>> -> memref<1024xi32, #tpu.memory_space<hbm>>
          tpu.wait_dma2 semaphore(%arg27 : memref<!tpu.dma_semaphore, #tpu.memory_space<semaphore_mem>>) src(%dma_wait3A_227 : memref<1024xi32, #tpu.memory_space<hbm>>) dst(%arg18 : memref<1024xi32, #tpu.memory_space<vmem>>)
          %mul3A_228 = arith.constant 512 : i32
          %mul3A_229 = arith.muli %add3A_220, %mul3A_228 : i32
          %add3A_230 = arith.addi %mul3A_100, %mul3A_229 : i32
          %dma_wait3A_231 = tpu.memref_slice %arg3[%add3A_230] : memref<835584xi32, #tpu.memory_space<hbm>> -> memref<512xi32, #tpu.memory_space<hbm>>
          %dma_wait3A_232 = tpu.memref_slice %arg3[%add3A_230] : memref<835584xi32, #tpu.memory_space<hbm>> -> memref<512xi32, #tpu.memory_space<hbm>>
          tpu.wait_dma2 semaphore(%arg27 : memref<!tpu.dma_semaphore, #tpu.memory_space<semaphore_mem>>) src(%dma_wait3A_232 : memref<512xi32, #tpu.memory_space<hbm>>) dst(%arg21 : memref<512xi32, #tpu.memory_space<vmem>>)
          %dma_wait3A_233 = arith.constant 0 : i32
          %dma_wait3A_234 = tpu.memref_slice %arg15[%dma_wait3A_233] : memref<50176xf32, #tpu.memory_space<vmem_shared>> -> memref<50176xf32, #tpu.memory_space<vmem_shared>>
          tpu.wait_indirect_dma semaphore(%arg28 : memref<!tpu.dma_semaphore, #tpu.memory_space<semaphore_mem>>) src(%arg22 : memref<512xf32, #tpu.memory_space<vmem>>) dst(%dma_wait3A_234 : memref<50176xf32, #tpu.memory_space<vmem_shared>>)
          %lt3A = arith.constant 16 : i32
          %lt3A_235 = arith.cmpi slt, %scan3A_130, %lt3A : i32
          %convert_element_type3A_236 = arith.extui %lt3A_235 : i1 to i32
          %cond3A_237 = arith.constant 0 : i32
          %cond3A_238 = arith.cmpi ne, %convert_element_type3A_236, %cond3A_237 : i32
          scf.if %cond3A_238 {
            %add3A_247 = arith.constant 1 : i32
            %add3A_248 = arith.addi %add3A_220, %add3A_247 : i32
            %mul3A_249 = arith.constant 2 : i32
            %mul3A_250 = arith.muli %add3A_248, %mul3A_249 : i32
            %mul3A_251 = arith.constant 512 : i32
            %mul3A_252 = arith.muli %mul3A_250, %mul3A_251 : i32
            %add3A_253 = arith.addi %mul3A_98, %mul3A_252 : i32
            %dma_start3A_254 = tpu.memref_slice %arg2[%add3A_253] : memref<1671168xi32, #tpu.memory_space<hbm>> -> memref<1024xi32, #tpu.memory_space<hbm>>
            %dma_start3A_255 = tpu.memref_slice %arg2[%add3A_253] : memref<1671168xi32, #tpu.memory_space<hbm>> -> memref<1024xi32, #tpu.memory_space<hbm>>
            tpu.enqueue_dma source(%dma_start3A_255 : memref<1024xi32, #tpu.memory_space<hbm>>) target(%arg16 : memref<1024xi32, #tpu.memory_space<vmem>>) target_semaphore(%arg25 : memref<!tpu.dma_semaphore, #tpu.memory_space<semaphore_mem>>)
            %mul3A_256 = arith.constant 512 : i32
            %mul3A_257 = arith.muli %add3A_248, %mul3A_256 : i32
            %add3A_258 = arith.addi %mul3A_100, %mul3A_257 : i32
            %dma_start3A_259 = tpu.memref_slice %arg3[%add3A_258] : memref<835584xi32, #tpu.memory_space<hbm>> -> memref<512xi32, #tpu.memory_space<hbm>>
            %dma_start3A_260 = tpu.memref_slice %arg3[%add3A_258] : memref<835584xi32, #tpu.memory_space<hbm>> -> memref<512xi32, #tpu.memory_space<hbm>>
            tpu.enqueue_dma source(%dma_start3A_260 : memref<512xi32, #tpu.memory_space<hbm>>) target(%arg19 : memref<512xi32, #tpu.memory_space<vmem>>) target_semaphore(%arg25 : memref<!tpu.dma_semaphore, #tpu.memory_space<semaphore_mem>>)
          } else {
          }
          %scan3A_239 = arith.constant 0 : i32
          %scan3A_240 = arith.constant 0 : i32
          %scan3A_241 = arith.constant 2 : i32
          %scan3A_242 = arith.addi %scan3A_240, %scan3A_241 : i32
          %scan3A_243 = arith.constant 1 : i32
          scf.for %scan3A_247 = %scan3A_240 to %scan3A_242 step %scan3A_243  : i32 {
            %mul3A_248 = arith.constant 16 : i32
            %mul3A_249 = arith.muli %scan3A_247, %mul3A_248 : i32
            %add3A_250 = arith.constant 0 : i32
            %add3A_251 = arith.addi %mul3A_249, %add3A_250 : i32
            %mul3A_252 = arith.constant 16 : i32
            %mul3A_253 = arith.muli %add3A_251, %mul3A_252 : i32
            %get3A = arith.index_cast %mul3A_253 : i32 to index
            %get3A_254 = tpu.vector_load %arg18[%get3A] {strides = array<i32>} : memref<1024xi32, #tpu.memory_space<vmem>>, vector<16xi32>,
            %gather3A = tpu.vector_load_idx %arg14[%get3A_254] : memref<50176xf32, #tpu.memory_space<vmem>>[vector<16xi32>], vector<16xf32>,
            %add3A_255 = arith.constant 512 : i32
            %add3A_256 = arith.addi %add3A_255, %mul3A_253 : i32
            %get3A_257 = arith.index_cast %add3A_256 : i32 to index
            %get3A_258 = tpu.vector_load %arg18[%get3A_257] {strides = array<i32>} : memref<1024xi32, #tpu.memory_space<vmem>>, vector<16xi32>,
            %bitcast3A = vector.bitcast %get3A_258 : vector<16xi32> to vector<16xf32>
            %mul3A_259 = arith.mulf %gather3A, %bitcast3A : vector<16xf32>
            %swap3A_260 = arith.index_cast %mul3A_253 : i32 to index
            %swap3A_261 = tpu.vector_load %arg24[%swap3A_260] {strides = array<i32>} : memref<512xf32, #tpu.memory_space<vmem>>, vector<16xf32>,
            tpu.vector_store %arg24[%swap3A_260], %mul3A_259 {strides = array<i32>} : memref<512xf32, #tpu.memory_space<vmem>>, vector<16xf32>,
            %mul3A_262 = arith.constant 16 : i32
            %mul3A_263 = arith.muli %scan3A_247, %mul3A_262 : i32
            %add3A_264 = arith.constant 1 : i32
            %add3A_265 = arith.addi %mul3A_263, %add3A_264 : i32
            %mul3A_266 = arith.constant 16 : i32
            %mul3A_267 = arith.muli %add3A_265, %mul3A_266 : i32
            %get3A_268 = arith.index_cast %mul3A_267 : i32 to index
            %get3A_269 = tpu.vector_load %arg18[%get3A_268] {strides = array<i32>} : memref<1024xi32, #tpu.memory_space<vmem>>, vector<16xi32>,
            %gather3A_270 = tpu.vector_load_idx %arg14[%get3A_269] : memref<50176xf32, #tpu.memory_space<vmem>>[vector<16xi32>], vector<16xf32>,
            %add3A_271 = arith.constant 512 : i32
            %add3A_272 = arith.addi %add3A_271, %mul3A_267 : i32
            %get3A_273 = arith.index_cast %add3A_272 : i32 to index
            %get3A_274 = tpu.vector_load %arg18[%get3A_273] {strides = array<i32>} : memref<1024xi32, #tpu.memory_space<vmem>>, vector<16xi32>,
            %bitcast3A_275 = vector.bitcast %get3A_274 : vector<16xi32> to vector<16xf32>
            %mul3A_276 = arith.mulf %gather3A_270, %bitcast3A_275 : vector<16xf32>
            %swap3A_277 = arith.index_cast %mul3A_267 : i32 to index
            %swap3A_278 = tpu.vector_load %arg24[%swap3A_277] {strides = array<i32>} : memref<512xf32, #tpu.memory_space<vmem>>, vector<16xf32>,
            tpu.vector_store %arg24[%swap3A_277], %mul3A_276 {strides = array<i32>} : memref<512xf32, #tpu.memory_space<vmem>>, vector<16xf32>,
            %mul3A_279 = arith.constant 16 : i32
            %mul3A_280 = arith.muli %scan3A_247, %mul3A_279 : i32
            %add3A_281 = arith.constant 2 : i32
            %add3A_282 = arith.addi %mul3A_280, %add3A_281 : i32
            %mul3A_283 = arith.constant 16 : i32
            %mul3A_284 = arith.muli %add3A_282, %mul3A_283 : i32
            %get3A_285 = arith.index_cast %mul3A_284 : i32 to index
            %get3A_286 = tpu.vector_load %arg18[%get3A_285] {strides = array<i32>} : memref<1024xi32, #tpu.memory_space<vmem>>, vector<16xi32>,
            %gather3A_287 = tpu.vector_load_idx %arg14[%get3A_286] : memref<50176xf32, #tpu.memory_space<vmem>>[vector<16xi32>], vector<16xf32>,
            %add3A_288 = arith.constant 512 : i32
            %add3A_289 = arith.addi %add3A_288, %mul3A_284 : i32
            %get3A_290 = arith.index_cast %add3A_289 : i32 to index
            %get3A_291 = tpu.vector_load %arg18[%get3A_290] {strides = array<i32>} : memref<1024xi32, #tpu.memory_space<vmem>>, vector<16xi32>,
            %bitcast3A_292 = vector.bitcast %get3A_291 : vector<16xi32> to vector<16xf32>
            %mul3A_293 = arith.mulf %gather3A_287, %bitcast3A_292 : vector<16xf32>
            %swap3A_294 = arith.index_cast %mul3A_284 : i32 to index
            %swap3A_295 = tpu.vector_load %arg24[%swap3A_294] {strides = array<i32>} : memref<512xf32, #tpu.memory_space<vmem>>, vector<16xf32>,
            tpu.vector_store %arg24[%swap3A_294], %mul3A_293 {strides = array<i32>} : memref<512xf32, #tpu.memory_space<vmem>>, vector<16xf32>,
            %mul3A_296 = arith.constant 16 : i32
            %mul3A_297 = arith.muli %scan3A_247, %mul3A_296 : i32
            %add3A_298 = arith.constant 3 : i32
            %add3A_299 = arith.addi %mul3A_297, %add3A_298 : i32
            %mul3A_300 = arith.constant 16 : i32
            %mul3A_301 = arith.muli %add3A_299, %mul3A_300 : i32
            %get3A_302 = arith.index_cast %mul3A_301 : i32 to index
            %get3A_303 = tpu.vector_load %arg18[%get3A_302] {strides = array<i32>} : memref<1024xi32, #tpu.memory_space<vmem>>, vector<16xi32>,
            %gather3A_304 = tpu.vector_load_idx %arg14[%get3A_303] : memref<50176xf32, #tpu.memory_space<vmem>>[vector<16xi32>], vector<16xf32>,
            %add3A_305 = arith.constant 512 : i32
            %add3A_306 = arith.addi %add3A_305, %mul3A_301 : i32
            %get3A_307 = arith.index_cast %add3A_306 : i32 to index
            %get3A_308 = tpu.vector_load %arg18[%get3A_307] {strides = array<i32>} : memref<1024xi32, #tpu.memory_space<vmem>>, vector<16xi32>,
            %bitcast3A_309 = vector.bitcast %get3A_308 : vector<16xi32> to vector<16xf32>
            %mul3A_310 = arith.mulf %gather3A_304, %bitcast3A_309 : vector<16xf32>
            %swap3A_311 = arith.index_cast %mul3A_301 : i32 to index
            %swap3A_312 = tpu.vector_load %arg24[%swap3A_311] {strides = array<i32>} : memref<512xf32, #tpu.memory_space<vmem>>, vector<16xf32>,
            tpu.vector_store %arg24[%swap3A_311], %mul3A_310 {strides = array<i32>} : memref<512xf32, #tpu.memory_space<vmem>>, vector<16xf32>,
            %mul3A_313 = arith.constant 16 : i32
            %mul3A_314 = arith.muli %scan3A_247, %mul3A_313 : i32
            %add3A_315 = arith.constant 4 : i32
            %add3A_316 = arith.addi %mul3A_314, %add3A_315 : i32
            %mul3A_317 = arith.constant 16 : i32
            %mul3A_318 = arith.muli %add3A_316, %mul3A_317 : i32
            %get3A_319 = arith.index_cast %mul3A_318 : i32 to index
            %get3A_320 = tpu.vector_load %arg18[%get3A_319] {strides = array<i32>} : memref<1024xi32, #tpu.memory_space<vmem>>, vector<16xi32>,
            %gather3A_321 = tpu.vector_load_idx %arg14[%get3A_320] : memref<50176xf32, #tpu.memory_space<vmem>>[vector<16xi32>], vector<16xf32>,
            %add3A_322 = arith.constant 512 : i32
            %add3A_323 = arith.addi %add3A_322, %mul3A_318 : i32
            %get3A_324 = arith.index_cast %add3A_323 : i32 to index
            %get3A_325 = tpu.vector_load %arg18[%get3A_324] {strides = array<i32>} : memref<1024xi32, #tpu.memory_space<vmem>>, vector<16xi32>,
            %bitcast3A_326 = vector.bitcast %get3A_325 : vector<16xi32> to vector<16xf32>
            %mul3A_327 = arith.mulf %gather3A_321, %bitcast3A_326 : vector<16xf32>
            %swap3A_328 = arith.index_cast %mul3A_318 : i32 to index
            %swap3A_329 = tpu.vector_load %arg24[%swap3A_328] {strides = array<i32>} : memref<512xf32, #tpu.memory_space<vmem>>, vector<16xf32>,
            tpu.vector_store %arg24[%swap3A_328], %mul3A_327 {strides = array<i32>} : memref<512xf32, #tpu.memory_space<vmem>>, vector<16xf32>,
            %mul3A_330 = arith.constant 16 : i32
            %mul3A_331 = arith.muli %scan3A_247, %mul3A_330 : i32
            %add3A_332 = arith.constant 5 : i32
            %add3A_333 = arith.addi %mul3A_331, %add3A_332 : i32
            %mul3A_334 = arith.constant 16 : i32
            %mul3A_335 = arith.muli %add3A_333, %mul3A_334 : i32
            %get3A_336 = arith.index_cast %mul3A_335 : i32 to index
            %get3A_337 = tpu.vector_load %arg18[%get3A_336] {strides = array<i32>} : memref<1024xi32, #tpu.memory_space<vmem>>, vector<16xi32>,
            %gather3A_338 = tpu.vector_load_idx %arg14[%get3A_337] : memref<50176xf32, #tpu.memory_space<vmem>>[vector<16xi32>], vector<16xf32>,
            %add3A_339 = arith.constant 512 : i32
            %add3A_340 = arith.addi %add3A_339, %mul3A_335 : i32
            %get3A_341 = arith.index_cast %add3A_340 : i32 to index
            %get3A_342 = tpu.vector_load %arg18[%get3A_341] {strides = array<i32>} : memref<1024xi32, #tpu.memory_space<vmem>>, vector<16xi32>,
            %bitcast3A_343 = vector.bitcast %get3A_342 : vector<16xi32> to vector<16xf32>
            %mul3A_344 = arith.mulf %gather3A_338, %bitcast3A_343 : vector<16xf32>
            %swap3A_345 = arith.index_cast %mul3A_335 : i32 to index
            %swap3A_346 = tpu.vector_load %arg24[%swap3A_345] {strides = array<i32>} : memref<512xf32, #tpu.memory_space<vmem>>, vector<16xf32>,
            tpu.vector_store %arg24[%swap3A_345], %mul3A_344 {strides = array<i32>} : memref<512xf32, #tpu.memory_space<vmem>>, vector<16xf32>,
            %mul3A_347 = arith.constant 16 : i32
            %mul3A_348 = arith.muli %scan3A_247, %mul3A_347 : i32
            %add3A_349 = arith.constant 6 : i32
            %add3A_350 = arith.addi %mul3A_348, %add3A_349 : i32
            %mul3A_351 = arith.constant 16 : i32
            %mul3A_352 = arith.muli %add3A_350, %mul3A_351 : i32
            %get3A_353 = arith.index_cast %mul3A_352 : i32 to index
            %get3A_354 = tpu.vector_load %arg18[%get3A_353] {strides = array<i32>} : memref<1024xi32, #tpu.memory_space<vmem>>, vector<16xi32>,
            %gather3A_355 = tpu.vector_load_idx %arg14[%get3A_354] : memref<50176xf32, #tpu.memory_space<vmem>>[vector<16xi32>], vector<16xf32>,
            %add3A_356 = arith.constant 512 : i32
            %add3A_357 = arith.addi %add3A_356, %mul3A_352 : i32
            %get3A_358 = arith.index_cast %add3A_357 : i32 to index
            %get3A_359 = tpu.vector_load %arg18[%get3A_358] {strides = array<i32>} : memref<1024xi32, #tpu.memory_space<vmem>>, vector<16xi32>,
            %bitcast3A_360 = vector.bitcast %get3A_359 : vector<16xi32> to vector<16xf32>
            %mul3A_361 = arith.mulf %gather3A_355, %bitcast3A_360 : vector<16xf32>
            %swap3A_362 = arith.index_cast %mul3A_352 : i32 to index
            %swap3A_363 = tpu.vector_load %arg24[%swap3A_362] {strides = array<i32>} : memref<512xf32, #tpu.memory_space<vmem>>, vector<16xf32>,
            tpu.vector_store %arg24[%swap3A_362], %mul3A_361 {strides = array<i32>} : memref<512xf32, #tpu.memory_space<vmem>>, vector<16xf32>,
            %mul3A_364 = arith.constant 16 : i32
            %mul3A_365 = arith.muli %scan3A_247, %mul3A_364 : i32
            %add3A_366 = arith.constant 7 : i32
            %add3A_367 = arith.addi %mul3A_365, %add3A_366 : i32
            %mul3A_368 = arith.constant 16 : i32
            %mul3A_369 = arith.muli %add3A_367, %mul3A_368 : i32
            %get3A_370 = arith.index_cast %mul3A_369 : i32 to index
            %get3A_371 = tpu.vector_load %arg18[%get3A_370] {strides = array<i32>} : memref<1024xi32, #tpu.memory_space<vmem>>, vector<16xi32>,
            %gather3A_372 = tpu.vector_load_idx %arg14[%get3A_371] : memref<50176xf32, #tpu.memory_space<vmem>>[vector<16xi32>], vector<16xf32>,
            %add3A_373 = arith.constant 512 : i32
            %add3A_374 = arith.addi %add3A_373, %mul3A_369 : i32
            %get3A_375 = arith.index_cast %add3A_374 : i32 to index
            %get3A_376 = tpu.vector_load %arg18[%get3A_375] {strides = array<i32>} : memref<1024xi32, #tpu.memory_space<vmem>>, vector<16xi32>,
            %bitcast3A_377 = vector.bitcast %get3A_376 : vector<16xi32> to vector<16xf32>
            %mul3A_378 = arith.mulf %gather3A_372, %bitcast3A_377 : vector<16xf32>
            %swap3A_379 = arith.index_cast %mul3A_369 : i32 to index
            %swap3A_380 = tpu.vector_load %arg24[%swap3A_379] {strides = array<i32>} : memref<512xf32, #tpu.memory_space<vmem>>, vector<16xf32>,
            tpu.vector_store %arg24[%swap3A_379], %mul3A_378 {strides = array<i32>} : memref<512xf32, #tpu.memory_space<vmem>>, vector<16xf32>,
            %mul3A_381 = arith.constant 16 : i32
            %mul3A_382 = arith.muli %scan3A_247, %mul3A_381 : i32
            %add3A_383 = arith.constant 8 : i32
            %add3A_384 = arith.addi %mul3A_382, %add3A_383 : i32
            %mul3A_385 = arith.constant 16 : i32
            %mul3A_386 = arith.muli %add3A_384, %mul3A_385 : i32
            %get3A_387 = arith.index_cast %mul3A_386 : i32 to index
            %get3A_388 = tpu.vector_load %arg18[%get3A_387] {strides = array<i32>} : memref<1024xi32, #tpu.memory_space<vmem>>, vector<16xi32>,
            %gather3A_389 = tpu.vector_load_idx %arg14[%get3A_388] : memref<50176xf32, #tpu.memory_space<vmem>>[vector<16xi32>], vector<16xf32>,
            %add3A_390 = arith.constant 512 : i32
            %add3A_391 = arith.addi %add3A_390, %mul3A_386 : i32
            %get3A_392 = arith.index_cast %add3A_391 : i32 to index
            %get3A_393 = tpu.vector_load %arg18[%get3A_392] {strides = array<i32>} : memref<1024xi32, #tpu.memory_space<vmem>>, vector<16xi32>,
            %bitcast3A_394 = vector.bitcast %get3A_393 : vector<16xi32> to vector<16xf32>
            %mul3A_395 = arith.mulf %gather3A_389, %bitcast3A_394 : vector<16xf32>
            %swap3A_396 = arith.index_cast %mul3A_386 : i32 to index
            %swap3A_397 = tpu.vector_load %arg24[%swap3A_396] {strides = array<i32>} : memref<512xf32, #tpu.memory_space<vmem>>, vector<16xf32>,
            tpu.vector_store %arg24[%swap3A_396], %mul3A_395 {strides = array<i32>} : memref<512xf32, #tpu.memory_space<vmem>>, vector<16xf32>,
            %mul3A_398 = arith.constant 16 : i32
            %mul3A_399 = arith.muli %scan3A_247, %mul3A_398 : i32
            %add3A_400 = arith.constant 9 : i32
            %add3A_401 = arith.addi %mul3A_399, %add3A_400 : i32
            %mul3A_402 = arith.constant 16 : i32
            %mul3A_403 = arith.muli %add3A_401, %mul3A_402 : i32
            %get3A_404 = arith.index_cast %mul3A_403 : i32 to index
            %get3A_405 = tpu.vector_load %arg18[%get3A_404] {strides = array<i32>} : memref<1024xi32, #tpu.memory_space<vmem>>, vector<16xi32>,
            %gather3A_406 = tpu.vector_load_idx %arg14[%get3A_405] : memref<50176xf32, #tpu.memory_space<vmem>>[vector<16xi32>], vector<16xf32>,
            %add3A_407 = arith.constant 512 : i32
            %add3A_408 = arith.addi %add3A_407, %mul3A_403 : i32
            %get3A_409 = arith.index_cast %add3A_408 : i32 to index
            %get3A_410 = tpu.vector_load %arg18[%get3A_409] {strides = array<i32>} : memref<1024xi32, #tpu.memory_space<vmem>>, vector<16xi32>,
            %bitcast3A_411 = vector.bitcast %get3A_410 : vector<16xi32> to vector<16xf32>
            %mul3A_412 = arith.mulf %gather3A_406, %bitcast3A_411 : vector<16xf32>
            %swap3A_413 = arith.index_cast %mul3A_403 : i32 to index
            %swap3A_414 = tpu.vector_load %arg24[%swap3A_413] {strides = array<i32>} : memref<512xf32, #tpu.memory_space<vmem>>, vector<16xf32>,
            tpu.vector_store %arg24[%swap3A_413], %mul3A_412 {strides = array<i32>} : memref<512xf32, #tpu.memory_space<vmem>>, vector<16xf32>,
            %mul3A_415 = arith.constant 16 : i32
            %mul3A_416 = arith.muli %scan3A_247, %mul3A_415 : i32
            %add3A_417 = arith.constant 10 : i32
            %add3A_418 = arith.addi %mul3A_416, %add3A_417 : i32
            %mul3A_419 = arith.constant 16 : i32
            %mul3A_420 = arith.muli %add3A_418, %mul3A_419 : i32
            %get3A_421 = arith.index_cast %mul3A_420 : i32 to index
            %get3A_422 = tpu.vector_load %arg18[%get3A_421] {strides = array<i32>} : memref<1024xi32, #tpu.memory_space<vmem>>, vector<16xi32>,
            %gather3A_423 = tpu.vector_load_idx %arg14[%get3A_422] : memref<50176xf32, #tpu.memory_space<vmem>>[vector<16xi32>], vector<16xf32>,
            %add3A_424 = arith.constant 512 : i32
            %add3A_425 = arith.addi %add3A_424, %mul3A_420 : i32
            %get3A_426 = arith.index_cast %add3A_425 : i32 to index
            %get3A_427 = tpu.vector_load %arg18[%get3A_426] {strides = array<i32>} : memref<1024xi32, #tpu.memory_space<vmem>>, vector<16xi32>,
            %bitcast3A_428 = vector.bitcast %get3A_427 : vector<16xi32> to vector<16xf32>
            %mul3A_429 = arith.mulf %gather3A_423, %bitcast3A_428 : vector<16xf32>
            %swap3A_430 = arith.index_cast %mul3A_420 : i32 to index
            %swap3A_431 = tpu.vector_load %arg24[%swap3A_430] {strides = array<i32>} : memref<512xf32, #tpu.memory_space<vmem>>, vector<16xf32>,
            tpu.vector_store %arg24[%swap3A_430], %mul3A_429 {strides = array<i32>} : memref<512xf32, #tpu.memory_space<vmem>>, vector<16xf32>,
            %mul3A_432 = arith.constant 16 : i32
            %mul3A_433 = arith.muli %scan3A_247, %mul3A_432 : i32
            %add3A_434 = arith.constant 11 : i32
            %add3A_435 = arith.addi %mul3A_433, %add3A_434 : i32
            %mul3A_436 = arith.constant 16 : i32
            %mul3A_437 = arith.muli %add3A_435, %mul3A_436 : i32
            %get3A_438 = arith.index_cast %mul3A_437 : i32 to index
            %get3A_439 = tpu.vector_load %arg18[%get3A_438] {strides = array<i32>} : memref<1024xi32, #tpu.memory_space<vmem>>, vector<16xi32>,
            %gather3A_440 = tpu.vector_load_idx %arg14[%get3A_439] : memref<50176xf32, #tpu.memory_space<vmem>>[vector<16xi32>], vector<16xf32>,
            %add3A_441 = arith.constant 512 : i32
            %add3A_442 = arith.addi %add3A_441, %mul3A_437 : i32
            %get3A_443 = arith.index_cast %add3A_442 : i32 to index
            %get3A_444 = tpu.vector_load %arg18[%get3A_443] {strides = array<i32>} : memref<1024xi32, #tpu.memory_space<vmem>>, vector<16xi32>,
            %bitcast3A_445 = vector.bitcast %get3A_444 : vector<16xi32> to vector<16xf32>
            %mul3A_446 = arith.mulf %gather3A_440, %bitcast3A_445 : vector<16xf32>
            %swap3A_447 = arith.index_cast %mul3A_437 : i32 to index
            %swap3A_448 = tpu.vector_load %arg24[%swap3A_447] {strides = array<i32>} : memref<512xf32, #tpu.memory_space<vmem>>, vector<16xf32>,
            tpu.vector_store %arg24[%swap3A_447], %mul3A_446 {strides = array<i32>} : memref<512xf32, #tpu.memory_space<vmem>>, vector<16xf32>,
            %mul3A_449 = arith.constant 16 : i32
            %mul3A_450 = arith.muli %scan3A_247, %mul3A_449 : i32
            %add3A_451 = arith.constant 12 : i32
            %add3A_452 = arith.addi %mul3A_450, %add3A_451 : i32
            %mul3A_453 = arith.constant 16 : i32
            %mul3A_454 = arith.muli %add3A_452, %mul3A_453 : i32
            %get3A_455 = arith.index_cast %mul3A_454 : i32 to index
            %get3A_456 = tpu.vector_load %arg18[%get3A_455] {strides = array<i32>} : memref<1024xi32, #tpu.memory_space<vmem>>, vector<16xi32>,
            %gather3A_457 = tpu.vector_load_idx %arg14[%get3A_456] : memref<50176xf32, #tpu.memory_space<vmem>>[vector<16xi32>], vector<16xf32>,
            %add3A_458 = arith.constant 512 : i32
            %add3A_459 = arith.addi %add3A_458, %mul3A_454 : i32
            %get3A_460 = arith.index_cast %add3A_459 : i32 to index
            %get3A_461 = tpu.vector_load %arg18[%get3A_460] {strides = array<i32>} : memref<1024xi32, #tpu.memory_space<vmem>>, vector<16xi32>,
            %bitcast3A_462 = vector.bitcast %get3A_461 : vector<16xi32> to vector<16xf32>
            %mul3A_463 = arith.mulf %gather3A_457, %bitcast3A_462 : vector<16xf32>
            %swap3A_464 = arith.index_cast %mul3A_454 : i32 to index
            %swap3A_465 = tpu.vector_load %arg24[%swap3A_464] {strides = array<i32>} : memref<512xf32, #tpu.memory_space<vmem>>, vector<16xf32>,
            tpu.vector_store %arg24[%swap3A_464], %mul3A_463 {strides = array<i32>} : memref<512xf32, #tpu.memory_space<vmem>>, vector<16xf32>,
            %mul3A_466 = arith.constant 16 : i32
            %mul3A_467 = arith.muli %scan3A_247, %mul3A_466 : i32
            %add3A_468 = arith.constant 13 : i32
            %add3A_469 = arith.addi %mul3A_467, %add3A_468 : i32
            %mul3A_470 = arith.constant 16 : i32
            %mul3A_471 = arith.muli %add3A_469, %mul3A_470 : i32
            %get3A_472 = arith.index_cast %mul3A_471 : i32 to index
            %get3A_473 = tpu.vector_load %arg18[%get3A_472] {strides = array<i32>} : memref<1024xi32, #tpu.memory_space<vmem>>, vector<16xi32>,
            %gather3A_474 = tpu.vector_load_idx %arg14[%get3A_473] : memref<50176xf32, #tpu.memory_space<vmem>>[vector<16xi32>], vector<16xf32>,
            %add3A_475 = arith.constant 512 : i32
            %add3A_476 = arith.addi %add3A_475, %mul3A_471 : i32
            %get3A_477 = arith.index_cast %add3A_476 : i32 to index
            %get3A_478 = tpu.vector_load %arg18[%get3A_477] {strides = array<i32>} : memref<1024xi32, #tpu.memory_space<vmem>>, vector<16xi32>,
            %bitcast3A_479 = vector.bitcast %get3A_478 : vector<16xi32> to vector<16xf32>
            %mul3A_480 = arith.mulf %gather3A_474, %bitcast3A_479 : vector<16xf32>
            %swap3A_481 = arith.index_cast %mul3A_471 : i32 to index
            %swap3A_482 = tpu.vector_load %arg24[%swap3A_481] {strides = array<i32>} : memref<512xf32, #tpu.memory_space<vmem>>, vector<16xf32>,
            tpu.vector_store %arg24[%swap3A_481], %mul3A_480 {strides = array<i32>} : memref<512xf32, #tpu.memory_space<vmem>>, vector<16xf32>,
            %mul3A_483 = arith.constant 16 : i32
            %mul3A_484 = arith.muli %scan3A_247, %mul3A_483 : i32
            %add3A_485 = arith.constant 14 : i32
            %add3A_486 = arith.addi %mul3A_484, %add3A_485 : i32
            %mul3A_487 = arith.constant 16 : i32
            %mul3A_488 = arith.muli %add3A_486, %mul3A_487 : i32
            %get3A_489 = arith.index_cast %mul3A_488 : i32 to index
            %get3A_490 = tpu.vector_load %arg18[%get3A_489] {strides = array<i32>} : memref<1024xi32, #tpu.memory_space<vmem>>, vector<16xi32>,
            %gather3A_491 = tpu.vector_load_idx %arg14[%get3A_490] : memref<50176xf32, #tpu.memory_space<vmem>>[vector<16xi32>], vector<16xf32>,
            %add3A_492 = arith.constant 512 : i32
            %add3A_493 = arith.addi %add3A_492, %mul3A_488 : i32
            %get3A_494 = arith.index_cast %add3A_493 : i32 to index
            %get3A_495 = tpu.vector_load %arg18[%get3A_494] {strides = array<i32>} : memref<1024xi32, #tpu.memory_space<vmem>>, vector<16xi32>,
            %bitcast3A_496 = vector.bitcast %get3A_495 : vector<16xi32> to vector<16xf32>
            %mul3A_497 = arith.mulf %gather3A_491, %bitcast3A_496 : vector<16xf32>
            %swap3A_498 = arith.index_cast %mul3A_488 : i32 to index
            %swap3A_499 = tpu.vector_load %arg24[%swap3A_498] {strides = array<i32>} : memref<512xf32, #tpu.memory_space<vmem>>, vector<16xf32>,
            tpu.vector_store %arg24[%swap3A_498], %mul3A_497 {strides = array<i32>} : memref<512xf32, #tpu.memory_space<vmem>>, vector<16xf32>,
            %mul3A_500 = arith.constant 16 : i32
            %mul3A_501 = arith.muli %scan3A_247, %mul3A_500 : i32
            %add3A_502 = arith.constant 15 : i32
            %add3A_503 = arith.addi %mul3A_501, %add3A_502 : i32
            %mul3A_504 = arith.constant 16 : i32
            %mul3A_505 = arith.muli %add3A_503, %mul3A_504 : i32
            %get3A_506 = arith.index_cast %mul3A_505 : i32 to index
            %get3A_507 = tpu.vector_load %arg18[%get3A_506] {strides = array<i32>} : memref<1024xi32, #tpu.memory_space<vmem>>, vector<16xi32>,
            %gather3A_508 = tpu.vector_load_idx %arg14[%get3A_507] : memref<50176xf32, #tpu.memory_space<vmem>>[vector<16xi32>], vector<16xf32>,
            %add3A_509 = arith.constant 512 : i32
            %add3A_510 = arith.addi %add3A_509, %mul3A_505 : i32
            %get3A_511 = arith.index_cast %add3A_510 : i32 to index
            %get3A_512 = tpu.vector_load %arg18[%get3A_511] {strides = array<i32>} : memref<1024xi32, #tpu.memory_space<vmem>>, vector<16xi32>,
            %bitcast3A_513 = vector.bitcast %get3A_512 : vector<16xi32> to vector<16xf32>
            %mul3A_514 = arith.mulf %gather3A_508, %bitcast3A_513 : vector<16xf32>
            %swap3A_515 = arith.index_cast %mul3A_505 : i32 to index
            %swap3A_516 = tpu.vector_load %arg24[%swap3A_515] {strides = array<i32>} : memref<512xf32, #tpu.memory_space<vmem>>, vector<16xf32>,
            tpu.vector_store %arg24[%swap3A_515], %mul3A_514 {strides = array<i32>} : memref<512xf32, #tpu.memory_space<vmem>>, vector<16xf32>,
          }
          %scan3A_244 = arith.constant 2 : i32
          %dma_start3A_245 = arith.constant 0 : i32
          %dma_start3A_246 = tpu.memref_slice %arg15[%dma_start3A_245] : memref<50176xf32, #tpu.memory_space<vmem_shared>> -> memref<50176xf32, #tpu.memory_space<vmem_shared>>
          tpu.enqueue_indirect_dma source(%arg24 : memref<512xf32, #tpu.memory_space<vmem>>) target(%dma_start3A_246 : memref<50176xf32, #tpu.memory_space<vmem_shared>>) offsets(%arg21 : memref<512xi32, #tpu.memory_space<vmem>>) semaphore(%arg30 : memref<!tpu.dma_semaphore, #tpu.memory_space<semaphore_mem>>) {add = true}
        }
        %scan3A_114 = arith.constant 17 : i32
        %dma_wait3A_115 = arith.constant 0 : i32
        %dma_wait3A_116 = tpu.memref_slice %arg15[%dma_wait3A_115] : memref<50176xf32, #tpu.memory_space<vmem_shared>> -> memref<50176xf32, #tpu.memory_space<vmem_shared>>
        tpu.wait_indirect_dma semaphore(%arg29 : memref<!tpu.dma_semaphore, #tpu.memory_space<semaphore_mem>>) src(%arg23 : memref<512xf32, #tpu.memory_space<vmem>>) dst(%dma_wait3A_116 : memref<50176xf32, #tpu.memory_space<vmem_shared>>)
        %dma_wait3A_117 = arith.constant 0 : i32
        %dma_wait3A_118 = tpu.memref_slice %arg15[%dma_wait3A_117] : memref<50176xf32, #tpu.memory_space<vmem_shared>> -> memref<50176xf32, #tpu.memory_space<vmem_shared>>
        tpu.wait_indirect_dma semaphore(%arg30 : memref<!tpu.dma_semaphore, #tpu.memory_space<semaphore_mem>>) src(%arg24 : memref<512xf32, #tpu.memory_space<vmem>>) dst(%dma_wait3A_118 : memref<50176xf32, #tpu.memory_space<vmem_shared>>)
        %barrier3A_119 = arith.constant 0 : index
        tpu.barrier barrier_id(%barrier3A_119)
        "tpu.region"() ({
          %run_scoped3A = tpu.sem_alloc : memref<!tpu.dma_semaphore, #tpu.memory_space<semaphore_mem>>
          %dma_start3A_130 = tpu.memref_slice %arg15[%mul3A_4] : memref<50176xf32, #tpu.memory_space<vmem_shared>> -> memref<3136xf32, #tpu.memory_space<vmem_shared>>
          %dma_start3A_131 = tpu.memref_slice %arg15[%mul3A_4] : memref<50176xf32, #tpu.memory_space<vmem_shared>> -> memref<3136xf32, #tpu.memory_space<vmem_shared>>
          tpu.enqueue_dma source(%dma_start3A_131 : memref<3136xf32, #tpu.memory_space<vmem_shared>>) target(%arg42 : memref<3136xf32, #tpu.memory_space<vmem>>) target_semaphore(%run_scoped3A : memref<!tpu.dma_semaphore, #tpu.memory_space<semaphore_mem>>)
          %dma_wait3A_132 = tpu.memref_slice %arg15[%mul3A_4] : memref<50176xf32, #tpu.memory_space<vmem_shared>> -> memref<3136xf32, #tpu.memory_space<vmem_shared>>
          %dma_wait3A_133 = tpu.memref_slice %arg15[%mul3A_4] : memref<50176xf32, #tpu.memory_space<vmem_shared>> -> memref<3136xf32, #tpu.memory_space<vmem_shared>>
          tpu.wait_dma2 semaphore(%run_scoped3A : memref<!tpu.dma_semaphore, #tpu.memory_space<semaphore_mem>>) src(%dma_wait3A_133 : memref<3136xf32, #tpu.memory_space<vmem_shared>>) dst(%arg42 : memref<3136xf32, #tpu.memory_space<vmem>>)
          tpu.yield
        }) : () -> ()
        %mul3A_120 = arith.constant 50176 : i32
        %mul3A_121 = arith.muli %arg0, %mul3A_120 : i32
        %add3A_122 = arith.addi %mul3A_121, %mul3A_4 : i32
        "tpu.region"() ({
          %run_scoped3A = tpu.sem_alloc : memref<!tpu.dma_semaphore, #tpu.memory_space<semaphore_mem>>
          %dma_start3A_130 = tpu.memref_slice %arg12[%add3A_122] : memref<100352xf32, #tpu.memory_space<hbm>> -> memref<3136xf32, #tpu.memory_space<hbm>>
          %dma_start3A_131 = tpu.memref_slice %arg12[%add3A_122] : memref<100352xf32, #tpu.memory_space<hbm>> -> memref<3136xf32, #tpu.memory_space<hbm>>
          tpu.enqueue_dma source(%arg42 : memref<3136xf32, #tpu.memory_space<vmem>>) target(%dma_start3A_131 : memref<3136xf32, #tpu.memory_space<hbm>>) target_semaphore(%run_scoped3A : memref<!tpu.dma_semaphore, #tpu.memory_space<semaphore_mem>>)
          %dma_wait3A_132 = tpu.memref_slice %arg12[%add3A_122] : memref<100352xf32, #tpu.memory_space<hbm>> -> memref<3136xf32, #tpu.memory_space<hbm>>
          %dma_wait3A_133 = tpu.memref_slice %arg12[%add3A_122] : memref<100352xf32, #tpu.memory_space<hbm>> -> memref<3136xf32, #tpu.memory_space<hbm>>
          tpu.wait_dma2 semaphore(%run_scoped3A : memref<!tpu.dma_semaphore, #tpu.memory_space<semaphore_mem>>) src(%arg42 : memref<3136xf32, #tpu.memory_space<vmem>>) dst(%dma_wait3A_133 : memref<3136xf32, #tpu.memory_space<hbm>>)
          tpu.yield
        }) : () -> ()
        %barrier3A_123 = arith.constant 0 : index
        tpu.barrier barrier_id(%barrier3A_123)
        %eq3A_124 = arith.constant 0 : i32
        %eq3A_125 = arith.cmpi eq, %arg1, %eq3A_124 : i32
        %convert_element_type3A_126 = arith.extui %eq3A_125 : i1 to i32
        %cond3A_127 = arith.constant 0 : i32
        %cond3A_128 = arith.cmpi ne, %convert_element_type3A_126, %cond3A_127 : i32
        scf.if %cond3A_128 {
          %sub3A = arith.constant 1 : i32
          %sub3A_130 = arith.subi %sub3A, %arg0 : i32
          %semaphore_signal3A = arith.constant 1 : i32
          tpu.sem_signal %arg31, %semaphore_signal3A core_id %sub3A_130 : memref<!tpu.semaphore, #tpu.memory_space<semaphore_mem>>
          %semaphore_wait3A = arith.constant 1 : i32
          %semaphore_wait3A_131 = arith.constant true
          tpu.sem_wait %arg31, %semaphore_wait3A : memref<!tpu.semaphore, #tpu.memory_space<semaphore_mem>>
        } else {
        }
        %barrier3A_129 = arith.constant 0 : index
        tpu.barrier barrier_id(%barrier3A_129)
      } else {
      }
      %eq3A = arith.constant 0 : i32
      %eq3A_19 = arith.cmpi eq, %scan3A_16, %eq3A : i32
      %convert_element_type3A_20 = arith.extui %eq3A_19 : i1 to i32
      %cond3A_21 = arith.constant 0 : i32
      %cond3A_22 = arith.cmpi ne, %convert_element_type3A_20, %cond3A_21 : i32
      scf.if %cond3A_22 {
        "tpu.region"() ({
          %run_scoped3A = tpu.sem_alloc : memref<!tpu.dma_semaphore, #tpu.memory_space<semaphore_mem>>
          %dma_start3A_108 = tpu.memref_slice %arg15[%mul3A_4] : memref<50176xf32, #tpu.memory_space<vmem_shared>> -> memref<3136xf32, #tpu.memory_space<vmem_shared>>
          %dma_start3A_109 = tpu.memref_slice %arg15[%mul3A_4] : memref<50176xf32, #tpu.memory_space<vmem_shared>> -> memref<3136xf32, #tpu.memory_space<vmem_shared>>
          tpu.enqueue_dma source(%arg41 : memref<3136xf32, #tpu.memory_space<vmem>>) target(%dma_start3A_109 : memref<3136xf32, #tpu.memory_space<vmem_shared>>) target_semaphore(%run_scoped3A : memref<!tpu.dma_semaphore, #tpu.memory_space<semaphore_mem>>)
          %dma_wait3A_110 = tpu.memref_slice %arg15[%mul3A_4] : memref<50176xf32, #tpu.memory_space<vmem_shared>> -> memref<3136xf32, #tpu.memory_space<vmem_shared>>
          %dma_wait3A_111 = tpu.memref_slice %arg15[%mul3A_4] : memref<50176xf32, #tpu.memory_space<vmem_shared>> -> memref<3136xf32, #tpu.memory_space<vmem_shared>>
          tpu.wait_dma2 semaphore(%run_scoped3A : memref<!tpu.dma_semaphore, #tpu.memory_space<semaphore_mem>>) src(%arg41 : memref<3136xf32, #tpu.memory_space<vmem>>) dst(%dma_wait3A_111 : memref<3136xf32, #tpu.memory_space<vmem_shared>>)
          tpu.yield
        }) : () -> ()
        %barrier3A_96 = arith.constant 0 : index
        tpu.barrier barrier_id(%barrier3A_96)
        %barrier3A_97 = arith.constant 0 : index
        tpu.barrier barrier_id(%barrier3A_97)
        "tpu.region"() ({
          %run_scoped3A = tpu.sem_alloc : memref<!tpu.dma_semaphore, #tpu.memory_space<semaphore_mem>>
          %dma_start3A_108 = tpu.memref_slice %arg15[%mul3A_4] : memref<50176xf32, #tpu.memory_space<vmem_shared>> -> memref<3136xf32, #tpu.memory_space<vmem_shared>>
          %dma_start3A_109 = tpu.memref_slice %arg15[%mul3A_4] : memref<50176xf32, #tpu.memory_space<vmem_shared>> -> memref<3136xf32, #tpu.memory_space<vmem_shared>>
          tpu.enqueue_dma source(%dma_start3A_109 : memref<3136xf32, #tpu.memory_space<vmem_shared>>) target(%arg42 : memref<3136xf32, #tpu.memory_space<vmem>>) target_semaphore(%run_scoped3A : memref<!tpu.dma_semaphore, #tpu.memory_space<semaphore_mem>>)
          %dma_wait3A_110 = tpu.memref_slice %arg15[%mul3A_4] : memref<50176xf32, #tpu.memory_space<vmem_shared>> -> memref<3136xf32, #tpu.memory_space<vmem_shared>>
          %dma_wait3A_111 = tpu.memref_slice %arg15[%mul3A_4] : memref<50176xf32, #tpu.memory_space<vmem_shared>> -> memref<3136xf32, #tpu.memory_space<vmem_shared>>
          tpu.wait_dma2 semaphore(%run_scoped3A : memref<!tpu.dma_semaphore, #tpu.memory_space<semaphore_mem>>) src(%dma_wait3A_111 : memref<3136xf32, #tpu.memory_space<vmem_shared>>) dst(%arg42 : memref<3136xf32, #tpu.memory_space<vmem>>)
          tpu.yield
        }) : () -> ()
        %mul3A_98 = arith.constant 50176 : i32
        %mul3A_99 = arith.muli %arg0, %mul3A_98 : i32
        %add3A_100 = arith.addi %mul3A_99, %mul3A_4 : i32
        "tpu.region"() ({
          %run_scoped3A = tpu.sem_alloc : memref<!tpu.dma_semaphore, #tpu.memory_space<semaphore_mem>>
          %dma_start3A_108 = tpu.memref_slice %arg12[%add3A_100] : memref<100352xf32, #tpu.memory_space<hbm>> -> memref<3136xf32, #tpu.memory_space<hbm>>
          %dma_start3A_109 = tpu.memref_slice %arg12[%add3A_100] : memref<100352xf32, #tpu.memory_space<hbm>> -> memref<3136xf32, #tpu.memory_space<hbm>>
          tpu.enqueue_dma source(%arg42 : memref<3136xf32, #tpu.memory_space<vmem>>) target(%dma_start3A_109 : memref<3136xf32, #tpu.memory_space<hbm>>) target_semaphore(%run_scoped3A : memref<!tpu.dma_semaphore, #tpu.memory_space<semaphore_mem>>)
          %dma_wait3A_110 = tpu.memref_slice %arg12[%add3A_100] : memref<100352xf32, #tpu.memory_space<hbm>> -> memref<3136xf32, #tpu.memory_space<hbm>>
          %dma_wait3A_111 = tpu.memref_slice %arg12[%add3A_100] : memref<100352xf32, #tpu.memory_space<hbm>> -> memref<3136xf32, #tpu.memory_space<hbm>>
          tpu.wait_dma2 semaphore(%run_scoped3A : memref<!tpu.dma_semaphore, #tpu.memory_space<semaphore_mem>>) src(%arg42 : memref<3136xf32, #tpu.memory_space<vmem>>) dst(%dma_wait3A_111 : memref<3136xf32, #tpu.memory_space<hbm>>)
          tpu.yield
        }) : () -> ()
        %barrier3A_101 = arith.constant 0 : index
        tpu.barrier barrier_id(%barrier3A_101)
        %eq3A_102 = arith.constant 0 : i32
        %eq3A_103 = arith.cmpi eq, %arg1, %eq3A_102 : i32
        %convert_element_type3A_104 = arith.extui %eq3A_103 : i1 to i32
        %cond3A_105 = arith.constant 0 : i32
        %cond3A_106 = arith.cmpi ne, %convert_element_type3A_104, %cond3A_105 : i32
        scf.if %cond3A_106 {
          %sub3A = arith.constant 1 : i32
          %sub3A_108 = arith.subi %sub3A, %arg0 : i32
          %semaphore_signal3A = arith.constant 1 : i32
          tpu.sem_signal %arg31, %semaphore_signal3A core_id %sub3A_108 : memref<!tpu.semaphore, #tpu.memory_space<semaphore_mem>>
          %semaphore_wait3A = arith.constant 1 : i32
          %semaphore_wait3A_109 = arith.constant true
          tpu.sem_wait %arg31, %semaphore_wait3A : memref<!tpu.semaphore, #tpu.memory_space<semaphore_mem>>
        } else {
        }
        %barrier3A_107 = arith.constant 0 : index
        tpu.barrier barrier_id(%barrier3A_107)
      } else {
      }
      "tpu.region"() ({
        %run_scoped3A = tpu.sem_alloc : memref<!tpu.dma_semaphore, #tpu.memory_space<semaphore_mem>>
        %dma_start3A_96 = tpu.memref_slice %arg12[%mul3A_2] : memref<100352xf32, #tpu.memory_space<hbm>> -> memref<1568xf32, #tpu.memory_space<hbm>>
        %dma_start3A_97 = tpu.memref_slice %arg12[%mul3A_2] : memref<100352xf32, #tpu.memory_space<hbm>> -> memref<1568xf32, #tpu.memory_space<hbm>>
        tpu.enqueue_dma source(%dma_start3A_97 : memref<1568xf32, #tpu.memory_space<hbm>>) target(%arg35 : memref<1568xf32, #tpu.memory_space<vmem>>) target_semaphore(%run_scoped3A : memref<!tpu.dma_semaphore, #tpu.memory_space<semaphore_mem>>)
        %dma_wait3A_98 = tpu.memref_slice %arg12[%mul3A_2] : memref<100352xf32, #tpu.memory_space<hbm>> -> memref<1568xf32, #tpu.memory_space<hbm>>
        %dma_wait3A_99 = tpu.memref_slice %arg12[%mul3A_2] : memref<100352xf32, #tpu.memory_space<hbm>> -> memref<1568xf32, #tpu.memory_space<hbm>>
        tpu.wait_dma2 semaphore(%run_scoped3A : memref<!tpu.dma_semaphore, #tpu.memory_space<semaphore_mem>>) src(%dma_wait3A_99 : memref<1568xf32, #tpu.memory_space<hbm>>) dst(%arg35 : memref<1568xf32, #tpu.memory_space<vmem>>)
        tpu.yield
      }) : () -> ()
      %add3A_23 = arith.constant 50176 : i32
      %add3A_24 = arith.addi %add3A_23, %mul3A_2 : i32
      "tpu.region"() ({
        %run_scoped3A = tpu.sem_alloc : memref<!tpu.dma_semaphore, #tpu.memory_space<semaphore_mem>>
        %dma_start3A_96 = tpu.memref_slice %arg12[%add3A_24] : memref<100352xf32, #tpu.memory_space<hbm>> -> memref<1568xf32, #tpu.memory_space<hbm>>
        %dma_start3A_97 = tpu.memref_slice %arg12[%add3A_24] : memref<100352xf32, #tpu.memory_space<hbm>> -> memref<1568xf32, #tpu.memory_space<hbm>>
        tpu.enqueue_dma source(%dma_start3A_97 : memref<1568xf32, #tpu.memory_space<hbm>>) target(%arg36 : memref<1568xf32, #tpu.memory_space<vmem>>) target_semaphore(%run_scoped3A : memref<!tpu.dma_semaphore, #tpu.memory_space<semaphore_mem>>)
        %dma_wait3A_98 = tpu.memref_slice %arg12[%add3A_24] : memref<100352xf32, #tpu.memory_space<hbm>> -> memref<1568xf32, #tpu.memory_space<hbm>>
        %dma_wait3A_99 = tpu.memref_slice %arg12[%add3A_24] : memref<100352xf32, #tpu.memory_space<hbm>> -> memref<1568xf32, #tpu.memory_space<hbm>>
        tpu.wait_dma2 semaphore(%run_scoped3A : memref<!tpu.dma_semaphore, #tpu.memory_space<semaphore_mem>>) src(%dma_wait3A_99 : memref<1568xf32, #tpu.memory_space<hbm>>) dst(%arg36 : memref<1568xf32, #tpu.memory_space<vmem>>)
        tpu.yield
      }) : () -> ()
      %scan3A_25 = arith.constant 0 : i32
      %scan3A_26 = arith.constant 0 : i32
      %scan3A_27 = arith.constant 14 : i32
      %scan3A_28 = arith.addi %scan3A_26, %scan3A_27 : i32
      %scan3A_29 = arith.constant 1 : i32
      scf.for %scan3A_96 = %scan3A_26 to %scan3A_28 step %scan3A_29  : i32 {
        %mul3A_97 = arith.constant 7 : i32
        %mul3A_98 = arith.muli %scan3A_96, %mul3A_97 : i32
        %add3A_99 = arith.constant 0 : i32
        %add3A_100 = arith.addi %mul3A_98, %add3A_99 : i32
        %mul3A_101 = arith.constant 16 : i32
        %mul3A_102 = arith.muli %add3A_100, %mul3A_101 : i32
        %get3A = arith.index_cast %mul3A_102 : i32 to index
        %get3A_103 = tpu.vector_load %arg32[%get3A] {strides = array<i32>} : memref<1568xf32, #tpu.memory_space<vmem>>, vector<16xf32>,
        %get3A_104 = arith.index_cast %mul3A_102 : i32 to index
        %get3A_105 = tpu.vector_load %arg35[%get3A_104] {strides = array<i32>} : memref<1568xf32, #tpu.memory_space<vmem>>, vector<16xf32>,
        %get3A_106 = arith.index_cast %mul3A_102 : i32 to index
        %get3A_107 = tpu.vector_load %arg36[%get3A_106] {strides = array<i32>} : memref<1568xf32, #tpu.memory_space<vmem>>, vector<16xf32>,
        %add3A_108 = arith.addf %get3A_105, %get3A_107 : vector<16xf32>
        %sub3A = arith.subf %get3A_103, %add3A_108 : vector<16xf32>
        %get3A_109 = arith.index_cast %mul3A_102 : i32 to index
        %get3A_110 = tpu.vector_load %arg33[%get3A_109] {strides = array<i32>} : memref<1568xf32, #tpu.memory_space<vmem>>, vector<16xf32>,
        %div3A = arith.divf %sub3A, %get3A_110 : vector<16xf32>
        %swap3A_111 = arith.index_cast %mul3A_102 : i32 to index
        %swap3A_112 = tpu.vector_load %arg37[%swap3A_111] {strides = array<i32>} : memref<1568xf32, #tpu.memory_space<vmem>>, vector<16xf32>,
        tpu.vector_store %arg37[%swap3A_111], %div3A {strides = array<i32>} : memref<1568xf32, #tpu.memory_space<vmem>>, vector<16xf32>,
        %mul3A_113 = arith.constant 7 : i32
        %mul3A_114 = arith.muli %scan3A_96, %mul3A_113 : i32
        %add3A_115 = arith.constant 1 : i32
        %add3A_116 = arith.addi %mul3A_114, %add3A_115 : i32
        %mul3A_117 = arith.constant 16 : i32
        %mul3A_118 = arith.muli %add3A_116, %mul3A_117 : i32
        %get3A_119 = arith.index_cast %mul3A_118 : i32 to index
        %get3A_120 = tpu.vector_load %arg32[%get3A_119] {strides = array<i32>} : memref<1568xf32, #tpu.memory_space<vmem>>, vector<16xf32>,
        %get3A_121 = arith.index_cast %mul3A_118 : i32 to index
        %get3A_122 = tpu.vector_load %arg35[%get3A_121] {strides = array<i32>} : memref<1568xf32, #tpu.memory_space<vmem>>, vector<16xf32>,
        %get3A_123 = arith.index_cast %mul3A_118 : i32 to index
        %get3A_124 = tpu.vector_load %arg36[%get3A_123] {strides = array<i32>} : memref<1568xf32, #tpu.memory_space<vmem>>, vector<16xf32>,
        %add3A_125 = arith.addf %get3A_122, %get3A_124 : vector<16xf32>
        %sub3A_126 = arith.subf %get3A_120, %add3A_125 : vector<16xf32>
        %get3A_127 = arith.index_cast %mul3A_118 : i32 to index
        %get3A_128 = tpu.vector_load %arg33[%get3A_127] {strides = array<i32>} : memref<1568xf32, #tpu.memory_space<vmem>>, vector<16xf32>,
        %div3A_129 = arith.divf %sub3A_126, %get3A_128 : vector<16xf32>
        %swap3A_130 = arith.index_cast %mul3A_118 : i32 to index
        %swap3A_131 = tpu.vector_load %arg37[%swap3A_130] {strides = array<i32>} : memref<1568xf32, #tpu.memory_space<vmem>>, vector<16xf32>,
        tpu.vector_store %arg37[%swap3A_130], %div3A_129 {strides = array<i32>} : memref<1568xf32, #tpu.memory_space<vmem>>, vector<16xf32>,
        %mul3A_132 = arith.constant 7 : i32
        %mul3A_133 = arith.muli %scan3A_96, %mul3A_132 : i32
        %add3A_134 = arith.constant 2 : i32
        %add3A_135 = arith.addi %mul3A_133, %add3A_134 : i32
        %mul3A_136 = arith.constant 16 : i32
        %mul3A_137 = arith.muli %add3A_135, %mul3A_136 : i32
        %get3A_138 = arith.index_cast %mul3A_137 : i32 to index
        %get3A_139 = tpu.vector_load %arg32[%get3A_138] {strides = array<i32>} : memref<1568xf32, #tpu.memory_space<vmem>>, vector<16xf32>,
        %get3A_140 = arith.index_cast %mul3A_137 : i32 to index
        %get3A_141 = tpu.vector_load %arg35[%get3A_140] {strides = array<i32>} : memref<1568xf32, #tpu.memory_space<vmem>>, vector<16xf32>,
        %get3A_142 = arith.index_cast %mul3A_137 : i32 to index
        %get3A_143 = tpu.vector_load %arg36[%get3A_142] {strides = array<i32>} : memref<1568xf32, #tpu.memory_space<vmem>>, vector<16xf32>,
        %add3A_144 = arith.addf %get3A_141, %get3A_143 : vector<16xf32>
        %sub3A_145 = arith.subf %get3A_139, %add3A_144 : vector<16xf32>
        %get3A_146 = arith.index_cast %mul3A_137 : i32 to index
        %get3A_147 = tpu.vector_load %arg33[%get3A_146] {strides = array<i32>} : memref<1568xf32, #tpu.memory_space<vmem>>, vector<16xf32>,
        %div3A_148 = arith.divf %sub3A_145, %get3A_147 : vector<16xf32>
        %swap3A_149 = arith.index_cast %mul3A_137 : i32 to index
        %swap3A_150 = tpu.vector_load %arg37[%swap3A_149] {strides = array<i32>} : memref<1568xf32, #tpu.memory_space<vmem>>, vector<16xf32>,
        tpu.vector_store %arg37[%swap3A_149], %div3A_148 {strides = array<i32>} : memref<1568xf32, #tpu.memory_space<vmem>>, vector<16xf32>,
        %mul3A_151 = arith.constant 7 : i32
        %mul3A_152 = arith.muli %scan3A_96, %mul3A_151 : i32
        %add3A_153 = arith.constant 3 : i32
        %add3A_154 = arith.addi %mul3A_152, %add3A_153 : i32
        %mul3A_155 = arith.constant 16 : i32
        %mul3A_156 = arith.muli %add3A_154, %mul3A_155 : i32
        %get3A_157 = arith.index_cast %mul3A_156 : i32 to index
        %get3A_158 = tpu.vector_load %arg32[%get3A_157] {strides = array<i32>} : memref<1568xf32, #tpu.memory_space<vmem>>, vector<16xf32>,
        %get3A_159 = arith.index_cast %mul3A_156 : i32 to index
        %get3A_160 = tpu.vector_load %arg35[%get3A_159] {strides = array<i32>} : memref<1568xf32, #tpu.memory_space<vmem>>, vector<16xf32>,
        %get3A_161 = arith.index_cast %mul3A_156 : i32 to index
        %get3A_162 = tpu.vector_load %arg36[%get3A_161] {strides = array<i32>} : memref<1568xf32, #tpu.memory_space<vmem>>, vector<16xf32>,
        %add3A_163 = arith.addf %get3A_160, %get3A_162 : vector<16xf32>
        %sub3A_164 = arith.subf %get3A_158, %add3A_163 : vector<16xf32>
        %get3A_165 = arith.index_cast %mul3A_156 : i32 to index
        %get3A_166 = tpu.vector_load %arg33[%get3A_165] {strides = array<i32>} : memref<1568xf32, #tpu.memory_space<vmem>>, vector<16xf32>,
        %div3A_167 = arith.divf %sub3A_164, %get3A_166 : vector<16xf32>
        %swap3A_168 = arith.index_cast %mul3A_156 : i32 to index
        %swap3A_169 = tpu.vector_load %arg37[%swap3A_168] {strides = array<i32>} : memref<1568xf32, #tpu.memory_space<vmem>>, vector<16xf32>,
        tpu.vector_store %arg37[%swap3A_168], %div3A_167 {strides = array<i32>} : memref<1568xf32, #tpu.memory_space<vmem>>, vector<16xf32>,
        %mul3A_170 = arith.constant 7 : i32
        %mul3A_171 = arith.muli %scan3A_96, %mul3A_170 : i32
        %add3A_172 = arith.constant 4 : i32
        %add3A_173 = arith.addi %mul3A_171, %add3A_172 : i32
        %mul3A_174 = arith.constant 16 : i32
        %mul3A_175 = arith.muli %add3A_173, %mul3A_174 : i32
        %get3A_176 = arith.index_cast %mul3A_175 : i32 to index
        %get3A_177 = tpu.vector_load %arg32[%get3A_176] {strides = array<i32>} : memref<1568xf32, #tpu.memory_space<vmem>>, vector<16xf32>,
        %get3A_178 = arith.index_cast %mul3A_175 : i32 to index
        %get3A_179 = tpu.vector_load %arg35[%get3A_178] {strides = array<i32>} : memref<1568xf32, #tpu.memory_space<vmem>>, vector<16xf32>,
        %get3A_180 = arith.index_cast %mul3A_175 : i32 to index
        %get3A_181 = tpu.vector_load %arg36[%get3A_180] {strides = array<i32>} : memref<1568xf32, #tpu.memory_space<vmem>>, vector<16xf32>,
        %add3A_182 = arith.addf %get3A_179, %get3A_181 : vector<16xf32>
        %sub3A_183 = arith.subf %get3A_177, %add3A_182 : vector<16xf32>
        %get3A_184 = arith.index_cast %mul3A_175 : i32 to index
        %get3A_185 = tpu.vector_load %arg33[%get3A_184] {strides = array<i32>} : memref<1568xf32, #tpu.memory_space<vmem>>, vector<16xf32>,
        %div3A_186 = arith.divf %sub3A_183, %get3A_185 : vector<16xf32>
        %swap3A_187 = arith.index_cast %mul3A_175 : i32 to index
        %swap3A_188 = tpu.vector_load %arg37[%swap3A_187] {strides = array<i32>} : memref<1568xf32, #tpu.memory_space<vmem>>, vector<16xf32>,
        tpu.vector_store %arg37[%swap3A_187], %div3A_186 {strides = array<i32>} : memref<1568xf32, #tpu.memory_space<vmem>>, vector<16xf32>,
        %mul3A_189 = arith.constant 7 : i32
        %mul3A_190 = arith.muli %scan3A_96, %mul3A_189 : i32
        %add3A_191 = arith.constant 5 : i32
        %add3A_192 = arith.addi %mul3A_190, %add3A_191 : i32
        %mul3A_193 = arith.constant 16 : i32
        %mul3A_194 = arith.muli %add3A_192, %mul3A_193 : i32
        %get3A_195 = arith.index_cast %mul3A_194 : i32 to index
        %get3A_196 = tpu.vector_load %arg32[%get3A_195] {strides = array<i32>} : memref<1568xf32, #tpu.memory_space<vmem>>, vector<16xf32>,
        %get3A_197 = arith.index_cast %mul3A_194 : i32 to index
        %get3A_198 = tpu.vector_load %arg35[%get3A_197] {strides = array<i32>} : memref<1568xf32, #tpu.memory_space<vmem>>, vector<16xf32>,
        %get3A_199 = arith.index_cast %mul3A_194 : i32 to index
        %get3A_200 = tpu.vector_load %arg36[%get3A_199] {strides = array<i32>} : memref<1568xf32, #tpu.memory_space<vmem>>, vector<16xf32>,
        %add3A_201 = arith.addf %get3A_198, %get3A_200 : vector<16xf32>
        %sub3A_202 = arith.subf %get3A_196, %add3A_201 : vector<16xf32>
        %get3A_203 = arith.index_cast %mul3A_194 : i32 to index
        %get3A_204 = tpu.vector_load %arg33[%get3A_203] {strides = array<i32>} : memref<1568xf32, #tpu.memory_space<vmem>>, vector<16xf32>,
        %div3A_205 = arith.divf %sub3A_202, %get3A_204 : vector<16xf32>
        %swap3A_206 = arith.index_cast %mul3A_194 : i32 to index
        %swap3A_207 = tpu.vector_load %arg37[%swap3A_206] {strides = array<i32>} : memref<1568xf32, #tpu.memory_space<vmem>>, vector<16xf32>,
        tpu.vector_store %arg37[%swap3A_206], %div3A_205 {strides = array<i32>} : memref<1568xf32, #tpu.memory_space<vmem>>, vector<16xf32>,
        %mul3A_208 = arith.constant 7 : i32
        %mul3A_209 = arith.muli %scan3A_96, %mul3A_208 : i32
        %add3A_210 = arith.constant 6 : i32
        %add3A_211 = arith.addi %mul3A_209, %add3A_210 : i32
        %mul3A_212 = arith.constant 16 : i32
        %mul3A_213 = arith.muli %add3A_211, %mul3A_212 : i32
        %get3A_214 = arith.index_cast %mul3A_213 : i32 to index
        %get3A_215 = tpu.vector_load %arg32[%get3A_214] {strides = array<i32>} : memref<1568xf32, #tpu.memory_space<vmem>>, vector<16xf32>,
        %get3A_216 = arith.index_cast %mul3A_213 : i32 to index
        %get3A_217 = tpu.vector_load %arg35[%get3A_216] {strides = array<i32>} : memref<1568xf32, #tpu.memory_space<vmem>>, vector<16xf32>,
        %get3A_218 = arith.index_cast %mul3A_213 : i32 to index
        %get3A_219 = tpu.vector_load %arg36[%get3A_218] {strides = array<i32>} : memref<1568xf32, #tpu.memory_space<vmem>>, vector<16xf32>,
        %add3A_220 = arith.addf %get3A_217, %get3A_219 : vector<16xf32>
        %sub3A_221 = arith.subf %get3A_215, %add3A_220 : vector<16xf32>
        %get3A_222 = arith.index_cast %mul3A_213 : i32 to index
        %get3A_223 = tpu.vector_load %arg33[%get3A_222] {strides = array<i32>} : memref<1568xf32, #tpu.memory_space<vmem>>, vector<16xf32>,
        %div3A_224 = arith.divf %sub3A_221, %get3A_223 : vector<16xf32>
        %swap3A_225 = arith.index_cast %mul3A_213 : i32 to index
        %swap3A_226 = tpu.vector_load %arg37[%swap3A_225] {strides = array<i32>} : memref<1568xf32, #tpu.memory_space<vmem>>, vector<16xf32>,
        tpu.vector_store %arg37[%swap3A_225], %div3A_224 {strides = array<i32>} : memref<1568xf32, #tpu.memory_space<vmem>>, vector<16xf32>,
      }
      %scan3A_30 = arith.constant 14 : i32
      "tpu.region"() ({
        %run_scoped3A = tpu.sem_alloc : memref<!tpu.dma_semaphore, #tpu.memory_space<semaphore_mem>>
        %dma_start3A_96 = tpu.memref_slice %arg13[%mul3A_2] : memref<50176xf32, #tpu.memory_space<hbm>> -> memref<1568xf32, #tpu.memory_space<hbm>>
        %dma_start3A_97 = tpu.memref_slice %arg13[%mul3A_2] : memref<50176xf32, #tpu.memory_space<hbm>> -> memref<1568xf32, #tpu.memory_space<hbm>>
        tpu.enqueue_dma source(%arg37 : memref<1568xf32, #tpu.memory_space<vmem>>) target(%dma_start3A_97 : memref<1568xf32, #tpu.memory_space<hbm>>) target_semaphore(%run_scoped3A : memref<!tpu.dma_semaphore, #tpu.memory_space<semaphore_mem>>)
        %dma_wait3A_98 = tpu.memref_slice %arg13[%mul3A_2] : memref<50176xf32, #tpu.memory_space<hbm>> -> memref<1568xf32, #tpu.memory_space<hbm>>
        %dma_wait3A_99 = tpu.memref_slice %arg13[%mul3A_2] : memref<50176xf32, #tpu.memory_space<hbm>> -> memref<1568xf32, #tpu.memory_space<hbm>>
        tpu.wait_dma2 semaphore(%run_scoped3A : memref<!tpu.dma_semaphore, #tpu.memory_space<semaphore_mem>>) src(%arg37 : memref<1568xf32, #tpu.memory_space<vmem>>) dst(%dma_wait3A_99 : memref<1568xf32, #tpu.memory_space<hbm>>)
        tpu.yield
      }) : () -> ()
      %barrier3A = arith.constant 0 : index
      tpu.barrier barrier_id(%barrier3A)
      %eq3A_31 = arith.constant 0 : i32
      %eq3A_32 = arith.cmpi eq, %arg1, %eq3A_31 : i32
      %convert_element_type3A_33 = arith.extui %eq3A_32 : i1 to i32
      %cond3A_34 = arith.constant 0 : i32
      %cond3A_35 = arith.cmpi ne, %convert_element_type3A_33, %cond3A_34 : i32
      scf.if %cond3A_35 {
        %sub3A = arith.constant 1 : i32
        %sub3A_96 = arith.subi %sub3A, %arg0 : i32
        %semaphore_signal3A = arith.constant 1 : i32
        tpu.sem_signal %arg31, %semaphore_signal3A core_id %sub3A_96 : memref<!tpu.semaphore, #tpu.memory_space<semaphore_mem>>
        %semaphore_wait3A = arith.constant 1 : i32
        %semaphore_wait3A_97 = arith.constant true
        tpu.sem_wait %arg31, %semaphore_wait3A : memref<!tpu.semaphore, #tpu.memory_space<semaphore_mem>>
      } else {
      }
      %barrier3A_36 = arith.constant 0 : index
      tpu.barrier barrier_id(%barrier3A_36)
      "tpu.region"() ({
        %run_scoped3A = tpu.sem_alloc : memref<!tpu.dma_semaphore, #tpu.memory_space<semaphore_mem>>
        %dma_start3A_96 = arith.constant 0 : i32
        %dma_start3A_97 = tpu.memref_slice %arg13[%dma_start3A_96] : memref<50176xf32, #tpu.memory_space<hbm>> -> memref<50176xf32, #tpu.memory_space<hbm>>
        tpu.enqueue_indirect_dma source(%dma_start3A_97 : memref<50176xf32, #tpu.memory_space<hbm>>) target(%arg39 : memref<112xf32, #tpu.memory_space<vmem>>) offsets(%arg40 : memref<112xi32, #tpu.memory_space<vmem>>) semaphore(%run_scoped3A : memref<!tpu.dma_semaphore, #tpu.memory_space<semaphore_mem>>)
        %dma_wait3A_98 = arith.constant 0 : i32
        %dma_wait3A_99 = tpu.memref_slice %arg13[%dma_wait3A_98] : memref<50176xf32, #tpu.memory_space<hbm>> -> memref<50176xf32, #tpu.memory_space<hbm>>
        tpu.wait_indirect_dma semaphore(%run_scoped3A : memref<!tpu.dma_semaphore, #tpu.memory_space<semaphore_mem>>) src(%dma_wait3A_99 : memref<50176xf32, #tpu.memory_space<hbm>>) dst(%arg39 : memref<112xf32, #tpu.memory_space<vmem>>)
        tpu.yield
      }) : () -> ()
      %scan3A_37 = arith.constant 0 : i32
      %scan3A_38 = arith.constant 0 : i32
      %scan3A_39 = arith.constant 14 : i32
      %scan3A_40 = arith.addi %scan3A_38, %scan3A_39 : i32
      %scan3A_41 = arith.constant 1 : i32
      scf.for %scan3A_96 = %scan3A_38 to %scan3A_40 step %scan3A_41  : i32 {
        %mul3A_97 = arith.constant 7 : i32
        %mul3A_98 = arith.muli %scan3A_96, %mul3A_97 : i32
        %add3A_99 = arith.constant 0 : i32
        %add3A_100 = arith.addi %mul3A_98, %add3A_99 : i32
        %mul3A_101 = arith.constant 16 : i32
        %mul3A_102 = arith.muli %add3A_100, %mul3A_101 : i32
        %get3A = arith.index_cast %mul3A_102 : i32 to index
        %get3A_103 = tpu.vector_load %arg34[%get3A] {strides = array<i32>} : memref<1568xi32, #tpu.memory_space<vmem>>, vector<16xi32>,
        %gather3A = tpu.vector_load_idx %arg39[%get3A_103] : memref<112xf32, #tpu.memory_space<vmem>>[vector<16xi32>], vector<16xf32>,
        %get3A_104 = arith.index_cast %mul3A_102 : i32 to index
        %get3A_105 = tpu.vector_load %arg37[%get3A_104] {strides = array<i32>} : memref<1568xf32, #tpu.memory_space<vmem>>, vector<16xf32>,
        %sub3A = arith.subf %get3A_105, %gather3A : vector<16xf32>
        %swap3A_106 = arith.index_cast %mul3A_102 : i32 to index
        %swap3A_107 = tpu.vector_load %arg38[%swap3A_106] {strides = array<i32>} : memref<1568xf32, #tpu.memory_space<vmem>>, vector<16xf32>,
        tpu.vector_store %arg38[%swap3A_106], %sub3A {strides = array<i32>} : memref<1568xf32, #tpu.memory_space<vmem>>, vector<16xf32>,
        %mul3A_108 = arith.constant 7 : i32
        %mul3A_109 = arith.muli %scan3A_96, %mul3A_108 : i32
        %add3A_110 = arith.constant 1 : i32
        %add3A_111 = arith.addi %mul3A_109, %add3A_110 : i32
        %mul3A_112 = arith.constant 16 : i32
        %mul3A_113 = arith.muli %add3A_111, %mul3A_112 : i32
        %get3A_114 = arith.index_cast %mul3A_113 : i32 to index
        %get3A_115 = tpu.vector_load %arg34[%get3A_114] {strides = array<i32>} : memref<1568xi32, #tpu.memory_space<vmem>>, vector<16xi32>,
        %gather3A_116 = tpu.vector_load_idx %arg39[%get3A_115] : memref<112xf32, #tpu.memory_space<vmem>>[vector<16xi32>], vector<16xf32>,
        %get3A_117 = arith.index_cast %mul3A_113 : i32 to index
        %get3A_118 = tpu.vector_load %arg37[%get3A_117] {strides = array<i32>} : memref<1568xf32, #tpu.memory_space<vmem>>, vector<16xf32>,
        %sub3A_119 = arith.subf %get3A_118, %gather3A_116 : vector<16xf32>
        %swap3A_120 = arith.index_cast %mul3A_113 : i32 to index
        %swap3A_121 = tpu.vector_load %arg38[%swap3A_120] {strides = array<i32>} : memref<1568xf32, #tpu.memory_space<vmem>>, vector<16xf32>,
        tpu.vector_store %arg38[%swap3A_120], %sub3A_119 {strides = array<i32>} : memref<1568xf32, #tpu.memory_space<vmem>>, vector<16xf32>,
        %mul3A_122 = arith.constant 7 : i32
        %mul3A_123 = arith.muli %scan3A_96, %mul3A_122 : i32
        %add3A_124 = arith.constant 2 : i32
        %add3A_125 = arith.addi %mul3A_123, %add3A_124 : i32
        %mul3A_126 = arith.constant 16 : i32
        %mul3A_127 = arith.muli %add3A_125, %mul3A_126 : i32
        %get3A_128 = arith.index_cast %mul3A_127 : i32 to index
        %get3A_129 = tpu.vector_load %arg34[%get3A_128] {strides = array<i32>} : memref<1568xi32, #tpu.memory_space<vmem>>, vector<16xi32>,
        %gather3A_130 = tpu.vector_load_idx %arg39[%get3A_129] : memref<112xf32, #tpu.memory_space<vmem>>[vector<16xi32>], vector<16xf32>,
        %get3A_131 = arith.index_cast %mul3A_127 : i32 to index
        %get3A_132 = tpu.vector_load %arg37[%get3A_131] {strides = array<i32>} : memref<1568xf32, #tpu.memory_space<vmem>>, vector<16xf32>,
        %sub3A_133 = arith.subf %get3A_132, %gather3A_130 : vector<16xf32>
        %swap3A_134 = arith.index_cast %mul3A_127 : i32 to index
        %swap3A_135 = tpu.vector_load %arg38[%swap3A_134] {strides = array<i32>} : memref<1568xf32, #tpu.memory_space<vmem>>, vector<16xf32>,
        tpu.vector_store %arg38[%swap3A_134], %sub3A_133 {strides = array<i32>} : memref<1568xf32, #tpu.memory_space<vmem>>, vector<16xf32>,
        %mul3A_136 = arith.constant 7 : i32
        %mul3A_137 = arith.muli %scan3A_96, %mul3A_136 : i32
        %add3A_138 = arith.constant 3 : i32
        %add3A_139 = arith.addi %mul3A_137, %add3A_138 : i32
        %mul3A_140 = arith.constant 16 : i32
        %mul3A_141 = arith.muli %add3A_139, %mul3A_140 : i32
        %get3A_142 = arith.index_cast %mul3A_141 : i32 to index
        %get3A_143 = tpu.vector_load %arg34[%get3A_142] {strides = array<i32>} : memref<1568xi32, #tpu.memory_space<vmem>>, vector<16xi32>,
        %gather3A_144 = tpu.vector_load_idx %arg39[%get3A_143] : memref<112xf32, #tpu.memory_space<vmem>>[vector<16xi32>], vector<16xf32>,
        %get3A_145 = arith.index_cast %mul3A_141 : i32 to index
        %get3A_146 = tpu.vector_load %arg37[%get3A_145] {strides = array<i32>} : memref<1568xf32, #tpu.memory_space<vmem>>, vector<16xf32>,
        %sub3A_147 = arith.subf %get3A_146, %gather3A_144 : vector<16xf32>
        %swap3A_148 = arith.index_cast %mul3A_141 : i32 to index
        %swap3A_149 = tpu.vector_load %arg38[%swap3A_148] {strides = array<i32>} : memref<1568xf32, #tpu.memory_space<vmem>>, vector<16xf32>,
        tpu.vector_store %arg38[%swap3A_148], %sub3A_147 {strides = array<i32>} : memref<1568xf32, #tpu.memory_space<vmem>>, vector<16xf32>,
        %mul3A_150 = arith.constant 7 : i32
        %mul3A_151 = arith.muli %scan3A_96, %mul3A_150 : i32
        %add3A_152 = arith.constant 4 : i32
        %add3A_153 = arith.addi %mul3A_151, %add3A_152 : i32
        %mul3A_154 = arith.constant 16 : i32
        %mul3A_155 = arith.muli %add3A_153, %mul3A_154 : i32
        %get3A_156 = arith.index_cast %mul3A_155 : i32 to index
        %get3A_157 = tpu.vector_load %arg34[%get3A_156] {strides = array<i32>} : memref<1568xi32, #tpu.memory_space<vmem>>, vector<16xi32>,
        %gather3A_158 = tpu.vector_load_idx %arg39[%get3A_157] : memref<112xf32, #tpu.memory_space<vmem>>[vector<16xi32>], vector<16xf32>,
        %get3A_159 = arith.index_cast %mul3A_155 : i32 to index
        %get3A_160 = tpu.vector_load %arg37[%get3A_159] {strides = array<i32>} : memref<1568xf32, #tpu.memory_space<vmem>>, vector<16xf32>,
        %sub3A_161 = arith.subf %get3A_160, %gather3A_158 : vector<16xf32>
        %swap3A_162 = arith.index_cast %mul3A_155 : i32 to index
        %swap3A_163 = tpu.vector_load %arg38[%swap3A_162] {strides = array<i32>} : memref<1568xf32, #tpu.memory_space<vmem>>, vector<16xf32>,
        tpu.vector_store %arg38[%swap3A_162], %sub3A_161 {strides = array<i32>} : memref<1568xf32, #tpu.memory_space<vmem>>, vector<16xf32>,
        %mul3A_164 = arith.constant 7 : i32
        %mul3A_165 = arith.muli %scan3A_96, %mul3A_164 : i32
        %add3A_166 = arith.constant 5 : i32
        %add3A_167 = arith.addi %mul3A_165, %add3A_166 : i32
        %mul3A_168 = arith.constant 16 : i32
        %mul3A_169 = arith.muli %add3A_167, %mul3A_168 : i32
        %get3A_170 = arith.index_cast %mul3A_169 : i32 to index
        %get3A_171 = tpu.vector_load %arg34[%get3A_170] {strides = array<i32>} : memref<1568xi32, #tpu.memory_space<vmem>>, vector<16xi32>,
        %gather3A_172 = tpu.vector_load_idx %arg39[%get3A_171] : memref<112xf32, #tpu.memory_space<vmem>>[vector<16xi32>], vector<16xf32>,
        %get3A_173 = arith.index_cast %mul3A_169 : i32 to index
        %get3A_174 = tpu.vector_load %arg37[%get3A_173] {strides = array<i32>} : memref<1568xf32, #tpu.memory_space<vmem>>, vector<16xf32>,
        %sub3A_175 = arith.subf %get3A_174, %gather3A_172 : vector<16xf32>
        %swap3A_176 = arith.index_cast %mul3A_169 : i32 to index
        %swap3A_177 = tpu.vector_load %arg38[%swap3A_176] {strides = array<i32>} : memref<1568xf32, #tpu.memory_space<vmem>>, vector<16xf32>,
        tpu.vector_store %arg38[%swap3A_176], %sub3A_175 {strides = array<i32>} : memref<1568xf32, #tpu.memory_space<vmem>>, vector<16xf32>,
        %mul3A_178 = arith.constant 7 : i32
        %mul3A_179 = arith.muli %scan3A_96, %mul3A_178 : i32
        %add3A_180 = arith.constant 6 : i32
        %add3A_181 = arith.addi %mul3A_179, %add3A_180 : i32
        %mul3A_182 = arith.constant 16 : i32
        %mul3A_183 = arith.muli %add3A_181, %mul3A_182 : i32
        %get3A_184 = arith.index_cast %mul3A_183 : i32 to index
        %get3A_185 = tpu.vector_load %arg34[%get3A_184] {strides = array<i32>} : memref<1568xi32, #tpu.memory_space<vmem>>, vector<16xi32>,
        %gather3A_186 = tpu.vector_load_idx %arg39[%get3A_185] : memref<112xf32, #tpu.memory_space<vmem>>[vector<16xi32>], vector<16xf32>,
        %get3A_187 = arith.index_cast %mul3A_183 : i32 to index
        %get3A_188 = tpu.vector_load %arg37[%get3A_187] {strides = array<i32>} : memref<1568xf32, #tpu.memory_space<vmem>>, vector<16xf32>,
        %sub3A_189 = arith.subf %get3A_188, %gather3A_186 : vector<16xf32>
        %swap3A_190 = arith.index_cast %mul3A_183 : i32 to index
        %swap3A_191 = tpu.vector_load %arg38[%swap3A_190] {strides = array<i32>} : memref<1568xf32, #tpu.memory_space<vmem>>, vector<16xf32>,
        tpu.vector_store %arg38[%swap3A_190], %sub3A_189 {strides = array<i32>} : memref<1568xf32, #tpu.memory_space<vmem>>, vector<16xf32>,
      }
      %scan3A_42 = arith.constant 14 : i32
      "tpu.region"() ({
        %run_scoped3A = tpu.sem_alloc : memref<!tpu.dma_semaphore, #tpu.memory_space<semaphore_mem>>
        %dma_start3A_96 = tpu.memref_slice %arg10[%mul3A_2] : memref<50176xf32, #tpu.memory_space<hbm>> -> memref<1568xf32, #tpu.memory_space<hbm>>
        %dma_start3A_97 = tpu.memref_slice %arg10[%mul3A_2] : memref<50176xf32, #tpu.memory_space<hbm>> -> memref<1568xf32, #tpu.memory_space<hbm>>
        tpu.enqueue_dma source(%arg38 : memref<1568xf32, #tpu.memory_space<vmem>>) target(%dma_start3A_97 : memref<1568xf32, #tpu.memory_space<hbm>>) target_semaphore(%run_scoped3A : memref<!tpu.dma_semaphore, #tpu.memory_space<semaphore_mem>>)
        %dma_wait3A_98 = tpu.memref_slice %arg10[%mul3A_2] : memref<50176xf32, #tpu.memory_space<hbm>> -> memref<1568xf32, #tpu.memory_space<hbm>>
        %dma_wait3A_99 = tpu.memref_slice %arg10[%mul3A_2] : memref<50176xf32, #tpu.memory_space<hbm>> -> memref<1568xf32, #tpu.memory_space<hbm>>
        tpu.wait_dma2 semaphore(%run_scoped3A : memref<!tpu.dma_semaphore, #tpu.memory_space<semaphore_mem>>) src(%arg38 : memref<1568xf32, #tpu.memory_space<vmem>>) dst(%dma_wait3A_99 : memref<1568xf32, #tpu.memory_space<hbm>>)
        tpu.yield
      }) : () -> ()
      %barrier3A_43 = arith.constant 0 : index
      tpu.barrier barrier_id(%barrier3A_43)
      %eq3A_44 = arith.constant 0 : i32
      %eq3A_45 = arith.cmpi eq, %arg1, %eq3A_44 : i32
      %convert_element_type3A_46 = arith.extui %eq3A_45 : i1 to i32
      %cond3A_47 = arith.constant 0 : i32
      %cond3A_48 = arith.cmpi ne, %convert_element_type3A_46, %cond3A_47 : i32
      scf.if %cond3A_48 {
        %sub3A = arith.constant 1 : i32
        %sub3A_96 = arith.subi %sub3A, %arg0 : i32
        %semaphore_signal3A = arith.constant 1 : i32
        tpu.sem_signal %arg31, %semaphore_signal3A core_id %sub3A_96 : memref<!tpu.semaphore, #tpu.memory_space<semaphore_mem>>
        %semaphore_wait3A = arith.constant 1 : i32
        %semaphore_wait3A_97 = arith.constant true
        tpu.sem_wait %arg31, %semaphore_wait3A : memref<!tpu.semaphore, #tpu.memory_space<semaphore_mem>>
      } else {
      }
      %barrier3A_49 = arith.constant 0 : index
      tpu.barrier barrier_id(%barrier3A_49)
      "tpu.region"() ({
        %run_scoped3A = tpu.sem_alloc : memref<!tpu.dma_semaphore, #tpu.memory_space<semaphore_mem>>
        tpu.enqueue_dma source(%arg10 : memref<50176xf32, #tpu.memory_space<hbm>>) target(%arg14 : memref<50176xf32, #tpu.memory_space<vmem>>) target_semaphore(%run_scoped3A : memref<!tpu.dma_semaphore, #tpu.memory_space<semaphore_mem>>)
        tpu.wait_dma2 semaphore(%run_scoped3A : memref<!tpu.dma_semaphore, #tpu.memory_space<semaphore_mem>>) src(%arg10 : memref<50176xf32, #tpu.memory_space<hbm>>) dst(%arg14 : memref<50176xf32, #tpu.memory_space<vmem>>)
        tpu.yield
      }) : () -> ()
      "tpu.region"() ({
        %run_scoped3A = tpu.sem_alloc : memref<!tpu.dma_semaphore, #tpu.memory_space<semaphore_mem>>
        %dma_start3A_96 = tpu.memref_slice %arg15[%mul3A_4] : memref<50176xf32, #tpu.memory_space<vmem_shared>> -> memref<3136xf32, #tpu.memory_space<vmem_shared>>
        %dma_start3A_97 = tpu.memref_slice %arg15[%mul3A_4] : memref<50176xf32, #tpu.memory_space<vmem_shared>> -> memref<3136xf32, #tpu.memory_space<vmem_shared>>
        tpu.enqueue_dma source(%arg41 : memref<3136xf32, #tpu.memory_space<vmem>>) target(%dma_start3A_97 : memref<3136xf32, #tpu.memory_space<vmem_shared>>) target_semaphore(%run_scoped3A : memref<!tpu.dma_semaphore, #tpu.memory_space<semaphore_mem>>)
        %dma_wait3A_98 = tpu.memref_slice %arg15[%mul3A_4] : memref<50176xf32, #tpu.memory_space<vmem_shared>> -> memref<3136xf32, #tpu.memory_space<vmem_shared>>
        %dma_wait3A_99 = tpu.memref_slice %arg15[%mul3A_4] : memref<50176xf32, #tpu.memory_space<vmem_shared>> -> memref<3136xf32, #tpu.memory_space<vmem_shared>>
        tpu.wait_dma2 semaphore(%run_scoped3A : memref<!tpu.dma_semaphore, #tpu.memory_space<semaphore_mem>>) src(%arg41 : memref<3136xf32, #tpu.memory_space<vmem>>) dst(%dma_wait3A_99 : memref<3136xf32, #tpu.memory_space<vmem_shared>>)
        tpu.yield
      }) : () -> ()
      %barrier3A_50 = arith.constant 0 : index
      tpu.barrier barrier_id(%barrier3A_50)
      %mul3A_51 = arith.constant 52224 : i32
      %mul3A_52 = arith.muli %add3A, %mul3A_51 : i32
      %mul3A_53 = arith.constant 26112 : i32
      %mul3A_54 = arith.muli %add3A, %mul3A_53 : i32
      %add3A_55 = arith.constant 0 : i32
      %add3A_56 = arith.addi %mul3A_52, %add3A_55 : i32
      %dma_start3A = tpu.memref_slice %arg4[%add3A_56] : memref<1671168xi32, #tpu.memory_space<hbm>> -> memref<1024xi32, #tpu.memory_space<hbm>>
      %dma_start3A_57 = tpu.memref_slice %arg4[%add3A_56] : memref<1671168xi32, #tpu.memory_space<hbm>> -> memref<1024xi32, #tpu.memory_space<hbm>>
      tpu.enqueue_dma source(%dma_start3A_57 : memref<1024xi32, #tpu.memory_space<hbm>>) target(%arg16 : memref<1024xi32, #tpu.memory_space<vmem>>) target_semaphore(%arg25 : memref<!tpu.dma_semaphore, #tpu.memory_space<semaphore_mem>>)
      %add3A_58 = arith.constant 0 : i32
      %add3A_59 = arith.addi %mul3A_54, %add3A_58 : i32
      %dma_start3A_60 = tpu.memref_slice %arg5[%add3A_59] : memref<835584xi32, #tpu.memory_space<hbm>> -> memref<512xi32, #tpu.memory_space<hbm>>
      %dma_start3A_61 = tpu.memref_slice %arg5[%add3A_59] : memref<835584xi32, #tpu.memory_space<hbm>> -> memref<512xi32, #tpu.memory_space<hbm>>
      tpu.enqueue_dma source(%dma_start3A_61 : memref<512xi32, #tpu.memory_space<hbm>>) target(%arg19 : memref<512xi32, #tpu.memory_space<vmem>>) target_semaphore(%arg25 : memref<!tpu.dma_semaphore, #tpu.memory_space<semaphore_mem>>)
      %scan3A_62 = arith.constant 0 : i32
      %scan3A_63 = arith.constant 0 : i32
      %scan3A_64 = arith.constant 17 : i32
      %scan3A_65 = arith.addi %scan3A_63, %scan3A_64 : i32
      %scan3A_66 = arith.constant 1 : i32
      scf.for %scan3A_96 = %scan3A_63 to %scan3A_65 step %scan3A_66  : i32 {
        %mul3A_97 = arith.constant 3 : i32
        %mul3A_98 = arith.muli %scan3A_96, %mul3A_97 : i32
        %add3A_99 = arith.constant 0 : i32
        %add3A_100 = arith.addi %mul3A_98, %add3A_99 : i32
        %mul3A_101 = arith.constant 2 : i32
        %mul3A_102 = arith.muli %add3A_100, %mul3A_101 : i32
        %mul3A_103 = arith.constant 512 : i32
        %mul3A_104 = arith.muli %mul3A_102, %mul3A_103 : i32
        %add3A_105 = arith.addi %mul3A_52, %mul3A_104 : i32
        %dma_wait3A_106 = tpu.memref_slice %arg4[%add3A_105] : memref<1671168xi32, #tpu.memory_space<hbm>> -> memref<1024xi32, #tpu.memory_space<hbm>>
        %dma_wait3A_107 = tpu.memref_slice %arg4[%add3A_105] : memref<1671168xi32, #tpu.memory_space<hbm>> -> memref<1024xi32, #tpu.memory_space<hbm>>
        tpu.wait_dma2 semaphore(%arg25 : memref<!tpu.dma_semaphore, #tpu.memory_space<semaphore_mem>>) src(%dma_wait3A_107 : memref<1024xi32, #tpu.memory_space<hbm>>) dst(%arg16 : memref<1024xi32, #tpu.memory_space<vmem>>)
        %mul3A_108 = arith.constant 512 : i32
        %mul3A_109 = arith.muli %add3A_100, %mul3A_108 : i32
        %add3A_110 = arith.addi %mul3A_54, %mul3A_109 : i32
        %dma_wait3A_111 = tpu.memref_slice %arg5[%add3A_110] : memref<835584xi32, #tpu.memory_space<hbm>> -> memref<512xi32, #tpu.memory_space<hbm>>
        %dma_wait3A_112 = tpu.memref_slice %arg5[%add3A_110] : memref<835584xi32, #tpu.memory_space<hbm>> -> memref<512xi32, #tpu.memory_space<hbm>>
        tpu.wait_dma2 semaphore(%arg25 : memref<!tpu.dma_semaphore, #tpu.memory_space<semaphore_mem>>) src(%dma_wait3A_112 : memref<512xi32, #tpu.memory_space<hbm>>) dst(%arg19 : memref<512xi32, #tpu.memory_space<vmem>>)
        %gt3A_113 = arith.constant 0 : i32
        %gt3A_114 = arith.cmpi sgt, %scan3A_96, %gt3A_113 : i32
        %convert_element_type3A_115 = arith.extui %gt3A_114 : i1 to i32
        %cond3A_116 = arith.constant 0 : i32
        %cond3A_117 = arith.cmpi ne, %convert_element_type3A_115, %cond3A_116 : i32
        scf.if %cond3A_117 {
          %dma_wait3A_213 = arith.constant 0 : i32
          %dma_wait3A_214 = tpu.memref_slice %arg15[%dma_wait3A_213] : memref<50176xf32, #tpu.memory_space<vmem_shared>> -> memref<50176xf32, #tpu.memory_space<vmem_shared>>
          tpu.wait_indirect_dma semaphore(%arg29 : memref<!tpu.dma_semaphore, #tpu.memory_space<semaphore_mem>>) src(%arg23 : memref<512xf32, #tpu.memory_space<vmem>>) dst(%dma_wait3A_214 : memref<50176xf32, #tpu.memory_space<vmem_shared>>)
        } else {
        }
        %add3A_118 = arith.constant 1 : i32
        %add3A_119 = arith.addi %add3A_100, %add3A_118 : i32
        %mul3A_120 = arith.constant 2 : i32
        %mul3A_121 = arith.muli %add3A_119, %mul3A_120 : i32
        %mul3A_122 = arith.constant 512 : i32
        %mul3A_123 = arith.muli %mul3A_121, %mul3A_122 : i32
        %add3A_124 = arith.addi %mul3A_52, %mul3A_123 : i32
        %dma_start3A_125 = tpu.memref_slice %arg4[%add3A_124] : memref<1671168xi32, #tpu.memory_space<hbm>> -> memref<1024xi32, #tpu.memory_space<hbm>>
        %dma_start3A_126 = tpu.memref_slice %arg4[%add3A_124] : memref<1671168xi32, #tpu.memory_space<hbm>> -> memref<1024xi32, #tpu.memory_space<hbm>>
        tpu.enqueue_dma source(%dma_start3A_126 : memref<1024xi32, #tpu.memory_space<hbm>>) target(%arg17 : memref<1024xi32, #tpu.memory_space<vmem>>) target_semaphore(%arg26 : memref<!tpu.dma_semaphore, #tpu.memory_space<semaphore_mem>>)
        %mul3A_127 = arith.constant 512 : i32
        %mul3A_128 = arith.muli %add3A_119, %mul3A_127 : i32
        %add3A_129 = arith.addi %mul3A_54, %mul3A_128 : i32
        %dma_start3A_130 = tpu.memref_slice %arg5[%add3A_129] : memref<835584xi32, #tpu.memory_space<hbm>> -> memref<512xi32, #tpu.memory_space<hbm>>
        %dma_start3A_131 = tpu.memref_slice %arg5[%add3A_129] : memref<835584xi32, #tpu.memory_space<hbm>> -> memref<512xi32, #tpu.memory_space<hbm>>
        tpu.enqueue_dma source(%dma_start3A_131 : memref<512xi32, #tpu.memory_space<hbm>>) target(%arg20 : memref<512xi32, #tpu.memory_space<vmem>>) target_semaphore(%arg26 : memref<!tpu.dma_semaphore, #tpu.memory_space<semaphore_mem>>)
        %scan3A_132 = arith.constant 0 : i32
        %scan3A_133 = arith.constant 0 : i32
        %scan3A_134 = arith.constant 2 : i32
        %scan3A_135 = arith.addi %scan3A_133, %scan3A_134 : i32
        %scan3A_136 = arith.constant 1 : i32
        scf.for %scan3A_213 = %scan3A_133 to %scan3A_135 step %scan3A_136  : i32 {
          %mul3A_214 = arith.constant 16 : i32
          %mul3A_215 = arith.muli %scan3A_213, %mul3A_214 : i32
          %add3A_216 = arith.constant 0 : i32
          %add3A_217 = arith.addi %mul3A_215, %add3A_216 : i32
          %mul3A_218 = arith.constant 16 : i32
          %mul3A_219 = arith.muli %add3A_217, %mul3A_218 : i32
          %get3A = arith.index_cast %mul3A_219 : i32 to index
          %get3A_220 = tpu.vector_load %arg16[%get3A] {strides = array<i32>} : memref<1024xi32, #tpu.memory_space<vmem>>, vector<16xi32>,
          %gather3A = tpu.vector_load_idx %arg14[%get3A_220] : memref<50176xf32, #tpu.memory_space<vmem>>[vector<16xi32>], vector<16xf32>,
          %add3A_221 = arith.constant 512 : i32
          %add3A_222 = arith.addi %add3A_221, %mul3A_219 : i32
          %get3A_223 = arith.index_cast %add3A_222 : i32 to index
          %get3A_224 = tpu.vector_load %arg16[%get3A_223] {strides = array<i32>} : memref<1024xi32, #tpu.memory_space<vmem>>, vector<16xi32>,
          %bitcast3A = vector.bitcast %get3A_224 : vector<16xi32> to vector<16xf32>
          %mul3A_225 = arith.mulf %gather3A, %bitcast3A : vector<16xf32>
          %swap3A_226 = arith.index_cast %mul3A_219 : i32 to index
          %swap3A_227 = tpu.vector_load %arg22[%swap3A_226] {strides = array<i32>} : memref<512xf32, #tpu.memory_space<vmem>>, vector<16xf32>,
          tpu.vector_store %arg22[%swap3A_226], %mul3A_225 {strides = array<i32>} : memref<512xf32, #tpu.memory_space<vmem>>, vector<16xf32>,
          %mul3A_228 = arith.constant 16 : i32
          %mul3A_229 = arith.muli %scan3A_213, %mul3A_228 : i32
          %add3A_230 = arith.constant 1 : i32
          %add3A_231 = arith.addi %mul3A_229, %add3A_230 : i32
          %mul3A_232 = arith.constant 16 : i32
          %mul3A_233 = arith.muli %add3A_231, %mul3A_232 : i32
          %get3A_234 = arith.index_cast %mul3A_233 : i32 to index
          %get3A_235 = tpu.vector_load %arg16[%get3A_234] {strides = array<i32>} : memref<1024xi32, #tpu.memory_space<vmem>>, vector<16xi32>,
          %gather3A_236 = tpu.vector_load_idx %arg14[%get3A_235] : memref<50176xf32, #tpu.memory_space<vmem>>[vector<16xi32>], vector<16xf32>,
          %add3A_237 = arith.constant 512 : i32
          %add3A_238 = arith.addi %add3A_237, %mul3A_233 : i32
          %get3A_239 = arith.index_cast %add3A_238 : i32 to index
          %get3A_240 = tpu.vector_load %arg16[%get3A_239] {strides = array<i32>} : memref<1024xi32, #tpu.memory_space<vmem>>, vector<16xi32>,
          %bitcast3A_241 = vector.bitcast %get3A_240 : vector<16xi32> to vector<16xf32>
          %mul3A_242 = arith.mulf %gather3A_236, %bitcast3A_241 : vector<16xf32>
          %swap3A_243 = arith.index_cast %mul3A_233 : i32 to index
          %swap3A_244 = tpu.vector_load %arg22[%swap3A_243] {strides = array<i32>} : memref<512xf32, #tpu.memory_space<vmem>>, vector<16xf32>,
          tpu.vector_store %arg22[%swap3A_243], %mul3A_242 {strides = array<i32>} : memref<512xf32, #tpu.memory_space<vmem>>, vector<16xf32>,
          %mul3A_245 = arith.constant 16 : i32
          %mul3A_246 = arith.muli %scan3A_213, %mul3A_245 : i32
          %add3A_247 = arith.constant 2 : i32
          %add3A_248 = arith.addi %mul3A_246, %add3A_247 : i32
          %mul3A_249 = arith.constant 16 : i32
          %mul3A_250 = arith.muli %add3A_248, %mul3A_249 : i32
          %get3A_251 = arith.index_cast %mul3A_250 : i32 to index
          %get3A_252 = tpu.vector_load %arg16[%get3A_251] {strides = array<i32>} : memref<1024xi32, #tpu.memory_space<vmem>>, vector<16xi32>,
          %gather3A_253 = tpu.vector_load_idx %arg14[%get3A_252] : memref<50176xf32, #tpu.memory_space<vmem>>[vector<16xi32>], vector<16xf32>,
          %add3A_254 = arith.constant 512 : i32
          %add3A_255 = arith.addi %add3A_254, %mul3A_250 : i32
          %get3A_256 = arith.index_cast %add3A_255 : i32 to index
          %get3A_257 = tpu.vector_load %arg16[%get3A_256] {strides = array<i32>} : memref<1024xi32, #tpu.memory_space<vmem>>, vector<16xi32>,
          %bitcast3A_258 = vector.bitcast %get3A_257 : vector<16xi32> to vector<16xf32>
          %mul3A_259 = arith.mulf %gather3A_253, %bitcast3A_258 : vector<16xf32>
          %swap3A_260 = arith.index_cast %mul3A_250 : i32 to index
          %swap3A_261 = tpu.vector_load %arg22[%swap3A_260] {strides = array<i32>} : memref<512xf32, #tpu.memory_space<vmem>>, vector<16xf32>,
          tpu.vector_store %arg22[%swap3A_260], %mul3A_259 {strides = array<i32>} : memref<512xf32, #tpu.memory_space<vmem>>, vector<16xf32>,
          %mul3A_262 = arith.constant 16 : i32
          %mul3A_263 = arith.muli %scan3A_213, %mul3A_262 : i32
          %add3A_264 = arith.constant 3 : i32
          %add3A_265 = arith.addi %mul3A_263, %add3A_264 : i32
          %mul3A_266 = arith.constant 16 : i32
          %mul3A_267 = arith.muli %add3A_265, %mul3A_266 : i32
          %get3A_268 = arith.index_cast %mul3A_267 : i32 to index
          %get3A_269 = tpu.vector_load %arg16[%get3A_268] {strides = array<i32>} : memref<1024xi32, #tpu.memory_space<vmem>>, vector<16xi32>,
          %gather3A_270 = tpu.vector_load_idx %arg14[%get3A_269] : memref<50176xf32, #tpu.memory_space<vmem>>[vector<16xi32>], vector<16xf32>,
          %add3A_271 = arith.constant 512 : i32
          %add3A_272 = arith.addi %add3A_271, %mul3A_267 : i32
          %get3A_273 = arith.index_cast %add3A_272 : i32 to index
          %get3A_274 = tpu.vector_load %arg16[%get3A_273] {strides = array<i32>} : memref<1024xi32, #tpu.memory_space<vmem>>, vector<16xi32>,
          %bitcast3A_275 = vector.bitcast %get3A_274 : vector<16xi32> to vector<16xf32>
          %mul3A_276 = arith.mulf %gather3A_270, %bitcast3A_275 : vector<16xf32>
          %swap3A_277 = arith.index_cast %mul3A_267 : i32 to index
          %swap3A_278 = tpu.vector_load %arg22[%swap3A_277] {strides = array<i32>} : memref<512xf32, #tpu.memory_space<vmem>>, vector<16xf32>,
          tpu.vector_store %arg22[%swap3A_277], %mul3A_276 {strides = array<i32>} : memref<512xf32, #tpu.memory_space<vmem>>, vector<16xf32>,
          %mul3A_279 = arith.constant 16 : i32
          %mul3A_280 = arith.muli %scan3A_213, %mul3A_279 : i32
          %add3A_281 = arith.constant 4 : i32
          %add3A_282 = arith.addi %mul3A_280, %add3A_281 : i32
          %mul3A_283 = arith.constant 16 : i32
          %mul3A_284 = arith.muli %add3A_282, %mul3A_283 : i32
          %get3A_285 = arith.index_cast %mul3A_284 : i32 to index
          %get3A_286 = tpu.vector_load %arg16[%get3A_285] {strides = array<i32>} : memref<1024xi32, #tpu.memory_space<vmem>>, vector<16xi32>,
          %gather3A_287 = tpu.vector_load_idx %arg14[%get3A_286] : memref<50176xf32, #tpu.memory_space<vmem>>[vector<16xi32>], vector<16xf32>,
          %add3A_288 = arith.constant 512 : i32
          %add3A_289 = arith.addi %add3A_288, %mul3A_284 : i32
          %get3A_290 = arith.index_cast %add3A_289 : i32 to index
          %get3A_291 = tpu.vector_load %arg16[%get3A_290] {strides = array<i32>} : memref<1024xi32, #tpu.memory_space<vmem>>, vector<16xi32>,
          %bitcast3A_292 = vector.bitcast %get3A_291 : vector<16xi32> to vector<16xf32>
          %mul3A_293 = arith.mulf %gather3A_287, %bitcast3A_292 : vector<16xf32>
          %swap3A_294 = arith.index_cast %mul3A_284 : i32 to index
          %swap3A_295 = tpu.vector_load %arg22[%swap3A_294] {strides = array<i32>} : memref<512xf32, #tpu.memory_space<vmem>>, vector<16xf32>,
          tpu.vector_store %arg22[%swap3A_294], %mul3A_293 {strides = array<i32>} : memref<512xf32, #tpu.memory_space<vmem>>, vector<16xf32>,
          %mul3A_296 = arith.constant 16 : i32
          %mul3A_297 = arith.muli %scan3A_213, %mul3A_296 : i32
          %add3A_298 = arith.constant 5 : i32
          %add3A_299 = arith.addi %mul3A_297, %add3A_298 : i32
          %mul3A_300 = arith.constant 16 : i32
          %mul3A_301 = arith.muli %add3A_299, %mul3A_300 : i32
          %get3A_302 = arith.index_cast %mul3A_301 : i32 to index
          %get3A_303 = tpu.vector_load %arg16[%get3A_302] {strides = array<i32>} : memref<1024xi32, #tpu.memory_space<vmem>>, vector<16xi32>,
          %gather3A_304 = tpu.vector_load_idx %arg14[%get3A_303] : memref<50176xf32, #tpu.memory_space<vmem>>[vector<16xi32>], vector<16xf32>,
          %add3A_305 = arith.constant 512 : i32
          %add3A_306 = arith.addi %add3A_305, %mul3A_301 : i32
          %get3A_307 = arith.index_cast %add3A_306 : i32 to index
          %get3A_308 = tpu.vector_load %arg16[%get3A_307] {strides = array<i32>} : memref<1024xi32, #tpu.memory_space<vmem>>, vector<16xi32>,
          %bitcast3A_309 = vector.bitcast %get3A_308 : vector<16xi32> to vector<16xf32>
          %mul3A_310 = arith.mulf %gather3A_304, %bitcast3A_309 : vector<16xf32>
          %swap3A_311 = arith.index_cast %mul3A_301 : i32 to index
          %swap3A_312 = tpu.vector_load %arg22[%swap3A_311] {strides = array<i32>} : memref<512xf32, #tpu.memory_space<vmem>>, vector<16xf32>,
          tpu.vector_store %arg22[%swap3A_311], %mul3A_310 {strides = array<i32>} : memref<512xf32, #tpu.memory_space<vmem>>, vector<16xf32>,
          %mul3A_313 = arith.constant 16 : i32
          %mul3A_314 = arith.muli %scan3A_213, %mul3A_313 : i32
          %add3A_315 = arith.constant 6 : i32
          %add3A_316 = arith.addi %mul3A_314, %add3A_315 : i32
          %mul3A_317 = arith.constant 16 : i32
          %mul3A_318 = arith.muli %add3A_316, %mul3A_317 : i32
          %get3A_319 = arith.index_cast %mul3A_318 : i32 to index
          %get3A_320 = tpu.vector_load %arg16[%get3A_319] {strides = array<i32>} : memref<1024xi32, #tpu.memory_space<vmem>>, vector<16xi32>,
          %gather3A_321 = tpu.vector_load_idx %arg14[%get3A_320] : memref<50176xf32, #tpu.memory_space<vmem>>[vector<16xi32>], vector<16xf32>,
          %add3A_322 = arith.constant 512 : i32
          %add3A_323 = arith.addi %add3A_322, %mul3A_318 : i32
          %get3A_324 = arith.index_cast %add3A_323 : i32 to index
          %get3A_325 = tpu.vector_load %arg16[%get3A_324] {strides = array<i32>} : memref<1024xi32, #tpu.memory_space<vmem>>, vector<16xi32>,
          %bitcast3A_326 = vector.bitcast %get3A_325 : vector<16xi32> to vector<16xf32>
          %mul3A_327 = arith.mulf %gather3A_321, %bitcast3A_326 : vector<16xf32>
          %swap3A_328 = arith.index_cast %mul3A_318 : i32 to index
          %swap3A_329 = tpu.vector_load %arg22[%swap3A_328] {strides = array<i32>} : memref<512xf32, #tpu.memory_space<vmem>>, vector<16xf32>,
          tpu.vector_store %arg22[%swap3A_328], %mul3A_327 {strides = array<i32>} : memref<512xf32, #tpu.memory_space<vmem>>, vector<16xf32>,
          %mul3A_330 = arith.constant 16 : i32
          %mul3A_331 = arith.muli %scan3A_213, %mul3A_330 : i32
          %add3A_332 = arith.constant 7 : i32
          %add3A_333 = arith.addi %mul3A_331, %add3A_332 : i32
          %mul3A_334 = arith.constant 16 : i32
          %mul3A_335 = arith.muli %add3A_333, %mul3A_334 : i32
          %get3A_336 = arith.index_cast %mul3A_335 : i32 to index
          %get3A_337 = tpu.vector_load %arg16[%get3A_336] {strides = array<i32>} : memref<1024xi32, #tpu.memory_space<vmem>>, vector<16xi32>,
          %gather3A_338 = tpu.vector_load_idx %arg14[%get3A_337] : memref<50176xf32, #tpu.memory_space<vmem>>[vector<16xi32>], vector<16xf32>,
          %add3A_339 = arith.constant 512 : i32
          %add3A_340 = arith.addi %add3A_339, %mul3A_335 : i32
          %get3A_341 = arith.index_cast %add3A_340 : i32 to index
          %get3A_342 = tpu.vector_load %arg16[%get3A_341] {strides = array<i32>} : memref<1024xi32, #tpu.memory_space<vmem>>, vector<16xi32>,
          %bitcast3A_343 = vector.bitcast %get3A_342 : vector<16xi32> to vector<16xf32>
          %mul3A_344 = arith.mulf %gather3A_338, %bitcast3A_343 : vector<16xf32>
          %swap3A_345 = arith.index_cast %mul3A_335 : i32 to index
          %swap3A_346 = tpu.vector_load %arg22[%swap3A_345] {strides = array<i32>} : memref<512xf32, #tpu.memory_space<vmem>>, vector<16xf32>,
          tpu.vector_store %arg22[%swap3A_345], %mul3A_344 {strides = array<i32>} : memref<512xf32, #tpu.memory_space<vmem>>, vector<16xf32>,
          %mul3A_347 = arith.constant 16 : i32
          %mul3A_348 = arith.muli %scan3A_213, %mul3A_347 : i32
          %add3A_349 = arith.constant 8 : i32
          %add3A_350 = arith.addi %mul3A_348, %add3A_349 : i32
          %mul3A_351 = arith.constant 16 : i32
          %mul3A_352 = arith.muli %add3A_350, %mul3A_351 : i32
          %get3A_353 = arith.index_cast %mul3A_352 : i32 to index
          %get3A_354 = tpu.vector_load %arg16[%get3A_353] {strides = array<i32>} : memref<1024xi32, #tpu.memory_space<vmem>>, vector<16xi32>,
          %gather3A_355 = tpu.vector_load_idx %arg14[%get3A_354] : memref<50176xf32, #tpu.memory_space<vmem>>[vector<16xi32>], vector<16xf32>,
          %add3A_356 = arith.constant 512 : i32
          %add3A_357 = arith.addi %add3A_356, %mul3A_352 : i32
          %get3A_358 = arith.index_cast %add3A_357 : i32 to index
          %get3A_359 = tpu.vector_load %arg16[%get3A_358] {strides = array<i32>} : memref<1024xi32, #tpu.memory_space<vmem>>, vector<16xi32>,
          %bitcast3A_360 = vector.bitcast %get3A_359 : vector<16xi32> to vector<16xf32>
          %mul3A_361 = arith.mulf %gather3A_355, %bitcast3A_360 : vector<16xf32>
          %swap3A_362 = arith.index_cast %mul3A_352 : i32 to index
          %swap3A_363 = tpu.vector_load %arg22[%swap3A_362] {strides = array<i32>} : memref<512xf32, #tpu.memory_space<vmem>>, vector<16xf32>,
          tpu.vector_store %arg22[%swap3A_362], %mul3A_361 {strides = array<i32>} : memref<512xf32, #tpu.memory_space<vmem>>, vector<16xf32>,
          %mul3A_364 = arith.constant 16 : i32
          %mul3A_365 = arith.muli %scan3A_213, %mul3A_364 : i32
          %add3A_366 = arith.constant 9 : i32
          %add3A_367 = arith.addi %mul3A_365, %add3A_366 : i32
          %mul3A_368 = arith.constant 16 : i32
          %mul3A_369 = arith.muli %add3A_367, %mul3A_368 : i32
          %get3A_370 = arith.index_cast %mul3A_369 : i32 to index
          %get3A_371 = tpu.vector_load %arg16[%get3A_370] {strides = array<i32>} : memref<1024xi32, #tpu.memory_space<vmem>>, vector<16xi32>,
          %gather3A_372 = tpu.vector_load_idx %arg14[%get3A_371] : memref<50176xf32, #tpu.memory_space<vmem>>[vector<16xi32>], vector<16xf32>,
          %add3A_373 = arith.constant 512 : i32
          %add3A_374 = arith.addi %add3A_373, %mul3A_369 : i32
          %get3A_375 = arith.index_cast %add3A_374 : i32 to index
          %get3A_376 = tpu.vector_load %arg16[%get3A_375] {strides = array<i32>} : memref<1024xi32, #tpu.memory_space<vmem>>, vector<16xi32>,
          %bitcast3A_377 = vector.bitcast %get3A_376 : vector<16xi32> to vector<16xf32>
          %mul3A_378 = arith.mulf %gather3A_372, %bitcast3A_377 : vector<16xf32>
          %swap3A_379 = arith.index_cast %mul3A_369 : i32 to index
          %swap3A_380 = tpu.vector_load %arg22[%swap3A_379] {strides = array<i32>} : memref<512xf32, #tpu.memory_space<vmem>>, vector<16xf32>,
          tpu.vector_store %arg22[%swap3A_379], %mul3A_378 {strides = array<i32>} : memref<512xf32, #tpu.memory_space<vmem>>, vector<16xf32>,
          %mul3A_381 = arith.constant 16 : i32
          %mul3A_382 = arith.muli %scan3A_213, %mul3A_381 : i32
          %add3A_383 = arith.constant 10 : i32
          %add3A_384 = arith.addi %mul3A_382, %add3A_383 : i32
          %mul3A_385 = arith.constant 16 : i32
          %mul3A_386 = arith.muli %add3A_384, %mul3A_385 : i32
          %get3A_387 = arith.index_cast %mul3A_386 : i32 to index
          %get3A_388 = tpu.vector_load %arg16[%get3A_387] {strides = array<i32>} : memref<1024xi32, #tpu.memory_space<vmem>>, vector<16xi32>,
          %gather3A_389 = tpu.vector_load_idx %arg14[%get3A_388] : memref<50176xf32, #tpu.memory_space<vmem>>[vector<16xi32>], vector<16xf32>,
          %add3A_390 = arith.constant 512 : i32
          %add3A_391 = arith.addi %add3A_390, %mul3A_386 : i32
          %get3A_392 = arith.index_cast %add3A_391 : i32 to index
          %get3A_393 = tpu.vector_load %arg16[%get3A_392] {strides = array<i32>} : memref<1024xi32, #tpu.memory_space<vmem>>, vector<16xi32>,
          %bitcast3A_394 = vector.bitcast %get3A_393 : vector<16xi32> to vector<16xf32>
          %mul3A_395 = arith.mulf %gather3A_389, %bitcast3A_394 : vector<16xf32>
          %swap3A_396 = arith.index_cast %mul3A_386 : i32 to index
          %swap3A_397 = tpu.vector_load %arg22[%swap3A_396] {strides = array<i32>} : memref<512xf32, #tpu.memory_space<vmem>>, vector<16xf32>,
          tpu.vector_store %arg22[%swap3A_396], %mul3A_395 {strides = array<i32>} : memref<512xf32, #tpu.memory_space<vmem>>, vector<16xf32>,
          %mul3A_398 = arith.constant 16 : i32
          %mul3A_399 = arith.muli %scan3A_213, %mul3A_398 : i32
          %add3A_400 = arith.constant 11 : i32
          %add3A_401 = arith.addi %mul3A_399, %add3A_400 : i32
          %mul3A_402 = arith.constant 16 : i32
          %mul3A_403 = arith.muli %add3A_401, %mul3A_402 : i32
          %get3A_404 = arith.index_cast %mul3A_403 : i32 to index
          %get3A_405 = tpu.vector_load %arg16[%get3A_404] {strides = array<i32>} : memref<1024xi32, #tpu.memory_space<vmem>>, vector<16xi32>,
          %gather3A_406 = tpu.vector_load_idx %arg14[%get3A_405] : memref<50176xf32, #tpu.memory_space<vmem>>[vector<16xi32>], vector<16xf32>,
          %add3A_407 = arith.constant 512 : i32
          %add3A_408 = arith.addi %add3A_407, %mul3A_403 : i32
          %get3A_409 = arith.index_cast %add3A_408 : i32 to index
          %get3A_410 = tpu.vector_load %arg16[%get3A_409] {strides = array<i32>} : memref<1024xi32, #tpu.memory_space<vmem>>, vector<16xi32>,
          %bitcast3A_411 = vector.bitcast %get3A_410 : vector<16xi32> to vector<16xf32>
          %mul3A_412 = arith.mulf %gather3A_406, %bitcast3A_411 : vector<16xf32>
          %swap3A_413 = arith.index_cast %mul3A_403 : i32 to index
          %swap3A_414 = tpu.vector_load %arg22[%swap3A_413] {strides = array<i32>} : memref<512xf32, #tpu.memory_space<vmem>>, vector<16xf32>,
          tpu.vector_store %arg22[%swap3A_413], %mul3A_412 {strides = array<i32>} : memref<512xf32, #tpu.memory_space<vmem>>, vector<16xf32>,
          %mul3A_415 = arith.constant 16 : i32
          %mul3A_416 = arith.muli %scan3A_213, %mul3A_415 : i32
          %add3A_417 = arith.constant 12 : i32
          %add3A_418 = arith.addi %mul3A_416, %add3A_417 : i32
          %mul3A_419 = arith.constant 16 : i32
          %mul3A_420 = arith.muli %add3A_418, %mul3A_419 : i32
          %get3A_421 = arith.index_cast %mul3A_420 : i32 to index
          %get3A_422 = tpu.vector_load %arg16[%get3A_421] {strides = array<i32>} : memref<1024xi32, #tpu.memory_space<vmem>>, vector<16xi32>,
          %gather3A_423 = tpu.vector_load_idx %arg14[%get3A_422] : memref<50176xf32, #tpu.memory_space<vmem>>[vector<16xi32>], vector<16xf32>,
          %add3A_424 = arith.constant 512 : i32
          %add3A_425 = arith.addi %add3A_424, %mul3A_420 : i32
          %get3A_426 = arith.index_cast %add3A_425 : i32 to index
          %get3A_427 = tpu.vector_load %arg16[%get3A_426] {strides = array<i32>} : memref<1024xi32, #tpu.memory_space<vmem>>, vector<16xi32>,
          %bitcast3A_428 = vector.bitcast %get3A_427 : vector<16xi32> to vector<16xf32>
          %mul3A_429 = arith.mulf %gather3A_423, %bitcast3A_428 : vector<16xf32>
          %swap3A_430 = arith.index_cast %mul3A_420 : i32 to index
          %swap3A_431 = tpu.vector_load %arg22[%swap3A_430] {strides = array<i32>} : memref<512xf32, #tpu.memory_space<vmem>>, vector<16xf32>,
          tpu.vector_store %arg22[%swap3A_430], %mul3A_429 {strides = array<i32>} : memref<512xf32, #tpu.memory_space<vmem>>, vector<16xf32>,
          %mul3A_432 = arith.constant 16 : i32
          %mul3A_433 = arith.muli %scan3A_213, %mul3A_432 : i32
          %add3A_434 = arith.constant 13 : i32
          %add3A_435 = arith.addi %mul3A_433, %add3A_434 : i32
          %mul3A_436 = arith.constant 16 : i32
          %mul3A_437 = arith.muli %add3A_435, %mul3A_436 : i32
          %get3A_438 = arith.index_cast %mul3A_437 : i32 to index
          %get3A_439 = tpu.vector_load %arg16[%get3A_438] {strides = array<i32>} : memref<1024xi32, #tpu.memory_space<vmem>>, vector<16xi32>,
          %gather3A_440 = tpu.vector_load_idx %arg14[%get3A_439] : memref<50176xf32, #tpu.memory_space<vmem>>[vector<16xi32>], vector<16xf32>,
          %add3A_441 = arith.constant 512 : i32
          %add3A_442 = arith.addi %add3A_441, %mul3A_437 : i32
          %get3A_443 = arith.index_cast %add3A_442 : i32 to index
          %get3A_444 = tpu.vector_load %arg16[%get3A_443] {strides = array<i32>} : memref<1024xi32, #tpu.memory_space<vmem>>, vector<16xi32>,
          %bitcast3A_445 = vector.bitcast %get3A_444 : vector<16xi32> to vector<16xf32>
          %mul3A_446 = arith.mulf %gather3A_440, %bitcast3A_445 : vector<16xf32>
          %swap3A_447 = arith.index_cast %mul3A_437 : i32 to index
          %swap3A_448 = tpu.vector_load %arg22[%swap3A_447] {strides = array<i32>} : memref<512xf32, #tpu.memory_space<vmem>>, vector<16xf32>,
          tpu.vector_store %arg22[%swap3A_447], %mul3A_446 {strides = array<i32>} : memref<512xf32, #tpu.memory_space<vmem>>, vector<16xf32>,
          %mul3A_449 = arith.constant 16 : i32
          %mul3A_450 = arith.muli %scan3A_213, %mul3A_449 : i32
          %add3A_451 = arith.constant 14 : i32
          %add3A_452 = arith.addi %mul3A_450, %add3A_451 : i32
          %mul3A_453 = arith.constant 16 : i32
          %mul3A_454 = arith.muli %add3A_452, %mul3A_453 : i32
          %get3A_455 = arith.index_cast %mul3A_454 : i32 to index
          %get3A_456 = tpu.vector_load %arg16[%get3A_455] {strides = array<i32>} : memref<1024xi32, #tpu.memory_space<vmem>>, vector<16xi32>,
          %gather3A_457 = tpu.vector_load_idx %arg14[%get3A_456] : memref<50176xf32, #tpu.memory_space<vmem>>[vector<16xi32>], vector<16xf32>,
          %add3A_458 = arith.constant 512 : i32
          %add3A_459 = arith.addi %add3A_458, %mul3A_454 : i32
          %get3A_460 = arith.index_cast %add3A_459 : i32 to index
          %get3A_461 = tpu.vector_load %arg16[%get3A_460] {strides = array<i32>} : memref<1024xi32, #tpu.memory_space<vmem>>, vector<16xi32>,
          %bitcast3A_462 = vector.bitcast %get3A_461 : vector<16xi32> to vector<16xf32>
          %mul3A_463 = arith.mulf %gather3A_457, %bitcast3A_462 : vector<16xf32>
          %swap3A_464 = arith.index_cast %mul3A_454 : i32 to index
          %swap3A_465 = tpu.vector_load %arg22[%swap3A_464] {strides = array<i32>} : memref<512xf32, #tpu.memory_space<vmem>>, vector<16xf32>,
          tpu.vector_store %arg22[%swap3A_464], %mul3A_463 {strides = array<i32>} : memref<512xf32, #tpu.memory_space<vmem>>, vector<16xf32>,
          %mul3A_466 = arith.constant 16 : i32
          %mul3A_467 = arith.muli %scan3A_213, %mul3A_466 : i32
          %add3A_468 = arith.constant 15 : i32
          %add3A_469 = arith.addi %mul3A_467, %add3A_468 : i32
          %mul3A_470 = arith.constant 16 : i32
          %mul3A_471 = arith.muli %add3A_469, %mul3A_470 : i32
          %get3A_472 = arith.index_cast %mul3A_471 : i32 to index
          %get3A_473 = tpu.vector_load %arg16[%get3A_472] {strides = array<i32>} : memref<1024xi32, #tpu.memory_space<vmem>>, vector<16xi32>,
          %gather3A_474 = tpu.vector_load_idx %arg14[%get3A_473] : memref<50176xf32, #tpu.memory_space<vmem>>[vector<16xi32>], vector<16xf32>,
          %add3A_475 = arith.constant 512 : i32
          %add3A_476 = arith.addi %add3A_475, %mul3A_471 : i32
          %get3A_477 = arith.index_cast %add3A_476 : i32 to index
          %get3A_478 = tpu.vector_load %arg16[%get3A_477] {strides = array<i32>} : memref<1024xi32, #tpu.memory_space<vmem>>, vector<16xi32>,
          %bitcast3A_479 = vector.bitcast %get3A_478 : vector<16xi32> to vector<16xf32>
          %mul3A_480 = arith.mulf %gather3A_474, %bitcast3A_479 : vector<16xf32>
          %swap3A_481 = arith.index_cast %mul3A_471 : i32 to index
          %swap3A_482 = tpu.vector_load %arg22[%swap3A_481] {strides = array<i32>} : memref<512xf32, #tpu.memory_space<vmem>>, vector<16xf32>,
          tpu.vector_store %arg22[%swap3A_481], %mul3A_480 {strides = array<i32>} : memref<512xf32, #tpu.memory_space<vmem>>, vector<16xf32>,
        }
        %scan3A_137 = arith.constant 2 : i32
        %dma_start3A_138 = arith.constant 0 : i32
        %dma_start3A_139 = tpu.memref_slice %arg15[%dma_start3A_138] : memref<50176xf32, #tpu.memory_space<vmem_shared>> -> memref<50176xf32, #tpu.memory_space<vmem_shared>>
        tpu.enqueue_indirect_dma source(%arg22 : memref<512xf32, #tpu.memory_space<vmem>>) target(%dma_start3A_139 : memref<50176xf32, #tpu.memory_space<vmem_shared>>) offsets(%arg19 : memref<512xi32, #tpu.memory_space<vmem>>) semaphore(%arg28 : memref<!tpu.dma_semaphore, #tpu.memory_space<semaphore_mem>>) {add = true}
        %mul3A_140 = arith.constant 3 : i32
        %mul3A_141 = arith.muli %scan3A_96, %mul3A_140 : i32
        %add3A_142 = arith.constant 1 : i32
        %add3A_143 = arith.addi %mul3A_141, %add3A_142 : i32
        %mul3A_144 = arith.constant 2 : i32
        %mul3A_145 = arith.muli %add3A_143, %mul3A_144 : i32
        %mul3A_146 = arith.constant 512 : i32
        %mul3A_147 = arith.muli %mul3A_145, %mul3A_146 : i32
        %add3A_148 = arith.addi %mul3A_52, %mul3A_147 : i32
        %dma_wait3A_149 = tpu.memref_slice %arg4[%add3A_148] : memref<1671168xi32, #tpu.memory_space<hbm>> -> memref<1024xi32, #tpu.memory_space<hbm>>
        %dma_wait3A_150 = tpu.memref_slice %arg4[%add3A_148] : memref<1671168xi32, #tpu.memory_space<hbm>> -> memref<1024xi32, #tpu.memory_space<hbm>>
        tpu.wait_dma2 semaphore(%arg26 : memref<!tpu.dma_semaphore, #tpu.memory_space<semaphore_mem>>) src(%dma_wait3A_150 : memref<1024xi32, #tpu.memory_space<hbm>>) dst(%arg17 : memref<1024xi32, #tpu.memory_space<vmem>>)
        %mul3A_151 = arith.constant 512 : i32
        %mul3A_152 = arith.muli %add3A_143, %mul3A_151 : i32
        %add3A_153 = arith.addi %mul3A_54, %mul3A_152 : i32
        %dma_wait3A_154 = tpu.memref_slice %arg5[%add3A_153] : memref<835584xi32, #tpu.memory_space<hbm>> -> memref<512xi32, #tpu.memory_space<hbm>>
        %dma_wait3A_155 = tpu.memref_slice %arg5[%add3A_153] : memref<835584xi32, #tpu.memory_space<hbm>> -> memref<512xi32, #tpu.memory_space<hbm>>
        tpu.wait_dma2 semaphore(%arg26 : memref<!tpu.dma_semaphore, #tpu.memory_space<semaphore_mem>>) src(%dma_wait3A_155 : memref<512xi32, #tpu.memory_space<hbm>>) dst(%arg20 : memref<512xi32, #tpu.memory_space<vmem>>)
        %gt3A_156 = arith.constant 0 : i32
        %gt3A_157 = arith.cmpi sgt, %scan3A_96, %gt3A_156 : i32
        %convert_element_type3A_158 = arith.extui %gt3A_157 : i1 to i32
        %cond3A_159 = arith.constant 0 : i32
        %cond3A_160 = arith.cmpi ne, %convert_element_type3A_158, %cond3A_159 : i32
        scf.if %cond3A_160 {
          %dma_wait3A_213 = arith.constant 0 : i32
          %dma_wait3A_214 = tpu.memref_slice %arg15[%dma_wait3A_213] : memref<50176xf32, #tpu.memory_space<vmem_shared>> -> memref<50176xf32, #tpu.memory_space<vmem_shared>>
          tpu.wait_indirect_dma semaphore(%arg30 : memref<!tpu.dma_semaphore, #tpu.memory_space<semaphore_mem>>) src(%arg24 : memref<512xf32, #tpu.memory_space<vmem>>) dst(%dma_wait3A_214 : memref<50176xf32, #tpu.memory_space<vmem_shared>>)
        } else {
        }
        %add3A_161 = arith.constant 1 : i32
        %add3A_162 = arith.addi %add3A_143, %add3A_161 : i32
        %mul3A_163 = arith.constant 2 : i32
        %mul3A_164 = arith.muli %add3A_162, %mul3A_163 : i32
        %mul3A_165 = arith.constant 512 : i32
        %mul3A_166 = arith.muli %mul3A_164, %mul3A_165 : i32
        %add3A_167 = arith.addi %mul3A_52, %mul3A_166 : i32
        %dma_start3A_168 = tpu.memref_slice %arg4[%add3A_167] : memref<1671168xi32, #tpu.memory_space<hbm>> -> memref<1024xi32, #tpu.memory_space<hbm>>
        %dma_start3A_169 = tpu.memref_slice %arg4[%add3A_167] : memref<1671168xi32, #tpu.memory_space<hbm>> -> memref<1024xi32, #tpu.memory_space<hbm>>
        tpu.enqueue_dma source(%dma_start3A_169 : memref<1024xi32, #tpu.memory_space<hbm>>) target(%arg18 : memref<1024xi32, #tpu.memory_space<vmem>>) target_semaphore(%arg27 : memref<!tpu.dma_semaphore, #tpu.memory_space<semaphore_mem>>)
        %mul3A_170 = arith.constant 512 : i32
        %mul3A_171 = arith.muli %add3A_162, %mul3A_170 : i32
        %add3A_172 = arith.addi %mul3A_54, %mul3A_171 : i32
        %dma_start3A_173 = tpu.memref_slice %arg5[%add3A_172] : memref<835584xi32, #tpu.memory_space<hbm>> -> memref<512xi32, #tpu.memory_space<hbm>>
        %dma_start3A_174 = tpu.memref_slice %arg5[%add3A_172] : memref<835584xi32, #tpu.memory_space<hbm>> -> memref<512xi32, #tpu.memory_space<hbm>>
        tpu.enqueue_dma source(%dma_start3A_174 : memref<512xi32, #tpu.memory_space<hbm>>) target(%arg21 : memref<512xi32, #tpu.memory_space<vmem>>) target_semaphore(%arg27 : memref<!tpu.dma_semaphore, #tpu.memory_space<semaphore_mem>>)
        %scan3A_175 = arith.constant 0 : i32
        %scan3A_176 = arith.constant 0 : i32
        %scan3A_177 = arith.constant 2 : i32
        %scan3A_178 = arith.addi %scan3A_176, %scan3A_177 : i32
        %scan3A_179 = arith.constant 1 : i32
        scf.for %scan3A_213 = %scan3A_176 to %scan3A_178 step %scan3A_179  : i32 {
          %mul3A_214 = arith.constant 16 : i32
          %mul3A_215 = arith.muli %scan3A_213, %mul3A_214 : i32
          %add3A_216 = arith.constant 0 : i32
          %add3A_217 = arith.addi %mul3A_215, %add3A_216 : i32
          %mul3A_218 = arith.constant 16 : i32
          %mul3A_219 = arith.muli %add3A_217, %mul3A_218 : i32
          %get3A = arith.index_cast %mul3A_219 : i32 to index
          %get3A_220 = tpu.vector_load %arg17[%get3A] {strides = array<i32>} : memref<1024xi32, #tpu.memory_space<vmem>>, vector<16xi32>,
          %gather3A = tpu.vector_load_idx %arg14[%get3A_220] : memref<50176xf32, #tpu.memory_space<vmem>>[vector<16xi32>], vector<16xf32>,
          %add3A_221 = arith.constant 512 : i32
          %add3A_222 = arith.addi %add3A_221, %mul3A_219 : i32
          %get3A_223 = arith.index_cast %add3A_222 : i32 to index
          %get3A_224 = tpu.vector_load %arg17[%get3A_223] {strides = array<i32>} : memref<1024xi32, #tpu.memory_space<vmem>>, vector<16xi32>,
          %bitcast3A = vector.bitcast %get3A_224 : vector<16xi32> to vector<16xf32>
          %mul3A_225 = arith.mulf %gather3A, %bitcast3A : vector<16xf32>
          %swap3A_226 = arith.index_cast %mul3A_219 : i32 to index
          %swap3A_227 = tpu.vector_load %arg23[%swap3A_226] {strides = array<i32>} : memref<512xf32, #tpu.memory_space<vmem>>, vector<16xf32>,
          tpu.vector_store %arg23[%swap3A_226], %mul3A_225 {strides = array<i32>} : memref<512xf32, #tpu.memory_space<vmem>>, vector<16xf32>,
          %mul3A_228 = arith.constant 16 : i32
          %mul3A_229 = arith.muli %scan3A_213, %mul3A_228 : i32
          %add3A_230 = arith.constant 1 : i32
          %add3A_231 = arith.addi %mul3A_229, %add3A_230 : i32
          %mul3A_232 = arith.constant 16 : i32
          %mul3A_233 = arith.muli %add3A_231, %mul3A_232 : i32
          %get3A_234 = arith.index_cast %mul3A_233 : i32 to index
          %get3A_235 = tpu.vector_load %arg17[%get3A_234] {strides = array<i32>} : memref<1024xi32, #tpu.memory_space<vmem>>, vector<16xi32>,
          %gather3A_236 = tpu.vector_load_idx %arg14[%get3A_235] : memref<50176xf32, #tpu.memory_space<vmem>>[vector<16xi32>], vector<16xf32>,
          %add3A_237 = arith.constant 512 : i32
          %add3A_238 = arith.addi %add3A_237, %mul3A_233 : i32
          %get3A_239 = arith.index_cast %add3A_238 : i32 to index
          %get3A_240 = tpu.vector_load %arg17[%get3A_239] {strides = array<i32>} : memref<1024xi32, #tpu.memory_space<vmem>>, vector<16xi32>,
          %bitcast3A_241 = vector.bitcast %get3A_240 : vector<16xi32> to vector<16xf32>
          %mul3A_242 = arith.mulf %gather3A_236, %bitcast3A_241 : vector<16xf32>
          %swap3A_243 = arith.index_cast %mul3A_233 : i32 to index
          %swap3A_244 = tpu.vector_load %arg23[%swap3A_243] {strides = array<i32>} : memref<512xf32, #tpu.memory_space<vmem>>, vector<16xf32>,
          tpu.vector_store %arg23[%swap3A_243], %mul3A_242 {strides = array<i32>} : memref<512xf32, #tpu.memory_space<vmem>>, vector<16xf32>,
          %mul3A_245 = arith.constant 16 : i32
          %mul3A_246 = arith.muli %scan3A_213, %mul3A_245 : i32
          %add3A_247 = arith.constant 2 : i32
          %add3A_248 = arith.addi %mul3A_246, %add3A_247 : i32
          %mul3A_249 = arith.constant 16 : i32
          %mul3A_250 = arith.muli %add3A_248, %mul3A_249 : i32
          %get3A_251 = arith.index_cast %mul3A_250 : i32 to index
          %get3A_252 = tpu.vector_load %arg17[%get3A_251] {strides = array<i32>} : memref<1024xi32, #tpu.memory_space<vmem>>, vector<16xi32>,
          %gather3A_253 = tpu.vector_load_idx %arg14[%get3A_252] : memref<50176xf32, #tpu.memory_space<vmem>>[vector<16xi32>], vector<16xf32>,
          %add3A_254 = arith.constant 512 : i32
          %add3A_255 = arith.addi %add3A_254, %mul3A_250 : i32
          %get3A_256 = arith.index_cast %add3A_255 : i32 to index
          %get3A_257 = tpu.vector_load %arg17[%get3A_256] {strides = array<i32>} : memref<1024xi32, #tpu.memory_space<vmem>>, vector<16xi32>,
          %bitcast3A_258 = vector.bitcast %get3A_257 : vector<16xi32> to vector<16xf32>
          %mul3A_259 = arith.mulf %gather3A_253, %bitcast3A_258 : vector<16xf32>
          %swap3A_260 = arith.index_cast %mul3A_250 : i32 to index
          %swap3A_261 = tpu.vector_load %arg23[%swap3A_260] {strides = array<i32>} : memref<512xf32, #tpu.memory_space<vmem>>, vector<16xf32>,
          tpu.vector_store %arg23[%swap3A_260], %mul3A_259 {strides = array<i32>} : memref<512xf32, #tpu.memory_space<vmem>>, vector<16xf32>,
          %mul3A_262 = arith.constant 16 : i32
          %mul3A_263 = arith.muli %scan3A_213, %mul3A_262 : i32
          %add3A_264 = arith.constant 3 : i32
          %add3A_265 = arith.addi %mul3A_263, %add3A_264 : i32
          %mul3A_266 = arith.constant 16 : i32
          %mul3A_267 = arith.muli %add3A_265, %mul3A_266 : i32
          %get3A_268 = arith.index_cast %mul3A_267 : i32 to index
          %get3A_269 = tpu.vector_load %arg17[%get3A_268] {strides = array<i32>} : memref<1024xi32, #tpu.memory_space<vmem>>, vector<16xi32>,
          %gather3A_270 = tpu.vector_load_idx %arg14[%get3A_269] : memref<50176xf32, #tpu.memory_space<vmem>>[vector<16xi32>], vector<16xf32>,
          %add3A_271 = arith.constant 512 : i32
          %add3A_272 = arith.addi %add3A_271, %mul3A_267 : i32
          %get3A_273 = arith.index_cast %add3A_272 : i32 to index
          %get3A_274 = tpu.vector_load %arg17[%get3A_273] {strides = array<i32>} : memref<1024xi32, #tpu.memory_space<vmem>>, vector<16xi32>,
          %bitcast3A_275 = vector.bitcast %get3A_274 : vector<16xi32> to vector<16xf32>
          %mul3A_276 = arith.mulf %gather3A_270, %bitcast3A_275 : vector<16xf32>
          %swap3A_277 = arith.index_cast %mul3A_267 : i32 to index
          %swap3A_278 = tpu.vector_load %arg23[%swap3A_277] {strides = array<i32>} : memref<512xf32, #tpu.memory_space<vmem>>, vector<16xf32>,
          tpu.vector_store %arg23[%swap3A_277], %mul3A_276 {strides = array<i32>} : memref<512xf32, #tpu.memory_space<vmem>>, vector<16xf32>,
          %mul3A_279 = arith.constant 16 : i32
          %mul3A_280 = arith.muli %scan3A_213, %mul3A_279 : i32
          %add3A_281 = arith.constant 4 : i32
          %add3A_282 = arith.addi %mul3A_280, %add3A_281 : i32
          %mul3A_283 = arith.constant 16 : i32
          %mul3A_284 = arith.muli %add3A_282, %mul3A_283 : i32
          %get3A_285 = arith.index_cast %mul3A_284 : i32 to index
          %get3A_286 = tpu.vector_load %arg17[%get3A_285] {strides = array<i32>} : memref<1024xi32, #tpu.memory_space<vmem>>, vector<16xi32>,
          %gather3A_287 = tpu.vector_load_idx %arg14[%get3A_286] : memref<50176xf32, #tpu.memory_space<vmem>>[vector<16xi32>], vector<16xf32>,
          %add3A_288 = arith.constant 512 : i32
          %add3A_289 = arith.addi %add3A_288, %mul3A_284 : i32
          %get3A_290 = arith.index_cast %add3A_289 : i32 to index
          %get3A_291 = tpu.vector_load %arg17[%get3A_290] {strides = array<i32>} : memref<1024xi32, #tpu.memory_space<vmem>>, vector<16xi32>,
          %bitcast3A_292 = vector.bitcast %get3A_291 : vector<16xi32> to vector<16xf32>
          %mul3A_293 = arith.mulf %gather3A_287, %bitcast3A_292 : vector<16xf32>
          %swap3A_294 = arith.index_cast %mul3A_284 : i32 to index
          %swap3A_295 = tpu.vector_load %arg23[%swap3A_294] {strides = array<i32>} : memref<512xf32, #tpu.memory_space<vmem>>, vector<16xf32>,
          tpu.vector_store %arg23[%swap3A_294], %mul3A_293 {strides = array<i32>} : memref<512xf32, #tpu.memory_space<vmem>>, vector<16xf32>,
          %mul3A_296 = arith.constant 16 : i32
          %mul3A_297 = arith.muli %scan3A_213, %mul3A_296 : i32
          %add3A_298 = arith.constant 5 : i32
          %add3A_299 = arith.addi %mul3A_297, %add3A_298 : i32
          %mul3A_300 = arith.constant 16 : i32
          %mul3A_301 = arith.muli %add3A_299, %mul3A_300 : i32
          %get3A_302 = arith.index_cast %mul3A_301 : i32 to index
          %get3A_303 = tpu.vector_load %arg17[%get3A_302] {strides = array<i32>} : memref<1024xi32, #tpu.memory_space<vmem>>, vector<16xi32>,
          %gather3A_304 = tpu.vector_load_idx %arg14[%get3A_303] : memref<50176xf32, #tpu.memory_space<vmem>>[vector<16xi32>], vector<16xf32>,
          %add3A_305 = arith.constant 512 : i32
          %add3A_306 = arith.addi %add3A_305, %mul3A_301 : i32
          %get3A_307 = arith.index_cast %add3A_306 : i32 to index
          %get3A_308 = tpu.vector_load %arg17[%get3A_307] {strides = array<i32>} : memref<1024xi32, #tpu.memory_space<vmem>>, vector<16xi32>,
          %bitcast3A_309 = vector.bitcast %get3A_308 : vector<16xi32> to vector<16xf32>
          %mul3A_310 = arith.mulf %gather3A_304, %bitcast3A_309 : vector<16xf32>
          %swap3A_311 = arith.index_cast %mul3A_301 : i32 to index
          %swap3A_312 = tpu.vector_load %arg23[%swap3A_311] {strides = array<i32>} : memref<512xf32, #tpu.memory_space<vmem>>, vector<16xf32>,
          tpu.vector_store %arg23[%swap3A_311], %mul3A_310 {strides = array<i32>} : memref<512xf32, #tpu.memory_space<vmem>>, vector<16xf32>,
          %mul3A_313 = arith.constant 16 : i32
          %mul3A_314 = arith.muli %scan3A_213, %mul3A_313 : i32
          %add3A_315 = arith.constant 6 : i32
          %add3A_316 = arith.addi %mul3A_314, %add3A_315 : i32
          %mul3A_317 = arith.constant 16 : i32
          %mul3A_318 = arith.muli %add3A_316, %mul3A_317 : i32
          %get3A_319 = arith.index_cast %mul3A_318 : i32 to index
          %get3A_320 = tpu.vector_load %arg17[%get3A_319] {strides = array<i32>} : memref<1024xi32, #tpu.memory_space<vmem>>, vector<16xi32>,
          %gather3A_321 = tpu.vector_load_idx %arg14[%get3A_320] : memref<50176xf32, #tpu.memory_space<vmem>>[vector<16xi32>], vector<16xf32>,
          %add3A_322 = arith.constant 512 : i32
          %add3A_323 = arith.addi %add3A_322, %mul3A_318 : i32
          %get3A_324 = arith.index_cast %add3A_323 : i32 to index
          %get3A_325 = tpu.vector_load %arg17[%get3A_324] {strides = array<i32>} : memref<1024xi32, #tpu.memory_space<vmem>>, vector<16xi32>,
          %bitcast3A_326 = vector.bitcast %get3A_325 : vector<16xi32> to vector<16xf32>
          %mul3A_327 = arith.mulf %gather3A_321, %bitcast3A_326 : vector<16xf32>
          %swap3A_328 = arith.index_cast %mul3A_318 : i32 to index
          %swap3A_329 = tpu.vector_load %arg23[%swap3A_328] {strides = array<i32>} : memref<512xf32, #tpu.memory_space<vmem>>, vector<16xf32>,
          tpu.vector_store %arg23[%swap3A_328], %mul3A_327 {strides = array<i32>} : memref<512xf32, #tpu.memory_space<vmem>>, vector<16xf32>,
          %mul3A_330 = arith.constant 16 : i32
          %mul3A_331 = arith.muli %scan3A_213, %mul3A_330 : i32
          %add3A_332 = arith.constant 7 : i32
          %add3A_333 = arith.addi %mul3A_331, %add3A_332 : i32
          %mul3A_334 = arith.constant 16 : i32
          %mul3A_335 = arith.muli %add3A_333, %mul3A_334 : i32
          %get3A_336 = arith.index_cast %mul3A_335 : i32 to index
          %get3A_337 = tpu.vector_load %arg17[%get3A_336] {strides = array<i32>} : memref<1024xi32, #tpu.memory_space<vmem>>, vector<16xi32>,
          %gather3A_338 = tpu.vector_load_idx %arg14[%get3A_337] : memref<50176xf32, #tpu.memory_space<vmem>>[vector<16xi32>], vector<16xf32>,
          %add3A_339 = arith.constant 512 : i32
          %add3A_340 = arith.addi %add3A_339, %mul3A_335 : i32
          %get3A_341 = arith.index_cast %add3A_340 : i32 to index
          %get3A_342 = tpu.vector_load %arg17[%get3A_341] {strides = array<i32>} : memref<1024xi32, #tpu.memory_space<vmem>>, vector<16xi32>,
          %bitcast3A_343 = vector.bitcast %get3A_342 : vector<16xi32> to vector<16xf32>
          %mul3A_344 = arith.mulf %gather3A_338, %bitcast3A_343 : vector<16xf32>
          %swap3A_345 = arith.index_cast %mul3A_335 : i32 to index
          %swap3A_346 = tpu.vector_load %arg23[%swap3A_345] {strides = array<i32>} : memref<512xf32, #tpu.memory_space<vmem>>, vector<16xf32>,
          tpu.vector_store %arg23[%swap3A_345], %mul3A_344 {strides = array<i32>} : memref<512xf32, #tpu.memory_space<vmem>>, vector<16xf32>,
          %mul3A_347 = arith.constant 16 : i32
          %mul3A_348 = arith.muli %scan3A_213, %mul3A_347 : i32
          %add3A_349 = arith.constant 8 : i32
          %add3A_350 = arith.addi %mul3A_348, %add3A_349 : i32
          %mul3A_351 = arith.constant 16 : i32
          %mul3A_352 = arith.muli %add3A_350, %mul3A_351 : i32
          %get3A_353 = arith.index_cast %mul3A_352 : i32 to index
          %get3A_354 = tpu.vector_load %arg17[%get3A_353] {strides = array<i32>} : memref<1024xi32, #tpu.memory_space<vmem>>, vector<16xi32>,
          %gather3A_355 = tpu.vector_load_idx %arg14[%get3A_354] : memref<50176xf32, #tpu.memory_space<vmem>>[vector<16xi32>], vector<16xf32>,
          %add3A_356 = arith.constant 512 : i32
          %add3A_357 = arith.addi %add3A_356, %mul3A_352 : i32
          %get3A_358 = arith.index_cast %add3A_357 : i32 to index
          %get3A_359 = tpu.vector_load %arg17[%get3A_358] {strides = array<i32>} : memref<1024xi32, #tpu.memory_space<vmem>>, vector<16xi32>,
          %bitcast3A_360 = vector.bitcast %get3A_359 : vector<16xi32> to vector<16xf32>
          %mul3A_361 = arith.mulf %gather3A_355, %bitcast3A_360 : vector<16xf32>
          %swap3A_362 = arith.index_cast %mul3A_352 : i32 to index
          %swap3A_363 = tpu.vector_load %arg23[%swap3A_362] {strides = array<i32>} : memref<512xf32, #tpu.memory_space<vmem>>, vector<16xf32>,
          tpu.vector_store %arg23[%swap3A_362], %mul3A_361 {strides = array<i32>} : memref<512xf32, #tpu.memory_space<vmem>>, vector<16xf32>,
          %mul3A_364 = arith.constant 16 : i32
          %mul3A_365 = arith.muli %scan3A_213, %mul3A_364 : i32
          %add3A_366 = arith.constant 9 : i32
          %add3A_367 = arith.addi %mul3A_365, %add3A_366 : i32
          %mul3A_368 = arith.constant 16 : i32
          %mul3A_369 = arith.muli %add3A_367, %mul3A_368 : i32
          %get3A_370 = arith.index_cast %mul3A_369 : i32 to index
          %get3A_371 = tpu.vector_load %arg17[%get3A_370] {strides = array<i32>} : memref<1024xi32, #tpu.memory_space<vmem>>, vector<16xi32>,
          %gather3A_372 = tpu.vector_load_idx %arg14[%get3A_371] : memref<50176xf32, #tpu.memory_space<vmem>>[vector<16xi32>], vector<16xf32>,
          %add3A_373 = arith.constant 512 : i32
          %add3A_374 = arith.addi %add3A_373, %mul3A_369 : i32
          %get3A_375 = arith.index_cast %add3A_374 : i32 to index
          %get3A_376 = tpu.vector_load %arg17[%get3A_375] {strides = array<i32>} : memref<1024xi32, #tpu.memory_space<vmem>>, vector<16xi32>,
          %bitcast3A_377 = vector.bitcast %get3A_376 : vector<16xi32> to vector<16xf32>
          %mul3A_378 = arith.mulf %gather3A_372, %bitcast3A_377 : vector<16xf32>
          %swap3A_379 = arith.index_cast %mul3A_369 : i32 to index
          %swap3A_380 = tpu.vector_load %arg23[%swap3A_379] {strides = array<i32>} : memref<512xf32, #tpu.memory_space<vmem>>, vector<16xf32>,
          tpu.vector_store %arg23[%swap3A_379], %mul3A_378 {strides = array<i32>} : memref<512xf32, #tpu.memory_space<vmem>>, vector<16xf32>,
          %mul3A_381 = arith.constant 16 : i32
          %mul3A_382 = arith.muli %scan3A_213, %mul3A_381 : i32
          %add3A_383 = arith.constant 10 : i32
          %add3A_384 = arith.addi %mul3A_382, %add3A_383 : i32
          %mul3A_385 = arith.constant 16 : i32
          %mul3A_386 = arith.muli %add3A_384, %mul3A_385 : i32
          %get3A_387 = arith.index_cast %mul3A_386 : i32 to index
          %get3A_388 = tpu.vector_load %arg17[%get3A_387] {strides = array<i32>} : memref<1024xi32, #tpu.memory_space<vmem>>, vector<16xi32>,
          %gather3A_389 = tpu.vector_load_idx %arg14[%get3A_388] : memref<50176xf32, #tpu.memory_space<vmem>>[vector<16xi32>], vector<16xf32>,
          %add3A_390 = arith.constant 512 : i32
          %add3A_391 = arith.addi %add3A_390, %mul3A_386 : i32
          %get3A_392 = arith.index_cast %add3A_391 : i32 to index
          %get3A_393 = tpu.vector_load %arg17[%get3A_392] {strides = array<i32>} : memref<1024xi32, #tpu.memory_space<vmem>>, vector<16xi32>,
          %bitcast3A_394 = vector.bitcast %get3A_393 : vector<16xi32> to vector<16xf32>
          %mul3A_395 = arith.mulf %gather3A_389, %bitcast3A_394 : vector<16xf32>
          %swap3A_396 = arith.index_cast %mul3A_386 : i32 to index
          %swap3A_397 = tpu.vector_load %arg23[%swap3A_396] {strides = array<i32>} : memref<512xf32, #tpu.memory_space<vmem>>, vector<16xf32>,
          tpu.vector_store %arg23[%swap3A_396], %mul3A_395 {strides = array<i32>} : memref<512xf32, #tpu.memory_space<vmem>>, vector<16xf32>,
          %mul3A_398 = arith.constant 16 : i32
          %mul3A_399 = arith.muli %scan3A_213, %mul3A_398 : i32
          %add3A_400 = arith.constant 11 : i32
          %add3A_401 = arith.addi %mul3A_399, %add3A_400 : i32
          %mul3A_402 = arith.constant 16 : i32
          %mul3A_403 = arith.muli %add3A_401, %mul3A_402 : i32
          %get3A_404 = arith.index_cast %mul3A_403 : i32 to index
          %get3A_405 = tpu.vector_load %arg17[%get3A_404] {strides = array<i32>} : memref<1024xi32, #tpu.memory_space<vmem>>, vector<16xi32>,
          %gather3A_406 = tpu.vector_load_idx %arg14[%get3A_405] : memref<50176xf32, #tpu.memory_space<vmem>>[vector<16xi32>], vector<16xf32>,
          %add3A_407 = arith.constant 512 : i32
          %add3A_408 = arith.addi %add3A_407, %mul3A_403 : i32
          %get3A_409 = arith.index_cast %add3A_408 : i32 to index
          %get3A_410 = tpu.vector_load %arg17[%get3A_409] {strides = array<i32>} : memref<1024xi32, #tpu.memory_space<vmem>>, vector<16xi32>,
          %bitcast3A_411 = vector.bitcast %get3A_410 : vector<16xi32> to vector<16xf32>
          %mul3A_412 = arith.mulf %gather3A_406, %bitcast3A_411 : vector<16xf32>
          %swap3A_413 = arith.index_cast %mul3A_403 : i32 to index
          %swap3A_414 = tpu.vector_load %arg23[%swap3A_413] {strides = array<i32>} : memref<512xf32, #tpu.memory_space<vmem>>, vector<16xf32>,
          tpu.vector_store %arg23[%swap3A_413], %mul3A_412 {strides = array<i32>} : memref<512xf32, #tpu.memory_space<vmem>>, vector<16xf32>,
          %mul3A_415 = arith.constant 16 : i32
          %mul3A_416 = arith.muli %scan3A_213, %mul3A_415 : i32
          %add3A_417 = arith.constant 12 : i32
          %add3A_418 = arith.addi %mul3A_416, %add3A_417 : i32
          %mul3A_419 = arith.constant 16 : i32
          %mul3A_420 = arith.muli %add3A_418, %mul3A_419 : i32
          %get3A_421 = arith.index_cast %mul3A_420 : i32 to index
          %get3A_422 = tpu.vector_load %arg17[%get3A_421] {strides = array<i32>} : memref<1024xi32, #tpu.memory_space<vmem>>, vector<16xi32>,
          %gather3A_423 = tpu.vector_load_idx %arg14[%get3A_422] : memref<50176xf32, #tpu.memory_space<vmem>>[vector<16xi32>], vector<16xf32>,
          %add3A_424 = arith.constant 512 : i32
          %add3A_425 = arith.addi %add3A_424, %mul3A_420 : i32
          %get3A_426 = arith.index_cast %add3A_425 : i32 to index
          %get3A_427 = tpu.vector_load %arg17[%get3A_426] {strides = array<i32>} : memref<1024xi32, #tpu.memory_space<vmem>>, vector<16xi32>,
          %bitcast3A_428 = vector.bitcast %get3A_427 : vector<16xi32> to vector<16xf32>
          %mul3A_429 = arith.mulf %gather3A_423, %bitcast3A_428 : vector<16xf32>
          %swap3A_430 = arith.index_cast %mul3A_420 : i32 to index
          %swap3A_431 = tpu.vector_load %arg23[%swap3A_430] {strides = array<i32>} : memref<512xf32, #tpu.memory_space<vmem>>, vector<16xf32>,
          tpu.vector_store %arg23[%swap3A_430], %mul3A_429 {strides = array<i32>} : memref<512xf32, #tpu.memory_space<vmem>>, vector<16xf32>,
          %mul3A_432 = arith.constant 16 : i32
          %mul3A_433 = arith.muli %scan3A_213, %mul3A_432 : i32
          %add3A_434 = arith.constant 13 : i32
          %add3A_435 = arith.addi %mul3A_433, %add3A_434 : i32
          %mul3A_436 = arith.constant 16 : i32
          %mul3A_437 = arith.muli %add3A_435, %mul3A_436 : i32
          %get3A_438 = arith.index_cast %mul3A_437 : i32 to index
          %get3A_439 = tpu.vector_load %arg17[%get3A_438] {strides = array<i32>} : memref<1024xi32, #tpu.memory_space<vmem>>, vector<16xi32>,
          %gather3A_440 = tpu.vector_load_idx %arg14[%get3A_439] : memref<50176xf32, #tpu.memory_space<vmem>>[vector<16xi32>], vector<16xf32>,
          %add3A_441 = arith.constant 512 : i32
          %add3A_442 = arith.addi %add3A_441, %mul3A_437 : i32
          %get3A_443 = arith.index_cast %add3A_442 : i32 to index
          %get3A_444 = tpu.vector_load %arg17[%get3A_443] {strides = array<i32>} : memref<1024xi32, #tpu.memory_space<vmem>>, vector<16xi32>,
          %bitcast3A_445 = vector.bitcast %get3A_444 : vector<16xi32> to vector<16xf32>
          %mul3A_446 = arith.mulf %gather3A_440, %bitcast3A_445 : vector<16xf32>
          %swap3A_447 = arith.index_cast %mul3A_437 : i32 to index
          %swap3A_448 = tpu.vector_load %arg23[%swap3A_447] {strides = array<i32>} : memref<512xf32, #tpu.memory_space<vmem>>, vector<16xf32>,
          tpu.vector_store %arg23[%swap3A_447], %mul3A_446 {strides = array<i32>} : memref<512xf32, #tpu.memory_space<vmem>>, vector<16xf32>,
          %mul3A_449 = arith.constant 16 : i32
          %mul3A_450 = arith.muli %scan3A_213, %mul3A_449 : i32
          %add3A_451 = arith.constant 14 : i32
          %add3A_452 = arith.addi %mul3A_450, %add3A_451 : i32
          %mul3A_453 = arith.constant 16 : i32
          %mul3A_454 = arith.muli %add3A_452, %mul3A_453 : i32
          %get3A_455 = arith.index_cast %mul3A_454 : i32 to index
          %get3A_456 = tpu.vector_load %arg17[%get3A_455] {strides = array<i32>} : memref<1024xi32, #tpu.memory_space<vmem>>, vector<16xi32>,
          %gather3A_457 = tpu.vector_load_idx %arg14[%get3A_456] : memref<50176xf32, #tpu.memory_space<vmem>>[vector<16xi32>], vector<16xf32>,
          %add3A_458 = arith.constant 512 : i32
          %add3A_459 = arith.addi %add3A_458, %mul3A_454 : i32
          %get3A_460 = arith.index_cast %add3A_459 : i32 to index
          %get3A_461 = tpu.vector_load %arg17[%get3A_460] {strides = array<i32>} : memref<1024xi32, #tpu.memory_space<vmem>>, vector<16xi32>,
          %bitcast3A_462 = vector.bitcast %get3A_461 : vector<16xi32> to vector<16xf32>
          %mul3A_463 = arith.mulf %gather3A_457, %bitcast3A_462 : vector<16xf32>
          %swap3A_464 = arith.index_cast %mul3A_454 : i32 to index
          %swap3A_465 = tpu.vector_load %arg23[%swap3A_464] {strides = array<i32>} : memref<512xf32, #tpu.memory_space<vmem>>, vector<16xf32>,
          tpu.vector_store %arg23[%swap3A_464], %mul3A_463 {strides = array<i32>} : memref<512xf32, #tpu.memory_space<vmem>>, vector<16xf32>,
          %mul3A_466 = arith.constant 16 : i32
          %mul3A_467 = arith.muli %scan3A_213, %mul3A_466 : i32
          %add3A_468 = arith.constant 15 : i32
          %add3A_469 = arith.addi %mul3A_467, %add3A_468 : i32
          %mul3A_470 = arith.constant 16 : i32
          %mul3A_471 = arith.muli %add3A_469, %mul3A_470 : i32
          %get3A_472 = arith.index_cast %mul3A_471 : i32 to index
          %get3A_473 = tpu.vector_load %arg17[%get3A_472] {strides = array<i32>} : memref<1024xi32, #tpu.memory_space<vmem>>, vector<16xi32>,
          %gather3A_474 = tpu.vector_load_idx %arg14[%get3A_473] : memref<50176xf32, #tpu.memory_space<vmem>>[vector<16xi32>], vector<16xf32>,
          %add3A_475 = arith.constant 512 : i32
          %add3A_476 = arith.addi %add3A_475, %mul3A_471 : i32
          %get3A_477 = arith.index_cast %add3A_476 : i32 to index
          %get3A_478 = tpu.vector_load %arg17[%get3A_477] {strides = array<i32>} : memref<1024xi32, #tpu.memory_space<vmem>>, vector<16xi32>,
          %bitcast3A_479 = vector.bitcast %get3A_478 : vector<16xi32> to vector<16xf32>
          %mul3A_480 = arith.mulf %gather3A_474, %bitcast3A_479 : vector<16xf32>
          %swap3A_481 = arith.index_cast %mul3A_471 : i32 to index
          %swap3A_482 = tpu.vector_load %arg23[%swap3A_481] {strides = array<i32>} : memref<512xf32, #tpu.memory_space<vmem>>, vector<16xf32>,
          tpu.vector_store %arg23[%swap3A_481], %mul3A_480 {strides = array<i32>} : memref<512xf32, #tpu.memory_space<vmem>>, vector<16xf32>,
        }
        %scan3A_180 = arith.constant 2 : i32
        %dma_start3A_181 = arith.constant 0 : i32
        %dma_start3A_182 = tpu.memref_slice %arg15[%dma_start3A_181] : memref<50176xf32, #tpu.memory_space<vmem_shared>> -> memref<50176xf32, #tpu.memory_space<vmem_shared>>
        tpu.enqueue_indirect_dma source(%arg23 : memref<512xf32, #tpu.memory_space<vmem>>) target(%dma_start3A_182 : memref<50176xf32, #tpu.memory_space<vmem_shared>>) offsets(%arg20 : memref<512xi32, #tpu.memory_space<vmem>>) semaphore(%arg29 : memref<!tpu.dma_semaphore, #tpu.memory_space<semaphore_mem>>) {add = true}
        %mul3A_183 = arith.constant 3 : i32
        %mul3A_184 = arith.muli %scan3A_96, %mul3A_183 : i32
        %add3A_185 = arith.constant 2 : i32
        %add3A_186 = arith.addi %mul3A_184, %add3A_185 : i32
        %mul3A_187 = arith.constant 2 : i32
        %mul3A_188 = arith.muli %add3A_186, %mul3A_187 : i32
        %mul3A_189 = arith.constant 512 : i32
        %mul3A_190 = arith.muli %mul3A_188, %mul3A_189 : i32
        %add3A_191 = arith.addi %mul3A_52, %mul3A_190 : i32
        %dma_wait3A_192 = tpu.memref_slice %arg4[%add3A_191] : memref<1671168xi32, #tpu.memory_space<hbm>> -> memref<1024xi32, #tpu.memory_space<hbm>>
        %dma_wait3A_193 = tpu.memref_slice %arg4[%add3A_191] : memref<1671168xi32, #tpu.memory_space<hbm>> -> memref<1024xi32, #tpu.memory_space<hbm>>
        tpu.wait_dma2 semaphore(%arg27 : memref<!tpu.dma_semaphore, #tpu.memory_space<semaphore_mem>>) src(%dma_wait3A_193 : memref<1024xi32, #tpu.memory_space<hbm>>) dst(%arg18 : memref<1024xi32, #tpu.memory_space<vmem>>)
        %mul3A_194 = arith.constant 512 : i32
        %mul3A_195 = arith.muli %add3A_186, %mul3A_194 : i32
        %add3A_196 = arith.addi %mul3A_54, %mul3A_195 : i32
        %dma_wait3A_197 = tpu.memref_slice %arg5[%add3A_196] : memref<835584xi32, #tpu.memory_space<hbm>> -> memref<512xi32, #tpu.memory_space<hbm>>
        %dma_wait3A_198 = tpu.memref_slice %arg5[%add3A_196] : memref<835584xi32, #tpu.memory_space<hbm>> -> memref<512xi32, #tpu.memory_space<hbm>>
        tpu.wait_dma2 semaphore(%arg27 : memref<!tpu.dma_semaphore, #tpu.memory_space<semaphore_mem>>) src(%dma_wait3A_198 : memref<512xi32, #tpu.memory_space<hbm>>) dst(%arg21 : memref<512xi32, #tpu.memory_space<vmem>>)
        %dma_wait3A_199 = arith.constant 0 : i32
        %dma_wait3A_200 = tpu.memref_slice %arg15[%dma_wait3A_199] : memref<50176xf32, #tpu.memory_space<vmem_shared>> -> memref<50176xf32, #tpu.memory_space<vmem_shared>>
        tpu.wait_indirect_dma semaphore(%arg28 : memref<!tpu.dma_semaphore, #tpu.memory_space<semaphore_mem>>) src(%arg22 : memref<512xf32, #tpu.memory_space<vmem>>) dst(%dma_wait3A_200 : memref<50176xf32, #tpu.memory_space<vmem_shared>>)
        %lt3A = arith.constant 16 : i32
        %lt3A_201 = arith.cmpi slt, %scan3A_96, %lt3A : i32
        %convert_element_type3A_202 = arith.extui %lt3A_201 : i1 to i32
        %cond3A_203 = arith.constant 0 : i32
        %cond3A_204 = arith.cmpi ne, %convert_element_type3A_202, %cond3A_203 : i32
        scf.if %cond3A_204 {
          %add3A_213 = arith.constant 1 : i32
          %add3A_214 = arith.addi %add3A_186, %add3A_213 : i32
          %mul3A_215 = arith.constant 2 : i32
          %mul3A_216 = arith.muli %add3A_214, %mul3A_215 : i32
          %mul3A_217 = arith.constant 512 : i32
          %mul3A_218 = arith.muli %mul3A_216, %mul3A_217 : i32
          %add3A_219 = arith.addi %mul3A_52, %mul3A_218 : i32
          %dma_start3A_220 = tpu.memref_slice %arg4[%add3A_219] : memref<1671168xi32, #tpu.memory_space<hbm>> -> memref<1024xi32, #tpu.memory_space<hbm>>
          %dma_start3A_221 = tpu.memref_slice %arg4[%add3A_219] : memref<1671168xi32, #tpu.memory_space<hbm>> -> memref<1024xi32, #tpu.memory_space<hbm>>
          tpu.enqueue_dma source(%dma_start3A_221 : memref<1024xi32, #tpu.memory_space<hbm>>) target(%arg16 : memref<1024xi32, #tpu.memory_space<vmem>>) target_semaphore(%arg25 : memref<!tpu.dma_semaphore, #tpu.memory_space<semaphore_mem>>)
          %mul3A_222 = arith.constant 512 : i32
          %mul3A_223 = arith.muli %add3A_214, %mul3A_222 : i32
          %add3A_224 = arith.addi %mul3A_54, %mul3A_223 : i32
          %dma_start3A_225 = tpu.memref_slice %arg5[%add3A_224] : memref<835584xi32, #tpu.memory_space<hbm>> -> memref<512xi32, #tpu.memory_space<hbm>>
          %dma_start3A_226 = tpu.memref_slice %arg5[%add3A_224] : memref<835584xi32, #tpu.memory_space<hbm>> -> memref<512xi32, #tpu.memory_space<hbm>>
          tpu.enqueue_dma source(%dma_start3A_226 : memref<512xi32, #tpu.memory_space<hbm>>) target(%arg19 : memref<512xi32, #tpu.memory_space<vmem>>) target_semaphore(%arg25 : memref<!tpu.dma_semaphore, #tpu.memory_space<semaphore_mem>>)
        } else {
        }
        %scan3A_205 = arith.constant 0 : i32
        %scan3A_206 = arith.constant 0 : i32
        %scan3A_207 = arith.constant 2 : i32
        %scan3A_208 = arith.addi %scan3A_206, %scan3A_207 : i32
        %scan3A_209 = arith.constant 1 : i32
        scf.for %scan3A_213 = %scan3A_206 to %scan3A_208 step %scan3A_209  : i32 {
          %mul3A_214 = arith.constant 16 : i32
          %mul3A_215 = arith.muli %scan3A_213, %mul3A_214 : i32
          %add3A_216 = arith.constant 0 : i32
          %add3A_217 = arith.addi %mul3A_215, %add3A_216 : i32
          %mul3A_218 = arith.constant 16 : i32
          %mul3A_219 = arith.muli %add3A_217, %mul3A_218 : i32
          %get3A = arith.index_cast %mul3A_219 : i32 to index
          %get3A_220 = tpu.vector_load %arg18[%get3A] {strides = array<i32>} : memref<1024xi32, #tpu.memory_space<vmem>>, vector<16xi32>,
          %gather3A = tpu.vector_load_idx %arg14[%get3A_220] : memref<50176xf32, #tpu.memory_space<vmem>>[vector<16xi32>], vector<16xf32>,
          %add3A_221 = arith.constant 512 : i32
          %add3A_222 = arith.addi %add3A_221, %mul3A_219 : i32
          %get3A_223 = arith.index_cast %add3A_222 : i32 to index
          %get3A_224 = tpu.vector_load %arg18[%get3A_223] {strides = array<i32>} : memref<1024xi32, #tpu.memory_space<vmem>>, vector<16xi32>,
          %bitcast3A = vector.bitcast %get3A_224 : vector<16xi32> to vector<16xf32>
          %mul3A_225 = arith.mulf %gather3A, %bitcast3A : vector<16xf32>
          %swap3A_226 = arith.index_cast %mul3A_219 : i32 to index
          %swap3A_227 = tpu.vector_load %arg24[%swap3A_226] {strides = array<i32>} : memref<512xf32, #tpu.memory_space<vmem>>, vector<16xf32>,
          tpu.vector_store %arg24[%swap3A_226], %mul3A_225 {strides = array<i32>} : memref<512xf32, #tpu.memory_space<vmem>>, vector<16xf32>,
          %mul3A_228 = arith.constant 16 : i32
          %mul3A_229 = arith.muli %scan3A_213, %mul3A_228 : i32
          %add3A_230 = arith.constant 1 : i32
          %add3A_231 = arith.addi %mul3A_229, %add3A_230 : i32
          %mul3A_232 = arith.constant 16 : i32
          %mul3A_233 = arith.muli %add3A_231, %mul3A_232 : i32
          %get3A_234 = arith.index_cast %mul3A_233 : i32 to index
          %get3A_235 = tpu.vector_load %arg18[%get3A_234] {strides = array<i32>} : memref<1024xi32, #tpu.memory_space<vmem>>, vector<16xi32>,
          %gather3A_236 = tpu.vector_load_idx %arg14[%get3A_235] : memref<50176xf32, #tpu.memory_space<vmem>>[vector<16xi32>], vector<16xf32>,
          %add3A_237 = arith.constant 512 : i32
          %add3A_238 = arith.addi %add3A_237, %mul3A_233 : i32
          %get3A_239 = arith.index_cast %add3A_238 : i32 to index
          %get3A_240 = tpu.vector_load %arg18[%get3A_239] {strides = array<i32>} : memref<1024xi32, #tpu.memory_space<vmem>>, vector<16xi32>,
          %bitcast3A_241 = vector.bitcast %get3A_240 : vector<16xi32> to vector<16xf32>
          %mul3A_242 = arith.mulf %gather3A_236, %bitcast3A_241 : vector<16xf32>
          %swap3A_243 = arith.index_cast %mul3A_233 : i32 to index
          %swap3A_244 = tpu.vector_load %arg24[%swap3A_243] {strides = array<i32>} : memref<512xf32, #tpu.memory_space<vmem>>, vector<16xf32>,
          tpu.vector_store %arg24[%swap3A_243], %mul3A_242 {strides = array<i32>} : memref<512xf32, #tpu.memory_space<vmem>>, vector<16xf32>,
          %mul3A_245 = arith.constant 16 : i32
          %mul3A_246 = arith.muli %scan3A_213, %mul3A_245 : i32
          %add3A_247 = arith.constant 2 : i32
          %add3A_248 = arith.addi %mul3A_246, %add3A_247 : i32
          %mul3A_249 = arith.constant 16 : i32
          %mul3A_250 = arith.muli %add3A_248, %mul3A_249 : i32
          %get3A_251 = arith.index_cast %mul3A_250 : i32 to index
          %get3A_252 = tpu.vector_load %arg18[%get3A_251] {strides = array<i32>} : memref<1024xi32, #tpu.memory_space<vmem>>, vector<16xi32>,
          %gather3A_253 = tpu.vector_load_idx %arg14[%get3A_252] : memref<50176xf32, #tpu.memory_space<vmem>>[vector<16xi32>], vector<16xf32>,
          %add3A_254 = arith.constant 512 : i32
          %add3A_255 = arith.addi %add3A_254, %mul3A_250 : i32
          %get3A_256 = arith.index_cast %add3A_255 : i32 to index
          %get3A_257 = tpu.vector_load %arg18[%get3A_256] {strides = array<i32>} : memref<1024xi32, #tpu.memory_space<vmem>>, vector<16xi32>,
          %bitcast3A_258 = vector.bitcast %get3A_257 : vector<16xi32> to vector<16xf32>
          %mul3A_259 = arith.mulf %gather3A_253, %bitcast3A_258 : vector<16xf32>
          %swap3A_260 = arith.index_cast %mul3A_250 : i32 to index
          %swap3A_261 = tpu.vector_load %arg24[%swap3A_260] {strides = array<i32>} : memref<512xf32, #tpu.memory_space<vmem>>, vector<16xf32>,
          tpu.vector_store %arg24[%swap3A_260], %mul3A_259 {strides = array<i32>} : memref<512xf32, #tpu.memory_space<vmem>>, vector<16xf32>,
          %mul3A_262 = arith.constant 16 : i32
          %mul3A_263 = arith.muli %scan3A_213, %mul3A_262 : i32
          %add3A_264 = arith.constant 3 : i32
          %add3A_265 = arith.addi %mul3A_263, %add3A_264 : i32
          %mul3A_266 = arith.constant 16 : i32
          %mul3A_267 = arith.muli %add3A_265, %mul3A_266 : i32
          %get3A_268 = arith.index_cast %mul3A_267 : i32 to index
          %get3A_269 = tpu.vector_load %arg18[%get3A_268] {strides = array<i32>} : memref<1024xi32, #tpu.memory_space<vmem>>, vector<16xi32>,
          %gather3A_270 = tpu.vector_load_idx %arg14[%get3A_269] : memref<50176xf32, #tpu.memory_space<vmem>>[vector<16xi32>], vector<16xf32>,
          %add3A_271 = arith.constant 512 : i32
          %add3A_272 = arith.addi %add3A_271, %mul3A_267 : i32
          %get3A_273 = arith.index_cast %add3A_272 : i32 to index
          %get3A_274 = tpu.vector_load %arg18[%get3A_273] {strides = array<i32>} : memref<1024xi32, #tpu.memory_space<vmem>>, vector<16xi32>,
          %bitcast3A_275 = vector.bitcast %get3A_274 : vector<16xi32> to vector<16xf32>
          %mul3A_276 = arith.mulf %gather3A_270, %bitcast3A_275 : vector<16xf32>
          %swap3A_277 = arith.index_cast %mul3A_267 : i32 to index
          %swap3A_278 = tpu.vector_load %arg24[%swap3A_277] {strides = array<i32>} : memref<512xf32, #tpu.memory_space<vmem>>, vector<16xf32>,
          tpu.vector_store %arg24[%swap3A_277], %mul3A_276 {strides = array<i32>} : memref<512xf32, #tpu.memory_space<vmem>>, vector<16xf32>,
          %mul3A_279 = arith.constant 16 : i32
          %mul3A_280 = arith.muli %scan3A_213, %mul3A_279 : i32
          %add3A_281 = arith.constant 4 : i32
          %add3A_282 = arith.addi %mul3A_280, %add3A_281 : i32
          %mul3A_283 = arith.constant 16 : i32
          %mul3A_284 = arith.muli %add3A_282, %mul3A_283 : i32
          %get3A_285 = arith.index_cast %mul3A_284 : i32 to index
          %get3A_286 = tpu.vector_load %arg18[%get3A_285] {strides = array<i32>} : memref<1024xi32, #tpu.memory_space<vmem>>, vector<16xi32>,
          %gather3A_287 = tpu.vector_load_idx %arg14[%get3A_286] : memref<50176xf32, #tpu.memory_space<vmem>>[vector<16xi32>], vector<16xf32>,
          %add3A_288 = arith.constant 512 : i32
          %add3A_289 = arith.addi %add3A_288, %mul3A_284 : i32
          %get3A_290 = arith.index_cast %add3A_289 : i32 to index
          %get3A_291 = tpu.vector_load %arg18[%get3A_290] {strides = array<i32>} : memref<1024xi32, #tpu.memory_space<vmem>>, vector<16xi32>,
          %bitcast3A_292 = vector.bitcast %get3A_291 : vector<16xi32> to vector<16xf32>
          %mul3A_293 = arith.mulf %gather3A_287, %bitcast3A_292 : vector<16xf32>
          %swap3A_294 = arith.index_cast %mul3A_284 : i32 to index
          %swap3A_295 = tpu.vector_load %arg24[%swap3A_294] {strides = array<i32>} : memref<512xf32, #tpu.memory_space<vmem>>, vector<16xf32>,
          tpu.vector_store %arg24[%swap3A_294], %mul3A_293 {strides = array<i32>} : memref<512xf32, #tpu.memory_space<vmem>>, vector<16xf32>,
          %mul3A_296 = arith.constant 16 : i32
          %mul3A_297 = arith.muli %scan3A_213, %mul3A_296 : i32
          %add3A_298 = arith.constant 5 : i32
          %add3A_299 = arith.addi %mul3A_297, %add3A_298 : i32
          %mul3A_300 = arith.constant 16 : i32
          %mul3A_301 = arith.muli %add3A_299, %mul3A_300 : i32
          %get3A_302 = arith.index_cast %mul3A_301 : i32 to index
          %get3A_303 = tpu.vector_load %arg18[%get3A_302] {strides = array<i32>} : memref<1024xi32, #tpu.memory_space<vmem>>, vector<16xi32>,
          %gather3A_304 = tpu.vector_load_idx %arg14[%get3A_303] : memref<50176xf32, #tpu.memory_space<vmem>>[vector<16xi32>], vector<16xf32>,
          %add3A_305 = arith.constant 512 : i32
          %add3A_306 = arith.addi %add3A_305, %mul3A_301 : i32
          %get3A_307 = arith.index_cast %add3A_306 : i32 to index
          %get3A_308 = tpu.vector_load %arg18[%get3A_307] {strides = array<i32>} : memref<1024xi32, #tpu.memory_space<vmem>>, vector<16xi32>,
          %bitcast3A_309 = vector.bitcast %get3A_308 : vector<16xi32> to vector<16xf32>
          %mul3A_310 = arith.mulf %gather3A_304, %bitcast3A_309 : vector<16xf32>
          %swap3A_311 = arith.index_cast %mul3A_301 : i32 to index
          %swap3A_312 = tpu.vector_load %arg24[%swap3A_311] {strides = array<i32>} : memref<512xf32, #tpu.memory_space<vmem>>, vector<16xf32>,
          tpu.vector_store %arg24[%swap3A_311], %mul3A_310 {strides = array<i32>} : memref<512xf32, #tpu.memory_space<vmem>>, vector<16xf32>,
          %mul3A_313 = arith.constant 16 : i32
          %mul3A_314 = arith.muli %scan3A_213, %mul3A_313 : i32
          %add3A_315 = arith.constant 6 : i32
          %add3A_316 = arith.addi %mul3A_314, %add3A_315 : i32
          %mul3A_317 = arith.constant 16 : i32
          %mul3A_318 = arith.muli %add3A_316, %mul3A_317 : i32
          %get3A_319 = arith.index_cast %mul3A_318 : i32 to index
          %get3A_320 = tpu.vector_load %arg18[%get3A_319] {strides = array<i32>} : memref<1024xi32, #tpu.memory_space<vmem>>, vector<16xi32>,
          %gather3A_321 = tpu.vector_load_idx %arg14[%get3A_320] : memref<50176xf32, #tpu.memory_space<vmem>>[vector<16xi32>], vector<16xf32>,
          %add3A_322 = arith.constant 512 : i32
          %add3A_323 = arith.addi %add3A_322, %mul3A_318 : i32
          %get3A_324 = arith.index_cast %add3A_323 : i32 to index
          %get3A_325 = tpu.vector_load %arg18[%get3A_324] {strides = array<i32>} : memref<1024xi32, #tpu.memory_space<vmem>>, vector<16xi32>,
          %bitcast3A_326 = vector.bitcast %get3A_325 : vector<16xi32> to vector<16xf32>
          %mul3A_327 = arith.mulf %gather3A_321, %bitcast3A_326 : vector<16xf32>
          %swap3A_328 = arith.index_cast %mul3A_318 : i32 to index
          %swap3A_329 = tpu.vector_load %arg24[%swap3A_328] {strides = array<i32>} : memref<512xf32, #tpu.memory_space<vmem>>, vector<16xf32>,
          tpu.vector_store %arg24[%swap3A_328], %mul3A_327 {strides = array<i32>} : memref<512xf32, #tpu.memory_space<vmem>>, vector<16xf32>,
          %mul3A_330 = arith.constant 16 : i32
          %mul3A_331 = arith.muli %scan3A_213, %mul3A_330 : i32
          %add3A_332 = arith.constant 7 : i32
          %add3A_333 = arith.addi %mul3A_331, %add3A_332 : i32
          %mul3A_334 = arith.constant 16 : i32
          %mul3A_335 = arith.muli %add3A_333, %mul3A_334 : i32
          %get3A_336 = arith.index_cast %mul3A_335 : i32 to index
          %get3A_337 = tpu.vector_load %arg18[%get3A_336] {strides = array<i32>} : memref<1024xi32, #tpu.memory_space<vmem>>, vector<16xi32>,
          %gather3A_338 = tpu.vector_load_idx %arg14[%get3A_337] : memref<50176xf32, #tpu.memory_space<vmem>>[vector<16xi32>], vector<16xf32>,
          %add3A_339 = arith.constant 512 : i32
          %add3A_340 = arith.addi %add3A_339, %mul3A_335 : i32
          %get3A_341 = arith.index_cast %add3A_340 : i32 to index
          %get3A_342 = tpu.vector_load %arg18[%get3A_341] {strides = array<i32>} : memref<1024xi32, #tpu.memory_space<vmem>>, vector<16xi32>,
          %bitcast3A_343 = vector.bitcast %get3A_342 : vector<16xi32> to vector<16xf32>
          %mul3A_344 = arith.mulf %gather3A_338, %bitcast3A_343 : vector<16xf32>
          %swap3A_345 = arith.index_cast %mul3A_335 : i32 to index
          %swap3A_346 = tpu.vector_load %arg24[%swap3A_345] {strides = array<i32>} : memref<512xf32, #tpu.memory_space<vmem>>, vector<16xf32>,
          tpu.vector_store %arg24[%swap3A_345], %mul3A_344 {strides = array<i32>} : memref<512xf32, #tpu.memory_space<vmem>>, vector<16xf32>,
          %mul3A_347 = arith.constant 16 : i32
          %mul3A_348 = arith.muli %scan3A_213, %mul3A_347 : i32
          %add3A_349 = arith.constant 8 : i32
          %add3A_350 = arith.addi %mul3A_348, %add3A_349 : i32
          %mul3A_351 = arith.constant 16 : i32
          %mul3A_352 = arith.muli %add3A_350, %mul3A_351 : i32
          %get3A_353 = arith.index_cast %mul3A_352 : i32 to index
          %get3A_354 = tpu.vector_load %arg18[%get3A_353] {strides = array<i32>} : memref<1024xi32, #tpu.memory_space<vmem>>, vector<16xi32>,
          %gather3A_355 = tpu.vector_load_idx %arg14[%get3A_354] : memref<50176xf32, #tpu.memory_space<vmem>>[vector<16xi32>], vector<16xf32>,
          %add3A_356 = arith.constant 512 : i32
          %add3A_357 = arith.addi %add3A_356, %mul3A_352 : i32
          %get3A_358 = arith.index_cast %add3A_357 : i32 to index
          %get3A_359 = tpu.vector_load %arg18[%get3A_358] {strides = array<i32>} : memref<1024xi32, #tpu.memory_space<vmem>>, vector<16xi32>,
          %bitcast3A_360 = vector.bitcast %get3A_359 : vector<16xi32> to vector<16xf32>
          %mul3A_361 = arith.mulf %gather3A_355, %bitcast3A_360 : vector<16xf32>
          %swap3A_362 = arith.index_cast %mul3A_352 : i32 to index
          %swap3A_363 = tpu.vector_load %arg24[%swap3A_362] {strides = array<i32>} : memref<512xf32, #tpu.memory_space<vmem>>, vector<16xf32>,
          tpu.vector_store %arg24[%swap3A_362], %mul3A_361 {strides = array<i32>} : memref<512xf32, #tpu.memory_space<vmem>>, vector<16xf32>,
          %mul3A_364 = arith.constant 16 : i32
          %mul3A_365 = arith.muli %scan3A_213, %mul3A_364 : i32
          %add3A_366 = arith.constant 9 : i32
          %add3A_367 = arith.addi %mul3A_365, %add3A_366 : i32
          %mul3A_368 = arith.constant 16 : i32
          %mul3A_369 = arith.muli %add3A_367, %mul3A_368 : i32
          %get3A_370 = arith.index_cast %mul3A_369 : i32 to index
          %get3A_371 = tpu.vector_load %arg18[%get3A_370] {strides = array<i32>} : memref<1024xi32, #tpu.memory_space<vmem>>, vector<16xi32>,
          %gather3A_372 = tpu.vector_load_idx %arg14[%get3A_371] : memref<50176xf32, #tpu.memory_space<vmem>>[vector<16xi32>], vector<16xf32>,
          %add3A_373 = arith.constant 512 : i32
          %add3A_374 = arith.addi %add3A_373, %mul3A_369 : i32
          %get3A_375 = arith.index_cast %add3A_374 : i32 to index
          %get3A_376 = tpu.vector_load %arg18[%get3A_375] {strides = array<i32>} : memref<1024xi32, #tpu.memory_space<vmem>>, vector<16xi32>,
          %bitcast3A_377 = vector.bitcast %get3A_376 : vector<16xi32> to vector<16xf32>
          %mul3A_378 = arith.mulf %gather3A_372, %bitcast3A_377 : vector<16xf32>
          %swap3A_379 = arith.index_cast %mul3A_369 : i32 to index
          %swap3A_380 = tpu.vector_load %arg24[%swap3A_379] {strides = array<i32>} : memref<512xf32, #tpu.memory_space<vmem>>, vector<16xf32>,
          tpu.vector_store %arg24[%swap3A_379], %mul3A_378 {strides = array<i32>} : memref<512xf32, #tpu.memory_space<vmem>>, vector<16xf32>,
          %mul3A_381 = arith.constant 16 : i32
          %mul3A_382 = arith.muli %scan3A_213, %mul3A_381 : i32
          %add3A_383 = arith.constant 10 : i32
          %add3A_384 = arith.addi %mul3A_382, %add3A_383 : i32
          %mul3A_385 = arith.constant 16 : i32
          %mul3A_386 = arith.muli %add3A_384, %mul3A_385 : i32
          %get3A_387 = arith.index_cast %mul3A_386 : i32 to index
          %get3A_388 = tpu.vector_load %arg18[%get3A_387] {strides = array<i32>} : memref<1024xi32, #tpu.memory_space<vmem>>, vector<16xi32>,
          %gather3A_389 = tpu.vector_load_idx %arg14[%get3A_388] : memref<50176xf32, #tpu.memory_space<vmem>>[vector<16xi32>], vector<16xf32>,
          %add3A_390 = arith.constant 512 : i32
          %add3A_391 = arith.addi %add3A_390, %mul3A_386 : i32
          %get3A_392 = arith.index_cast %add3A_391 : i32 to index
          %get3A_393 = tpu.vector_load %arg18[%get3A_392] {strides = array<i32>} : memref<1024xi32, #tpu.memory_space<vmem>>, vector<16xi32>,
          %bitcast3A_394 = vector.bitcast %get3A_393 : vector<16xi32> to vector<16xf32>
          %mul3A_395 = arith.mulf %gather3A_389, %bitcast3A_394 : vector<16xf32>
          %swap3A_396 = arith.index_cast %mul3A_386 : i32 to index
          %swap3A_397 = tpu.vector_load %arg24[%swap3A_396] {strides = array<i32>} : memref<512xf32, #tpu.memory_space<vmem>>, vector<16xf32>,
          tpu.vector_store %arg24[%swap3A_396], %mul3A_395 {strides = array<i32>} : memref<512xf32, #tpu.memory_space<vmem>>, vector<16xf32>,
          %mul3A_398 = arith.constant 16 : i32
          %mul3A_399 = arith.muli %scan3A_213, %mul3A_398 : i32
          %add3A_400 = arith.constant 11 : i32
          %add3A_401 = arith.addi %mul3A_399, %add3A_400 : i32
          %mul3A_402 = arith.constant 16 : i32
          %mul3A_403 = arith.muli %add3A_401, %mul3A_402 : i32
          %get3A_404 = arith.index_cast %mul3A_403 : i32 to index
          %get3A_405 = tpu.vector_load %arg18[%get3A_404] {strides = array<i32>} : memref<1024xi32, #tpu.memory_space<vmem>>, vector<16xi32>,
          %gather3A_406 = tpu.vector_load_idx %arg14[%get3A_405] : memref<50176xf32, #tpu.memory_space<vmem>>[vector<16xi32>], vector<16xf32>,
          %add3A_407 = arith.constant 512 : i32
          %add3A_408 = arith.addi %add3A_407, %mul3A_403 : i32
          %get3A_409 = arith.index_cast %add3A_408 : i32 to index
          %get3A_410 = tpu.vector_load %arg18[%get3A_409] {strides = array<i32>} : memref<1024xi32, #tpu.memory_space<vmem>>, vector<16xi32>,
          %bitcast3A_411 = vector.bitcast %get3A_410 : vector<16xi32> to vector<16xf32>
          %mul3A_412 = arith.mulf %gather3A_406, %bitcast3A_411 : vector<16xf32>
          %swap3A_413 = arith.index_cast %mul3A_403 : i32 to index
          %swap3A_414 = tpu.vector_load %arg24[%swap3A_413] {strides = array<i32>} : memref<512xf32, #tpu.memory_space<vmem>>, vector<16xf32>,
          tpu.vector_store %arg24[%swap3A_413], %mul3A_412 {strides = array<i32>} : memref<512xf32, #tpu.memory_space<vmem>>, vector<16xf32>,
          %mul3A_415 = arith.constant 16 : i32
          %mul3A_416 = arith.muli %scan3A_213, %mul3A_415 : i32
          %add3A_417 = arith.constant 12 : i32
          %add3A_418 = arith.addi %mul3A_416, %add3A_417 : i32
          %mul3A_419 = arith.constant 16 : i32
          %mul3A_420 = arith.muli %add3A_418, %mul3A_419 : i32
          %get3A_421 = arith.index_cast %mul3A_420 : i32 to index
          %get3A_422 = tpu.vector_load %arg18[%get3A_421] {strides = array<i32>} : memref<1024xi32, #tpu.memory_space<vmem>>, vector<16xi32>,
          %gather3A_423 = tpu.vector_load_idx %arg14[%get3A_422] : memref<50176xf32, #tpu.memory_space<vmem>>[vector<16xi32>], vector<16xf32>,
          %add3A_424 = arith.constant 512 : i32
          %add3A_425 = arith.addi %add3A_424, %mul3A_420 : i32
          %get3A_426 = arith.index_cast %add3A_425 : i32 to index
          %get3A_427 = tpu.vector_load %arg18[%get3A_426] {strides = array<i32>} : memref<1024xi32, #tpu.memory_space<vmem>>, vector<16xi32>,
          %bitcast3A_428 = vector.bitcast %get3A_427 : vector<16xi32> to vector<16xf32>
          %mul3A_429 = arith.mulf %gather3A_423, %bitcast3A_428 : vector<16xf32>
          %swap3A_430 = arith.index_cast %mul3A_420 : i32 to index
          %swap3A_431 = tpu.vector_load %arg24[%swap3A_430] {strides = array<i32>} : memref<512xf32, #tpu.memory_space<vmem>>, vector<16xf32>,
          tpu.vector_store %arg24[%swap3A_430], %mul3A_429 {strides = array<i32>} : memref<512xf32, #tpu.memory_space<vmem>>, vector<16xf32>,
          %mul3A_432 = arith.constant 16 : i32
          %mul3A_433 = arith.muli %scan3A_213, %mul3A_432 : i32
          %add3A_434 = arith.constant 13 : i32
          %add3A_435 = arith.addi %mul3A_433, %add3A_434 : i32
          %mul3A_436 = arith.constant 16 : i32
          %mul3A_437 = arith.muli %add3A_435, %mul3A_436 : i32
          %get3A_438 = arith.index_cast %mul3A_437 : i32 to index
          %get3A_439 = tpu.vector_load %arg18[%get3A_438] {strides = array<i32>} : memref<1024xi32, #tpu.memory_space<vmem>>, vector<16xi32>,
          %gather3A_440 = tpu.vector_load_idx %arg14[%get3A_439] : memref<50176xf32, #tpu.memory_space<vmem>>[vector<16xi32>], vector<16xf32>,
          %add3A_441 = arith.constant 512 : i32
          %add3A_442 = arith.addi %add3A_441, %mul3A_437 : i32
          %get3A_443 = arith.index_cast %add3A_442 : i32 to index
          %get3A_444 = tpu.vector_load %arg18[%get3A_443] {strides = array<i32>} : memref<1024xi32, #tpu.memory_space<vmem>>, vector<16xi32>,
          %bitcast3A_445 = vector.bitcast %get3A_444 : vector<16xi32> to vector<16xf32>
          %mul3A_446 = arith.mulf %gather3A_440, %bitcast3A_445 : vector<16xf32>
          %swap3A_447 = arith.index_cast %mul3A_437 : i32 to index
          %swap3A_448 = tpu.vector_load %arg24[%swap3A_447] {strides = array<i32>} : memref<512xf32, #tpu.memory_space<vmem>>, vector<16xf32>,
          tpu.vector_store %arg24[%swap3A_447], %mul3A_446 {strides = array<i32>} : memref<512xf32, #tpu.memory_space<vmem>>, vector<16xf32>,
          %mul3A_449 = arith.constant 16 : i32
          %mul3A_450 = arith.muli %scan3A_213, %mul3A_449 : i32
          %add3A_451 = arith.constant 14 : i32
          %add3A_452 = arith.addi %mul3A_450, %add3A_451 : i32
          %mul3A_453 = arith.constant 16 : i32
          %mul3A_454 = arith.muli %add3A_452, %mul3A_453 : i32
          %get3A_455 = arith.index_cast %mul3A_454 : i32 to index
          %get3A_456 = tpu.vector_load %arg18[%get3A_455] {strides = array<i32>} : memref<1024xi32, #tpu.memory_space<vmem>>, vector<16xi32>,
          %gather3A_457 = tpu.vector_load_idx %arg14[%get3A_456] : memref<50176xf32, #tpu.memory_space<vmem>>[vector<16xi32>], vector<16xf32>,
          %add3A_458 = arith.constant 512 : i32
          %add3A_459 = arith.addi %add3A_458, %mul3A_454 : i32
          %get3A_460 = arith.index_cast %add3A_459 : i32 to index
          %get3A_461 = tpu.vector_load %arg18[%get3A_460] {strides = array<i32>} : memref<1024xi32, #tpu.memory_space<vmem>>, vector<16xi32>,
          %bitcast3A_462 = vector.bitcast %get3A_461 : vector<16xi32> to vector<16xf32>
          %mul3A_463 = arith.mulf %gather3A_457, %bitcast3A_462 : vector<16xf32>
          %swap3A_464 = arith.index_cast %mul3A_454 : i32 to index
          %swap3A_465 = tpu.vector_load %arg24[%swap3A_464] {strides = array<i32>} : memref<512xf32, #tpu.memory_space<vmem>>, vector<16xf32>,
          tpu.vector_store %arg24[%swap3A_464], %mul3A_463 {strides = array<i32>} : memref<512xf32, #tpu.memory_space<vmem>>, vector<16xf32>,
          %mul3A_466 = arith.constant 16 : i32
          %mul3A_467 = arith.muli %scan3A_213, %mul3A_466 : i32
          %add3A_468 = arith.constant 15 : i32
          %add3A_469 = arith.addi %mul3A_467, %add3A_468 : i32
          %mul3A_470 = arith.constant 16 : i32
          %mul3A_471 = arith.muli %add3A_469, %mul3A_470 : i32
          %get3A_472 = arith.index_cast %mul3A_471 : i32 to index
          %get3A_473 = tpu.vector_load %arg18[%get3A_472] {strides = array<i32>} : memref<1024xi32, #tpu.memory_space<vmem>>, vector<16xi32>,
          %gather3A_474 = tpu.vector_load_idx %arg14[%get3A_473] : memref<50176xf32, #tpu.memory_space<vmem>>[vector<16xi32>], vector<16xf32>,
          %add3A_475 = arith.constant 512 : i32
          %add3A_476 = arith.addi %add3A_475, %mul3A_471 : i32
          %get3A_477 = arith.index_cast %add3A_476 : i32 to index
          %get3A_478 = tpu.vector_load %arg18[%get3A_477] {strides = array<i32>} : memref<1024xi32, #tpu.memory_space<vmem>>, vector<16xi32>,
          %bitcast3A_479 = vector.bitcast %get3A_478 : vector<16xi32> to vector<16xf32>
          %mul3A_480 = arith.mulf %gather3A_474, %bitcast3A_479 : vector<16xf32>
          %swap3A_481 = arith.index_cast %mul3A_471 : i32 to index
          %swap3A_482 = tpu.vector_load %arg24[%swap3A_481] {strides = array<i32>} : memref<512xf32, #tpu.memory_space<vmem>>, vector<16xf32>,
          tpu.vector_store %arg24[%swap3A_481], %mul3A_480 {strides = array<i32>} : memref<512xf32, #tpu.memory_space<vmem>>, vector<16xf32>,
        }
        %scan3A_210 = arith.constant 2 : i32
        %dma_start3A_211 = arith.constant 0 : i32
        %dma_start3A_212 = tpu.memref_slice %arg15[%dma_start3A_211] : memref<50176xf32, #tpu.memory_space<vmem_shared>> -> memref<50176xf32, #tpu.memory_space<vmem_shared>>
        tpu.enqueue_indirect_dma source(%arg24 : memref<512xf32, #tpu.memory_space<vmem>>) target(%dma_start3A_212 : memref<50176xf32, #tpu.memory_space<vmem_shared>>) offsets(%arg21 : memref<512xi32, #tpu.memory_space<vmem>>) semaphore(%arg30 : memref<!tpu.dma_semaphore, #tpu.memory_space<semaphore_mem>>) {add = true}
      }
      %scan3A_67 = arith.constant 17 : i32
      %dma_wait3A = arith.constant 0 : i32
      %dma_wait3A_68 = tpu.memref_slice %arg15[%dma_wait3A] : memref<50176xf32, #tpu.memory_space<vmem_shared>> -> memref<50176xf32, #tpu.memory_space<vmem_shared>>
      tpu.wait_indirect_dma semaphore(%arg29 : memref<!tpu.dma_semaphore, #tpu.memory_space<semaphore_mem>>) src(%arg23 : memref<512xf32, #tpu.memory_space<vmem>>) dst(%dma_wait3A_68 : memref<50176xf32, #tpu.memory_space<vmem_shared>>)
      %dma_wait3A_69 = arith.constant 0 : i32
      %dma_wait3A_70 = tpu.memref_slice %arg15[%dma_wait3A_69] : memref<50176xf32, #tpu.memory_space<vmem_shared>> -> memref<50176xf32, #tpu.memory_space<vmem_shared>>
      tpu.wait_indirect_dma semaphore(%arg30 : memref<!tpu.dma_semaphore, #tpu.memory_space<semaphore_mem>>) src(%arg24 : memref<512xf32, #tpu.memory_space<vmem>>) dst(%dma_wait3A_70 : memref<50176xf32, #tpu.memory_space<vmem_shared>>)
      %barrier3A_71 = arith.constant 0 : index
      tpu.barrier barrier_id(%barrier3A_71)
      "tpu.region"() ({
        %run_scoped3A = tpu.sem_alloc : memref<!tpu.dma_semaphore, #tpu.memory_space<semaphore_mem>>
        %dma_start3A_96 = tpu.memref_slice %arg15[%mul3A_4] : memref<50176xf32, #tpu.memory_space<vmem_shared>> -> memref<3136xf32, #tpu.memory_space<vmem_shared>>
        %dma_start3A_97 = tpu.memref_slice %arg15[%mul3A_4] : memref<50176xf32, #tpu.memory_space<vmem_shared>> -> memref<3136xf32, #tpu.memory_space<vmem_shared>>
        tpu.enqueue_dma source(%dma_start3A_97 : memref<3136xf32, #tpu.memory_space<vmem_shared>>) target(%arg42 : memref<3136xf32, #tpu.memory_space<vmem>>) target_semaphore(%run_scoped3A : memref<!tpu.dma_semaphore, #tpu.memory_space<semaphore_mem>>)
        %dma_wait3A_98 = tpu.memref_slice %arg15[%mul3A_4] : memref<50176xf32, #tpu.memory_space<vmem_shared>> -> memref<3136xf32, #tpu.memory_space<vmem_shared>>
        %dma_wait3A_99 = tpu.memref_slice %arg15[%mul3A_4] : memref<50176xf32, #tpu.memory_space<vmem_shared>> -> memref<3136xf32, #tpu.memory_space<vmem_shared>>
        tpu.wait_dma2 semaphore(%run_scoped3A : memref<!tpu.dma_semaphore, #tpu.memory_space<semaphore_mem>>) src(%dma_wait3A_99 : memref<3136xf32, #tpu.memory_space<vmem_shared>>) dst(%arg42 : memref<3136xf32, #tpu.memory_space<vmem>>)
        tpu.yield
      }) : () -> ()
      %mul3A_72 = arith.constant 50176 : i32
      %mul3A_73 = arith.muli %arg0, %mul3A_72 : i32
      %add3A_74 = arith.addi %mul3A_73, %mul3A_4 : i32
      "tpu.region"() ({
        %run_scoped3A = tpu.sem_alloc : memref<!tpu.dma_semaphore, #tpu.memory_space<semaphore_mem>>
        %dma_start3A_96 = tpu.memref_slice %arg12[%add3A_74] : memref<100352xf32, #tpu.memory_space<hbm>> -> memref<3136xf32, #tpu.memory_space<hbm>>
        %dma_start3A_97 = tpu.memref_slice %arg12[%add3A_74] : memref<100352xf32, #tpu.memory_space<hbm>> -> memref<3136xf32, #tpu.memory_space<hbm>>
        tpu.enqueue_dma source(%arg42 : memref<3136xf32, #tpu.memory_space<vmem>>) target(%dma_start3A_97 : memref<3136xf32, #tpu.memory_space<hbm>>) target_semaphore(%run_scoped3A : memref<!tpu.dma_semaphore, #tpu.memory_space<semaphore_mem>>)
        %dma_wait3A_98 = tpu.memref_slice %arg12[%add3A_74] : memref<100352xf32, #tpu.memory_space<hbm>> -> memref<3136xf32, #tpu.memory_space<hbm>>
        %dma_wait3A_99 = tpu.memref_slice %arg12[%add3A_74] : memref<100352xf32, #tpu.memory_space<hbm>> -> memref<3136xf32, #tpu.memory_space<hbm>>
        tpu.wait_dma2 semaphore(%run_scoped3A : memref<!tpu.dma_semaphore, #tpu.memory_space<semaphore_mem>>) src(%arg42 : memref<3136xf32, #tpu.memory_space<vmem>>) dst(%dma_wait3A_99 : memref<3136xf32, #tpu.memory_space<hbm>>)
        tpu.yield
      }) : () -> ()
      %barrier3A_75 = arith.constant 0 : index
      tpu.barrier barrier_id(%barrier3A_75)
      %eq3A_76 = arith.constant 0 : i32
      %eq3A_77 = arith.cmpi eq, %arg1, %eq3A_76 : i32
      %convert_element_type3A_78 = arith.extui %eq3A_77 : i1 to i32
      %cond3A_79 = arith.constant 0 : i32
      %cond3A_80 = arith.cmpi ne, %convert_element_type3A_78, %cond3A_79 : i32
      scf.if %cond3A_80 {
        %sub3A = arith.constant 1 : i32
        %sub3A_96 = arith.subi %sub3A, %arg0 : i32
        %semaphore_signal3A = arith.constant 1 : i32
        tpu.sem_signal %arg31, %semaphore_signal3A core_id %sub3A_96 : memref<!tpu.semaphore, #tpu.memory_space<semaphore_mem>>
        %semaphore_wait3A = arith.constant 1 : i32
        %semaphore_wait3A_97 = arith.constant true
        tpu.sem_wait %arg31, %semaphore_wait3A : memref<!tpu.semaphore, #tpu.memory_space<semaphore_mem>>
      } else {
      }
      %barrier3A_81 = arith.constant 0 : index
      tpu.barrier barrier_id(%barrier3A_81)
      "tpu.region"() ({
        %run_scoped3A = tpu.sem_alloc : memref<!tpu.dma_semaphore, #tpu.memory_space<semaphore_mem>>
        %dma_start3A_96 = tpu.memref_slice %arg12[%mul3A_2] : memref<100352xf32, #tpu.memory_space<hbm>> -> memref<1568xf32, #tpu.memory_space<hbm>>
        %dma_start3A_97 = tpu.memref_slice %arg12[%mul3A_2] : memref<100352xf32, #tpu.memory_space<hbm>> -> memref<1568xf32, #tpu.memory_space<hbm>>
        tpu.enqueue_dma source(%dma_start3A_97 : memref<1568xf32, #tpu.memory_space<hbm>>) target(%arg35 : memref<1568xf32, #tpu.memory_space<vmem>>) target_semaphore(%run_scoped3A : memref<!tpu.dma_semaphore, #tpu.memory_space<semaphore_mem>>)
        %dma_wait3A_98 = tpu.memref_slice %arg12[%mul3A_2] : memref<100352xf32, #tpu.memory_space<hbm>> -> memref<1568xf32, #tpu.memory_space<hbm>>
        %dma_wait3A_99 = tpu.memref_slice %arg12[%mul3A_2] : memref<100352xf32, #tpu.memory_space<hbm>> -> memref<1568xf32, #tpu.memory_space<hbm>>
        tpu.wait_dma2 semaphore(%run_scoped3A : memref<!tpu.dma_semaphore, #tpu.memory_space<semaphore_mem>>) src(%dma_wait3A_99 : memref<1568xf32, #tpu.memory_space<hbm>>) dst(%arg35 : memref<1568xf32, #tpu.memory_space<vmem>>)
        tpu.yield
      }) : () -> ()
      %add3A_82 = arith.constant 50176 : i32
      %add3A_83 = arith.addi %add3A_82, %mul3A_2 : i32
      "tpu.region"() ({
        %run_scoped3A = tpu.sem_alloc : memref<!tpu.dma_semaphore, #tpu.memory_space<semaphore_mem>>
        %dma_start3A_96 = tpu.memref_slice %arg12[%add3A_83] : memref<100352xf32, #tpu.memory_space<hbm>> -> memref<1568xf32, #tpu.memory_space<hbm>>
        %dma_start3A_97 = tpu.memref_slice %arg12[%add3A_83] : memref<100352xf32, #tpu.memory_space<hbm>> -> memref<1568xf32, #tpu.memory_space<hbm>>
        tpu.enqueue_dma source(%dma_start3A_97 : memref<1568xf32, #tpu.memory_space<hbm>>) target(%arg36 : memref<1568xf32, #tpu.memory_space<vmem>>) target_semaphore(%run_scoped3A : memref<!tpu.dma_semaphore, #tpu.memory_space<semaphore_mem>>)
        %dma_wait3A_98 = tpu.memref_slice %arg12[%add3A_83] : memref<100352xf32, #tpu.memory_space<hbm>> -> memref<1568xf32, #tpu.memory_space<hbm>>
        %dma_wait3A_99 = tpu.memref_slice %arg12[%add3A_83] : memref<100352xf32, #tpu.memory_space<hbm>> -> memref<1568xf32, #tpu.memory_space<hbm>>
        tpu.wait_dma2 semaphore(%run_scoped3A : memref<!tpu.dma_semaphore, #tpu.memory_space<semaphore_mem>>) src(%dma_wait3A_99 : memref<1568xf32, #tpu.memory_space<hbm>>) dst(%arg36 : memref<1568xf32, #tpu.memory_space<vmem>>)
        tpu.yield
      }) : () -> ()
      %broadcast_in_dim3A = arith.constant 0.000000e+00 : f32
      %broadcast_in_dim3A_84 = vector.broadcast %broadcast_in_dim3A : f32 to vector<16xf32>
      %scan3A_85 = arith.constant 0 : i32
      %scan3A_86 = arith.constant 14 : i32
      %scan3A_87 = arith.addi %scan3A_85, %scan3A_86 : i32
      %scan3A_88 = arith.constant 1 : i32
      %scan3A_89 = scf.for %scan3A_96 = %scan3A_85 to %scan3A_87 step %scan3A_88 iter_args(%scan3A_97 = %broadcast_in_dim3A_84) -> (vector<16xf32>)  : i32 {
        %mul3A_98 = arith.constant 7 : i32
        %mul3A_99 = arith.muli %scan3A_96, %mul3A_98 : i32
        %add3A_100 = arith.constant 0 : i32
        %add3A_101 = arith.addi %mul3A_99, %add3A_100 : i32
        %mul3A_102 = arith.constant 16 : i32
        %mul3A_103 = arith.muli %add3A_101, %mul3A_102 : i32
        %get3A = arith.index_cast %mul3A_103 : i32 to index
        %get3A_104 = tpu.vector_load %arg32[%get3A] {strides = array<i32>} : memref<1568xf32, #tpu.memory_space<vmem>>, vector<16xf32>,
        %get3A_105 = arith.index_cast %mul3A_103 : i32 to index
        %get3A_106 = tpu.vector_load %arg35[%get3A_105] {strides = array<i32>} : memref<1568xf32, #tpu.memory_space<vmem>>, vector<16xf32>,
        %get3A_107 = arith.index_cast %mul3A_103 : i32 to index
        %get3A_108 = tpu.vector_load %arg36[%get3A_107] {strides = array<i32>} : memref<1568xf32, #tpu.memory_space<vmem>>, vector<16xf32>,
        %add3A_109 = arith.addf %get3A_106, %get3A_108 : vector<16xf32>
        %sub3A = arith.subf %get3A_104, %add3A_109 : vector<16xf32>
        %abs3A = math.absf %sub3A : vector<16xf32>
        %add3A_110 = arith.addf %scan3A_97, %abs3A : vector<16xf32>
        %mul3A_111 = arith.constant 7 : i32
        %mul3A_112 = arith.muli %scan3A_96, %mul3A_111 : i32
        %add3A_113 = arith.constant 1 : i32
        %add3A_114 = arith.addi %mul3A_112, %add3A_113 : i32
        %mul3A_115 = arith.constant 16 : i32
        %mul3A_116 = arith.muli %add3A_114, %mul3A_115 : i32
        %get3A_117 = arith.index_cast %mul3A_116 : i32 to index
        %get3A_118 = tpu.vector_load %arg32[%get3A_117] {strides = array<i32>} : memref<1568xf32, #tpu.memory_space<vmem>>, vector<16xf32>,
        %get3A_119 = arith.index_cast %mul3A_116 : i32 to index
        %get3A_120 = tpu.vector_load %arg35[%get3A_119] {strides = array<i32>} : memref<1568xf32, #tpu.memory_space<vmem>>, vector<16xf32>,
        %get3A_121 = arith.index_cast %mul3A_116 : i32 to index
        %get3A_122 = tpu.vector_load %arg36[%get3A_121] {strides = array<i32>} : memref<1568xf32, #tpu.memory_space<vmem>>, vector<16xf32>,
        %add3A_123 = arith.addf %get3A_120, %get3A_122 : vector<16xf32>
        %sub3A_124 = arith.subf %get3A_118, %add3A_123 : vector<16xf32>
        %abs3A_125 = math.absf %sub3A_124 : vector<16xf32>
        %add3A_126 = arith.addf %add3A_110, %abs3A_125 : vector<16xf32>
        %mul3A_127 = arith.constant 7 : i32
        %mul3A_128 = arith.muli %scan3A_96, %mul3A_127 : i32
        %add3A_129 = arith.constant 2 : i32
        %add3A_130 = arith.addi %mul3A_128, %add3A_129 : i32
        %mul3A_131 = arith.constant 16 : i32
        %mul3A_132 = arith.muli %add3A_130, %mul3A_131 : i32
        %get3A_133 = arith.index_cast %mul3A_132 : i32 to index
        %get3A_134 = tpu.vector_load %arg32[%get3A_133] {strides = array<i32>} : memref<1568xf32, #tpu.memory_space<vmem>>, vector<16xf32>,
        %get3A_135 = arith.index_cast %mul3A_132 : i32 to index
        %get3A_136 = tpu.vector_load %arg35[%get3A_135] {strides = array<i32>} : memref<1568xf32, #tpu.memory_space<vmem>>, vector<16xf32>,
        %get3A_137 = arith.index_cast %mul3A_132 : i32 to index
        %get3A_138 = tpu.vector_load %arg36[%get3A_137] {strides = array<i32>} : memref<1568xf32, #tpu.memory_space<vmem>>, vector<16xf32>,
        %add3A_139 = arith.addf %get3A_136, %get3A_138 : vector<16xf32>
        %sub3A_140 = arith.subf %get3A_134, %add3A_139 : vector<16xf32>
        %abs3A_141 = math.absf %sub3A_140 : vector<16xf32>
        %add3A_142 = arith.addf %add3A_126, %abs3A_141 : vector<16xf32>
        %mul3A_143 = arith.constant 7 : i32
        %mul3A_144 = arith.muli %scan3A_96, %mul3A_143 : i32
        %add3A_145 = arith.constant 3 : i32
        %add3A_146 = arith.addi %mul3A_144, %add3A_145 : i32
        %mul3A_147 = arith.constant 16 : i32
        %mul3A_148 = arith.muli %add3A_146, %mul3A_147 : i32
        %get3A_149 = arith.index_cast %mul3A_148 : i32 to index
        %get3A_150 = tpu.vector_load %arg32[%get3A_149] {strides = array<i32>} : memref<1568xf32, #tpu.memory_space<vmem>>, vector<16xf32>,
        %get3A_151 = arith.index_cast %mul3A_148 : i32 to index
        %get3A_152 = tpu.vector_load %arg35[%get3A_151] {strides = array<i32>} : memref<1568xf32, #tpu.memory_space<vmem>>, vector<16xf32>,
        %get3A_153 = arith.index_cast %mul3A_148 : i32 to index
        %get3A_154 = tpu.vector_load %arg36[%get3A_153] {strides = array<i32>} : memref<1568xf32, #tpu.memory_space<vmem>>, vector<16xf32>,
        %add3A_155 = arith.addf %get3A_152, %get3A_154 : vector<16xf32>
        %sub3A_156 = arith.subf %get3A_150, %add3A_155 : vector<16xf32>
        %abs3A_157 = math.absf %sub3A_156 : vector<16xf32>
        %add3A_158 = arith.addf %add3A_142, %abs3A_157 : vector<16xf32>
        %mul3A_159 = arith.constant 7 : i32
        %mul3A_160 = arith.muli %scan3A_96, %mul3A_159 : i32
        %add3A_161 = arith.constant 4 : i32
        %add3A_162 = arith.addi %mul3A_160, %add3A_161 : i32
        %mul3A_163 = arith.constant 16 : i32
        %mul3A_164 = arith.muli %add3A_162, %mul3A_163 : i32
        %get3A_165 = arith.index_cast %mul3A_164 : i32 to index
        %get3A_166 = tpu.vector_load %arg32[%get3A_165] {strides = array<i32>} : memref<1568xf32, #tpu.memory_space<vmem>>, vector<16xf32>,
        %get3A_167 = arith.index_cast %mul3A_164 : i32 to index
        %get3A_168 = tpu.vector_load %arg35[%get3A_167] {strides = array<i32>} : memref<1568xf32, #tpu.memory_space<vmem>>, vector<16xf32>,
        %get3A_169 = arith.index_cast %mul3A_164 : i32 to index
        %get3A_170 = tpu.vector_load %arg36[%get3A_169] {strides = array<i32>} : memref<1568xf32, #tpu.memory_space<vmem>>, vector<16xf32>,
        %add3A_171 = arith.addf %get3A_168, %get3A_170 : vector<16xf32>
        %sub3A_172 = arith.subf %get3A_166, %add3A_171 : vector<16xf32>
        %abs3A_173 = math.absf %sub3A_172 : vector<16xf32>
        %add3A_174 = arith.addf %add3A_158, %abs3A_173 : vector<16xf32>
        %mul3A_175 = arith.constant 7 : i32
        %mul3A_176 = arith.muli %scan3A_96, %mul3A_175 : i32
        %add3A_177 = arith.constant 5 : i32
        %add3A_178 = arith.addi %mul3A_176, %add3A_177 : i32
        %mul3A_179 = arith.constant 16 : i32
        %mul3A_180 = arith.muli %add3A_178, %mul3A_179 : i32
        %get3A_181 = arith.index_cast %mul3A_180 : i32 to index
        %get3A_182 = tpu.vector_load %arg32[%get3A_181] {strides = array<i32>} : memref<1568xf32, #tpu.memory_space<vmem>>, vector<16xf32>,
        %get3A_183 = arith.index_cast %mul3A_180 : i32 to index
        %get3A_184 = tpu.vector_load %arg35[%get3A_183] {strides = array<i32>} : memref<1568xf32, #tpu.memory_space<vmem>>, vector<16xf32>,
        %get3A_185 = arith.index_cast %mul3A_180 : i32 to index
        %get3A_186 = tpu.vector_load %arg36[%get3A_185] {strides = array<i32>} : memref<1568xf32, #tpu.memory_space<vmem>>, vector<16xf32>,
        %add3A_187 = arith.addf %get3A_184, %get3A_186 : vector<16xf32>
        %sub3A_188 = arith.subf %get3A_182, %add3A_187 : vector<16xf32>
        %abs3A_189 = math.absf %sub3A_188 : vector<16xf32>
        %add3A_190 = arith.addf %add3A_174, %abs3A_189 : vector<16xf32>
        %mul3A_191 = arith.constant 7 : i32
        %mul3A_192 = arith.muli %scan3A_96, %mul3A_191 : i32
        %add3A_193 = arith.constant 6 : i32
        %add3A_194 = arith.addi %mul3A_192, %add3A_193 : i32
        %mul3A_195 = arith.constant 16 : i32
        %mul3A_196 = arith.muli %add3A_194, %mul3A_195 : i32
        %get3A_197 = arith.index_cast %mul3A_196 : i32 to index
        %get3A_198 = tpu.vector_load %arg32[%get3A_197] {strides = array<i32>} : memref<1568xf32, #tpu.memory_space<vmem>>, vector<16xf32>,
        %get3A_199 = arith.index_cast %mul3A_196 : i32 to index
        %get3A_200 = tpu.vector_load %arg35[%get3A_199] {strides = array<i32>} : memref<1568xf32, #tpu.memory_space<vmem>>, vector<16xf32>,
        %get3A_201 = arith.index_cast %mul3A_196 : i32 to index
        %get3A_202 = tpu.vector_load %arg36[%get3A_201] {strides = array<i32>} : memref<1568xf32, #tpu.memory_space<vmem>>, vector<16xf32>,
        %add3A_203 = arith.addf %get3A_200, %get3A_202 : vector<16xf32>
        %sub3A_204 = arith.subf %get3A_198, %add3A_203 : vector<16xf32>
        %abs3A_205 = math.absf %sub3A_204 : vector<16xf32>
        %add3A_206 = arith.addf %add3A_190, %abs3A_205 : vector<16xf32>
        scf.yield %add3A_206 : vector<16xf32>
      }
      %scan3A_90 = arith.constant 14 : i32
      %reduce_sum3A = arith.constant true
      %reduce_sum3A_91 = vector.broadcast %reduce_sum3A : i1 to vector<16xi1>
      %reduce_sum3A_92 = tpu.scan <sum>, %scan3A_89 masked %reduce_sum3A_91 : vector<16xf32>, vector<16xi1> -> vector<16xf32>
      %reduce_sum3A_93 = vector.extract %reduce_sum3A_92[15] : f32 from vector<16xf32>
      %broadcast_in_dim3A_94 = vector.broadcast %reduce_sum3A_93 : f32 to vector<16xf32>
      %swap3A = arith.constant 0 : index
      %swap3A_95 = tpu.vector_load %arg43[%swap3A] {strides = array<i32>} : memref<16xf32, #tpu.memory_space<vmem>>, vector<16xf32>,
      tpu.vector_store %arg43[%swap3A], %broadcast_in_dim3A_94 {strides = array<i32>} : memref<16xf32, #tpu.memory_space<vmem>>, vector<16xf32>,
      "tpu.region"() ({
        %run_scoped3A = tpu.sem_alloc : memref<!tpu.dma_semaphore, #tpu.memory_space<semaphore_mem>>
        %dma_start3A_96 = arith.constant 0 : i32
        %dma_start3A_97 = tpu.memref_slice %arg11[%scan3A_16, %add3A, %dma_start3A_96] : memref<11x32x16xf32, #tpu.memory_space<hbm>> -> memref<1x1x16xf32, #tpu.memory_space<hbm>>
        %dma_start3A_98 = tpu.memref_squeeze %dma_start3A_97 : memref<1x1x16xf32, #tpu.memory_space<hbm>> -> memref<16xf32, #tpu.memory_space<hbm>>
        %dma_start3A_99 = arith.constant 0 : i32
        %dma_start3A_100 = tpu.memref_slice %arg11[%scan3A_16, %add3A, %dma_start3A_99] : memref<11x32x16xf32, #tpu.memory_space<hbm>> -> memref<1x1x16xf32, #tpu.memory_space<hbm>>
        %dma_start3A_101 = tpu.memref_squeeze %dma_start3A_100 : memref<1x1x16xf32, #tpu.memory_space<hbm>> -> memref<16xf32, #tpu.memory_space<hbm>>
        tpu.enqueue_dma source(%arg43 : memref<16xf32, #tpu.memory_space<vmem>>) target(%dma_start3A_101 : memref<16xf32, #tpu.memory_space<hbm>>) target_semaphore(%run_scoped3A : memref<!tpu.dma_semaphore, #tpu.memory_space<semaphore_mem>>)
        %dma_wait3A_102 = arith.constant 0 : i32
        %dma_wait3A_103 = tpu.memref_slice %arg11[%scan3A_16, %add3A, %dma_wait3A_102] : memref<11x32x16xf32, #tpu.memory_space<hbm>> -> memref<1x1x16xf32, #tpu.memory_space<hbm>>
        %dma_wait3A_104 = tpu.memref_squeeze %dma_wait3A_103 : memref<1x1x16xf32, #tpu.memory_space<hbm>> -> memref<16xf32, #tpu.memory_space<hbm>>
        %dma_wait3A_105 = arith.constant 0 : i32
        %dma_wait3A_106 = tpu.memref_slice %arg11[%scan3A_16, %add3A, %dma_wait3A_105] : memref<11x32x16xf32, #tpu.memory_space<hbm>> -> memref<1x1x16xf32, #tpu.memory_space<hbm>>
        %dma_wait3A_107 = tpu.memref_squeeze %dma_wait3A_106 : memref<1x1x16xf32, #tpu.memory_space<hbm>> -> memref<16xf32, #tpu.memory_space<hbm>>
        tpu.wait_dma2 semaphore(%run_scoped3A : memref<!tpu.dma_semaphore, #tpu.memory_space<semaphore_mem>>) src(%arg43 : memref<16xf32, #tpu.memory_space<vmem>>) dst(%dma_wait3A_107 : memref<16xf32, #tpu.memory_space<hbm>>)
        tpu.yield
      }) : () -> ()
    }
    %scan3A_15 = arith.constant 11 : i32
    return
  }
}

</mosaic_0001>

<sc_bundles>
// kernel: kernel.3.cloned.1.call-start
scs
__scs_entry_jumppad:
0x0: {  	(pc) =	sbr.rel $0x88, $3  }
0x1: {  	(tag) =	ssettag $0x0;
	lr =	simm.s32 $0x1  }
0x2: {  	[smem:$0x3F9B] =	sst lr;
	_ =	strace $0xD0000000  }
0x3: {  	_ = 	snop  }
0x4: {  	_ = 	snop  }
0x5: {  	_ = 	snop  }
0x6: {  	_ = 	snop  }
0x7: {  	_ = 	snop  }
__scs_overlays_trampoline_lowered:
0x8: {  	[smem:$0x3FAA] =	sst s0  }
0x9: {  	[smem:$0x3FAB] =	sst s1  }
0xa: {  	[smem:$0x3FAC] =	sst s2  }
0xb: {  	[smem:$0x3FAD] =	sst s3  }
0xc: {  	[smem:$0x3FAE] =	sst s4  }
0xd: {  	[smem:$0x3FAF] =	sst s5  }
0xe: {  	[smem:$0x3FB0] =	sst s6  }
0xf: {  	[smem:$0x3FB1] =	sst s7  }
0x10: {  	[smem:$0x3FB2] =	sst s8  }
0x11: {  	[smem:$0x3FB3] =	sst s9;
	s0 =	simm.s32 @!p0 $0x0  }
0x12: {  	s1 =	sld [smem:$0x3F99];
	s0 =	simm.s32 @p0 $0x1  }
0x13: {  	[smem:$0x3FB4] =	sst s0;
	s0 =	simm.s32 @!p1 $0x0  }
0x14: {  	s2 =	sld [smem:$0x3F98];
	s0 =	simm.s32 @p1 $0x1  }
0x15: {  	[smem:$0x3FB5] =	sst s0;
	s0 =	simm.s32 @!p2 $0x0  }
0x16: {  	s3 =	sld [smem:$0x3FDB];
	s0 =	simm.s32 @p2 $0x1  }
0x17: {  	s4 =	simm.s32 $0x1BF5;
	[smem:$0x3FB7] =	sst s0  }
0x18: {  	s0 =	sld [smem:$0x3F9A];
	_ =	swait.ge [sflag:s4], $0x0  }
0x19: {  	s7 =	sld [smem:$0x3F9B]  }
0x1a: {  	s8 =	sadd.s32 $0xFFFFE003, lr  }
0x1b: {  	s9 =	sadd.s32 $0xFFFFFEF7, lr;
	s5 =	simm.s32 $0xFFFFFFFF;
	p2 =	slt.u32 s8, $0xFFFFF086  }
0x1c: {  	p1 =	slt.u32 s9, $0xF7A;
	s5 =	simm.s32 @!p2 $0x0  }
0x1d: {  	s5 =	simm.s32 @p1 $0x1;
	p0 =	seq.s32 s7, s2  }
0x1e: {  	s7 =	smul.u32 @!p0 $0xF7A, s2;
	p2 =	seq.s32 @!p0 s5, $0x0  }
0x1f: {  	s9 =	smul.u32 $0xF7A, s1;
	s8 =	simm.s32 @!p0 $0x1BF5;
	p2 =	por !p2, p0  }
0x20: {  	[sflag:s8] =	ssyncset.s32 @!p0 $0xFFFFF086;
	s6 =	sadd.s32 @!p0 s3, s7;
	s7 =	simm.s32 @!p0 $0x108  }
0x21: {  	s3 =	sadd.s32 s3, s9;
	s6 =	sadd.s32 @!p0 $0x88, s6;
	s7 =	simm.s32 @p2 $0x1082  }
0x22: {  	[simem:s7], [sflag:s8] =	dma.local @!p0 [hbm:s6], $0xF7A  }
0x23: {  	s9 =	sor.u32 $0xD0000000, s2;
	s6 =	simm.s32 $0x108;
	_ =	swait.ge @!p0 [sflag:s8], $0x0  }
0x24: {  	s3 =	sadd.s32 $0x88, s3;
	s6 =	simm.s32 @!p1 $0x1082;
	[sflag:s4] =	ssyncset.s32 $0xFFFFF086  }
0x25: {  	[simem:s6], [sflag:s4] =	dma.local [hbm:s3], $0xF7A  }
0x26: {  	[smem:$0x3F9B] =	sst s1;
	(tag) =	ssettag s2;
	_ =	strace s9  }
0x27: {  	s1 =	sld [smem:$0x3FAB]  }
0x28: {  	s2 =	sld [smem:$0x3FAC]  }
0x29: {  	s4 =	sld [smem:$0x3FAE]  }
0x2a: {  	p0 =	seq.s32 s5, $0x0;
	s5 =	sld [smem:$0x3FAF]  }
0x2b: {  	s6 =	sld [smem:$0x3FB0]  }
0x2c: {  	s7 =	sld [smem:$0x3FB1]  }
0x2d: {  	s3 =	simm.s32 $0x108;
	s8 =	sld [smem:$0x3FB2]  }
0x2e: {  	s3 =	simm.s32 @!p0 $0x1082;
	s9 =	sld [smem:$0x3FB3]  }
0x2f: {  	lr =	sadd.s32 s0, s3;
	s0 =	sld [smem:$0x3FAA]  }
0x30: {  	s3 =	sld [smem:$0x3FAD]  }
0x31: {  	[smem:$0x3FB6] =	sst s10  }
0x32: {  	s10 =	sld [smem:$0x3FB4];
	_ =	sdelay $0x3  }
0x33: {  	p0 =	seq.s32 s10, $0x1;
	s10 =	sld [smem:$0x3FB6];
	_ =	sdelay $0x3  }
0x34: {  	[smem:$0x3FB6] =	sst s10  }
0x35: {  	s10 =	sld [smem:$0x3FB5];
	_ =	sdelay $0x3  }
0x36: {  	p1 =	seq.s32 s10, $0x1;
	s10 =	sld [smem:$0x3FB6];
	_ =	sdelay $0x3  }
0x37: {  	[smem:$0x3FB6] =	sst s10  }
0x38: {  	s10 =	sld [smem:$0x3FB7]  }
0x39: {  	_ = 	snop;
	(pc) =	sbr.ind lr, $3  }
0x3a: {  	_ = 	snop  }
0x3b: {  	_ = 	snop  }
0x3c: {  	p2 =	seq.s32 s10, $0x1;
	s10 =	sld [smem:$0x3FB6]  }
0x3d: {  	_ =	shalt  }
0x3e: {  	_ =	shalt  }
0x3f: {  	_ =	shalt  }
0x40: {  	_ =	shalt  }
0x41: {  	_ =	shalt  }
0x42: {  	_ =	shalt  }
0x43: {  	_ =	shalt  }
0x44: {  	_ =	shalt  }
0x45: {  	_ =	shalt  }
0x46: {  	_ =	shalt  }
0x47: {  	_ =	shalt  }
0x48: {  	_ =	shalt  }
0x49: {  	_ =	shalt  }
0x4a: {  	_ =	shalt  }
0x4b: {  	_ =	shalt  }
0x4c: {  	_ =	shalt  }
0x4d: {  	_ =	shalt  }
0x4e: {  	_ =	shalt  }
0x4f: {  	_ =	shalt  }
0x50: {  	_ =	shalt  }
0x51: {  	_ =	shalt  }
0x52: {  	_ =	shalt  }
0x53: {  	_ =	shalt  }
0x54: {  	_ =	shalt  }
0x55: {  	_ =	shalt  }
0x56: {  	_ =	shalt  }
0x57: {  	_ =	shalt  }
0x58: {  	_ =	shalt  }
0x59: {  	_ =	shalt  }
0x5a: {  	_ =	shalt  }
0x5b: {  	_ =	shalt  }
0x5c: {  	_ =	shalt  }
0x5d: {  	_ =	shalt  }
0x5e: {  	_ =	shalt  }
0x5f: {  	_ =	shalt  }
0x60: {  	_ =	shalt  }
0x61: {  	_ =	shalt  }
0x62: {  	_ =	shalt  }
0x63: {  	_ =	shalt  }
0x64: {  	_ =	shalt  }
0x65: {  	_ =	shalt  }
0x66: {  	_ =	shalt  }
0x67: {  	_ =	shalt  }
0x68: {  	_ =	shalt  }
0x69: {  	_ =	shalt  }
0x6a: {  	_ =	shalt  }
0x6b: {  	_ =	shalt  }
0x6c: {  	_ =	shalt  }
0x6d: {  	_ =	shalt  }
0x6e: {  	_ =	shalt  }
0x6f: {  	_ =	shalt  }
0x70: {  	_ =	shalt  }
0x71: {  	_ =	shalt  }
0x72: {  	_ =	shalt  }
0x73: {  	_ =	shalt  }
0x74: {  	_ =	shalt  }
0x75: {  	_ =	shalt  }
0x76: {  	_ =	shalt  }
0x77: {  	_ =	shalt  }
0x78: {  	_ =	shalt  }
0x79: {  	_ =	shalt  }
0x7a: {  	_ =	shalt  }
0x7b: {  	_ =	shalt  }
0x7c: {  	_ =	shalt  }
0x7d: {  	_ =	shalt  }
0x7e: {  	_ =	shalt  }
0x7f: {  	_ =	shalt  }
0x80: {  	_ =	shalt  }
0x81: {  	_ =	shalt  }
0x82: {  	_ =	shalt  }
0x83: {  	_ =	shalt  }
0x84: {  	_ =	shalt  }
0x85: {  	_ =	shalt  }
0x86: {  	_ =	shalt  }
0x87: {  	_ =	shalt  }
.Lfunc_end0:
.L_simem_size_0:
called_computation_lowered:
.L_overlay_start_0:
0x88: {  	s2 =	sld [smem:$0x3FD9]  }
0x89: {  	s3 =	sld [smem:$0x3FFE];
	_ =	sdelay $0x1  }
0x8a: {  	s1 =	srdreg.scid  }
0x8b: {  	s0 =	sand.u32 $0x1, s1  }
0x8c: {  	s14 =	sshll.u32 s0, $0xA;
	s2 =	sadd.s32 s3, s2  }
0x8d: {  	s2 =	sadd.s32 s2, s14  }
0x8e: {  	[smem:$0x3FC2] =	sst s2  }
0x8f: {  	_ = 	snop  }
0x90: {  	s2 =	sld [smem:$0x3FD0];
	_ =	sdelay $0x2  }
0x91: {  	s15 =	simm.s32 $0xA;
	s4 =	simm.s32 $0x10  }
0x92: {  	[smem:s4], [sflag:s15] =	dma.local [hbm:s2], $0x1  }
0x93: {  	_ =	swait.eq [sflag:s15], $0x1  }
0x94: {  	[sflag:s15] =	ssyncset.done $0x0  }
0x95: {  	[sflag:s15] =	ssyncadd.s32 $0xFFFFFFFF  }
0x96: {  	s16 =	sld [smem:$0x11];
	(tm) =	ssettm $0x1  }
0x97: {  	s17 =	sld [smem:$0x3FFB];
	_ =	sdelay $0x3  }
0x98: {  	_ =	strace s17  }
0x99: {  	s3 =	sld [smem:$0x3FFC];
	_ =	sdelay $0x3  }
0x9a: {  	_ =	strace s3  }
0x9b: {  	s3 =	sld [smem:$0x3FFD];
	_ =	sdelay $0x3  }
0x9c: {  	_ =	strace s3  }
0x9d: {  	_ =	strace $0x8FFFFFFF  }
0x9e: {  	s18 =	sld [smem:$0x3FDB];
	_ =	sdelay $0x1  }
0x9f: {  	s19 =	simm.s32 $_scs_section_size  }
0xa0: {  	s5 =	simm.s32 $_size__tile_overlayer_lowered;
	s6 =	simm.s32 $_tile_overlayer_lowered  }
0xa1: {  	s22 =	simm.s32 $0x1BFF;
	s21 =	sshll.u32 s6, $0x1;
	s3 =	sadd.s32 s19, s18  }
0xa2: {  	s7 =	simm.s32 $0x0;
	s20 =	sshll.u32 s5, $0x1;
	s5 =	sadd.s32 s21, s3  }
0xa3: {  	[timem:s7], [sflag:s22] =	dma.local [hbm:s5], s20  }
0xa4: {  	_ =	swait.ge [sflag:s22], s20  }
0xa5: {  	s4 =	ssub.s32 $0x0, s20;
	[sflag:s22] =	ssyncset.done $0x0  }
0xa6: {  	[sflag:s22] =	ssyncadd.s32 s4;
	_ =	sdelay $0x1  }
0xa7: {  	s23 =	simm.s32 $0x1B8B  }
0xa8: {  	_ =	swait.ge [sflag:s23], $0x1  }
0xa9: {  	[sflag:s23] =	ssyncset.done $0x0  }
0xaa: {  	s25 =	simm.s32 $0x1B8E;
	s24 =	sld [smem:$0x3FFE];
	[sflag:s23] =	ssyncadd.s32 $0xFFFFFFFF  }
0xab: {  	s26 =	simm.s32 $execute0_lowered;
	[smem:$0x3FD2] =	sst s25  }
0xac: {  	s5 =	sshll.u32 s26, $0x1;
	_ =	strace $0x80000046;
	[dreg:$0x1] =	wrdreg $0xFFFFFFFF  }
0xad: {  	s28 =	simm.s32 $_size_execute0_lowered;
	s3 =	sadd.s32 s3, s5;
	[dreg:$0x0] =	wrdreg $0x0  }
0xae: {  	s5 =	sshll.u32 s28, $0x1;
	[dreg:$0x2] =	wrdreg s3  }
0xaf: {  	[dreg:$0x3] =	wrdreg s5  }
0xb0: {  	[dreg:$0x4] =	wrdreg $0xC0  }
0xb1: {  	_ =	task [dreg:s7], $0x5FFFF  }
0xb2: {  	[dreg:$0x1] =	wrdreg $0xFFFFFFFF  }
0xb3: {  	[dreg:$0x0] =	wrdreg $0x60  }
0xb4: {  	[dreg:$0x2] =	wrdreg s24  }
0xb5: {  	[dreg:$0x3] =	wrdreg s16  }
0xb6: {  	[dreg:$0x4] =	wrdreg $0xC4000  }
0xb7: {  	[dreg:$0x5] =	wrdreg $0x9  }
0xb8: {  	_ =	task.clear_ibuf [dreg:s7], $0x6FFFF;
	_ =	strace $0x90000046  }
0xb9: {  	s29 =	simm.s32 $0x9;
	_ =	strace $0x80000048  }
0xba: {  	_ =	swait.ge [sflag:s29], $0x1  }
0xbb: {  	[sflag:s29] =	ssyncadd.s32 $0xFFFFFFFF  }
0xbc: {  	_ =	strace $0x90000048  }
0xbd: {  	_ =	sfence  }
0xbe: {  	s30 =	sld [smem:$0x0];
	_ =	sdelay $0x2  }
0xbf: {  	s31 =	sshll.u32 s1, $0xD;
	s1 =	sshrl.u32 s1, $0x2  }
0xc0: {  	s3 =	sand.u32 $0x4000, s31;
	s1 =	sadd.s32 s1, s30  }
0xc1: {  	s0 =	sor.u32 s3, s0;
	s1 =	sshll.u32 s1, $0x11  }
0xc2: {  	s0 =	sor.u32 s1, s0  }
0xc3: {  	s0 =	sadd.s32 $0x8F2B, s0  }
0xc4: {  	[sflag:s0] =	ssyncadd.remote.s32 $0x1  }
0xc5: {  	_ =	sfence.sel $0xFFFF  }
0xc6: {  	[dreg:$0x0] =	wrdreg $0xFFFFFFFF;
	(pc) =	sbr.abs _section_cstart, $3  }
0xc7: {  	[dreg:$0x1] =	wrdreg $0xFFFFFFFF  }
0xc8: {  	_ =	task.clear_ibuf [dreg:s7], $0x2FFFF;
	_ =	strace $0x9FFFFFFF  }
0xc9: {  	(tm) =	ssettm $0x7FFFFFFF  }
tec
execute0_lowered:
.L_overlay_start_1:
0x0: {  	(tag) =	ssettag $0x1  }
0x1: {  	s0 =	rddreg [dreg:$0x0]  }
0x2: {  	s2 =	rddreg [dreg:$0x2];
	s3 =	simm.s32 $0x0;
	s1 =	srdreg.scid  }
0x3: {  	s9 =	stileid.u32;
	[smem:$0x7FF] =	sst s3  }
0x4: {  	s8 =	sand.u32 $0x1, s1;
	s4 =	sadd.s32 $0x1A00, s0;
	s5 =	sadd.s32 $0x67A00, s0  }
0x5: {  	s6 =	sadd.s32 $0x34A00, s0;
	s11 =	sshll.u32 s9, $0x4;
	s13 =	smul.u32 $0xC40, s9  }
0x6: {  	s23 =	sadd.s32 $0xA2A00, s0;
	s16 =	sadd.s32 $0x9DE00, s0;
	s18 =	smul.u32 $0x6600, s9  }
0x7: {  	s20 =	smul.u32 $0xCC00, s9;
	p0 =	sne.s32 s9, $0x0;
	p1 =	seq.s32 s9, $0x0  }
0x8: {  	_ =	strace $0x80000047;
	s7 =	sshll.u32 s8, $0x4;
	s15 =	smul.u32 $0x66000, s8  }
0x9: {  	s11 =	sand.u32 $0x70, s11;
	s14 =	ssub.s32 $0x2, s8;
	s26 =	smul.u32 $0xCC000, s8  }
0xa: {  	[dreg:$0x8] =	wrdreg s23;
	s10 =	sor.u32 s9, s7;
	s7 =	sadd.s32 $0x81200, s0  }
0xb: {  	s11 =	sadd.s32 s11, s0;
	s17 =	sshrl.u32 s14, $0x1;
	s12 =	smul.u32 $0x620, s10  }
0xc: {  	s14 =	ssub.s32 s14, s17;
	s17 =	smul.u32 $0xCC00, s10;
	s19 =	sshll.u32 s10, $0x4  }
0xd: {  	s18 =	sadd.s32 s18, s15;
	s20 =	sadd.s32 s20, s26;
	s26 =	smul.u32 $0x6600, s10  }
0xe: {  	s19 =	sand.u32 $0x180, s19;
	s21 =	sadd.s32 $0x400, s18;
	s22 =	sadd.s32 $0x200, s18  }
0xf: {  	s18 =	sadd.s32 $0x600, s18;
	s12 =	sshrl.u32 s12, $0x3;
	s19 =	sadd.s32 s19, s11  }
0x10: {  	s30 =	sshrl.u32 s21, $0x3;
	s11 =	sadd.s32 s13, s2;
	[dreg:$0x18] =	wrdreg s18  }
0x11: {  	s21 =	sshrl.u32 s22, $0x3;
	s24 =	sadd.s32 s30, s5;
	[dreg:$0xb] =	wrdreg s11  }
0x12: {  	s22 =	sand.u32 $0x2, s1;
	s25 =	sadd.s32 s21, s5;
	[dreg:$0x4] =	wrdreg s24  }
0x13: {  	s10 =	sshrl.u32 s17, $0x3;
	s30 =	sadd.s32 s30, s7;
	[dreg:$0x5] =	wrdreg s25  }
0x14: {  	s22 =	ssub.s32 s22, s8;
	s15 =	sadd.s32 s4, s10;
	[dreg:$0x6] =	wrdreg s30  }
0x15: {  	s17 =	sadd.s32 s21, s7;
	s9 =	sadd.s32 s23, s12;
	[dreg:$0xc] =	wrdreg s15  }
0x16: {  	s24 =	sadd.s32 $0xA1000, s0;
	s25 =	sadd.s32 s0, s12;
	[dreg:$0x7] =	wrdreg s17  }
0x17: {  	s0 =	sshrl.u32 s26, $0x3;
	s26 =	sadd.s32 $0x5, s22;
	[dreg:$0x13] =	wrdreg s9  }
0x18: {  	[dreg:$0x10] =	wrdreg s26  }
0x19: {  	s29 =	simm.s32 $0xDC40;
	s31 =	simm.s32 $0x3;
	[dreg:$0x9] =	wrdreg s24  }
0x1a: {  	s28 =	simm.s32 $0xE640;
	s15 =	sshrl.u32 s1, $0x2;
	[dreg:$0xa] =	wrdreg s25  }
0x1b: {  	s18 =	simm.s32 $0x200;
	s21 =	sadd.s32 s5, s0;
	[dreg:$0xf] =	wrdreg s15  }
0x1c: {  	s8 =	smul.u32 $0xC400, s8;
	s30 =	sadd.s32 s24, s12;
	[dreg:$0xd] =	wrdreg s21  }
0x1d: {  	s17 =	sadd.s32 $0x800, s20;
	s0 =	sadd.s32 s7, s0;
	[dreg:$0x12] =	wrdreg s30  }
0x1e: {  	s8 =	sadd.s32 s13, s8;
	s13 =	sadd.s32 $0xA4400, s19;
	[dreg:$0x15] =	wrdreg s0  }
0x1f: {  	s19 =	sadd.s32 $0x400, s20;
	s20 =	sadd.s32 $0xC00, s20;
	[dreg:$0x16] =	wrdreg s13  }
0x20: {  	s9 =	simm.s32 $0xDE40;
	s24 =	sadd.s32 $0x9C400, s25;
	[dreg:$0x19] =	wrdreg s20  }
0x21: {  	s26 =	sadd.s32 $0x9AA00, s25;
	s8 =	sshrl.u32 s8, $0x3;
	[dreg:$0x1e] =	wrdreg s24  }
0x22: {  	s0 =	sshrl.u32 s17, $0x3;
	s1 =	sshrl.u32 s19, $0x3;
	[dreg:$0x1f] =	wrdreg s26  }
0x23: {  	s13 =	simm.s32 $0x115C0;
	s26 =	simm.s32 $0x1;
	s8 =	sadd.s32 s16, s8  }
0x24: {  	s19 =	simm.s32 $0xE240;
	s21 =	sadd.s32 s0, s4;
	[dreg:$0xe] =	wrdreg s8  }
0x25: {  	s20 =	simm.s32 $0x2;
	s0 =	sadd.s32 s0, s6;
	[dreg:$0x1a] =	wrdreg s21  }
0x26: {  	s22 =	sadd.s32 s1, s4;
	s23 =	sadd.s32 s1, s6;
	[dreg:$0x1b] =	wrdreg s0  }
0x27: {  	s8 =	sadd.s32 s16, s12;
	s12 =	sadd.s32 s6, s10;
	[dreg:$0x1c] =	wrdreg s22  }
.Ltmp0:
0x28: {  	s16 =	smax.u32 s14, $0x1;
	[dreg:$0x1d] =	wrdreg s23;
	(pc) =	sbr.rel .LBB2_1-.Ltmp0, $4  }
0x29: {  	s23 =	simm.s32 $0x8;
	s21 =	simm.s32 $0xD840;
	[dreg:$0x14] =	wrdreg s12  }
0x2a: {  	s22 =	simm.s32 $0xE040;
	s0 =	simm.s32 $0xE440;
	[dreg:$0x17] =	wrdreg s16  }
0x2b: {  	s10 =	simm.s32 $0x0;
	[dreg:$0x11] =	wrdreg s8;
	s30 =	sadd.s32 $0x1880, s8  }
0x2c: {  	v0 =	vimm.f32 $0.0e+00;
	s8 =	simm.s32 $0xD440;
	s12 =	simm.s32 $0x4;
	[smem:$0x7FD] =	sst s30  }
.LBB2_19:
0x2d: {  	s10 =	sld [smem:$0x7FC];
	_ =	sdelay $0x2  }
0x2e: {  	s1 =	rddreg [dreg:$0x17];
	s10 =	sadd.s32 $0x1, s10  }
0x2f: {  	p2 =	sne.s32 s10, s1  }
.Ltmp1:
0x30: {  	_ = 	snop;
	(pc) =	sbr.rel @!p2 .LBB2_20-.Ltmp1, $1  }
0x31: {  	_ =	sdelay $0x3  }
.LBB2_1:
0x32: {  	[smem:$0x7FC] =	sst s10  }
0x33: {  	s1 =	rddreg [dreg:$0x1e];
	s30 =	simm.s32 $0xE840  }
0x34: {  	[tilespmem:s30], [sflag:$0x8] =	stream.linear.gather [hbm4b:s1+s3], $0x620, $0x38;
	[tilespmem:$0x13040] =	vst v63  }
0x35: {  	_ =	swait.ge [sflag:s23], $0x620  }
0x36: {  	[sflag:s23] =	ssyncset.done $0x0  }
0x37: {  	s16 =	simm.s32 $0xEEC0;
	s14 =	rddreg [dreg:$0x1f];
	[sflag:s23] =	ssyncadd.s32 $0xFFFFF9E0  }
0x38: {  	[tilespmem:s16], [sflag:$0x8] =	stream.linear.gather [hbm4b:s14+s3], $0x620, $0x38;
	[tilespmem:$0x13040] =	vst v63  }
0x39: {  	_ =	swait.ge [sflag:s23], $0x620  }
0x3a: {  	[sflag:s23] =	ssyncset.done $0x0  }
0x3b: {  	s24 =	simm.s32 $0xF540;
	s17 =	rddreg [dreg:$0xa];
	[sflag:s23] =	ssyncadd.s32 $0xFFFFF9E0  }
0x3c: {  	[tilespmem:s24], [sflag:$0x8] =	stream.linear.gather [hbm4b:s17+s3], $0x620, $0x38;
	[tilespmem:$0x13040] =	vst v63  }
0x3d: {  	_ =	swait.ge [sflag:s23], $0x620  }
0x3e: {  	[sflag:s23] =	ssyncset.done $0x0  }
0x3f: {  	[sflag:s23] =	ssyncadd.s32 $0xFFFFF9E0  }
0x40: {  	s30 =	simm.s32 $0x11640;
	s25 =	rddreg [dreg:$0x1]  }
0x41: {  	[tilespmem:s30], [sflag:$0x8] =	stream.linear.gather [hbm4b:s25+s3], $0x80, $0x38;
	[tilespmem:$0x13040] =	vst v63  }
0x42: {  	_ =	swait.ge [sflag:s23], $0x80  }
0x43: {  	[sflag:s23] =	ssyncset.done $0x0  }
0x44: {  	s1 =	simm.s32 $0x0;
	[sflag:s23] =	ssyncadd.s32 $0xFFFFFF80  }
.LBB2_2:
0x45: {  	p2 =	sne.s32 s1, $0x3000  }
.Ltmp2:
0x46: {  	s10 =	sshra.s32 s1, $0x2;
	(pc) =	sbr.rel @p2 .LBB2_2-.Ltmp2, $4  }
0x47: {  	[tilespmem:s10+$0x116C0] =	vst v0  }
0x48: {  	[tilespmem:s10+$0x116D0] =	vst v0  }
0x49: {  	[tilespmem:s10+$0x116E0] =	vst v0  }
0x4a: {  	s1 =	sadd.s32 $0x100, s1;
	[tilespmem:s10+$0x116F0] =	vst v0  }
0x4b: {  	s24 =	simm.s32 $0x0  }
.LBB2_4:
0x4c: {  	s1 =	simm.s32 $0x116C0;
	p2 =	seq.s32 s24, $0x0  }
0x4d: {  	[spmem:s11] =	stream.linear.scatter [tilespmem:s1], [sflag:$0x8], $0xC40, $0x38;
	[tilespmem:$0x13040] =	vst v63  }
.Ltmp3:
0x4e: {  	_ =	swait.ge [sflag:s23], $0xC40;
	(pc) =	sbr.rel @p2 .LBB2_8-.Ltmp3, $3  }
0x4f: {  	[sflag:s23] =	ssyncset.done $0x0  }
0x50: {  	[sflag:s23] =	ssyncadd.s32 $0xFFFFF3C0  }
0x51: {  	[bflag:$0x0] =	sbarrier.arrive $0xFFFF;
	_ =	sdelay $0x1  }
0x52: {  	s1 =	rddreg [dreg:$0xc]  }
0x53: {  	s30 =	rddreg [dreg:$0xd]  }
0x54: {  	s25 =	rddreg [dreg:$0x1c]  }
0x55: {  	s14 =	simm.s32 $0x0;
	s10 =	simm.s32 $0xD040;
	s17 =	rddreg [dreg:$0x1a]  }
0x56: {  	[tilespmem:s10], [sflag:$0x1] =	stream.linear.gather [hbm4b:s1+s14], $0x400, $0x38;
	[tilespmem:$0x13040] =	vst v63  }
0x57: {  	s1 =	rddreg [dreg:$0x19]  }
0x58: {  	s10 =	rddreg [dreg:$0x18]  }
0x59: {  	[tilespmem:s29], [sflag:$0x1] =	stream.linear.gather [hbm4b:s30+s14], $0x200, $0x38;
	[tilespmem:$0x13040] =	vst v63  }
.LBB2_6:
0x5a: {  	_ =	swait.ge [sflag:s26], $0x400  }
0x5b: {  	[sflag:s26] =	ssyncset.done $0x0  }
0x5c: {  	[sflag:s26] =	ssyncadd.s32 $0xFFFFFC00  }
0x5d: {  	_ =	swait.ge [sflag:s26], $0x200  }
0x5e: {  	p2 =	seq.s32 s14, $0x0;
	[sflag:s26] =	ssyncset.done $0x0  }
0x5f: {  	s30 =	simm.s32 @!p2 $0x5;
	[sflag:s26] =	ssyncadd.s32 $0xFFFFFE00  }
0x60: {  	_ =	swait.ge @!p2 [sflag:s30], $0x200  }
0x61: {  	[sflag:s30] =	ssyncset.done @!p2 $0x0  }
0x62: {  	s16 =	rddreg [dreg:$0x5];
	[sflag:s30] =	ssyncadd.s32 @!p2 $0xFFFFFE00  }
0x63: {  	[tilespmem:s8], [sflag:$0x2] =	stream.linear.gather [hbm4b:s25+s3], $0x400, $0x38;
	[tilespmem:$0x13040] =	vst v63  }
0x64: {  	s16 =	sadd.s32 s14, s16  }
0x65: {  	[tilespmem:s9], [sflag:$0x2] =	stream.linear.gather [hbm4b:s16+s3], $0x200, $0x38;
	[tilespmem:$0x13040] =	vst v63  }
0x66: {  	v1 =	vld [tilespmem:$0xD040];
	_ =	sdelay $0x5  }
0x67: {  	v2 =	vld [tilespmem:$0xD240]  }
0x68: {  	v3 =	vld [tilespmem:$0xD050]  }
0x69: {  	v1 =	vld.idx.msk [tilespmem:v1+s3+$0x0], $0xffff;
	_ =	sdelay $0x4  }
0x6a: {  	v1 =	vmul.f32 v2, v1;
	_ =	sdelay $0x1  }
0x6b: {  	v2 =	vld [tilespmem:$0xD250];
	[tilespmem:$0xE240] =	vst v1  }
0x6c: {  	v1 =	vld.idx.msk [tilespmem:v3+s3+$0x0], $0xffff  }
0x6d: {  	v3 =	vld [tilespmem:$0xD060];
	_ =	sdelay $0x4  }
0x6e: {  	v1 =	vmul.f32 v2, v1;
	_ =	sdelay $0x1  }
0x6f: {  	v2 =	vld [tilespmem:$0xD260];
	[tilespmem:$0xE250] =	vst v1  }
0x70: {  	v1 =	vld.idx.msk [tilespmem:v3+s3+$0x0], $0xffff  }
0x71: {  	v3 =	vld [tilespmem:$0xD070];
	_ =	sdelay $0x4  }
0x72: {  	v1 =	vmul.f32 v2, v1;
	_ =	sdelay $0x1  }
0x73: {  	v2 =	vld [tilespmem:$0xD270];
	[tilespmem:$0xE260] =	vst v1  }
0x74: {  	v1 =	vld.idx.msk [tilespmem:v3+s3+$0x0], $0xffff  }
0x75: {  	v3 =	vld [tilespmem:$0xD080];
	_ =	sdelay $0x4  }
0x76: {  	v1 =	vmul.f32 v2, v1;
	_ =	sdelay $0x1  }
0x77: {  	v2 =	vld [tilespmem:$0xD280];
	[tilespmem:$0xE270] =	vst v1  }
0x78: {  	v1 =	vld.idx.msk [tilespmem:v3+s3+$0x0], $0xffff  }
0x79: {  	v3 =	vld [tilespmem:$0xD090];
	_ =	sdelay $0x4  }
0x7a: {  	v1 =	vmul.f32 v2, v1;
	_ =	sdelay $0x1  }
0x7b: {  	v2 =	vld [tilespmem:$0xD290];
	[tilespmem:$0xE280] =	vst v1  }
0x7c: {  	v1 =	vld.idx.msk [tilespmem:v3+s3+$0x0], $0xffff  }
0x7d: {  	v3 =	vld [tilespmem:$0xD0A0];
	_ =	sdelay $0x4  }
0x7e: {  	v1 =	vmul.f32 v2, v1;
	_ =	sdelay $0x1  }
0x7f: {  	v2 =	vld [tilespmem:$0xD2A0];
	[tilespmem:$0xE290] =	vst v1  }
0x80: {  	v1 =	vld.idx.msk [tilespmem:v3+s3+$0x0], $0xffff  }
0x81: {  	v3 =	vld [tilespmem:$0xD0B0];
	_ =	sdelay $0x4  }
0x82: {  	v1 =	vmul.f32 v2, v1;
	_ =	sdelay $0x1  }
0x83: {  	v2 =	vld [tilespmem:$0xD2B0];
	[tilespmem:$0xE2A0] =	vst v1  }
0x84: {  	v1 =	vld.idx.msk [tilespmem:v3+s3+$0x0], $0xffff  }
0x85: {  	v3 =	vld [tilespmem:$0xD0C0];
	_ =	sdelay $0x4  }
0x86: {  	v1 =	vmul.f32 v2, v1;
	_ =	sdelay $0x1  }
0x87: {  	v2 =	vld [tilespmem:$0xD2C0];
	[tilespmem:$0xE2B0] =	vst v1  }
0x88: {  	v1 =	vld.idx.msk [tilespmem:v3+s3+$0x0], $0xffff  }
0x89: {  	v3 =	vld [tilespmem:$0xD0D0];
	_ =	sdelay $0x4  }
0x8a: {  	v1 =	vmul.f32 v2, v1;
	_ =	sdelay $0x1  }
0x8b: {  	v2 =	vld [tilespmem:$0xD2D0];
	[tilespmem:$0xE2C0] =	vst v1  }
0x8c: {  	v1 =	vld.idx.msk [tilespmem:v3+s3+$0x0], $0xffff  }
0x8d: {  	v3 =	vld [tilespmem:$0xD0E0];
	_ =	sdelay $0x4  }
0x8e: {  	v1 =	vmul.f32 v2, v1;
	_ =	sdelay $0x1  }
0x8f: {  	v2 =	vld [tilespmem:$0xD2E0];
	[tilespmem:$0xE2D0] =	vst v1  }
0x90: {  	v1 =	vld.idx.msk [tilespmem:v3+s3+$0x0], $0xffff  }
0x91: {  	v3 =	vld [tilespmem:$0xD0F0];
	_ =	sdelay $0x4  }
0x92: {  	v1 =	vmul.f32 v2, v1;
	_ =	sdelay $0x1  }
0x93: {  	v2 =	vld [tilespmem:$0xD2F0];
	[tilespmem:$0xE2E0] =	vst v1  }
0x94: {  	v1 =	vld.idx.msk [tilespmem:v3+s3+$0x0], $0xffff  }
0x95: {  	v3 =	vld [tilespmem:$0xD100];
	_ =	sdelay $0x4  }
0x96: {  	v1 =	vmul.f32 v2, v1;
	_ =	sdelay $0x1  }
0x97: {  	v2 =	vld [tilespmem:$0xD300];
	[tilespmem:$0xE2F0] =	vst v1  }
0x98: {  	v1 =	vld.idx.msk [tilespmem:v3+s3+$0x0], $0xffff  }
0x99: {  	v3 =	vld [tilespmem:$0xD110];
	_ =	sdelay $0x4  }
0x9a: {  	v1 =	vmul.f32 v2, v1;
	_ =	sdelay $0x1  }
0x9b: {  	v2 =	vld [tilespmem:$0xD310];
	[tilespmem:$0xE300] =	vst v1  }
0x9c: {  	v1 =	vld.idx.msk [tilespmem:v3+s3+$0x0], $0xffff  }
0x9d: {  	v3 =	vld [tilespmem:$0xD120];
	_ =	sdelay $0x4  }
0x9e: {  	v1 =	vmul.f32 v2, v1;
	_ =	sdelay $0x1  }
0x9f: {  	v2 =	vld [tilespmem:$0xD320];
	[tilespmem:$0xE310] =	vst v1  }
0xa0: {  	v1 =	vld.idx.msk [tilespmem:v3+s3+$0x0], $0xffff  }
0xa1: {  	v3 =	vld [tilespmem:$0xD130];
	_ =	sdelay $0x4  }
0xa2: {  	v1 =	vmul.f32 v2, v1;
	_ =	sdelay $0x1  }
0xa3: {  	v2 =	vld [tilespmem:$0xD330];
	[tilespmem:$0xE320] =	vst v1  }
0xa4: {  	v1 =	vld.idx.msk [tilespmem:v3+s3+$0x0], $0xffff  }
0xa5: {  	v3 =	vld [tilespmem:$0xD140];
	_ =	sdelay $0x4  }
0xa6: {  	v1 =	vmul.f32 v2, v1;
	_ =	sdelay $0x1  }
0xa7: {  	v2 =	vld [tilespmem:$0xD340];
	[tilespmem:$0xE330] =	vst v1  }
0xa8: {  	v1 =	vld.idx.msk [tilespmem:v3+s3+$0x0], $0xffff  }
0xa9: {  	v3 =	vld [tilespmem:$0xD150];
	_ =	sdelay $0x4  }
0xaa: {  	v1 =	vmul.f32 v2, v1;
	_ =	sdelay $0x1  }
0xab: {  	v2 =	vld [tilespmem:$0xD350];
	[tilespmem:$0xE340] =	vst v1  }
0xac: {  	v1 =	vld.idx.msk [tilespmem:v3+s3+$0x0], $0xffff  }
0xad: {  	v3 =	vld [tilespmem:$0xD160];
	_ =	sdelay $0x4  }
0xae: {  	v1 =	vmul.f32 v2, v1;
	_ =	sdelay $0x1  }
0xaf: {  	v2 =	vld [tilespmem:$0xD360];
	[tilespmem:$0xE350] =	vst v1  }
0xb0: {  	v1 =	vld.idx.msk [tilespmem:v3+s3+$0x0], $0xffff  }
0xb1: {  	v3 =	vld [tilespmem:$0xD170];
	_ =	sdelay $0x4  }
0xb2: {  	v1 =	vmul.f32 v2, v1;
	_ =	sdelay $0x1  }
0xb3: {  	v2 =	vld [tilespmem:$0xD370];
	[tilespmem:$0xE360] =	vst v1  }
0xb4: {  	v1 =	vld.idx.msk [tilespmem:v3+s3+$0x0], $0xffff  }
0xb5: {  	v3 =	vld [tilespmem:$0xD180];
	_ =	sdelay $0x4  }
0xb6: {  	v1 =	vmul.f32 v2, v1;
	_ =	sdelay $0x1  }
0xb7: {  	v2 =	vld [tilespmem:$0xD380];
	[tilespmem:$0xE370] =	vst v1  }
0xb8: {  	v1 =	vld.idx.msk [tilespmem:v3+s3+$0x0], $0xffff  }
0xb9: {  	v3 =	vld [tilespmem:$0xD190];
	_ =	sdelay $0x4  }
0xba: {  	v1 =	vmul.f32 v2, v1;
	_ =	sdelay $0x1  }
0xbb: {  	v2 =	vld [tilespmem:$0xD390];
	[tilespmem:$0xE380] =	vst v1  }
0xbc: {  	v1 =	vld.idx.msk [tilespmem:v3+s3+$0x0], $0xffff  }
0xbd: {  	v3 =	vld [tilespmem:$0xD1A0];
	_ =	sdelay $0x4  }
0xbe: {  	v1 =	vmul.f32 v2, v1;
	_ =	sdelay $0x1  }
0xbf: {  	v2 =	vld [tilespmem:$0xD3A0];
	[tilespmem:$0xE390] =	vst v1  }
0xc0: {  	v1 =	vld.idx.msk [tilespmem:v3+s3+$0x0], $0xffff  }
0xc1: {  	v3 =	vld [tilespmem:$0xD1B0];
	_ =	sdelay $0x4  }
0xc2: {  	v1 =	vmul.f32 v2, v1;
	_ =	sdelay $0x1  }
0xc3: {  	v2 =	vld [tilespmem:$0xD3B0];
	[tilespmem:$0xE3A0] =	vst v1  }
0xc4: {  	v1 =	vld.idx.msk [tilespmem:v3+s3+$0x0], $0xffff  }
0xc5: {  	v3 =	vld [tilespmem:$0xD1C0];
	_ =	sdelay $0x4  }
0xc6: {  	v1 =	vmul.f32 v2, v1;
	_ =	sdelay $0x1  }
0xc7: {  	v2 =	vld [tilespmem:$0xD3C0];
	[tilespmem:$0xE3B0] =	vst v1  }
0xc8: {  	v1 =	vld.idx.msk [tilespmem:v3+s3+$0x0], $0xffff  }
0xc9: {  	v3 =	vld [tilespmem:$0xD1D0];
	_ =	sdelay $0x4  }
0xca: {  	v1 =	vmul.f32 v2, v1;
	_ =	sdelay $0x1  }
0xcb: {  	v2 =	vld [tilespmem:$0xD3D0];
	[tilespmem:$0xE3C0] =	vst v1  }
0xcc: {  	v1 =	vld.idx.msk [tilespmem:v3+s3+$0x0], $0xffff  }
0xcd: {  	v3 =	vld [tilespmem:$0xD1E0];
	_ =	sdelay $0x4  }
0xce: {  	v1 =	vmul.f32 v2, v1;
	_ =	sdelay $0x1  }
0xcf: {  	v2 =	vld [tilespmem:$0xD3E0];
	[tilespmem:$0xE3D0] =	vst v1  }
0xd0: {  	v1 =	vld.idx.msk [tilespmem:v3+s3+$0x0], $0xffff  }
0xd1: {  	v3 =	vld [tilespmem:$0xD1F0];
	_ =	sdelay $0x4  }
0xd2: {  	v1 =	vmul.f32 v2, v1;
	_ =	sdelay $0x1  }
0xd3: {  	v2 =	vld [tilespmem:$0xD3F0];
	[tilespmem:$0xE3E0] =	vst v1  }
0xd4: {  	v1 =	vld.idx.msk [tilespmem:v3+s3+$0x0], $0xffff  }
0xd5: {  	v3 =	vld [tilespmem:$0xD200];
	_ =	sdelay $0x4  }
0xd6: {  	v1 =	vmul.f32 v2, v1;
	_ =	sdelay $0x1  }
0xd7: {  	v2 =	vld [tilespmem:$0xD400];
	[tilespmem:$0xE3F0] =	vst v1  }
0xd8: {  	v1 =	vld.idx.msk [tilespmem:v3+s3+$0x0], $0xffff  }
0xd9: {  	v3 =	vld [tilespmem:$0xD210];
	_ =	sdelay $0x4  }
0xda: {  	v1 =	vmul.f32 v2, v1;
	_ =	sdelay $0x1  }
0xdb: {  	v2 =	vld [tilespmem:$0xD410];
	[tilespmem:$0xE400] =	vst v1  }
0xdc: {  	v1 =	vld.idx.msk [tilespmem:v3+s3+$0x0], $0xffff  }
0xdd: {  	v3 =	vld [tilespmem:$0xD220];
	_ =	sdelay $0x4  }
0xde: {  	v1 =	vmul.f32 v2, v1;
	_ =	sdelay $0x1  }
0xdf: {  	v2 =	vld [tilespmem:$0xD420];
	[tilespmem:$0xE410] =	vst v1  }
0xe0: {  	v1 =	vld.idx.msk [tilespmem:v3+s3+$0x0], $0xffff  }
0xe1: {  	v3 =	vld [tilespmem:$0xD230];
	_ =	sdelay $0x4  }
0xe2: {  	v1 =	vmul.f32 v2, v1;
	_ =	sdelay $0x1  }
0xe3: {  	v2 =	vld [tilespmem:$0xD430];
	[tilespmem:$0xE420] =	vst v1  }
0xe4: {  	v1 =	vld.idx.msk [tilespmem:v3+s3+$0x0], $0xffff;
	_ =	sdelay $0x4  }
0xe5: {  	v1 =	vmul.f32 v2, v1;
	_ =	sdelay $0x1  }
0xe6: {  	[tilespmem:$0xE430] =	vst v1  }
0xe7: {  	[spmem:s2] =	stream.indirect.scatter.add.f32 [tilespmem:s19], [sflag:$0x4], $0x1, s29, s18, $0xb8;
	[tilespmem:$0x13040] =	vst v63  }
0xe8: {  	_ =	swait.ge [sflag:s20], $0x400  }
0xe9: {  	[sflag:s20] =	ssyncset.done $0x0  }
0xea: {  	[sflag:s20] =	ssyncadd.s32 $0xFFFFFC00  }
0xeb: {  	_ =	swait.ge [sflag:s20], $0x200  }
0xec: {  	[sflag:s20] =	ssyncset.done $0x0  }
0xed: {  	s16 =	simm.s32 @!p2 $0x6;
	[sflag:s20] =	ssyncadd.s32 $0xFFFFFE00  }
0xee: {  	_ =	swait.ge @!p2 [sflag:s16], $0x200  }
0xef: {  	[sflag:s16] =	ssyncset.done @!p2 $0x0  }
0xf0: {  	s15 =	rddreg [dreg:$0x4];
	[sflag:s16] =	ssyncadd.s32 @!p2 $0xFFFFFE00  }
0xf1: {  	[tilespmem:s21], [sflag:$0x3] =	stream.linear.gather [hbm4b:s17+s3], $0x400, $0x38;
	[tilespmem:$0x13040] =	vst v63  }
0xf2: {  	s30 =	sadd.s32 s14, s15  }
0xf3: {  	[tilespmem:s22], [sflag:$0x3] =	stream.linear.gather [hbm4b:s30+s3], $0x200, $0x38;
	[tilespmem:$0x13040] =	vst v63  }
0xf4: {  	v1 =	vld [tilespmem:$0xD440];
	_ =	sdelay $0x5  }
0xf5: {  	v2 =	vld [tilespmem:$0xD640]  }
0xf6: {  	v3 =	vld [tilespmem:$0xD450]  }
0xf7: {  	v1 =	vld.idx.msk [tilespmem:v1+s3+$0x0], $0xffff;
	_ =	sdelay $0x4  }
0xf8: {  	v1 =	vmul.f32 v2, v1;
	_ =	sdelay $0x1  }
0xf9: {  	v2 =	vld [tilespmem:$0xD650];
	[tilespmem:$0xE440] =	vst v1  }
0xfa: {  	v1 =	vld.idx.msk [tilespmem:v3+s3+$0x0], $0xffff  }
0xfb: {  	v3 =	vld [tilespmem:$0xD460];
	_ =	sdelay $0x4  }
0xfc: {  	v1 =	vmul.f32 v2, v1;
	_ =	sdelay $0x1  }
0xfd: {  	v2 =	vld [tilespmem:$0xD660];
	[tilespmem:$0xE450] =	vst v1  }
0xfe: {  	v1 =	vld.idx.msk [tilespmem:v3+s3+$0x0], $0xffff  }
0xff: {  	v3 =	vld [tilespmem:$0xD470];
	_ =	sdelay $0x4  }
0x100: {  	v1 =	vmul.f32 v2, v1;
	_ =	sdelay $0x1  }
0x101: {  	v2 =	vld [tilespmem:$0xD670];
	[tilespmem:$0xE460] =	vst v1  }
0x102: {  	v1 =	vld.idx.msk [tilespmem:v3+s3+$0x0], $0xffff  }
0x103: {  	v3 =	vld [tilespmem:$0xD480];
	_ =	sdelay $0x4  }
0x104: {  	v1 =	vmul.f32 v2, v1;
	_ =	sdelay $0x1  }
0x105: {  	v2 =	vld [tilespmem:$0xD680];
	[tilespmem:$0xE470] =	vst v1  }
0x106: {  	v1 =	vld.idx.msk [tilespmem:v3+s3+$0x0], $0xffff  }
0x107: {  	v3 =	vld [tilespmem:$0xD490];
	_ =	sdelay $0x4  }
0x108: {  	v1 =	vmul.f32 v2, v1;
	_ =	sdelay $0x1  }
0x109: {  	v2 =	vld [tilespmem:$0xD690];
	[tilespmem:$0xE480] =	vst v1  }
0x10a: {  	v1 =	vld.idx.msk [tilespmem:v3+s3+$0x0], $0xffff  }
0x10b: {  	v3 =	vld [tilespmem:$0xD4A0];
	_ =	sdelay $0x4  }
0x10c: {  	v1 =	vmul.f32 v2, v1;
	_ =	sdelay $0x1  }
0x10d: {  	v2 =	vld [tilespmem:$0xD6A0];
	[tilespmem:$0xE490] =	vst v1  }
0x10e: {  	v1 =	vld.idx.msk [tilespmem:v3+s3+$0x0], $0xffff  }
0x10f: {  	v3 =	vld [tilespmem:$0xD4B0];
	_ =	sdelay $0x4  }
0x110: {  	v1 =	vmul.f32 v2, v1;
	_ =	sdelay $0x1  }
0x111: {  	v2 =	vld [tilespmem:$0xD6B0];
	[tilespmem:$0xE4A0] =	vst v1  }
0x112: {  	v1 =	vld.idx.msk [tilespmem:v3+s3+$0x0], $0xffff  }
0x113: {  	v3 =	vld [tilespmem:$0xD4C0];
	_ =	sdelay $0x4  }
0x114: {  	v1 =	vmul.f32 v2, v1;
	_ =	sdelay $0x1  }
0x115: {  	v2 =	vld [tilespmem:$0xD6C0];
	[tilespmem:$0xE4B0] =	vst v1  }
0x116: {  	v1 =	vld.idx.msk [tilespmem:v3+s3+$0x0], $0xffff  }
0x117: {  	v3 =	vld [tilespmem:$0xD4D0];
	_ =	sdelay $0x4  }
0x118: {  	v1 =	vmul.f32 v2, v1;
	_ =	sdelay $0x1  }
0x119: {  	v2 =	vld [tilespmem:$0xD6D0];
	[tilespmem:$0xE4C0] =	vst v1  }
0x11a: {  	v1 =	vld.idx.msk [tilespmem:v3+s3+$0x0], $0xffff  }
0x11b: {  	v3 =	vld [tilespmem:$0xD4E0];
	_ =	sdelay $0x4  }
0x11c: {  	v1 =	vmul.f32 v2, v1;
	_ =	sdelay $0x1  }
0x11d: {  	v2 =	vld [tilespmem:$0xD6E0];
	[tilespmem:$0xE4D0] =	vst v1  }
0x11e: {  	v1 =	vld.idx.msk [tilespmem:v3+s3+$0x0], $0xffff  }
0x11f: {  	v3 =	vld [tilespmem:$0xD4F0];
	_ =	sdelay $0x4  }
0x120: {  	v1 =	vmul.f32 v2, v1;
	_ =	sdelay $0x1  }
0x121: {  	v2 =	vld [tilespmem:$0xD6F0];
	[tilespmem:$0xE4E0] =	vst v1  }
0x122: {  	v1 =	vld.idx.msk [tilespmem:v3+s3+$0x0], $0xffff  }
0x123: {  	v3 =	vld [tilespmem:$0xD500];
	_ =	sdelay $0x4  }
0x124: {  	v1 =	vmul.f32 v2, v1;
	_ =	sdelay $0x1  }
0x125: {  	v2 =	vld [tilespmem:$0xD700];
	[tilespmem:$0xE4F0] =	vst v1  }
0x126: {  	v1 =	vld.idx.msk [tilespmem:v3+s3+$0x0], $0xffff  }
0x127: {  	v3 =	vld [tilespmem:$0xD510];
	_ =	sdelay $0x4  }
0x128: {  	v1 =	vmul.f32 v2, v1;
	_ =	sdelay $0x1  }
0x129: {  	v2 =	vld [tilespmem:$0xD710];
	[tilespmem:$0xE500] =	vst v1  }
0x12a: {  	v1 =	vld.idx.msk [tilespmem:v3+s3+$0x0], $0xffff  }
0x12b: {  	v3 =	vld [tilespmem:$0xD520];
	_ =	sdelay $0x4  }
0x12c: {  	v1 =	vmul.f32 v2, v1;
	_ =	sdelay $0x1  }
0x12d: {  	v2 =	vld [tilespmem:$0xD720];
	[tilespmem:$0xE510] =	vst v1  }
0x12e: {  	v1 =	vld.idx.msk [tilespmem:v3+s3+$0x0], $0xffff  }
0x12f: {  	v3 =	vld [tilespmem:$0xD530];
	_ =	sdelay $0x4  }
0x130: {  	v1 =	vmul.f32 v2, v1;
	_ =	sdelay $0x1  }
0x131: {  	v2 =	vld [tilespmem:$0xD730];
	[tilespmem:$0xE520] =	vst v1  }
0x132: {  	v1 =	vld.idx.msk [tilespmem:v3+s3+$0x0], $0xffff  }
0x133: {  	v3 =	vld [tilespmem:$0xD540];
	_ =	sdelay $0x4  }
0x134: {  	v1 =	vmul.f32 v2, v1;
	_ =	sdelay $0x1  }
0x135: {  	v2 =	vld [tilespmem:$0xD740];
	[tilespmem:$0xE530] =	vst v1  }
0x136: {  	v1 =	vld.idx.msk [tilespmem:v3+s3+$0x0], $0xffff  }
0x137: {  	v3 =	vld [tilespmem:$0xD550];
	_ =	sdelay $0x4  }
0x138: {  	v1 =	vmul.f32 v2, v1;
	_ =	sdelay $0x1  }
0x139: {  	v2 =	vld [tilespmem:$0xD750];
	[tilespmem:$0xE540] =	vst v1  }
0x13a: {  	v1 =	vld.idx.msk [tilespmem:v3+s3+$0x0], $0xffff  }
0x13b: {  	v3 =	vld [tilespmem:$0xD560];
	_ =	sdelay $0x4  }
0x13c: {  	v1 =	vmul.f32 v2, v1;
	_ =	sdelay $0x1  }
0x13d: {  	v2 =	vld [tilespmem:$0xD760];
	[tilespmem:$0xE550] =	vst v1  }
0x13e: {  	v1 =	vld.idx.msk [tilespmem:v3+s3+$0x0], $0xffff  }
0x13f: {  	v3 =	vld [tilespmem:$0xD570];
	_ =	sdelay $0x4  }
0x140: {  	v1 =	vmul.f32 v2, v1;
	_ =	sdelay $0x1  }
0x141: {  	v2 =	vld [tilespmem:$0xD770];
	[tilespmem:$0xE560] =	vst v1  }
0x142: {  	v1 =	vld.idx.msk [tilespmem:v3+s3+$0x0], $0xffff  }
0x143: {  	v3 =	vld [tilespmem:$0xD580];
	_ =	sdelay $0x4  }
0x144: {  	v1 =	vmul.f32 v2, v1;
	_ =	sdelay $0x1  }
0x145: {  	v2 =	vld [tilespmem:$0xD780];
	[tilespmem:$0xE570] =	vst v1  }
0x146: {  	v1 =	vld.idx.msk [tilespmem:v3+s3+$0x0], $0xffff  }
0x147: {  	v3 =	vld [tilespmem:$0xD590];
	_ =	sdelay $0x4  }
0x148: {  	v1 =	vmul.f32 v2, v1;
	_ =	sdelay $0x1  }
0x149: {  	v2 =	vld [tilespmem:$0xD790];
	[tilespmem:$0xE580] =	vst v1  }
0x14a: {  	v1 =	vld.idx.msk [tilespmem:v3+s3+$0x0], $0xffff  }
0x14b: {  	v3 =	vld [tilespmem:$0xD5A0];
	_ =	sdelay $0x4  }
0x14c: {  	v1 =	vmul.f32 v2, v1;
	_ =	sdelay $0x1  }
0x14d: {  	v2 =	vld [tilespmem:$0xD7A0];
	[tilespmem:$0xE590] =	vst v1  }
0x14e: {  	v1 =	vld.idx.msk [tilespmem:v3+s3+$0x0], $0xffff  }
0x14f: {  	v3 =	vld [tilespmem:$0xD5B0];
	_ =	sdelay $0x4  }
0x150: {  	v1 =	vmul.f32 v2, v1;
	_ =	sdelay $0x1  }
0x151: {  	v2 =	vld [tilespmem:$0xD7B0];
	[tilespmem:$0xE5A0] =	vst v1  }
0x152: {  	v1 =	vld.idx.msk [tilespmem:v3+s3+$0x0], $0xffff  }
0x153: {  	v3 =	vld [tilespmem:$0xD5C0];
	_ =	sdelay $0x4  }
0x154: {  	v1 =	vmul.f32 v2, v1;
	_ =	sdelay $0x1  }
0x155: {  	v2 =	vld [tilespmem:$0xD7C0];
	[tilespmem:$0xE5B0] =	vst v1  }
0x156: {  	v1 =	vld.idx.msk [tilespmem:v3+s3+$0x0], $0xffff  }
0x157: {  	v3 =	vld [tilespmem:$0xD5D0];
	_ =	sdelay $0x4  }
0x158: {  	v1 =	vmul.f32 v2, v1;
	_ =	sdelay $0x1  }
0x159: {  	v2 =	vld [tilespmem:$0xD7D0];
	[tilespmem:$0xE5C0] =	vst v1  }
0x15a: {  	v1 =	vld.idx.msk [tilespmem:v3+s3+$0x0], $0xffff  }
0x15b: {  	v3 =	vld [tilespmem:$0xD5E0];
	_ =	sdelay $0x4  }
0x15c: {  	v1 =	vmul.f32 v2, v1;
	_ =	sdelay $0x1  }
0x15d: {  	v2 =	vld [tilespmem:$0xD7E0];
	[tilespmem:$0xE5D0] =	vst v1  }
0x15e: {  	v1 =	vld.idx.msk [tilespmem:v3+s3+$0x0], $0xffff  }
0x15f: {  	v3 =	vld [tilespmem:$0xD5F0];
	_ =	sdelay $0x4  }
0x160: {  	v1 =	vmul.f32 v2, v1;
	_ =	sdelay $0x1  }
0x161: {  	v2 =	vld [tilespmem:$0xD7F0];
	[tilespmem:$0xE5E0] =	vst v1  }
0x162: {  	v1 =	vld.idx.msk [tilespmem:v3+s3+$0x0], $0xffff  }
0x163: {  	v3 =	vld [tilespmem:$0xD600];
	_ =	sdelay $0x4  }
0x164: {  	v1 =	vmul.f32 v2, v1;
	_ =	sdelay $0x1  }
0x165: {  	v2 =	vld [tilespmem:$0xD800];
	[tilespmem:$0xE5F0] =	vst v1  }
0x166: {  	v1 =	vld.idx.msk [tilespmem:v3+s3+$0x0], $0xffff  }
0x167: {  	v3 =	vld [tilespmem:$0xD610];
	_ =	sdelay $0x4  }
0x168: {  	v1 =	vmul.f32 v2, v1;
	_ =	sdelay $0x1  }
0x169: {  	v2 =	vld [tilespmem:$0xD810];
	[tilespmem:$0xE600] =	vst v1  }
0x16a: {  	v1 =	vld.idx.msk [tilespmem:v3+s3+$0x0], $0xffff  }
0x16b: {  	v3 =	vld [tilespmem:$0xD620];
	_ =	sdelay $0x4  }
0x16c: {  	v1 =	vmul.f32 v2, v1;
	_ =	sdelay $0x1  }
0x16d: {  	v2 =	vld [tilespmem:$0xD820];
	[tilespmem:$0xE610] =	vst v1  }
0x16e: {  	v1 =	vld.idx.msk [tilespmem:v3+s3+$0x0], $0xffff  }
0x16f: {  	v3 =	vld [tilespmem:$0xD630];
	_ =	sdelay $0x4  }
0x170: {  	v1 =	vmul.f32 v2, v1;
	_ =	sdelay $0x1  }
0x171: {  	v2 =	vld [tilespmem:$0xD830];
	[tilespmem:$0xE620] =	vst v1  }
0x172: {  	v1 =	vld.idx.msk [tilespmem:v3+s3+$0x0], $0xffff;
	_ =	sdelay $0x4  }
0x173: {  	v1 =	vmul.f32 v2, v1;
	_ =	sdelay $0x1  }
0x174: {  	[tilespmem:$0xE630] =	vst v1  }
0x175: {  	[spmem:s2] =	stream.indirect.scatter.add.f32 [tilespmem:s0], [sflag:$0x5], $0x1, s9, s18, $0xb8;
	[tilespmem:$0x13040] =	vst v63  }
0x176: {  	_ =	swait.ge [sflag:s31], $0x400  }
0x177: {  	[sflag:s31] =	ssyncset.done $0x0  }
0x178: {  	[sflag:s31] =	ssyncadd.s32 $0xFFFFFC00  }
0x179: {  	_ =	swait.ge [sflag:s31], $0x200  }
0x17a: {  	[sflag:s31] =	ssyncset.done $0x0  }
0x17b: {  	[sflag:s31] =	ssyncadd.s32 $0xFFFFFE00  }
0x17c: {  	p2 =	seq.s32 s14, $0xC00;
	_ =	swait.ge [sflag:s12], $0x200  }
0x17d: {  	s16 =	sshrl.u32 @!p2 s1, $0x3;
	s15 =	simm.s32 @!p2 $0xD040;
	[sflag:s12] =	ssyncset.done $0x0  }
0x17e: {  	s16 =	sadd.s32 @!p2 s4, s16;
	s30 =	simm.s32 @!p2 $0x0;
	[sflag:s12] =	ssyncadd.s32 $0xFFFFFE00  }
0x17f: {  	[tilespmem:s15], [sflag:$0x1] =	stream.linear.gather @!p2 [hbm4b:s16+s30], $0x400, $0x38;
	[tilespmem:$0x13040] =	vst v63  }
0x180: {  	s15 =	sshrl.u32 @!p2 s10, $0x3  }
0x181: {  	s16 =	simm.s32 @!p2 $0xDC40;
	s15 =	sadd.s32 @!p2 s5, s15  }
0x182: {  	[tilespmem:s16], [sflag:$0x1] =	stream.linear.gather @!p2 [hbm4b:s15+s30], $0x200, $0x38;
	[tilespmem:$0x13040] =	vst v63  }
0x183: {  	v1 =	vld [tilespmem:$0xD840];
	_ =	sdelay $0x5  }
0x184: {  	v2 =	vld [tilespmem:$0xDA40]  }
0x185: {  	v3 =	vld [tilespmem:$0xD850]  }
0x186: {  	v1 =	vld.idx.msk [tilespmem:v1+s3+$0x0], $0xffff;
	_ =	sdelay $0x4  }
0x187: {  	v1 =	vmul.f32 v2, v1;
	_ =	sdelay $0x1  }
0x188: {  	v2 =	vld [tilespmem:$0xDA50];
	[tilespmem:$0xE640] =	vst v1  }
0x189: {  	v1 =	vld.idx.msk [tilespmem:v3+s3+$0x0], $0xffff  }
0x18a: {  	v3 =	vld [tilespmem:$0xD860];
	_ =	sdelay $0x4  }
0x18b: {  	v1 =	vmul.f32 v2, v1;
	_ =	sdelay $0x1  }
0x18c: {  	v2 =	vld [tilespmem:$0xDA60];
	[tilespmem:$0xE650] =	vst v1  }
0x18d: {  	v1 =	vld.idx.msk [tilespmem:v3+s3+$0x0], $0xffff  }
0x18e: {  	v3 =	vld [tilespmem:$0xD870];
	_ =	sdelay $0x4  }
0x18f: {  	v1 =	vmul.f32 v2, v1;
	_ =	sdelay $0x1  }
0x190: {  	v2 =	vld [tilespmem:$0xDA70];
	[tilespmem:$0xE660] =	vst v1  }
0x191: {  	v1 =	vld.idx.msk [tilespmem:v3+s3+$0x0], $0xffff  }
0x192: {  	v3 =	vld [tilespmem:$0xD880];
	_ =	sdelay $0x4  }
0x193: {  	v1 =	vmul.f32 v2, v1;
	_ =	sdelay $0x1  }
0x194: {  	v2 =	vld [tilespmem:$0xDA80];
	[tilespmem:$0xE670] =	vst v1  }
0x195: {  	v1 =	vld.idx.msk [tilespmem:v3+s3+$0x0], $0xffff  }
0x196: {  	v3 =	vld [tilespmem:$0xD890];
	_ =	sdelay $0x4  }
0x197: {  	v1 =	vmul.f32 v2, v1;
	_ =	sdelay $0x1  }
0x198: {  	v2 =	vld [tilespmem:$0xDA90];
	[tilespmem:$0xE680] =	vst v1  }
0x199: {  	v1 =	vld.idx.msk [tilespmem:v3+s3+$0x0], $0xffff  }
0x19a: {  	v3 =	vld [tilespmem:$0xD8A0];
	_ =	sdelay $0x4  }
0x19b: {  	v1 =	vmul.f32 v2, v1;
	_ =	sdelay $0x1  }
0x19c: {  	v2 =	vld [tilespmem:$0xDAA0];
	[tilespmem:$0xE690] =	vst v1  }
0x19d: {  	v1 =	vld.idx.msk [tilespmem:v3+s3+$0x0], $0xffff  }
0x19e: {  	v3 =	vld [tilespmem:$0xD8B0];
	_ =	sdelay $0x4  }
0x19f: {  	v1 =	vmul.f32 v2, v1;
	_ =	sdelay $0x1  }
0x1a0: {  	v2 =	vld [tilespmem:$0xDAB0];
	[tilespmem:$0xE6A0] =	vst v1  }
0x1a1: {  	v1 =	vld.idx.msk [tilespmem:v3+s3+$0x0], $0xffff  }
0x1a2: {  	v3 =	vld [tilespmem:$0xD8C0];
	_ =	sdelay $0x4  }
0x1a3: {  	v1 =	vmul.f32 v2, v1;
	_ =	sdelay $0x1  }
0x1a4: {  	v2 =	vld [tilespmem:$0xDAC0];
	[tilespmem:$0xE6B0] =	vst v1  }
0x1a5: {  	v1 =	vld.idx.msk [tilespmem:v3+s3+$0x0], $0xffff  }
0x1a6: {  	v3 =	vld [tilespmem:$0xD8D0];
	_ =	sdelay $0x4  }
0x1a7: {  	v1 =	vmul.f32 v2, v1;
	_ =	sdelay $0x1  }
0x1a8: {  	v2 =	vld [tilespmem:$0xDAD0];
	[tilespmem:$0xE6C0] =	vst v1  }
0x1a9: {  	v1 =	vld.idx.msk [tilespmem:v3+s3+$0x0], $0xffff  }
0x1aa: {  	v3 =	vld [tilespmem:$0xD8E0];
	_ =	sdelay $0x4  }
0x1ab: {  	v1 =	vmul.f32 v2, v1;
	_ =	sdelay $0x1  }
0x1ac: {  	v2 =	vld [tilespmem:$0xDAE0];
	[tilespmem:$0xE6D0] =	vst v1  }
0x1ad: {  	v1 =	vld.idx.msk [tilespmem:v3+s3+$0x0], $0xffff  }
0x1ae: {  	v3 =	vld [tilespmem:$0xD8F0];
	_ =	sdelay $0x4  }
0x1af: {  	v1 =	vmul.f32 v2, v1;
	_ =	sdelay $0x1  }
0x1b0: {  	v2 =	vld [tilespmem:$0xDAF0];
	[tilespmem:$0xE6E0] =	vst v1  }
0x1b1: {  	v1 =	vld.idx.msk [tilespmem:v3+s3+$0x0], $0xffff  }
0x1b2: {  	v3 =	vld [tilespmem:$0xD900];
	_ =	sdelay $0x4  }
0x1b3: {  	v1 =	vmul.f32 v2, v1;
	_ =	sdelay $0x1  }
0x1b4: {  	v2 =	vld [tilespmem:$0xDB00];
	[tilespmem:$0xE6F0] =	vst v1  }
0x1b5: {  	v1 =	vld.idx.msk [tilespmem:v3+s3+$0x0], $0xffff  }
0x1b6: {  	v3 =	vld [tilespmem:$0xD910];
	_ =	sdelay $0x4  }
0x1b7: {  	v1 =	vmul.f32 v2, v1;
	_ =	sdelay $0x1  }
0x1b8: {  	v2 =	vld [tilespmem:$0xDB10];
	[tilespmem:$0xE700] =	vst v1  }
0x1b9: {  	v1 =	vld.idx.msk [tilespmem:v3+s3+$0x0], $0xffff  }
0x1ba: {  	v3 =	vld [tilespmem:$0xD920];
	_ =	sdelay $0x4  }
0x1bb: {  	v1 =	vmul.f32 v2, v1;
	_ =	sdelay $0x1  }
0x1bc: {  	v2 =	vld [tilespmem:$0xDB20];
	[tilespmem:$0xE710] =	vst v1  }
0x1bd: {  	v1 =	vld.idx.msk [tilespmem:v3+s3+$0x0], $0xffff  }
0x1be: {  	v3 =	vld [tilespmem:$0xD930];
	_ =	sdelay $0x4  }
0x1bf: {  	v1 =	vmul.f32 v2, v1;
	_ =	sdelay $0x1  }
0x1c0: {  	v2 =	vld [tilespmem:$0xDB30];
	[tilespmem:$0xE720] =	vst v1  }
0x1c1: {  	v1 =	vld.idx.msk [tilespmem:v3+s3+$0x0], $0xffff  }
0x1c2: {  	v3 =	vld [tilespmem:$0xD940];
	_ =	sdelay $0x4  }
0x1c3: {  	v1 =	vmul.f32 v2, v1;
	_ =	sdelay $0x1  }
0x1c4: {  	v2 =	vld [tilespmem:$0xDB40];
	[tilespmem:$0xE730] =	vst v1  }
0x1c5: {  	v1 =	vld.idx.msk [tilespmem:v3+s3+$0x0], $0xffff  }
0x1c6: {  	v3 =	vld [tilespmem:$0xD950];
	_ =	sdelay $0x4  }
0x1c7: {  	v1 =	vmul.f32 v2, v1;
	_ =	sdelay $0x1  }
0x1c8: {  	v2 =	vld [tilespmem:$0xDB50];
	[tilespmem:$0xE740] =	vst v1  }
0x1c9: {  	v1 =	vld.idx.msk [tilespmem:v3+s3+$0x0], $0xffff  }
0x1ca: {  	v3 =	vld [tilespmem:$0xD960];
	_ =	sdelay $0x4  }
0x1cb: {  	v1 =	vmul.f32 v2, v1;
	_ =	sdelay $0x1  }
0x1cc: {  	v2 =	vld [tilespmem:$0xDB60];
	[tilespmem:$0xE750] =	vst v1  }
0x1cd: {  	v1 =	vld.idx.msk [tilespmem:v3+s3+$0x0], $0xffff  }
0x1ce: {  	v3 =	vld [tilespmem:$0xD970];
	_ =	sdelay $0x4  }
0x1cf: {  	v1 =	vmul.f32 v2, v1;
	_ =	sdelay $0x1  }
0x1d0: {  	v2 =	vld [tilespmem:$0xDB70];
	[tilespmem:$0xE760] =	vst v1  }
0x1d1: {  	v1 =	vld.idx.msk [tilespmem:v3+s3+$0x0], $0xffff  }
0x1d2: {  	v3 =	vld [tilespmem:$0xD980];
	_ =	sdelay $0x4  }
0x1d3: {  	v1 =	vmul.f32 v2, v1;
	_ =	sdelay $0x1  }
0x1d4: {  	v2 =	vld [tilespmem:$0xDB80];
	[tilespmem:$0xE770] =	vst v1  }
0x1d5: {  	v1 =	vld.idx.msk [tilespmem:v3+s3+$0x0], $0xffff  }
0x1d6: {  	v3 =	vld [tilespmem:$0xD990];
	_ =	sdelay $0x4  }
0x1d7: {  	v1 =	vmul.f32 v2, v1;
	_ =	sdelay $0x1  }
0x1d8: {  	v2 =	vld [tilespmem:$0xDB90];
	[tilespmem:$0xE780] =	vst v1  }
0x1d9: {  	v1 =	vld.idx.msk [tilespmem:v3+s3+$0x0], $0xffff  }
0x1da: {  	v3 =	vld [tilespmem:$0xD9A0];
	_ =	sdelay $0x4  }
0x1db: {  	v1 =	vmul.f32 v2, v1;
	_ =	sdelay $0x1  }
0x1dc: {  	v2 =	vld [tilespmem:$0xDBA0];
	[tilespmem:$0xE790] =	vst v1  }
0x1dd: {  	v1 =	vld.idx.msk [tilespmem:v3+s3+$0x0], $0xffff  }
0x1de: {  	v3 =	vld [tilespmem:$0xD9B0];
	_ =	sdelay $0x4  }
0x1df: {  	v1 =	vmul.f32 v2, v1;
	_ =	sdelay $0x1  }
0x1e0: {  	v2 =	vld [tilespmem:$0xDBB0];
	[tilespmem:$0xE7A0] =	vst v1  }
0x1e1: {  	v1 =	vld.idx.msk [tilespmem:v3+s3+$0x0], $0xffff  }
0x1e2: {  	v3 =	vld [tilespmem:$0xD9C0];
	_ =	sdelay $0x4  }
0x1e3: {  	v1 =	vmul.f32 v2, v1;
	_ =	sdelay $0x1  }
0x1e4: {  	v2 =	vld [tilespmem:$0xDBC0];
	[tilespmem:$0xE7B0] =	vst v1  }
0x1e5: {  	v1 =	vld.idx.msk [tilespmem:v3+s3+$0x0], $0xffff  }
0x1e6: {  	v3 =	vld [tilespmem:$0xD9D0];
	_ =	sdelay $0x4  }
0x1e7: {  	v1 =	vmul.f32 v2, v1;
	_ =	sdelay $0x1  }
0x1e8: {  	v2 =	vld [tilespmem:$0xDBD0];
	[tilespmem:$0xE7C0] =	vst v1  }
0x1e9: {  	v1 =	vld.idx.msk [tilespmem:v3+s3+$0x0], $0xffff  }
0x1ea: {  	v3 =	vld [tilespmem:$0xD9E0];
	_ =	sdelay $0x4  }
0x1eb: {  	v1 =	vmul.f32 v2, v1;
	_ =	sdelay $0x1  }
0x1ec: {  	v2 =	vld [tilespmem:$0xDBE0];
	[tilespmem:$0xE7D0] =	vst v1  }
0x1ed: {  	v1 =	vld.idx.msk [tilespmem:v3+s3+$0x0], $0xffff  }
0x1ee: {  	v3 =	vld [tilespmem:$0xD9F0];
	_ =	sdelay $0x4  }
0x1ef: {  	v1 =	vmul.f32 v2, v1;
	_ =	sdelay $0x1  }
0x1f0: {  	v2 =	vld [tilespmem:$0xDBF0];
	[tilespmem:$0xE7E0] =	vst v1  }
0x1f1: {  	v1 =	vld.idx.msk [tilespmem:v3+s3+$0x0], $0xffff  }
0x1f2: {  	v3 =	vld [tilespmem:$0xDA00];
	_ =	sdelay $0x4  }
0x1f3: {  	v1 =	vmul.f32 v2, v1;
	_ =	sdelay $0x1  }
0x1f4: {  	v2 =	vld [tilespmem:$0xDC00];
	[tilespmem:$0xE7F0] =	vst v1  }
0x1f5: {  	v1 =	vld.idx.msk [tilespmem:v3+s3+$0x0], $0xffff  }
0x1f6: {  	v3 =	vld [tilespmem:$0xDA10];
	_ =	sdelay $0x4  }
0x1f7: {  	v1 =	vmul.f32 v2, v1;
	_ =	sdelay $0x1  }
0x1f8: {  	v2 =	vld [tilespmem:$0xDC10];
	[tilespmem:$0xE800] =	vst v1  }
0x1f9: {  	v1 =	vld.idx.msk [tilespmem:v3+s3+$0x0], $0xffff  }
0x1fa: {  	v3 =	vld [tilespmem:$0xDA20];
	_ =	sdelay $0x4  }
0x1fb: {  	v1 =	vmul.f32 v2, v1;
	_ =	sdelay $0x1  }
0x1fc: {  	v2 =	vld [tilespmem:$0xDC20];
	[tilespmem:$0xE810] =	vst v1  }
0x1fd: {  	v1 =	vld.idx.msk [tilespmem:v3+s3+$0x0], $0xffff  }
0x1fe: {  	v3 =	vld [tilespmem:$0xDA30];
	_ =	sdelay $0x4  }
0x1ff: {  	v1 =	vmul.f32 v2, v1;
	_ =	sdelay $0x1  }
0x200: {  	v2 =	vld [tilespmem:$0xDC30];
	[tilespmem:$0xE820] =	vst v1  }
0x201: {  	v1 =	vld.idx.msk [tilespmem:v3+s3+$0x0], $0xffff;
	_ =	sdelay $0x1  }
0x202: {  	s14 =	sadd.s32 $0xC0, s14  }
0x203: {  	p2 =	sne.s32 s14, $0xCC0  }
.Ltmp4:
0x204: {  	_ = 	snop;
	(pc) =	sbr.rel @p2 .LBB2_6-.Ltmp4, $4  }
0x205: {  	v1 =	vmul.f32 v2, v1  }
0x206: {  	s25 =	sadd.s32 $0x180, s25  }
0x207: {  	s1 =	sadd.s32 $0xC00, s1;
	s17 =	sadd.s32 $0x180, s17;
	s10 =	sadd.s32 $0x600, s10;
	[tilespmem:$0xE830] =	vst v1  }
0x208: {  	[spmem:s2] =	stream.indirect.scatter.add.f32 [tilespmem:s28], [sflag:$0x6], $0x1, s22, s18, $0xb8;
	[tilespmem:$0x13040] =	vst v63  }
0x209: {  	s1 =	simm.s32 $0x5  }
0x20a: {  	_ =	swait.ge [sflag:s1], $0x200  }
0x20b: {  	[sflag:s1] =	ssyncset.done $0x0  }
0x20c: {  	s25 =	simm.s32 $0x6;
	[sflag:s1] =	ssyncadd.s32 $0xFFFFFE00  }
0x20d: {  	_ =	swait.ge [sflag:s25], $0x200  }
0x20e: {  	[sflag:s25] =	ssyncset.done $0x0  }
0x20f: {  	[sflag:s25] =	ssyncadd.s32 $0xFFFFFE00  }
0x210: {  	s10 =	simm.s32 $0x12340;
	[bflag:$0x0] =	sbarrier.arrive $0xFFFF  }
0x211: {  	[tilespmem:s10], [sflag:$0x8] =	stream.linear.gather [spmem:s11], $0xC40, $0x38;
	[tilespmem:$0x13040] =	vst v63  }
0x212: {  	_ =	swait.ge [sflag:s23], $0xC40  }
0x213: {  	[sflag:s23] =	ssyncset.done $0x0  }
0x214: {  	s30 =	rddreg [dreg:$0xe];
	[sflag:s23] =	ssyncadd.s32 $0xFFFFF3C0  }
0x215: {  	[hbm4b:s30+s3] =	stream.linear.scatter [tilespmem:s10], [sflag:$0x8], $0xC40, $0x38;
	[tilespmem:$0x13040] =	vst v63  }
.Ltmp5:
0x216: {  	_ =	swait.ge [sflag:s23], $0xC40;
	(pc) =	sbr.rel @!p1 .LBB2_10-.Ltmp5, $4  }
0x217: {  	[sflag:s23] =	ssyncset.done $0x0  }
0x218: {  	[sflag:s23] =	ssyncadd.s32 $0xFFFFF3C0  }
0x219: {  	[bflag:$0x0] =	sbarrier.arrive $0xFFFF  }
0x21a: {  	s15 =	rddreg [dreg:$0xf]  }
.LBB2_9:
0x21b: {  	s1 =	simm.s32 $0x100000  }
0x21c: {  	[smem:s1], [sflag:$0x0] =	smem.add.s32 $0x0  }
0x21d: {  	_ =	swait.done [sflag:s3]  }
0x21e: {  	s25 =	ssyncread [sflag:$0x0];
	_ =	sdelay $0x2  }
0x21f: {  	s10 =	rddreg [dreg:$0x10];
	s1 =	sadd.s32 s15, s25  }
0x220: {  	s10 =	sshll.u32 s10, $0xE;
	s1 =	sshll.u32 s1, $0x11  }
0x221: {  	[sflag:s3] =	ssyncset.s32 $0x0;
	s1 =	sor.u32 s1, s10  }
0x222: {  	[sflag:s3] =	ssyncset.done $0x0;
	s1 =	sor.u32 $0x1C07, s1  }
0x223: {  	s30 =	simm.s32 $0x7;
	[sflag:s1] =	ssyncadd.remote.s32 $0x1  }
0x224: {  	_ =	swait.ge [sflag:s30], $0x1  }
0x225: {  	[sflag:s30] =	ssyncset.done $0x0  }
0x226: {  	[sflag:s30] =	ssyncadd.s32 $0xFFFFFFFF  }
.LBB2_10:
0x227: {  	[bflag:$0x0] =	sbarrier.arrive $0xFFFF  }
0x228: {  	s1 =	simm.s32 $0x0;
	s14 =	simm.s32 $0xFBC0;
	s10 =	rddreg [dreg:$0x11]  }
0x229: {  	[tilespmem:s14], [sflag:$0x8] =	stream.linear.gather [hbm4b:s10+s1], $0x620, $0x38;
	[tilespmem:$0x13040] =	vst v63  }
0x22a: {  	_ =	swait.ge [sflag:s23], $0x620  }
0x22b: {  	s25 =	sld [smem:$0x7FD]  }
0x22c: {  	[sflag:s23] =	ssyncset.done $0x0  }
0x22d: {  	s30 =	simm.s32 $0x10240;
	[sflag:s23] =	ssyncadd.s32 $0xFFFFF9E0  }
0x22e: {  	[tilespmem:s30], [sflag:$0x8] =	stream.linear.gather [hbm4b:s25+s1], $0x620, $0x38;
	[tilespmem:$0x13040] =	vst v63  }
0x22f: {  	_ =	swait.ge [sflag:s23], $0x620  }
0x230: {  	[sflag:s23] =	ssyncset.done $0x0  }
0x231: {  	s1 =	simm.s32 $0x0;
	[sflag:s23] =	ssyncadd.s32 $0xFFFFF9E0  }
0x232: {  	v1 =	vld [tilespmem:s1+$0xEF20]  }
0x233: {  	v2 =	vld [tilespmem:s1+$0xEEC0]  }
0x234: {  	v3 =	vld [tilespmem:s1+$0xEED0]  }
0x235: {  	v4 =	vld [tilespmem:s1+$0xEEE0]  }
0x236: {  	v5 =	vld [tilespmem:s1+$0xEEF0]  }
0x237: {  	v6 =	vld [tilespmem:s1+$0xFC20]  }
0x238: {  	v7 =	vld [tilespmem:s1+$0xEF00];
	(erf) = vrcp.f32 v1  }
0x239: {  	v8 =	vld [tilespmem:s1+$0xE8A0]  }
0x23a: {  	v9 =	vld [tilespmem:s1+$0xEF10]  }
0x23b: {  	v10 =	vld [tilespmem:s1+$0xFBC0]  }
0x23c: {  	v11 =	vld [tilespmem:s1+$0x10240]  }
0x23d: {  	v12 =	vld [tilespmem:s1+$0xFBD0]  }
0x23e: {  	v1 =	vld [tilespmem:s1+$0x102A0]  }
0x23f: {  	v13 =	vld [tilespmem:s1+$0x10250];
	(erf) = vrcp.f32 v2  }
0x240: {  	v14 =	vld [tilespmem:s1+$0x10260];
	(erf) = vrcp.f32 v3  }
0x241: {  	v17 =	vld [tilespmem:s1+$0x10270];
	v3 =	vpop (erf);
	(erf) = vrcp.f32 v4  }
0x242: {  	v18 =	vld [tilespmem:s1+$0x10280];
	(erf) = vrcp.f32 v5  }
0x243: {  	v19 =	vld [tilespmem:s1+$0xFC10];
	v1 =	vadd.f32 v1, v6;
	(erf) = vrcp.f32 v7  }
0x244: {  	v20 =	vld [tilespmem:s1+$0x10290];
	(erf) = vrcp.f32 v9  }
0x245: {  	v21 =	vld [tilespmem:s1+$0xE840];
	v1 =	vsub.f32 v8, v1  }
0x246: {  	v2 =	vld [tilespmem:s1+$0xFBE0]  }
0x247: {  	v4 =	vld [tilespmem:s1+$0xFBF0];
	v1 =	vmul.f32 v3, v1  }
0x248: {  	v6 =	vpop (erf);
	v7 =	vld [tilespmem:s1+$0xFC00]  }
0x249: {  	v16 =	vld [tilespmem:s1+$0xE850];
	v5 =	vpop (erf)  }
0x24a: {  	v15 =	vld [tilespmem:s1+$0xE860];
	v22 =	vadd.f32 v11, v10;
	v3 =	vpop (erf)  }
0x24b: {  	v8 =	vadd.f32 v13, v12;
	v13 =	vld [tilespmem:s1+$0xE870];
	[tilespmem:s1+$0x10920] =	vst v1;
	v9 =	vadd.f32 v14, v2;
	v1 =	vpop (erf)  }
0x24c: {  	v12 =	vld [tilespmem:s1+$0xE880];
	v11 =	vadd.f32 v17, v4;
	v17 =	vsub.f32 v21, v22;
	v2 =	vpop (erf)  }
0x24d: {  	s10 =	simm.s32 $0x70;
	s14 =	simm.s32 $0x380;
	v14 =	vld [tilespmem:s1+$0xE890];
	v10 =	vadd.f32 v18, v7;
	v7 =	vadd.f32 v20, v19;
	v4 =	vpop (erf)  }
.LBB2_11:
0x24e: {  	p2 =	sne.s32 s14, $0x16C0;
	v18 =	vld [tilespmem:s10+$0xEF20];
	v8 =	vsub.f32 v16, v8  }
0x24f: {  	v16 =	vld [tilespmem:s10+$0xEEC0];
	v6 =	vmul.f32 v6, v17;
	v9 =	vsub.f32 v15, v9  }
0x250: {  	v15 =	vld [tilespmem:s10+$0xEED0];
	v5 =	vmul.f32 v5, v8;
	v8 =	vsub.f32 v13, v11  }
0x251: {  	v11 =	vld [tilespmem:s10+$0xEEE0];
	[tilespmem:s1+$0x108C0] =	vst v6;
	v3 =	vmul.f32 v3, v9;
	v6 =	vsub.f32 v12, v10  }
0x252: {  	v9 =	vld [tilespmem:s10+$0xEEF0];
	[tilespmem:s1+$0x108D0] =	vst v5;
	v1 =	vmul.f32 v1, v8;
	v5 =	vsub.f32 v14, v7  }
0x253: {  	v7 =	vld [tilespmem:s10+$0xFC20];
	(erf) = vrcp.f32 v18;
	[tilespmem:s1+$0x108E0] =	vst v3;
	v2 =	vmul.f32 v2, v6  }
0x254: {  	v3 =	vld [tilespmem:s10+$0x102A0];
	(erf) = vrcp.f32 v16;
	[tilespmem:s1+$0x108F0] =	vst v1;
	v1 =	vmul.f32 v4, v5  }
0x255: {  	v4 =	vld [tilespmem:s10+$0xEF00];
	(erf) = vrcp.f32 v15;
	[tilespmem:s1+$0x10900] =	vst v2  }
0x256: {  	v2 =	vld [tilespmem:s10+$0xE8A0];
	(erf) = vrcp.f32 v11;
	[tilespmem:s1+$0x10910] =	vst v1;
	s1 =	smov.u32 s10  }
0x257: {  	v1 =	vld [tilespmem:s1+$0xEF10];
	(erf) = vrcp.f32 v9  }
0x258: {  	v5 =	vld [tilespmem:s1+$0xFBC0]  }
0x259: {  	v8 =	vld [tilespmem:s1+$0x10240];
	v3 =	vadd.f32 v3, v7  }
0x25a: {  	v7 =	vld [tilespmem:s1+$0xFBD0];
	(erf) = vrcp.f32 v4  }
0x25b: {  	v4 =	vld [tilespmem:s1+$0x10250];
	v2 =	vsub.f32 v2, v3  }
0x25c: {  	v9 =	vld [tilespmem:s1+$0xFBE0];
	(erf) = vrcp.f32 v1;
	v1 =	vpop (erf)  }
0x25d: {  	v10 =	vld [tilespmem:s1+$0x10260];
	v2 =	vmul.f32 v1, v2;
	v6 =	vpop (erf)  }
0x25e: {  	v14 =	vadd.f32 v8, v5;
	v11 =	vld [tilespmem:s1+$0xFBF0];
	v5 =	vpop (erf)  }
0x25f: {  	v12 =	vld [tilespmem:s1+$0x10270];
	[tilespmem:s1+$0x10920] =	vst v2;
	v3 =	vpop (erf)  }
0x260: {  	v8 =	vadd.f32 v4, v7;
	v7 =	vld [tilespmem:s1+$0xFC00];
	v1 =	vpop (erf)  }
0x261: {  	v13 =	vld [tilespmem:s1+$0x10280]  }
0x262: {  	v9 =	vadd.f32 v10, v9;
	v17 =	vld [tilespmem:s1+$0xFC10]  }
0x263: {  	v18 =	vld [tilespmem:s1+$0x10290];
	v2 =	vpop (erf)  }
0x264: {  	v19 =	vld [tilespmem:s1+$0xE840];
	v11 =	vadd.f32 v12, v11  }
.Ltmp6:
0x265: {  	v16 =	vld [tilespmem:s1+$0xE850];
	v4 =	vpop (erf);
	(pc) =	sbr.rel @p2 .LBB2_11-.Ltmp6, $4  }
0x266: {  	v15 =	vld [tilespmem:s1+$0xE860];
	v10 =	vadd.f32 v13, v7  }
0x267: {  	v13 =	vld [tilespmem:s1+$0xE870]  }
0x268: {  	v12 =	vld [tilespmem:s1+$0xE880];
	v7 =	vadd.f32 v18, v17  }
0x269: {  	s10 =	sshra.s32 s14, $0x2;
	s14 =	sadd.s32 $0x1C0, s14;
	v17 =	vsub.f32 v19, v14;
	v14 =	vld [tilespmem:s1+$0xE890]  }
0x26a: {  	v18 =	vld [tilespmem:s10+$0xEF20];
	v8 =	vsub.f32 v16, v8  }
0x26b: {  	v19 =	vld [tilespmem:s10+$0xEEC0];
	v6 =	vmul.f32 v6, v17;
	v9 =	vsub.f32 v15, v9  }
0x26c: {  	v35 =	vld [tilespmem:s10+$0xEED0];
	v5 =	vmul.f32 v5, v8;
	v37 =	vsub.f32 v13, v11  }
0x26d: {  	v36 =	vld [tilespmem:s10+$0xEEE0];
	[tilespmem:s1+$0x108C0] =	vst v6;
	v3 =	vmul.f32 v3, v9;
	v38 =	vsub.f32 v12, v10  }
0x26e: {  	v6 =	vld [tilespmem:s10+$0xEEF0];
	[tilespmem:s1+$0x108D0] =	vst v5;
	v1 =	vmul.f32 v1, v37;
	v7 =	vsub.f32 v14, v7  }
0x26f: {  	v5 =	vld [tilespmem:s10+$0xFC20];
	[tilespmem:s1+$0x108E0] =	vst v3;
	v2 =	vmul.f32 v2, v38  }
0x270: {  	v3 =	vld [tilespmem:s10+$0x102A0];
	[tilespmem:s1+$0x108F0] =	vst v1;
	v4 =	vmul.f32 v4, v7  }
0x271: {  	v1 =	vld [tilespmem:s10+$0xEF00];
	[tilespmem:s1+$0x10900] =	vst v2  }
0x272: {  	v2 =	vld [tilespmem:s10+$0xE8A0];
	[tilespmem:s1+$0x10910] =	vst v4  }
0x273: {  	v4 =	vld [tilespmem:s10+$0xEF10]  }
0x274: {  	(erf) = vrcp.f32 v18;
	v39 =	vld [tilespmem:s10+$0xFBC0]  }
0x275: {  	v40 =	vld [tilespmem:s10+$0x10240]  }
0x276: {  	v41 =	vld [tilespmem:s10+$0xFBD0]  }
0x277: {  	v42 =	vld [tilespmem:s10+$0x10250]  }
0x278: {  	v44 =	vld [tilespmem:s10+$0x10260]  }
0x279: {  	v45 =	vld [tilespmem:s10+$0xFBF0]  }
0x27a: {  	v46 =	vld [tilespmem:s10+$0x10270]  }
0x27b: {  	v47 =	vld [tilespmem:s10+$0x10280]  }
0x27c: {  	v48 =	vld [tilespmem:s10+$0xFC10];
	v3 =	vadd.f32 v3, v5  }
0x27d: {  	v49 =	vld [tilespmem:s10+$0x10290];
	v43 =	vpop (erf);
	(erf) = vrcp.f32 v19  }
0x27e: {  	v50 =	vld [tilespmem:s10+$0xE840];
	v2 =	vsub.f32 v2, v3;
	(erf) = vrcp.f32 v35  }
0x27f: {  	v51 =	vld [tilespmem:s10+$0xE860];
	(erf) = vrcp.f32 v36  }
0x280: {  	v3 =	vld [tilespmem:s10+$0xFBE0];
	v2 =	vmul.f32 v43, v2;
	(erf) = vrcp.f32 v6  }
0x281: {  	(erf) = vrcp.f32 v1;
	v1 =	vld [tilespmem:s10+$0xE850]  }
0x282: {  	[tilespmem:s10+$0x10920] =	vst v2;
	v2 =	vld [tilespmem:s10+$0xFC00];
	(erf) = vrcp.f32 v4  }
0x283: {  	v52 =	vld [tilespmem:s10+$0xE870];
	v7 =	vadd.f32 v40, v39  }
0x284: {  	v53 =	vld [tilespmem:s10+$0xE880];
	v5 =	vadd.f32 v42, v41  }
0x285: {  	v54 =	vld [tilespmem:s10+$0xE890];
	v6 =	vsub.f32 v50, v7;
	v3 =	vadd.f32 v44, v3  }
0x286: {  	v10 =	vadd.f32 v46, v45;
	v55 =	vpop (erf);
	v1 =	vsub.f32 v1, v5  }
0x287: {  	v3 =	vsub.f32 v51, v3;
	v2 =	vadd.f32 v47, v2;
	v56 =	vpop (erf);
	v6 =	vmul.f32 v55, v6  }
0x288: {  	v58 =	vadd.f32 v49, v48;
	v59 =	vsub.f32 v52, v10;
	v57 =	vpop (erf);
	v1 =	vmul.f32 v56, v1  }
0x289: {  	v2 =	vsub.f32 v53, v2;
	v60 =	vpop (erf);
	[tilespmem:s10+$0x108C0] =	vst v6;
	v3 =	vmul.f32 v57, v3  }
0x28a: {  	v62 =	vsub.f32 v54, v58;
	v61 =	vpop (erf);
	[tilespmem:s10+$0x108D0] =	vst v1;
	v1 =	vmul.f32 v60, v59  }
0x28b: {  	v63 =	vpop (erf);
	[tilespmem:s10+$0x108E0] =	vst v3;
	v2 =	vmul.f32 v61, v2  }
0x28c: {  	[tilespmem:s10+$0x108F0] =	vst v1;
	v1 =	vmul.f32 v63, v62  }
0x28d: {  	[tilespmem:s10+$0x10900] =	vst v2  }
0x28e: {  	s14 =	simm.s32 $0x108C0;
	[tilespmem:s10+$0x10910] =	vst v1;
	s10 =	rddreg [dreg:$0x12]  }
0x28f: {  	[hbm4b:s10+s3] =	stream.linear.scatter [tilespmem:s14], [sflag:$0x8], $0x620, $0x38;
	[tilespmem:$0x13040] =	vst v63  }
0x290: {  	_ =	swait.ge [sflag:s23], $0x620  }
0x291: {  	[sflag:s23] =	ssyncset.done $0x0  }
0x292: {  	[sflag:s23] =	ssyncadd.s32 $0xFFFFF9E0  }
0x293: {  	s1 =	simm.s32 @!p0 $0x100000;
	[bflag:$0x0] =	sbarrier.arrive $0xFFFF  }
0x294: {  	[smem:s1], [sflag:$0x0] =	smem.add.s32 @!p0 $0x0;
	s1 =	simm.s32 @!p0 $0x0  }
0x295: {  	_ =	swait.done @!p0 [sflag:s1]  }
0x296: {  	s10 =	ssyncread @!p0 [sflag:$0x0];
	_ =	sdelay $0x2  }
0x297: {  	s14 =	rddreg [dreg:$0x10];
	s10 =	sadd.s32 @!p0 s15, s10  }
0x298: {  	s25 =	sshll.u32 @!p0 s14, $0xE;
	s10 =	sshll.u32 @!p0 s10, $0x11  }
0x299: {  	[sflag:s1] =	ssyncset.s32 @!p0 $0x0;
	s10 =	sor.u32 @!p0 s10, s25  }
0x29a: {  	[sflag:s1] =	ssyncset.done @!p0 $0x0;
	s1 =	sor.u32 @!p0 $0x1C07, s10  }
0x29b: {  	[sflag:s1] =	ssyncadd.remote.s32 @!p0 $0x1;
	s1 =	simm.s32 @!p0 $0x7  }
0x29c: {  	_ =	swait.ge @!p0 [sflag:s1], $0x1  }
0x29d: {  	[sflag:s1] =	ssyncset.done @!p0 $0x0  }
0x29e: {  	[sflag:s1] =	ssyncadd.s32 @!p0 $0xFFFFFFFF  }
0x29f: {  	[bflag:$0x0] =	sbarrier.arrive $0xFFFF  }
0x2a0: {  	s17 =	simm.s32 $0x11640;
	s30 =	simm.s32 $0x70;
	s16 =	rddreg [dreg:$0x9]  }
0x2a1: {  	[tilespmem:s13], [sflag:$0x8] =	stream.indirect.gather [hbm4b:s16+s30], $0x1, s17, s30, $0xb8;
	[tilespmem:$0x13040] =	vst v63  }
0x2a2: {  	_ =	swait.ge [sflag:s23], $0x70  }
0x2a3: {  	[sflag:s23] =	ssyncset.done $0x0  }
0x2a4: {  	s1 =	simm.s32 $0x0;
	[sflag:s23] =	ssyncadd.s32 $0xFFFFFF90  }
0x2a5: {  	v1 =	vld [tilespmem:s1+$0xF540];
	_ =	sdelay $0x5  }
0x2a6: {  	v2 =	vld [tilespmem:s1+$0x108C0]  }
0x2a7: {  	v3 =	vld [tilespmem:s1+$0xF550]  }
0x2a8: {  	v1 =	vld.idx.msk [tilespmem:v1+s13+$0x0], $0xffff;
	_ =	sdelay $0x4  }
0x2a9: {  	v1 =	vsub.f32 v2, v1;
	_ =	sdelay $0x1  }
0x2aa: {  	[tilespmem:s1+$0x10F40] =	vst v1;
	v1 =	vld [tilespmem:s1+$0x108D0]  }
0x2ab: {  	v2 =	vld.idx.msk [tilespmem:v3+s13+$0x0], $0xffff  }
0x2ac: {  	v3 =	vld [tilespmem:s1+$0xF560];
	_ =	sdelay $0x4  }
0x2ad: {  	v1 =	vsub.f32 v1, v2;
	_ =	sdelay $0x1  }
0x2ae: {  	[tilespmem:s1+$0x10F50] =	vst v1;
	v1 =	vld [tilespmem:s1+$0x108E0]  }
0x2af: {  	v2 =	vld.idx.msk [tilespmem:v3+s13+$0x0], $0xffff  }
0x2b0: {  	v3 =	vld [tilespmem:s1+$0xF570];
	_ =	sdelay $0x4  }
0x2b1: {  	v1 =	vsub.f32 v1, v2;
	_ =	sdelay $0x1  }
0x2b2: {  	[tilespmem:s1+$0x10F60] =	vst v1;
	v1 =	vld [tilespmem:s1+$0x108F0]  }
0x2b3: {  	v2 =	vld.idx.msk [tilespmem:v3+s13+$0x0], $0xffff  }
0x2b4: {  	v3 =	vld [tilespmem:s1+$0xF580];
	_ =	sdelay $0x4  }
0x2b5: {  	v1 =	vsub.f32 v1, v2;
	_ =	sdelay $0x1  }
0x2b6: {  	[tilespmem:s1+$0x10F70] =	vst v1;
	v1 =	vld [tilespmem:s1+$0x10900]  }
0x2b7: {  	v2 =	vld.idx.msk [tilespmem:v3+s13+$0x0], $0xffff  }
0x2b8: {  	v3 =	vld [tilespmem:s1+$0xF590];
	_ =	sdelay $0x4  }
0x2b9: {  	v1 =	vsub.f32 v1, v2;
	_ =	sdelay $0x1  }
0x2ba: {  	[tilespmem:s1+$0x10F80] =	vst v1;
	v1 =	vld [tilespmem:s1+$0x10910]  }
0x2bb: {  	v2 =	vld.idx.msk [tilespmem:v3+s13+$0x0], $0xffff  }
0x2bc: {  	v3 =	vld [tilespmem:s1+$0xF5A0];
	_ =	sdelay $0x4  }
0x2bd: {  	v1 =	vsub.f32 v1, v2;
	_ =	sdelay $0x1  }
0x2be: {  	[tilespmem:s1+$0x10F90] =	vst v1;
	v1 =	vld [tilespmem:s1+$0x10920]  }
0x2bf: {  	s14 =	simm.s32 $0x70;
	s10 =	simm.s32 $0x380;
	v2 =	vld.idx.msk [tilespmem:v3+s13+$0x0], $0xffff  }
.LBB2_13:
0x2c0: {  	p2 =	sne.s32 s10, $0x16C0;
	v3 =	vld [tilespmem:s14+$0xF540];
	_ =	sdelay $0x4  }
0x2c1: {  	v1 =	vsub.f32 v1, v2;
	_ =	sdelay $0x1  }
0x2c2: {  	v2 =	vld [tilespmem:s14+$0x108C0];
	[tilespmem:s1+$0x10FA0] =	vst v1;
	s1 =	smov.u32 s14  }
0x2c3: {  	v1 =	vld.idx.msk [tilespmem:v3+s13+$0x0], $0xffff  }
0x2c4: {  	v3 =	vld [tilespmem:s1+$0xF550];
	_ =	sdelay $0x4  }
0x2c5: {  	v1 =	vsub.f32 v2, v1;
	_ =	sdelay $0x1  }
0x2c6: {  	[tilespmem:s1+$0x10F40] =	vst v1;
	v1 =	vld [tilespmem:s1+$0x108D0]  }
0x2c7: {  	v2 =	vld.idx.msk [tilespmem:v3+s13+$0x0], $0xffff  }
0x2c8: {  	v3 =	vld [tilespmem:s1+$0xF560];
	_ =	sdelay $0x4  }
0x2c9: {  	v1 =	vsub.f32 v1, v2;
	_ =	sdelay $0x1  }
0x2ca: {  	[tilespmem:s1+$0x10F50] =	vst v1;
	v1 =	vld [tilespmem:s1+$0x108E0]  }
0x2cb: {  	v2 =	vld.idx.msk [tilespmem:v3+s13+$0x0], $0xffff  }
0x2cc: {  	v3 =	vld [tilespmem:s1+$0xF570];
	_ =	sdelay $0x4  }
0x2cd: {  	v1 =	vsub.f32 v1, v2;
	_ =	sdelay $0x1  }
0x2ce: {  	[tilespmem:s1+$0x10F60] =	vst v1;
	v1 =	vld [tilespmem:s1+$0x108F0]  }
0x2cf: {  	v2 =	vld.idx.msk [tilespmem:v3+s13+$0x0], $0xffff  }
0x2d0: {  	v3 =	vld [tilespmem:s1+$0xF580];
	_ =	sdelay $0x4  }
0x2d1: {  	v1 =	vsub.f32 v1, v2;
	_ =	sdelay $0x1  }
0x2d2: {  	[tilespmem:s1+$0x10F70] =	vst v1;
	v1 =	vld [tilespmem:s1+$0x10900]  }
0x2d3: {  	v2 =	vld.idx.msk [tilespmem:v3+s13+$0x0], $0xffff  }
0x2d4: {  	v3 =	vld [tilespmem:s1+$0xF590];
	_ =	sdelay $0x4  }
0x2d5: {  	v1 =	vsub.f32 v1, v2;
	_ =	sdelay $0x1  }
0x2d6: {  	[tilespmem:s1+$0x10F80] =	vst v1;
	v1 =	vld [tilespmem:s1+$0x10910]  }
0x2d7: {  	v2 =	vld.idx.msk [tilespmem:v3+s13+$0x0], $0xffff  }
0x2d8: {  	v3 =	vld [tilespmem:s1+$0xF5A0];
	_ =	sdelay $0x3  }
.Ltmp7:
0x2d9: {  	(pc) =	sbr.rel @p2 .LBB2_13-.Ltmp7, $3  }
0x2da: {  	v1 =	vsub.f32 v1, v2;
	_ =	sdelay $0x1  }
0x2db: {  	[tilespmem:s1+$0x10F90] =	vst v1;
	v1 =	vld [tilespmem:s1+$0x10920]  }
0x2dc: {  	s14 =	sshra.s32 s10, $0x2;
	s10 =	sadd.s32 $0x1C0, s10;
	v2 =	vld.idx.msk [tilespmem:v3+s13+$0x0], $0xffff  }
0x2dd: {  	v3 =	vld [tilespmem:s14+$0xF540];
	_ =	sdelay $0x4  }
0x2de: {  	v1 =	vsub.f32 v1, v2;
	_ =	sdelay $0x1  }
0x2df: {  	v2 =	vld [tilespmem:s14+$0x108C0];
	[tilespmem:s1+$0x10FA0] =	vst v1  }
0x2e0: {  	v1 =	vld.idx.msk [tilespmem:v3+s13+$0x0], $0xffff  }
0x2e1: {  	v3 =	vld [tilespmem:s14+$0xF550];
	_ =	sdelay $0x4  }
0x2e2: {  	v1 =	vsub.f32 v2, v1;
	_ =	sdelay $0x1  }
0x2e3: {  	[tilespmem:s14+$0x10F40] =	vst v1;
	v1 =	vld [tilespmem:s14+$0x108D0]  }
0x2e4: {  	v2 =	vld.idx.msk [tilespmem:v3+s13+$0x0], $0xffff  }
0x2e5: {  	v3 =	vld [tilespmem:s14+$0xF560];
	_ =	sdelay $0x4  }
0x2e6: {  	v1 =	vsub.f32 v1, v2;
	_ =	sdelay $0x1  }
0x2e7: {  	[tilespmem:s14+$0x10F50] =	vst v1;
	v1 =	vld [tilespmem:s14+$0x108E0]  }
0x2e8: {  	v2 =	vld.idx.msk [tilespmem:v3+s13+$0x0], $0xffff  }
0x2e9: {  	v3 =	vld [tilespmem:s14+$0xF570];
	_ =	sdelay $0x4  }
0x2ea: {  	v1 =	vsub.f32 v1, v2;
	_ =	sdelay $0x1  }
0x2eb: {  	[tilespmem:s14+$0x10F60] =	vst v1;
	v1 =	vld [tilespmem:s14+$0x108F0]  }
0x2ec: {  	v2 =	vld.idx.msk [tilespmem:v3+s13+$0x0], $0xffff  }
0x2ed: {  	v3 =	vld [tilespmem:s14+$0xF580];
	_ =	sdelay $0x4  }
0x2ee: {  	v1 =	vsub.f32 v1, v2;
	_ =	sdelay $0x1  }
0x2ef: {  	[tilespmem:s14+$0x10F70] =	vst v1;
	v1 =	vld [tilespmem:s14+$0x10900]  }
0x2f0: {  	v2 =	vld.idx.msk [tilespmem:v3+s13+$0x0], $0xffff  }
0x2f1: {  	v3 =	vld [tilespmem:s14+$0xF590];
	_ =	sdelay $0x4  }
0x2f2: {  	v1 =	vsub.f32 v1, v2;
	_ =	sdelay $0x1  }
0x2f3: {  	[tilespmem:s14+$0x10F80] =	vst v1;
	v1 =	vld [tilespmem:s14+$0x10910]  }
0x2f4: {  	v2 =	vld.idx.msk [tilespmem:v3+s13+$0x0], $0xffff  }
0x2f5: {  	v3 =	vld [tilespmem:s14+$0xF5A0];
	_ =	sdelay $0x4  }
0x2f6: {  	v1 =	vsub.f32 v1, v2;
	_ =	sdelay $0x1  }
0x2f7: {  	[tilespmem:s14+$0x10F90] =	vst v1;
	v1 =	vld [tilespmem:s14+$0x10920]  }
0x2f8: {  	v2 =	vld.idx.msk [tilespmem:v3+s13+$0x0], $0xffff;
	_ =	sdelay $0x4  }
0x2f9: {  	v1 =	vsub.f32 v1, v2;
	_ =	sdelay $0x1  }
0x2fa: {  	s16 =	rddreg [dreg:$0x13];
	s10 =	simm.s32 $0x10F40;
	[tilespmem:s14+$0x10FA0] =	vst v1  }
0x2fb: {  	[hbm4b:s16+s3] =	stream.linear.scatter [tilespmem:s10], [sflag:$0x8], $0x620, $0x38;
	[tilespmem:$0x13040] =	vst v63  }
0x2fc: {  	_ =	swait.ge [sflag:s23], $0x620  }
0x2fd: {  	[sflag:s23] =	ssyncset.done $0x0  }
0x2fe: {  	[sflag:s23] =	ssyncadd.s32 $0xFFFFF9E0  }
0x2ff: {  	s1 =	simm.s32 @!p0 $0x100000;
	[bflag:$0x0] =	sbarrier.arrive $0xFFFF  }
0x300: {  	[smem:s1], [sflag:$0x0] =	smem.add.s32 @!p0 $0x0;
	s1 =	simm.s32 @!p0 $0x0  }
0x301: {  	_ =	swait.done @!p0 [sflag:s1]  }
0x302: {  	s10 =	ssyncread @!p0 [sflag:$0x0];
	_ =	sdelay $0x2  }
0x303: {  	s10 =	sadd.s32 @!p0 s15, s10  }
0x304: {  	s10 =	sshll.u32 @!p0 s10, $0x11  }
0x305: {  	[sflag:s1] =	ssyncset.s32 @!p0 $0x0;
	s10 =	sor.u32 @!p0 s10, s25  }
0x306: {  	[sflag:s1] =	ssyncset.done @!p0 $0x0;
	s1 =	sor.u32 @!p0 $0x1C07, s10  }
0x307: {  	[sflag:s1] =	ssyncadd.remote.s32 @!p0 $0x1;
	s1 =	simm.s32 @!p0 $0x7  }
0x308: {  	_ =	swait.ge @!p0 [sflag:s1], $0x1  }
0x309: {  	[sflag:s1] =	ssyncset.done @!p0 $0x0  }
0x30a: {  	[sflag:s1] =	ssyncadd.s32 @!p0 $0xFFFFFFFF  }
0x30b: {  	[bflag:$0x0] =	sbarrier.arrive $0xFFFF  }
0x30c: {  	s14 =	simm.s32 $0x0;
	s17 =	rddreg [dreg:$0x8]  }
0x30d: {  	[tilespmem:s14], [sflag:$0x8] =	stream.linear.gather [hbm4b:s17+s14], $0xC400, $0x38;
	[tilespmem:$0x13040] =	vst v63  }
0x30e: {  	_ =	swait.ge [sflag:s23], $0xC400  }
0x30f: {  	[sflag:s23] =	ssyncset.done $0x0  }
0x310: {  	s10 =	simm.s32 $0x116C0;
	[sflag:s23] =	ssyncadd.s32 $0xFFFF3C00  }
0x311: {  	[spmem:s11] =	stream.linear.scatter [tilespmem:s10], [sflag:$0x8], $0xC40, $0x38;
	[tilespmem:$0x13040] =	vst v63  }
0x312: {  	_ =	swait.ge [sflag:s23], $0xC40  }
0x313: {  	[sflag:s23] =	ssyncset.done $0x0  }
0x314: {  	[sflag:s23] =	ssyncadd.s32 $0xFFFFF3C0  }
0x315: {  	[bflag:$0x0] =	sbarrier.arrive $0xFFFF  }
0x316: {  	s15 =	rddreg [dreg:$0x14]  }
0x317: {  	s17 =	rddreg [dreg:$0x15]  }
0x318: {  	s1 =	rddreg [dreg:$0x1b]  }
0x319: {  	s16 =	simm.s32 $0xD040;
	s10 =	rddreg [dreg:$0x19]  }
0x31a: {  	[tilespmem:s16], [sflag:$0x1] =	stream.linear.gather [hbm4b:s15+s14], $0x400, $0x38;
	[tilespmem:$0x13040] =	vst v63  }
0x31b: {  	s30 =	rddreg [dreg:$0x18]  }
0x31c: {  	[tilespmem:s29], [sflag:$0x1] =	stream.linear.gather [hbm4b:s17+s14], $0x200, $0x38;
	[tilespmem:$0x13040] =	vst v63  }
0x31d: {  	s17 =	rddreg [dreg:$0x1d]  }
.LBB2_15:
0x31e: {  	_ =	swait.ge [sflag:s26], $0x400  }
0x31f: {  	[sflag:s26] =	ssyncset.done $0x0  }
0x320: {  	[sflag:s26] =	ssyncadd.s32 $0xFFFFFC00  }
0x321: {  	_ =	swait.ge [sflag:s26], $0x200  }
0x322: {  	p2 =	seq.s32 s14, $0x0;
	[sflag:s26] =	ssyncset.done $0x0  }
0x323: {  	s15 =	simm.s32 @!p2 $0x5;
	[sflag:s26] =	ssyncadd.s32 $0xFFFFFE00  }
0x324: {  	_ =	swait.ge @!p2 [sflag:s15], $0x200  }
0x325: {  	[sflag:s15] =	ssyncset.done @!p2 $0x0  }
0x326: {  	s16 =	rddreg [dreg:$0x7];
	[sflag:s15] =	ssyncadd.s32 @!p2 $0xFFFFFE00  }
0x327: {  	[tilespmem:s8], [sflag:$0x2] =	stream.linear.gather [hbm4b:s17+s3], $0x400, $0x38;
	[tilespmem:$0x13040] =	vst v63  }
0x328: {  	s16 =	sadd.s32 s14, s16  }
0x329: {  	[tilespmem:s9], [sflag:$0x2] =	stream.linear.gather [hbm4b:s16+s3], $0x200, $0x38;
	[tilespmem:$0x13040] =	vst v63  }
0x32a: {  	v1 =	vld [tilespmem:$0xD040];
	_ =	sdelay $0x5  }
0x32b: {  	v2 =	vld [tilespmem:$0xD240]  }
0x32c: {  	v3 =	vld [tilespmem:$0xD050]  }
0x32d: {  	v1 =	vld.idx.msk [tilespmem:v1+s3+$0x0], $0xffff;
	_ =	sdelay $0x4  }
0x32e: {  	v1 =	vmul.f32 v2, v1;
	_ =	sdelay $0x1  }
0x32f: {  	v2 =	vld [tilespmem:$0xD250];
	[tilespmem:$0xE240] =	vst v1  }
0x330: {  	v1 =	vld.idx.msk [tilespmem:v3+s3+$0x0], $0xffff  }
0x331: {  	v3 =	vld [tilespmem:$0xD060];
	_ =	sdelay $0x4  }
0x332: {  	v1 =	vmul.f32 v2, v1;
	_ =	sdelay $0x1  }
0x333: {  	v2 =	vld [tilespmem:$0xD260];
	[tilespmem:$0xE250] =	vst v1  }
0x334: {  	v1 =	vld.idx.msk [tilespmem:v3+s3+$0x0], $0xffff  }
0x335: {  	v3 =	vld [tilespmem:$0xD070];
	_ =	sdelay $0x4  }
0x336: {  	v1 =	vmul.f32 v2, v1;
	_ =	sdelay $0x1  }
0x337: {  	v2 =	vld [tilespmem:$0xD270];
	[tilespmem:$0xE260] =	vst v1  }
0x338: {  	v1 =	vld.idx.msk [tilespmem:v3+s3+$0x0], $0xffff  }
0x339: {  	v3 =	vld [tilespmem:$0xD080];
	_ =	sdelay $0x4  }
0x33a: {  	v1 =	vmul.f32 v2, v1;
	_ =	sdelay $0x1  }
0x33b: {  	v2 =	vld [tilespmem:$0xD280];
	[tilespmem:$0xE270] =	vst v1  }
0x33c: {  	v1 =	vld.idx.msk [tilespmem:v3+s3+$0x0], $0xffff  }
0x33d: {  	v3 =	vld [tilespmem:$0xD090];
	_ =	sdelay $0x4  }
0x33e: {  	v1 =	vmul.f32 v2, v1;
	_ =	sdelay $0x1  }
0x33f: {  	v2 =	vld [tilespmem:$0xD290];
	[tilespmem:$0xE280] =	vst v1  }
0x340: {  	v1 =	vld.idx.msk [tilespmem:v3+s3+$0x0], $0xffff  }
0x341: {  	v3 =	vld [tilespmem:$0xD0A0];
	_ =	sdelay $0x4  }
0x342: {  	v1 =	vmul.f32 v2, v1;
	_ =	sdelay $0x1  }
0x343: {  	v2 =	vld [tilespmem:$0xD2A0];
	[tilespmem:$0xE290] =	vst v1  }
0x344: {  	v1 =	vld.idx.msk [tilespmem:v3+s3+$0x0], $0xffff  }
0x345: {  	v3 =	vld [tilespmem:$0xD0B0];
	_ =	sdelay $0x4  }
0x346: {  	v1 =	vmul.f32 v2, v1;
	_ =	sdelay $0x1  }
0x347: {  	v2 =	vld [tilespmem:$0xD2B0];
	[tilespmem:$0xE2A0] =	vst v1  }
0x348: {  	v1 =	vld.idx.msk [tilespmem:v3+s3+$0x0], $0xffff  }
0x349: {  	v3 =	vld [tilespmem:$0xD0C0];
	_ =	sdelay $0x4  }
0x34a: {  	v1 =	vmul.f32 v2, v1;
	_ =	sdelay $0x1  }
0x34b: {  	v2 =	vld [tilespmem:$0xD2C0];
	[tilespmem:$0xE2B0] =	vst v1  }
0x34c: {  	v1 =	vld.idx.msk [tilespmem:v3+s3+$0x0], $0xffff  }
0x34d: {  	v3 =	vld [tilespmem:$0xD0D0];
	_ =	sdelay $0x4  }
0x34e: {  	v1 =	vmul.f32 v2, v1;
	_ =	sdelay $0x1  }
0x34f: {  	v2 =	vld [tilespmem:$0xD2D0];
	[tilespmem:$0xE2C0] =	vst v1  }
0x350: {  	v1 =	vld.idx.msk [tilespmem:v3+s3+$0x0], $0xffff  }
0x351: {  	v3 =	vld [tilespmem:$0xD0E0];
	_ =	sdelay $0x4  }
0x352: {  	v1 =	vmul.f32 v2, v1;
	_ =	sdelay $0x1  }
0x353: {  	v2 =	vld [tilespmem:$0xD2E0];
	[tilespmem:$0xE2D0] =	vst v1  }
0x354: {  	v1 =	vld.idx.msk [tilespmem:v3+s3+$0x0], $0xffff  }
0x355: {  	v3 =	vld [tilespmem:$0xD0F0];
	_ =	sdelay $0x4  }
0x356: {  	v1 =	vmul.f32 v2, v1;
	_ =	sdelay $0x1  }
0x357: {  	v2 =	vld [tilespmem:$0xD2F0];
	[tilespmem:$0xE2E0] =	vst v1  }
0x358: {  	v1 =	vld.idx.msk [tilespmem:v3+s3+$0x0], $0xffff  }
0x359: {  	v3 =	vld [tilespmem:$0xD100];
	_ =	sdelay $0x4  }
0x35a: {  	v1 =	vmul.f32 v2, v1;
	_ =	sdelay $0x1  }
0x35b: {  	v2 =	vld [tilespmem:$0xD300];
	[tilespmem:$0xE2F0] =	vst v1  }
0x35c: {  	v1 =	vld.idx.msk [tilespmem:v3+s3+$0x0], $0xffff  }
0x35d: {  	v3 =	vld [tilespmem:$0xD110];
	_ =	sdelay $0x4  }
0x35e: {  	v1 =	vmul.f32 v2, v1;
	_ =	sdelay $0x1  }
0x35f: {  	v2 =	vld [tilespmem:$0xD310];
	[tilespmem:$0xE300] =	vst v1  }
0x360: {  	v1 =	vld.idx.msk [tilespmem:v3+s3+$0x0], $0xffff  }
0x361: {  	v3 =	vld [tilespmem:$0xD120];
	_ =	sdelay $0x4  }
0x362: {  	v1 =	vmul.f32 v2, v1;
	_ =	sdelay $0x1  }
0x363: {  	v2 =	vld [tilespmem:$0xD320];
	[tilespmem:$0xE310] =	vst v1  }
0x364: {  	v1 =	vld.idx.msk [tilespmem:v3+s3+$0x0], $0xffff  }
0x365: {  	v3 =	vld [tilespmem:$0xD130];
	_ =	sdelay $0x4  }
0x366: {  	v1 =	vmul.f32 v2, v1;
	_ =	sdelay $0x1  }
0x367: {  	v2 =	vld [tilespmem:$0xD330];
	[tilespmem:$0xE320] =	vst v1  }
0x368: {  	v1 =	vld.idx.msk [tilespmem:v3+s3+$0x0], $0xffff  }
0x369: {  	v3 =	vld [tilespmem:$0xD140];
	_ =	sdelay $0x4  }
0x36a: {  	v1 =	vmul.f32 v2, v1;
	_ =	sdelay $0x1  }
0x36b: {  	v2 =	vld [tilespmem:$0xD340];
	[tilespmem:$0xE330] =	vst v1  }
0x36c: {  	v1 =	vld.idx.msk [tilespmem:v3+s3+$0x0], $0xffff  }
0x36d: {  	v3 =	vld [tilespmem:$0xD150];
	_ =	sdelay $0x4  }
0x36e: {  	v1 =	vmul.f32 v2, v1;
	_ =	sdelay $0x1  }
0x36f: {  	v2 =	vld [tilespmem:$0xD350];
	[tilespmem:$0xE340] =	vst v1  }
0x370: {  	v1 =	vld.idx.msk [tilespmem:v3+s3+$0x0], $0xffff  }
0x371: {  	v3 =	vld [tilespmem:$0xD160];
	_ =	sdelay $0x4  }
0x372: {  	v1 =	vmul.f32 v2, v1;
	_ =	sdelay $0x1  }
0x373: {  	v2 =	vld [tilespmem:$0xD360];
	[tilespmem:$0xE350] =	vst v1  }
0x374: {  	v1 =	vld.idx.msk [tilespmem:v3+s3+$0x0], $0xffff  }
0x375: {  	v3 =	vld [tilespmem:$0xD170];
	_ =	sdelay $0x4  }
0x376: {  	v1 =	vmul.f32 v2, v1;
	_ =	sdelay $0x1  }
0x377: {  	v2 =	vld [tilespmem:$0xD370];
	[tilespmem:$0xE360] =	vst v1  }
0x378: {  	v1 =	vld.idx.msk [tilespmem:v3+s3+$0x0], $0xffff  }
0x379: {  	v3 =	vld [tilespmem:$0xD180];
	_ =	sdelay $0x4  }
0x37a: {  	v1 =	vmul.f32 v2, v1;
	_ =	sdelay $0x1  }
0x37b: {  	v2 =	vld [tilespmem:$0xD380];
	[tilespmem:$0xE370] =	vst v1  }
0x37c: {  	v1 =	vld.idx.msk [tilespmem:v3+s3+$0x0], $0xffff  }
0x37d: {  	v3 =	vld [tilespmem:$0xD190];
	_ =	sdelay $0x4  }
0x37e: {  	v1 =	vmul.f32 v2, v1;
	_ =	sdelay $0x1  }
0x37f: {  	v2 =	vld [tilespmem:$0xD390];
	[tilespmem:$0xE380] =	vst v1  }
0x380: {  	v1 =	vld.idx.msk [tilespmem:v3+s3+$0x0], $0xffff  }
0x381: {  	v3 =	vld [tilespmem:$0xD1A0];
	_ =	sdelay $0x4  }
0x382: {  	v1 =	vmul.f32 v2, v1;
	_ =	sdelay $0x1  }
0x383: {  	v2 =	vld [tilespmem:$0xD3A0];
	[tilespmem:$0xE390] =	vst v1  }
0x384: {  	v1 =	vld.idx.msk [tilespmem:v3+s3+$0x0], $0xffff  }
0x385: {  	v3 =	vld [tilespmem:$0xD1B0];
	_ =	sdelay $0x4  }
0x386: {  	v1 =	vmul.f32 v2, v1;
	_ =	sdelay $0x1  }
0x387: {  	v2 =	vld [tilespmem:$0xD3B0];
	[tilespmem:$0xE3A0] =	vst v1  }
0x388: {  	v1 =	vld.idx.msk [tilespmem:v3+s3+$0x0], $0xffff  }
0x389: {  	v3 =	vld [tilespmem:$0xD1C0];
	_ =	sdelay $0x4  }
0x38a: {  	v1 =	vmul.f32 v2, v1;
	_ =	sdelay $0x1  }
0x38b: {  	v2 =	vld [tilespmem:$0xD3C0];
	[tilespmem:$0xE3B0] =	vst v1  }
0x38c: {  	v1 =	vld.idx.msk [tilespmem:v3+s3+$0x0], $0xffff  }
0x38d: {  	v3 =	vld [tilespmem:$0xD1D0];
	_ =	sdelay $0x4  }
0x38e: {  	v1 =	vmul.f32 v2, v1;
	_ =	sdelay $0x1  }
0x38f: {  	v2 =	vld [tilespmem:$0xD3D0];
	[tilespmem:$0xE3C0] =	vst v1  }
0x390: {  	v1 =	vld.idx.msk [tilespmem:v3+s3+$0x0], $0xffff  }
0x391: {  	v3 =	vld [tilespmem:$0xD1E0];
	_ =	sdelay $0x4  }
0x392: {  	v1 =	vmul.f32 v2, v1;
	_ =	sdelay $0x1  }
0x393: {  	v2 =	vld [tilespmem:$0xD3E0];
	[tilespmem:$0xE3D0] =	vst v1  }
0x394: {  	v1 =	vld.idx.msk [tilespmem:v3+s3+$0x0], $0xffff  }
0x395: {  	v3 =	vld [tilespmem:$0xD1F0];
	_ =	sdelay $0x4  }
0x396: {  	v1 =	vmul.f32 v2, v1;
	_ =	sdelay $0x1  }
0x397: {  	v2 =	vld [tilespmem:$0xD3F0];
	[tilespmem:$0xE3E0] =	vst v1  }
0x398: {  	v1 =	vld.idx.msk [tilespmem:v3+s3+$0x0], $0xffff  }
0x399: {  	v3 =	vld [tilespmem:$0xD200];
	_ =	sdelay $0x4  }
0x39a: {  	v1 =	vmul.f32 v2, v1;
	_ =	sdelay $0x1  }
0x39b: {  	v2 =	vld [tilespmem:$0xD400];
	[tilespmem:$0xE3F0] =	vst v1  }
0x39c: {  	v1 =	vld.idx.msk [tilespmem:v3+s3+$0x0], $0xffff  }
0x39d: {  	v3 =	vld [tilespmem:$0xD210];
	_ =	sdelay $0x4  }
0x39e: {  	v1 =	vmul.f32 v2, v1;
	_ =	sdelay $0x1  }
0x39f: {  	v2 =	vld [tilespmem:$0xD410];
	[tilespmem:$0xE400] =	vst v1  }
0x3a0: {  	v1 =	vld.idx.msk [tilespmem:v3+s3+$0x0], $0xffff  }
0x3a1: {  	v3 =	vld [tilespmem:$0xD220];
	_ =	sdelay $0x4  }
0x3a2: {  	v1 =	vmul.f32 v2, v1;
	_ =	sdelay $0x1  }
0x3a3: {  	v2 =	vld [tilespmem:$0xD420];
	[tilespmem:$0xE410] =	vst v1  }
0x3a4: {  	v1 =	vld.idx.msk [tilespmem:v3+s3+$0x0], $0xffff  }
0x3a5: {  	v3 =	vld [tilespmem:$0xD230];
	_ =	sdelay $0x4  }
0x3a6: {  	v1 =	vmul.f32 v2, v1;
	_ =	sdelay $0x1  }
0x3a7: {  	v2 =	vld [tilespmem:$0xD430];
	[tilespmem:$0xE420] =	vst v1  }
0x3a8: {  	v1 =	vld.idx.msk [tilespmem:v3+s3+$0x0], $0xffff;
	_ =	sdelay $0x4  }
0x3a9: {  	v1 =	vmul.f32 v2, v1;
	_ =	sdelay $0x1  }
0x3aa: {  	[tilespmem:$0xE430] =	vst v1  }
0x3ab: {  	[spmem:s2] =	stream.indirect.scatter.add.f32 [tilespmem:s19], [sflag:$0x4], $0x1, s29, s18, $0xb8;
	[tilespmem:$0x13040] =	vst v63  }
0x3ac: {  	_ =	swait.ge [sflag:s20], $0x400  }
0x3ad: {  	[sflag:s20] =	ssyncset.done $0x0  }
0x3ae: {  	[sflag:s20] =	ssyncadd.s32 $0xFFFFFC00  }
0x3af: {  	_ =	swait.ge [sflag:s20], $0x200  }
0x3b0: {  	[sflag:s20] =	ssyncset.done $0x0  }
0x3b1: {  	s15 =	simm.s32 @!p2 $0x6;
	[sflag:s20] =	ssyncadd.s32 $0xFFFFFE00  }
0x3b2: {  	_ =	swait.ge @!p2 [sflag:s15], $0x200  }
0x3b3: {  	[sflag:s15] =	ssyncset.done @!p2 $0x0  }
0x3b4: {  	s11 =	rddreg [dreg:$0x6];
	[sflag:s15] =	ssyncadd.s32 @!p2 $0xFFFFFE00  }
0x3b5: {  	[tilespmem:s21], [sflag:$0x3] =	stream.linear.gather [hbm4b:s1+s3], $0x400, $0x38;
	[tilespmem:$0x13040] =	vst v63  }
0x3b6: {  	s16 =	sadd.s32 s14, s11  }
0x3b7: {  	[tilespmem:s22], [sflag:$0x3] =	stream.linear.gather [hbm4b:s16+s3], $0x200, $0x38;
	[tilespmem:$0x13040] =	vst v63  }
0x3b8: {  	v1 =	vld [tilespmem:$0xD440];
	_ =	sdelay $0x5  }
0x3b9: {  	v2 =	vld [tilespmem:$0xD640]  }
0x3ba: {  	v3 =	vld [tilespmem:$0xD450]  }
0x3bb: {  	v1 =	vld.idx.msk [tilespmem:v1+s3+$0x0], $0xffff;
	_ =	sdelay $0x4  }
0x3bc: {  	v1 =	vmul.f32 v2, v1;
	_ =	sdelay $0x1  }
0x3bd: {  	v2 =	vld [tilespmem:$0xD650];
	[tilespmem:$0xE440] =	vst v1  }
0x3be: {  	v1 =	vld.idx.msk [tilespmem:v3+s3+$0x0], $0xffff  }
0x3bf: {  	v3 =	vld [tilespmem:$0xD460];
	_ =	sdelay $0x4  }
0x3c0: {  	v1 =	vmul.f32 v2, v1;
	_ =	sdelay $0x1  }
0x3c1: {  	v2 =	vld [tilespmem:$0xD660];
	[tilespmem:$0xE450] =	vst v1  }
0x3c2: {  	v1 =	vld.idx.msk [tilespmem:v3+s3+$0x0], $0xffff  }
0x3c3: {  	v3 =	vld [tilespmem:$0xD470];
	_ =	sdelay $0x4  }
0x3c4: {  	v1 =	vmul.f32 v2, v1;
	_ =	sdelay $0x1  }
0x3c5: {  	v2 =	vld [tilespmem:$0xD670];
	[tilespmem:$0xE460] =	vst v1  }
0x3c6: {  	v1 =	vld.idx.msk [tilespmem:v3+s3+$0x0], $0xffff  }
0x3c7: {  	v3 =	vld [tilespmem:$0xD480];
	_ =	sdelay $0x4  }
0x3c8: {  	v1 =	vmul.f32 v2, v1;
	_ =	sdelay $0x1  }
0x3c9: {  	v2 =	vld [tilespmem:$0xD680];
	[tilespmem:$0xE470] =	vst v1  }
0x3ca: {  	v1 =	vld.idx.msk [tilespmem:v3+s3+$0x0], $0xffff  }
0x3cb: {  	v3 =	vld [tilespmem:$0xD490];
	_ =	sdelay $0x4  }
0x3cc: {  	v1 =	vmul.f32 v2, v1;
	_ =	sdelay $0x1  }
0x3cd: {  	v2 =	vld [tilespmem:$0xD690];
	[tilespmem:$0xE480] =	vst v1  }
0x3ce: {  	v1 =	vld.idx.msk [tilespmem:v3+s3+$0x0], $0xffff  }
0x3cf: {  	v3 =	vld [tilespmem:$0xD4A0];
	_ =	sdelay $0x4  }
0x3d0: {  	v1 =	vmul.f32 v2, v1;
	_ =	sdelay $0x1  }
0x3d1: {  	v2 =	vld [tilespmem:$0xD6A0];
	[tilespmem:$0xE490] =	vst v1  }
0x3d2: {  	v1 =	vld.idx.msk [tilespmem:v3+s3+$0x0], $0xffff  }
0x3d3: {  	v3 =	vld [tilespmem:$0xD4B0];
	_ =	sdelay $0x4  }
0x3d4: {  	v1 =	vmul.f32 v2, v1;
	_ =	sdelay $0x1  }
0x3d5: {  	v2 =	vld [tilespmem:$0xD6B0];
	[tilespmem:$0xE4A0] =	vst v1  }
0x3d6: {  	v1 =	vld.idx.msk [tilespmem:v3+s3+$0x0], $0xffff  }
0x3d7: {  	v3 =	vld [tilespmem:$0xD4C0];
	_ =	sdelay $0x4  }
0x3d8: {  	v1 =	vmul.f32 v2, v1;
	_ =	sdelay $0x1  }
0x3d9: {  	v2 =	vld [tilespmem:$0xD6C0];
	[tilespmem:$0xE4B0] =	vst v1  }
0x3da: {  	v1 =	vld.idx.msk [tilespmem:v3+s3+$0x0], $0xffff  }
0x3db: {  	v3 =	vld [tilespmem:$0xD4D0];
	_ =	sdelay $0x4  }
0x3dc: {  	v1 =	vmul.f32 v2, v1;
	_ =	sdelay $0x1  }
0x3dd: {  	v2 =	vld [tilespmem:$0xD6D0];
	[tilespmem:$0xE4C0] =	vst v1  }
0x3de: {  	v1 =	vld.idx.msk [tilespmem:v3+s3+$0x0], $0xffff  }
0x3df: {  	v3 =	vld [tilespmem:$0xD4E0];
	_ =	sdelay $0x4  }
0x3e0: {  	v1 =	vmul.f32 v2, v1;
	_ =	sdelay $0x1  }
0x3e1: {  	v2 =	vld [tilespmem:$0xD6E0];
	[tilespmem:$0xE4D0] =	vst v1  }
0x3e2: {  	v1 =	vld.idx.msk [tilespmem:v3+s3+$0x0], $0xffff  }
0x3e3: {  	v3 =	vld [tilespmem:$0xD4F0];
	_ =	sdelay $0x4  }
0x3e4: {  	v1 =	vmul.f32 v2, v1;
	_ =	sdelay $0x1  }
0x3e5: {  	v2 =	vld [tilespmem:$0xD6F0];
	[tilespmem:$0xE4E0] =	vst v1  }
0x3e6: {  	v1 =	vld.idx.msk [tilespmem:v3+s3+$0x0], $0xffff  }
0x3e7: {  	v3 =	vld [tilespmem:$0xD500];
	_ =	sdelay $0x4  }
0x3e8: {  	v1 =	vmul.f32 v2, v1;
	_ =	sdelay $0x1  }
0x3e9: {  	v2 =	vld [tilespmem:$0xD700];
	[tilespmem:$0xE4F0] =	vst v1  }
0x3ea: {  	v1 =	vld.idx.msk [tilespmem:v3+s3+$0x0], $0xffff  }
0x3eb: {  	v3 =	vld [tilespmem:$0xD510];
	_ =	sdelay $0x4  }
0x3ec: {  	v1 =	vmul.f32 v2, v1;
	_ =	sdelay $0x1  }
0x3ed: {  	v2 =	vld [tilespmem:$0xD710];
	[tilespmem:$0xE500] =	vst v1  }
0x3ee: {  	v1 =	vld.idx.msk [tilespmem:v3+s3+$0x0], $0xffff  }
0x3ef: {  	v3 =	vld [tilespmem:$0xD520];
	_ =	sdelay $0x4  }
0x3f0: {  	v1 =	vmul.f32 v2, v1;
	_ =	sdelay $0x1  }
0x3f1: {  	v2 =	vld [tilespmem:$0xD720];
	[tilespmem:$0xE510] =	vst v1  }
0x3f2: {  	v1 =	vld.idx.msk [tilespmem:v3+s3+$0x0], $0xffff  }
0x3f3: {  	v3 =	vld [tilespmem:$0xD530];
	_ =	sdelay $0x4  }
0x3f4: {  	v1 =	vmul.f32 v2, v1;
	_ =	sdelay $0x1  }
0x3f5: {  	v2 =	vld [tilespmem:$0xD730];
	[tilespmem:$0xE520] =	vst v1  }
0x3f6: {  	v1 =	vld.idx.msk [tilespmem:v3+s3+$0x0], $0xffff  }
0x3f7: {  	v3 =	vld [tilespmem:$0xD540];
	_ =	sdelay $0x4  }
0x3f8: {  	v1 =	vmul.f32 v2, v1;
	_ =	sdelay $0x1  }
0x3f9: {  	v2 =	vld [tilespmem:$0xD740];
	[tilespmem:$0xE530] =	vst v1  }
0x3fa: {  	v1 =	vld.idx.msk [tilespmem:v3+s3+$0x0], $0xffff  }
0x3fb: {  	v3 =	vld [tilespmem:$0xD550];
	_ =	sdelay $0x4  }
0x3fc: {  	v1 =	vmul.f32 v2, v1;
	_ =	sdelay $0x1  }
0x3fd: {  	v2 =	vld [tilespmem:$0xD750];
	[tilespmem:$0xE540] =	vst v1  }
0x3fe: {  	v1 =	vld.idx.msk [tilespmem:v3+s3+$0x0], $0xffff  }
0x3ff: {  	v3 =	vld [tilespmem:$0xD560];
	_ =	sdelay $0x4  }
0x400: {  	v1 =	vmul.f32 v2, v1;
	_ =	sdelay $0x1  }
0x401: {  	v2 =	vld [tilespmem:$0xD760];
	[tilespmem:$0xE550] =	vst v1  }
0x402: {  	v1 =	vld.idx.msk [tilespmem:v3+s3+$0x0], $0xffff  }
0x403: {  	v3 =	vld [tilespmem:$0xD570];
	_ =	sdelay $0x4  }
0x404: {  	v1 =	vmul.f32 v2, v1;
	_ =	sdelay $0x1  }
0x405: {  	v2 =	vld [tilespmem:$0xD770];
	[tilespmem:$0xE560] =	vst v1  }
0x406: {  	v1 =	vld.idx.msk [tilespmem:v3+s3+$0x0], $0xffff  }
0x407: {  	v3 =	vld [tilespmem:$0xD580];
	_ =	sdelay $0x4  }
0x408: {  	v1 =	vmul.f32 v2, v1;
	_ =	sdelay $0x1  }
0x409: {  	v2 =	vld [tilespmem:$0xD780];
	[tilespmem:$0xE570] =	vst v1  }
0x40a: {  	v1 =	vld.idx.msk [tilespmem:v3+s3+$0x0], $0xffff  }
0x40b: {  	v3 =	vld [tilespmem:$0xD590];
	_ =	sdelay $0x4  }
0x40c: {  	v1 =	vmul.f32 v2, v1;
	_ =	sdelay $0x1  }
0x40d: {  	v2 =	vld [tilespmem:$0xD790];
	[tilespmem:$0xE580] =	vst v1  }
0x40e: {  	v1 =	vld.idx.msk [tilespmem:v3+s3+$0x0], $0xffff  }
0x40f: {  	v3 =	vld [tilespmem:$0xD5A0];
	_ =	sdelay $0x4  }
0x410: {  	v1 =	vmul.f32 v2, v1;
	_ =	sdelay $0x1  }
0x411: {  	v2 =	vld [tilespmem:$0xD7A0];
	[tilespmem:$0xE590] =	vst v1  }
0x412: {  	v1 =	vld.idx.msk [tilespmem:v3+s3+$0x0], $0xffff  }
0x413: {  	v3 =	vld [tilespmem:$0xD5B0];
	_ =	sdelay $0x4  }
0x414: {  	v1 =	vmul.f32 v2, v1;
	_ =	sdelay $0x1  }
0x415: {  	v2 =	vld [tilespmem:$0xD7B0];
	[tilespmem:$0xE5A0] =	vst v1  }
0x416: {  	v1 =	vld.idx.msk [tilespmem:v3+s3+$0x0], $0xffff  }
0x417: {  	v3 =	vld [tilespmem:$0xD5C0];
	_ =	sdelay $0x4  }
0x418: {  	v1 =	vmul.f32 v2, v1;
	_ =	sdelay $0x1  }
0x419: {  	v2 =	vld [tilespmem:$0xD7C0];
	[tilespmem:$0xE5B0] =	vst v1  }
0x41a: {  	v1 =	vld.idx.msk [tilespmem:v3+s3+$0x0], $0xffff  }
0x41b: {  	v3 =	vld [tilespmem:$0xD5D0];
	_ =	sdelay $0x4  }
0x41c: {  	v1 =	vmul.f32 v2, v1;
	_ =	sdelay $0x1  }
0x41d: {  	v2 =	vld [tilespmem:$0xD7D0];
	[tilespmem:$0xE5C0] =	vst v1  }
0x41e: {  	v1 =	vld.idx.msk [tilespmem:v3+s3+$0x0], $0xffff  }
0x41f: {  	v3 =	vld [tilespmem:$0xD5E0];
	_ =	sdelay $0x4  }
0x420: {  	v1 =	vmul.f32 v2, v1;
	_ =	sdelay $0x1  }
0x421: {  	v2 =	vld [tilespmem:$0xD7E0];
	[tilespmem:$0xE5D0] =	vst v1  }
0x422: {  	v1 =	vld.idx.msk [tilespmem:v3+s3+$0x0], $0xffff  }
0x423: {  	v3 =	vld [tilespmem:$0xD5F0];
	_ =	sdelay $0x4  }
0x424: {  	v1 =	vmul.f32 v2, v1;
	_ =	sdelay $0x1  }
0x425: {  	v2 =	vld [tilespmem:$0xD7F0];
	[tilespmem:$0xE5E0] =	vst v1  }
0x426: {  	v1 =	vld.idx.msk [tilespmem:v3+s3+$0x0], $0xffff  }
0x427: {  	v3 =	vld [tilespmem:$0xD600];
	_ =	sdelay $0x4  }
0x428: {  	v1 =	vmul.f32 v2, v1;
	_ =	sdelay $0x1  }
0x429: {  	v2 =	vld [tilespmem:$0xD800];
	[tilespmem:$0xE5F0] =	vst v1  }
0x42a: {  	v1 =	vld.idx.msk [tilespmem:v3+s3+$0x0], $0xffff  }
0x42b: {  	v3 =	vld [tilespmem:$0xD610];
	_ =	sdelay $0x4  }
0x42c: {  	v1 =	vmul.f32 v2, v1;
	_ =	sdelay $0x1  }
0x42d: {  	v2 =	vld [tilespmem:$0xD810];
	[tilespmem:$0xE600] =	vst v1  }
0x42e: {  	v1 =	vld.idx.msk [tilespmem:v3+s3+$0x0], $0xffff  }
0x42f: {  	v3 =	vld [tilespmem:$0xD620];
	_ =	sdelay $0x4  }
0x430: {  	v1 =	vmul.f32 v2, v1;
	_ =	sdelay $0x1  }
0x431: {  	v2 =	vld [tilespmem:$0xD820];
	[tilespmem:$0xE610] =	vst v1  }
0x432: {  	v1 =	vld.idx.msk [tilespmem:v3+s3+$0x0], $0xffff  }
0x433: {  	v3 =	vld [tilespmem:$0xD630];
	_ =	sdelay $0x4  }
0x434: {  	v1 =	vmul.f32 v2, v1;
	_ =	sdelay $0x1  }
0x435: {  	v2 =	vld [tilespmem:$0xD830];
	[tilespmem:$0xE620] =	vst v1  }
0x436: {  	v1 =	vld.idx.msk [tilespmem:v3+s3+$0x0], $0xffff;
	_ =	sdelay $0x4  }
0x437: {  	v1 =	vmul.f32 v2, v1;
	_ =	sdelay $0x1  }
0x438: {  	[tilespmem:$0xE630] =	vst v1  }
0x439: {  	[spmem:s2] =	stream.indirect.scatter.add.f32 [tilespmem:s0], [sflag:$0x5], $0x1, s9, s18, $0xb8;
	[tilespmem:$0x13040] =	vst v63  }
0x43a: {  	_ =	swait.ge [sflag:s31], $0x400  }
0x43b: {  	[sflag:s31] =	ssyncset.done $0x0  }
0x43c: {  	[sflag:s31] =	ssyncadd.s32 $0xFFFFFC00  }
0x43d: {  	_ =	swait.ge [sflag:s31], $0x200  }
0x43e: {  	[sflag:s31] =	ssyncset.done $0x0  }
0x43f: {  	[sflag:s31] =	ssyncadd.s32 $0xFFFFFE00  }
0x440: {  	p2 =	seq.s32 s14, $0xC00;
	_ =	swait.ge [sflag:s12], $0x200  }
0x441: {  	s15 =	sshrl.u32 @!p2 s10, $0x3;
	s11 =	simm.s32 @!p2 $0xD040;
	[sflag:s12] =	ssyncset.done $0x0  }
0x442: {  	s15 =	sadd.s32 @!p2 s6, s15;
	s16 =	simm.s32 @!p2 $0x0;
	[sflag:s12] =	ssyncadd.s32 $0xFFFFFE00  }
0x443: {  	[tilespmem:s11], [sflag:$0x1] =	stream.linear.gather @!p2 [hbm4b:s15+s16], $0x400, $0x38;
	[tilespmem:$0x13040] =	vst v63  }
0x444: {  	s11 =	sshrl.u32 @!p2 s30, $0x3  }
0x445: {  	s15 =	simm.s32 @!p2 $0xDC40;
	s11 =	sadd.s32 @!p2 s7, s11  }
0x446: {  	[tilespmem:s15], [sflag:$0x1] =	stream.linear.gather @!p2 [hbm4b:s11+s16], $0x200, $0x38;
	[tilespmem:$0x13040] =	vst v63  }
0x447: {  	v1 =	vld [tilespmem:$0xD840];
	_ =	sdelay $0x5  }
0x448: {  	v2 =	vld [tilespmem:$0xDA40]  }
0x449: {  	v3 =	vld [tilespmem:$0xD850]  }
0x44a: {  	v1 =	vld.idx.msk [tilespmem:v1+s3+$0x0], $0xffff;
	_ =	sdelay $0x4  }
0x44b: {  	v1 =	vmul.f32 v2, v1;
	_ =	sdelay $0x1  }
0x44c: {  	v2 =	vld [tilespmem:$0xDA50];
	[tilespmem:$0xE640] =	vst v1  }
0x44d: {  	v1 =	vld.idx.msk [tilespmem:v3+s3+$0x0], $0xffff  }
0x44e: {  	v3 =	vld [tilespmem:$0xD860];
	_ =	sdelay $0x4  }
0x44f: {  	v1 =	vmul.f32 v2, v1;
	_ =	sdelay $0x1  }
0x450: {  	v2 =	vld [tilespmem:$0xDA60];
	[tilespmem:$0xE650] =	vst v1  }
0x451: {  	v1 =	vld.idx.msk [tilespmem:v3+s3+$0x0], $0xffff  }
0x452: {  	v3 =	vld [tilespmem:$0xD870];
	_ =	sdelay $0x4  }
0x453: {  	v1 =	vmul.f32 v2, v1;
	_ =	sdelay $0x1  }
0x454: {  	v2 =	vld [tilespmem:$0xDA70];
	[tilespmem:$0xE660] =	vst v1  }
0x455: {  	v1 =	vld.idx.msk [tilespmem:v3+s3+$0x0], $0xffff  }
0x456: {  	v3 =	vld [tilespmem:$0xD880];
	_ =	sdelay $0x4  }
0x457: {  	v1 =	vmul.f32 v2, v1;
	_ =	sdelay $0x1  }
0x458: {  	v2 =	vld [tilespmem:$0xDA80];
	[tilespmem:$0xE670] =	vst v1  }
0x459: {  	v1 =	vld.idx.msk [tilespmem:v3+s3+$0x0], $0xffff  }
0x45a: {  	v3 =	vld [tilespmem:$0xD890];
	_ =	sdelay $0x4  }
0x45b: {  	v1 =	vmul.f32 v2, v1;
	_ =	sdelay $0x1  }
0x45c: {  	v2 =	vld [tilespmem:$0xDA90];
	[tilespmem:$0xE680] =	vst v1  }
0x45d: {  	v1 =	vld.idx.msk [tilespmem:v3+s3+$0x0], $0xffff  }
0x45e: {  	v3 =	vld [tilespmem:$0xD8A0];
	_ =	sdelay $0x4  }
0x45f: {  	v1 =	vmul.f32 v2, v1;
	_ =	sdelay $0x1  }
0x460: {  	v2 =	vld [tilespmem:$0xDAA0];
	[tilespmem:$0xE690] =	vst v1  }
0x461: {  	v1 =	vld.idx.msk [tilespmem:v3+s3+$0x0], $0xffff  }
0x462: {  	v3 =	vld [tilespmem:$0xD8B0];
	_ =	sdelay $0x4  }
0x463: {  	v1 =	vmul.f32 v2, v1;
	_ =	sdelay $0x1  }
0x464: {  	v2 =	vld [tilespmem:$0xDAB0];
	[tilespmem:$0xE6A0] =	vst v1  }
0x465: {  	v1 =	vld.idx.msk [tilespmem:v3+s3+$0x0], $0xffff  }
0x466: {  	v3 =	vld [tilespmem:$0xD8C0];
	_ =	sdelay $0x4  }
0x467: {  	v1 =	vmul.f32 v2, v1;
	_ =	sdelay $0x1  }
0x468: {  	v2 =	vld [tilespmem:$0xDAC0];
	[tilespmem:$0xE6B0] =	vst v1  }
0x469: {  	v1 =	vld.idx.msk [tilespmem:v3+s3+$0x0], $0xffff  }
0x46a: {  	v3 =	vld [tilespmem:$0xD8D0];
	_ =	sdelay $0x4  }
0x46b: {  	v1 =	vmul.f32 v2, v1;
	_ =	sdelay $0x1  }
0x46c: {  	v2 =	vld [tilespmem:$0xDAD0];
	[tilespmem:$0xE6C0] =	vst v1  }
0x46d: {  	v1 =	vld.idx.msk [tilespmem:v3+s3+$0x0], $0xffff  }
0x46e: {  	v3 =	vld [tilespmem:$0xD8E0];
	_ =	sdelay $0x4  }
0x46f: {  	v1 =	vmul.f32 v2, v1;
	_ =	sdelay $0x1  }
0x470: {  	v2 =	vld [tilespmem:$0xDAE0];
	[tilespmem:$0xE6D0] =	vst v1  }
0x471: {  	v1 =	vld.idx.msk [tilespmem:v3+s3+$0x0], $0xffff  }
0x472: {  	v3 =	vld [tilespmem:$0xD8F0];
	_ =	sdelay $0x4  }
0x473: {  	v1 =	vmul.f32 v2, v1;
	_ =	sdelay $0x1  }
0x474: {  	v2 =	vld [tilespmem:$0xDAF0];
	[tilespmem:$0xE6E0] =	vst v1  }
0x475: {  	v1 =	vld.idx.msk [tilespmem:v3+s3+$0x0], $0xffff  }
0x476: {  	v3 =	vld [tilespmem:$0xD900];
	_ =	sdelay $0x4  }
0x477: {  	v1 =	vmul.f32 v2, v1;
	_ =	sdelay $0x1  }
0x478: {  	v2 =	vld [tilespmem:$0xDB00];
	[tilespmem:$0xE6F0] =	vst v1  }
0x479: {  	v1 =	vld.idx.msk [tilespmem:v3+s3+$0x0], $0xffff  }
0x47a: {  	v3 =	vld [tilespmem:$0xD910];
	_ =	sdelay $0x4  }
0x47b: {  	v1 =	vmul.f32 v2, v1;
	_ =	sdelay $0x1  }
0x47c: {  	v2 =	vld [tilespmem:$0xDB10];
	[tilespmem:$0xE700] =	vst v1  }
0x47d: {  	v1 =	vld.idx.msk [tilespmem:v3+s3+$0x0], $0xffff  }
0x47e: {  	v3 =	vld [tilespmem:$0xD920];
	_ =	sdelay $0x4  }
0x47f: {  	v1 =	vmul.f32 v2, v1;
	_ =	sdelay $0x1  }
0x480: {  	v2 =	vld [tilespmem:$0xDB20];
	[tilespmem:$0xE710] =	vst v1  }
0x481: {  	v1 =	vld.idx.msk [tilespmem:v3+s3+$0x0], $0xffff  }
0x482: {  	v3 =	vld [tilespmem:$0xD930];
	_ =	sdelay $0x4  }
0x483: {  	v1 =	vmul.f32 v2, v1;
	_ =	sdelay $0x1  }
0x484: {  	v2 =	vld [tilespmem:$0xDB30];
	[tilespmem:$0xE720] =	vst v1  }
0x485: {  	v1 =	vld.idx.msk [tilespmem:v3+s3+$0x0], $0xffff  }
0x486: {  	v3 =	vld [tilespmem:$0xD940];
	_ =	sdelay $0x4  }
0x487: {  	v1 =	vmul.f32 v2, v1;
	_ =	sdelay $0x1  }
0x488: {  	v2 =	vld [tilespmem:$0xDB40];
	[tilespmem:$0xE730] =	vst v1  }
0x489: {  	v1 =	vld.idx.msk [tilespmem:v3+s3+$0x0], $0xffff  }
0x48a: {  	v3 =	vld [tilespmem:$0xD950];
	_ =	sdelay $0x4  }
0x48b: {  	v1 =	vmul.f32 v2, v1;
	_ =	sdelay $0x1  }
0x48c: {  	v2 =	vld [tilespmem:$0xDB50];
	[tilespmem:$0xE740] =	vst v1  }
0x48d: {  	v1 =	vld.idx.msk [tilespmem:v3+s3+$0x0], $0xffff  }
0x48e: {  	v3 =	vld [tilespmem:$0xD960];
	_ =	sdelay $0x4  }
0x48f: {  	v1 =	vmul.f32 v2, v1;
	_ =	sdelay $0x1  }
0x490: {  	v2 =	vld [tilespmem:$0xDB60];
	[tilespmem:$0xE750] =	vst v1  }
0x491: {  	v1 =	vld.idx.msk [tilespmem:v3+s3+$0x0], $0xffff  }
0x492: {  	v3 =	vld [tilespmem:$0xD970];
	_ =	sdelay $0x4  }
0x493: {  	v1 =	vmul.f32 v2, v1;
	_ =	sdelay $0x1  }
0x494: {  	v2 =	vld [tilespmem:$0xDB70];
	[tilespmem:$0xE760] =	vst v1  }
0x495: {  	v1 =	vld.idx.msk [tilespmem:v3+s3+$0x0], $0xffff  }
0x496: {  	v3 =	vld [tilespmem:$0xD980];
	_ =	sdelay $0x4  }
0x497: {  	v1 =	vmul.f32 v2, v1;
	_ =	sdelay $0x1  }
0x498: {  	v2 =	vld [tilespmem:$0xDB80];
	[tilespmem:$0xE770] =	vst v1  }
0x499: {  	v1 =	vld.idx.msk [tilespmem:v3+s3+$0x0], $0xffff  }
0x49a: {  	v3 =	vld [tilespmem:$0xD990];
	_ =	sdelay $0x4  }
0x49b: {  	v1 =	vmul.f32 v2, v1;
	_ =	sdelay $0x1  }
0x49c: {  	v2 =	vld [tilespmem:$0xDB90];
	[tilespmem:$0xE780] =	vst v1  }
0x49d: {  	v1 =	vld.idx.msk [tilespmem:v3+s3+$0x0], $0xffff  }
0x49e: {  	v3 =	vld [tilespmem:$0xD9A0];
	_ =	sdelay $0x4  }
0x49f: {  	v1 =	vmul.f32 v2, v1;
	_ =	sdelay $0x1  }
0x4a0: {  	v2 =	vld [tilespmem:$0xDBA0];
	[tilespmem:$0xE790] =	vst v1  }
0x4a1: {  	v1 =	vld.idx.msk [tilespmem:v3+s3+$0x0], $0xffff  }
0x4a2: {  	v3 =	vld [tilespmem:$0xD9B0];
	_ =	sdelay $0x4  }
0x4a3: {  	v1 =	vmul.f32 v2, v1;
	_ =	sdelay $0x1  }
0x4a4: {  	v2 =	vld [tilespmem:$0xDBB0];
	[tilespmem:$0xE7A0] =	vst v1  }
0x4a5: {  	v1 =	vld.idx.msk [tilespmem:v3+s3+$0x0], $0xffff  }
0x4a6: {  	v3 =	vld [tilespmem:$0xD9C0];
	_ =	sdelay $0x4  }
0x4a7: {  	v1 =	vmul.f32 v2, v1;
	_ =	sdelay $0x1  }
0x4a8: {  	v2 =	vld [tilespmem:$0xDBC0];
	[tilespmem:$0xE7B0] =	vst v1  }
0x4a9: {  	v1 =	vld.idx.msk [tilespmem:v3+s3+$0x0], $0xffff  }
0x4aa: {  	v3 =	vld [tilespmem:$0xD9D0];
	_ =	sdelay $0x4  }
0x4ab: {  	v1 =	vmul.f32 v2, v1;
	_ =	sdelay $0x1  }
0x4ac: {  	v2 =	vld [tilespmem:$0xDBD0];
	[tilespmem:$0xE7C0] =	vst v1  }
0x4ad: {  	v1 =	vld.idx.msk [tilespmem:v3+s3+$0x0], $0xffff  }
0x4ae: {  	v3 =	vld [tilespmem:$0xD9E0];
	_ =	sdelay $0x4  }
0x4af: {  	v1 =	vmul.f32 v2, v1;
	_ =	sdelay $0x1  }
0x4b0: {  	v2 =	vld [tilespmem:$0xDBE0];
	[tilespmem:$0xE7D0] =	vst v1  }
0x4b1: {  	v1 =	vld.idx.msk [tilespmem:v3+s3+$0x0], $0xffff  }
0x4b2: {  	v3 =	vld [tilespmem:$0xD9F0];
	_ =	sdelay $0x4  }
0x4b3: {  	v1 =	vmul.f32 v2, v1;
	_ =	sdelay $0x1  }
0x4b4: {  	v2 =	vld [tilespmem:$0xDBF0];
	[tilespmem:$0xE7E0] =	vst v1  }
0x4b5: {  	v1 =	vld.idx.msk [tilespmem:v3+s3+$0x0], $0xffff  }
0x4b6: {  	v3 =	vld [tilespmem:$0xDA00];
	_ =	sdelay $0x4  }
0x4b7: {  	v1 =	vmul.f32 v2, v1;
	_ =	sdelay $0x1  }
0x4b8: {  	v2 =	vld [tilespmem:$0xDC00];
	[tilespmem:$0xE7F0] =	vst v1  }
0x4b9: {  	v1 =	vld.idx.msk [tilespmem:v3+s3+$0x0], $0xffff  }
0x4ba: {  	v3 =	vld [tilespmem:$0xDA10];
	_ =	sdelay $0x4  }
0x4bb: {  	v1 =	vmul.f32 v2, v1;
	_ =	sdelay $0x1  }
0x4bc: {  	v2 =	vld [tilespmem:$0xDC10];
	[tilespmem:$0xE800] =	vst v1  }
0x4bd: {  	v1 =	vld.idx.msk [tilespmem:v3+s3+$0x0], $0xffff  }
0x4be: {  	v3 =	vld [tilespmem:$0xDA20];
	_ =	sdelay $0x4  }
0x4bf: {  	v1 =	vmul.f32 v2, v1;
	_ =	sdelay $0x1  }
0x4c0: {  	v2 =	vld [tilespmem:$0xDC20];
	[tilespmem:$0xE810] =	vst v1  }
0x4c1: {  	v1 =	vld.idx.msk [tilespmem:v3+s3+$0x0], $0xffff  }
0x4c2: {  	v3 =	vld [tilespmem:$0xDA30];
	_ =	sdelay $0x4  }
0x4c3: {  	v1 =	vmul.f32 v2, v1;
	_ =	sdelay $0x1  }
0x4c4: {  	v2 =	vld [tilespmem:$0xDC30];
	[tilespmem:$0xE820] =	vst v1  }
0x4c5: {  	v1 =	vld.idx.msk [tilespmem:v3+s3+$0x0], $0xffff;
	_ =	sdelay $0x1  }
0x4c6: {  	s14 =	sadd.s32 $0xC0, s14  }
0x4c7: {  	p2 =	sne.s32 s14, $0xCC0  }
.Ltmp8:
0x4c8: {  	_ = 	snop;
	(pc) =	sbr.rel @p2 .LBB2_15-.Ltmp8, $4  }
0x4c9: {  	v1 =	vmul.f32 v2, v1  }
0x4ca: {  	s17 =	sadd.s32 $0x180, s17  }
0x4cb: {  	s10 =	sadd.s32 $0xC00, s10;
	s1 =	sadd.s32 $0x180, s1;
	s30 =	sadd.s32 $0x600, s30;
	[tilespmem:$0xE830] =	vst v1  }
0x4cc: {  	[spmem:s2] =	stream.indirect.scatter.add.f32 [tilespmem:s28], [sflag:$0x6], $0x1, s22, s18, $0xb8;
	[tilespmem:$0x13040] =	vst v63  }
0x4cd: {  	s1 =	simm.s32 $0x5  }
0x4ce: {  	_ =	swait.ge [sflag:s1], $0x200  }
0x4cf: {  	[sflag:s1] =	ssyncset.done $0x0  }
0x4d0: {  	s16 =	simm.s32 $0x6;
	[sflag:s1] =	ssyncadd.s32 $0xFFFFFE00  }
0x4d1: {  	_ =	swait.ge [sflag:s16], $0x200  }
0x4d2: {  	[sflag:s16] =	ssyncset.done $0x0  }
0x4d3: {  	[sflag:s16] =	ssyncadd.s32 $0xFFFFFE00  }
0x4d4: {  	[bflag:$0x0] =	sbarrier.arrive $0xFFFF  }
0x4d5: {  	s10 =	simm.s32 $0x12340;
	s11 =	rddreg [dreg:$0xb]  }
0x4d6: {  	[tilespmem:s10], [sflag:$0x8] =	stream.linear.gather [spmem:s11], $0xC40, $0x38;
	[tilespmem:$0x13040] =	vst v63  }
0x4d7: {  	_ =	swait.ge [sflag:s23], $0xC40  }
0x4d8: {  	[sflag:s23] =	ssyncset.done $0x0  }
0x4d9: {  	s17 =	rddreg [dreg:$0xe];
	[sflag:s23] =	ssyncadd.s32 $0xFFFFF3C0  }
0x4da: {  	[hbm4b:s17+s3] =	stream.linear.scatter [tilespmem:s10], [sflag:$0x8], $0xC40, $0x38;
	[tilespmem:$0x13040] =	vst v63  }
0x4db: {  	_ =	swait.ge [sflag:s23], $0xC40  }
0x4dc: {  	[sflag:s23] =	ssyncset.done $0x0  }
0x4dd: {  	[sflag:s23] =	ssyncadd.s32 $0xFFFFF3C0  }
0x4de: {  	s1 =	simm.s32 @!p0 $0x100000;
	[bflag:$0x0] =	sbarrier.arrive $0xFFFF  }
0x4df: {  	[smem:s1], [sflag:$0x0] =	smem.add.s32 @!p0 $0x0;
	s1 =	simm.s32 @!p0 $0x0  }
0x4e0: {  	_ =	swait.done @!p0 [sflag:s1]  }
0x4e1: {  	s10 =	ssyncread @!p0 [sflag:$0x0];
	_ =	sdelay $0x1  }
0x4e2: {  	s15 =	rddreg [dreg:$0xf]  }
0x4e3: {  	s10 =	sadd.s32 @!p0 s15, s10  }
0x4e4: {  	s10 =	sshll.u32 @!p0 s10, $0x11  }
0x4e5: {  	[sflag:s1] =	ssyncset.s32 @!p0 $0x0;
	s10 =	sor.u32 @!p0 s10, s25  }
0x4e6: {  	[sflag:s1] =	ssyncset.done @!p0 $0x0;
	s1 =	sor.u32 @!p0 $0x1C07, s10  }
0x4e7: {  	[sflag:s1] =	ssyncadd.remote.s32 @!p0 $0x1;
	s1 =	simm.s32 @!p0 $0x7  }
0x4e8: {  	_ =	swait.ge @!p0 [sflag:s1], $0x1  }
0x4e9: {  	[sflag:s1] =	ssyncset.done @!p0 $0x0  }
0x4ea: {  	[sflag:s1] =	ssyncadd.s32 @!p0 $0xFFFFFFFF  }
0x4eb: {  	[bflag:$0x0] =	sbarrier.arrive $0xFFFF  }
0x4ec: {  	s30 =	simm.s32 $0x0;
	s14 =	simm.s32 $0xFBC0;
	s16 =	rddreg [dreg:$0x11]  }
0x4ed: {  	[tilespmem:s14], [sflag:$0x8] =	stream.linear.gather [hbm4b:s16+s30], $0x620, $0x38;
	[tilespmem:$0x13040] =	vst v63  }
0x4ee: {  	_ =	swait.ge [sflag:s23], $0x620  }
0x4ef: {  	s17 =	sld [smem:$0x7FD]  }
0x4f0: {  	[sflag:s23] =	ssyncset.done $0x0  }
0x4f1: {  	s25 =	simm.s32 $0x10240;
	[sflag:s23] =	ssyncadd.s32 $0xFFFFF9E0  }
0x4f2: {  	[tilespmem:s25], [sflag:$0x8] =	stream.linear.gather [hbm4b:s17+s30], $0x620, $0x38;
	[tilespmem:$0x13040] =	vst v63  }
0x4f3: {  	_ =	swait.ge [sflag:s23], $0x620  }
0x4f4: {  	[sflag:s23] =	ssyncset.done $0x0  }
0x4f5: {  	s30 =	simm.s32 $0x0;
	[sflag:s23] =	ssyncadd.s32 $0xFFFFF9E0  }
0x4f6: {  	v5 =	vld [tilespmem:s30+$0xE890]  }
0x4f7: {  	v3 =	vld [tilespmem:s30+$0xE880]  }
0x4f8: {  	v1 =	vld [tilespmem:s30+$0xE870]  }
0x4f9: {  	v2 =	vld [tilespmem:s30+$0xE860]  }
0x4fa: {  	v4 =	vld [tilespmem:s30+$0xE850]  }
0x4fb: {  	v6 =	vld [tilespmem:s30+$0xE840]  }
0x4fc: {  	v7 =	vld [tilespmem:s30+$0xFBC0]  }
0x4fd: {  	v8 =	vld [tilespmem:s30+$0x10240]  }
0x4fe: {  	v9 =	vld [tilespmem:s30+$0xFBD0]  }
0x4ff: {  	v10 =	vld [tilespmem:s30+$0x10250]  }
0x500: {  	v11 =	vld [tilespmem:s30+$0xFBE0]  }
0x501: {  	v12 =	vld [tilespmem:s30+$0x10260]  }
0x502: {  	v13 =	vld [tilespmem:s30+$0x10270];
	v7 =	vadd.f32 v8, v7  }
0x503: {  	v8 =	vld [tilespmem:s30+$0xFBF0]  }
0x504: {  	v14 =	vld [tilespmem:s30+$0x10280];
	v6 =	vsub.f32 v6, v7;
	v7 =	vadd.f32 v10, v9  }
0x505: {  	v9 =	vld [tilespmem:s30+$0xFC00];
	v10 =	vimm.f32 $0.0e+00  }
0x506: {  	v6 =	vand.u32 $0x7FFFFFFF, v6;
	v4 =	vsub.f32 v4, v7;
	v7 =	vadd.f32 v12, v11;
	v11 =	vld [tilespmem:s30+$0xFC10]  }
0x507: {  	v6 =	vadd.f32 v6, v10;
	v10 =	vld [tilespmem:s30+$0x10290]  }
0x508: {  	v4 =	vand.u32 $0x7FFFFFFF, v4;
	v2 =	vsub.f32 v2, v7;
	v7 =	vadd.f32 v13, v8;
	v8 =	vld [tilespmem:s30+$0xFC20]  }
0x509: {  	v4 =	vadd.f32 v4, v6;
	v6 =	vld [tilespmem:s30+$0x102A0]  }
0x50a: {  	s1 =	simm.s32 $0x70;
	v63 =	vld [tilespmem:s30+$0xE8A0];
	v9 =	vadd.f32 v14, v9;
	v62 =	vand.u32 $0x7FFFFFFF, v2;
	v7 =	vsub.f32 v1, v7  }
0x50b: {  	v2 =	vld [tilespmem:s1+$0xE890];
	v4 =	vadd.f32 v62, v4  }
0x50c: {  	v1 =	vld [tilespmem:s1+$0xE880];
	v9 =	vsub.f32 v3, v9;
	v7 =	vand.u32 $0x7FFFFFFF, v7;
	v10 =	vadd.f32 v10, v11  }
0x50d: {  	v3 =	vld [tilespmem:s1+$0xE870];
	v7 =	vadd.f32 v7, v4  }
0x50e: {  	v4 =	vld [tilespmem:s1+$0xE860];
	v9 =	vand.u32 $0x7FFFFFFF, v9;
	v10 =	vsub.f32 v5, v10;
	v8 =	vadd.f32 v6, v8  }
0x50f: {  	v5 =	vld [tilespmem:s1+$0xE850];
	v9 =	vadd.f32 v9, v7  }
0x510: {  	v6 =	vld [tilespmem:s1+$0xE840];
	v10 =	vand.u32 $0x7FFFFFFF, v10;
	v8 =	vsub.f32 v63, v8  }
0x511: {  	s10 =	simm.s32 $0x380;
	v7 =	vld [tilespmem:s1+$0xFBC0];
	v9 =	vadd.f32 v10, v9  }
.LBB2_17:
0x512: {  	p2 =	sne.s32 s10, $0x16C0;
	v10 =	vld [tilespmem:s1+$0x10240];
	v8 =	vand.u32 $0x7FFFFFFF, v8  }
0x513: {  	v11 =	vld [tilespmem:s1+$0xFBD0];
	v8 =	vadd.f32 v8, v9  }
0x514: {  	v9 =	vld [tilespmem:s1+$0x10250]  }
0x515: {  	v12 =	vld [tilespmem:s1+$0xFBE0]  }
0x516: {  	v13 =	vld [tilespmem:s1+$0x10260]  }
0x517: {  	v7 =	vadd.f32 v10, v7;
	v10 =	vld [tilespmem:s1+$0xFBF0]  }
0x518: {  	v14 =	vld [tilespmem:s1+$0x10270]  }
0x519: {  	v6 =	vsub.f32 v6, v7;
	v7 =	vadd.f32 v9, v11;
	v9 =	vld [tilespmem:s1+$0xFC00]  }
0x51a: {  	v11 =	vld [tilespmem:s1+$0x10280]  }
0x51b: {  	v6 =	vand.u32 $0x7FFFFFFF, v6;
	v5 =	vsub.f32 v5, v7;
	v7 =	vadd.f32 v13, v12;
	v12 =	vld [tilespmem:s1+$0xFC10]  }
0x51c: {  	v6 =	vadd.f32 v6, v8;
	v8 =	vld [tilespmem:s1+$0x10290]  }
0x51d: {  	v5 =	vand.u32 $0x7FFFFFFF, v5;
	v4 =	vsub.f32 v4, v7;
	v7 =	vadd.f32 v14, v10;
	v10 =	vld [tilespmem:s1+$0xFC20]  }
0x51e: {  	v5 =	vadd.f32 v5, v6;
	v6 =	vld [tilespmem:s1+$0x102A0]  }
0x51f: {  	v4 =	vand.u32 $0x7FFFFFFF, v4;
	v3 =	vsub.f32 v3, v7;
	v7 =	vadd.f32 v11, v9;
	v9 =	vld [tilespmem:s1+$0xE8A0];
	s1 =	sshra.s32 s10, $0x2  }
0x520: {  	v11 =	vld [tilespmem:s1+$0xE890];
	v4 =	vadd.f32 v4, v5  }
0x521: {  	v5 =	vand.u32 $0x7FFFFFFF, v3;
	v7 =	vsub.f32 v1, v7;
	v1 =	vld [tilespmem:s1+$0xE880];
	v8 =	vadd.f32 v8, v12  }
.Ltmp9:
0x522: {  	v3 =	vld [tilespmem:s1+$0xE870];
	v12 =	vadd.f32 v5, v4;
	(pc) =	sbr.rel @p2 .LBB2_17-.Ltmp9, $4  }
0x523: {  	v4 =	vld [tilespmem:s1+$0xE860];
	v7 =	vand.u32 $0x7FFFFFFF, v7;
	v13 =	vsub.f32 v2, v8;
	v8 =	vadd.f32 v6, v10  }
0x524: {  	v5 =	vld [tilespmem:s1+$0xE850];
	v10 =	vadd.f32 v7, v12  }
0x525: {  	v6 =	vld [tilespmem:s1+$0xE840];
	v12 =	vand.u32 $0x7FFFFFFF, v13;
	v8 =	vsub.f32 v9, v8;
	v2 =	vmov v11  }
0x526: {  	s10 =	sadd.s32 $0x1C0, s10;
	v7 =	vld [tilespmem:s1+$0xFBC0];
	v9 =	vadd.f32 v12, v10  }
0x527: {  	v10 =	vld [tilespmem:s1+$0x10240]  }
0x528: {  	v11 =	vld [tilespmem:s1+$0xFBD0]  }
0x529: {  	v12 =	vld [tilespmem:s1+$0x10250]  }
0x52a: {  	v13 =	vld [tilespmem:s1+$0xFBE0]  }
0x52b: {  	v14 =	vld [tilespmem:s1+$0x10260]  }
0x52c: {  	v49 =	vld [tilespmem:s1+$0xFBF0];
	v7 =	vadd.f32 v10, v7  }
0x52d: {  	v15 =	vld [tilespmem:s1+$0x10270]  }
0x52e: {  	v50 =	vand.u32 $0x7FFFFFFF, v8;
	v52 =	vld [tilespmem:s1+$0xFC00];
	v51 =	vadd.f32 v12, v11;
	v6 =	vsub.f32 v6, v7  }
0x52f: {  	v53 =	vld [tilespmem:s1+$0x10280];
	v7 =	vadd.f32 v50, v9  }
0x530: {  	v55 =	vld [tilespmem:s1+$0xFC10];
	v54 =	vadd.f32 v14, v13;
	v5 =	vsub.f32 v5, v51;
	v6 =	vand.u32 $0x7FFFFFFF, v6  }
0x531: {  	v56 =	vld [tilespmem:s1+$0x10290];
	v6 =	vadd.f32 v6, v7  }
0x532: {  	v58 =	vld [tilespmem:s1+$0xFC20];
	v57 =	vadd.f32 v15, v49;
	v4 =	vsub.f32 v4, v54;
	v5 =	vand.u32 $0x7FFFFFFF, v5  }
0x533: {  	v59 =	vld [tilespmem:s1+$0x102A0];
	v5 =	vadd.f32 v5, v6  }
0x534: {  	v60 =	vadd.f32 v53, v52;
	v3 =	vsub.f32 v3, v57;
	v4 =	vand.u32 $0x7FFFFFFF, v4  }
0x535: {  	v61 =	vld [tilespmem:s1+$0xE8A0];
	v4 =	vadd.f32 v4, v5  }
0x536: {  	v62 =	vadd.f32 v56, v55;
	v1 =	vsub.f32 v1, v60;
	v3 =	vand.u32 $0x7FFFFFFF, v3  }
0x537: {  	v3 =	vadd.f32 v3, v4  }
0x538: {  	v63 =	vadd.f32 v59, v58;
	v2 =	vsub.f32 v2, v62;
	v1 =	vand.u32 $0x7FFFFFFF, v1  }
0x539: {  	v1 =	vadd.f32 v1, v3  }
0x53a: {  	v2 =	vand.u32 $0x7FFFFFFF, v2;
	v3 =	vsub.f32 v61, v63  }
0x53b: {  	v1 =	vadd.f32 v2, v1  }
0x53c: {  	v2 =	vand.u32 $0x7FFFFFFF, v3  }
0x53d: {  	v1 =	vadd.f32 v2, v1;
	_ =	sdelay $0x1  }
0x53e: {  	(xrf2) =	vadd.scan.msk.f32 $0xffff, v1;
	_ =	sdelay $0x9  }
0x53f: {  	v1, _, _ =	vpop (xrf2)  }
0x540: {  	v1 =	vbroadcast v1, $0xF  }
0x541: {  	s25 =	sshll.u32 s24, $0x9;
	s10 =	rddreg [dreg:$0x16];
	s24 =	sadd.s32 $0x1, s24  }
0x542: {  	s30 =	simm.s32 $0x12FC0;
	s1 =	sadd.s32 s25, s10;
	p2 =	sne.s32 s24, $0xB;
	[tilespmem:$0x12FC0] =	vst v1  }
0x543: {  	[hbm4b:s1+s3] =	stream.linear.scatter [tilespmem:s30], [sflag:$0x8], $0x80, $0x38;
	[tilespmem:$0x13040] =	vst v63  }
.Ltmp10:
0x544: {  	_ = 	snop;
	(pc) =	sbr.rel @p2 .LBB2_4-.Ltmp10, $4  }
.Ltmp11:
0x545: {  	_ = 	snop;
	(pc) =	sbr.rel @!p2 .LBB2_19-.Ltmp11, $4  }
0x546: {  	_ =	swait.ge [sflag:s23], $0x80  }
0x547: {  	[sflag:s23] =	ssyncset.done $0x0  }
0x548: {  	[sflag:s23] =	ssyncadd.s32 $0xFFFFFF80  }
0x549: {  	_ = 	snop  }
.LBB2_8:
0x54a: {  	[bflag:$0x0] =	sbarrier.arrive $0xFFFF;
	s10 =	simm.s32 $0x12340  }
0x54b: {  	[tilespmem:s10], [sflag:$0x8] =	stream.linear.gather [spmem:s11], $0xC40, $0x38;
	[tilespmem:$0x13040] =	vst v63  }
0x54c: {  	_ =	swait.ge [sflag:s23], $0xC40  }
0x54d: {  	[sflag:s23] =	ssyncset.done $0x0  }
0x54e: {  	s1 =	rddreg [dreg:$0xe];
	[sflag:s23] =	ssyncadd.s32 $0xFFFFF3C0  }
0x54f: {  	[hbm4b:s1+s3] =	stream.linear.scatter [tilespmem:s10], [sflag:$0x8], $0xC40, $0x38;
	[tilespmem:$0x13040] =	vst v63  }
.Ltmp12:
0x550: {  	_ =	swait.ge [sflag:s23], $0xC40;
	(pc) =	sbr.rel @p0 .LBB2_10-.Ltmp12, $4  }
.Ltmp13:
0x551: {  	[sflag:s23] =	ssyncset.done $0x0;
	(pc) =	sbr.rel @!p0 .LBB2_9-.Ltmp13, $4  }
0x552: {  	[sflag:s23] =	ssyncadd.s32 $0xFFFFF3C0  }
0x553: {  	[bflag:$0x0] =	sbarrier.arrive $0xFFFF  }
0x554: {  	_ = 	snop  }
0x555: {  	_ = 	snop  }
.LBB2_20:
0x556: {  	_ =	sfence.sel $0x180000  }
0x557: {  	[bflag:$0x0] =	sbarrier.arrive $0xFFFF  }
0x558: {  	_ =	strace $0x90000047  }
0x559: {  	[bflag:$0x2] =	sbarrier.arrive $0xFFFF  }
0x55a: {  	s0 =	rddreg [dreg:$0x3]  }
0x55b: {  	s0 =	sadd.s32 @!p0 $0x100000, s0  }
0x55c: {  	[sflag:s0] =	ssyncadd.tile.s32 @!p0 $0x1;
	_ =	shalt  }
.Lfunc_end2:
_tile_overlayer_lowered:
.L_overlay_start_2:
0x55d: {  	(tag) =	ssettag $0x2  }
0x55e: {  	s0 =	rddreg [dreg:$0x0];
	s2 =	stileid.u32  }
0x55f: {  	s1 =	rddreg [dreg:$0x1];
	p0 =	sne.s32 s2, $0x0  }
0x560: {  	s3 =	rddreg [dreg:$0x2];
	[bflag:$0x3] =	sbarrier.arrive $0xFFFF;
	s2 =	simm.s32 @!p0 $0x1C08  }
0x561: {  	[timem:s3], [sflag:s2] =	dma.local @!p0 [hbm:s0], s1  }
0x562: {  	s0 =	simm.s32 @!p0 $0x8  }
0x563: {  	_ =	swait.ge @!p0 [sflag:s0], s1  }
0x564: {  	s1 =	ssub.s32 @!p0 $0x0, s1;
	[sflag:s0] =	ssyncset.done @!p0 $0x0  }
0x565: {  	[sflag:s0] =	ssyncadd.s32 @!p0 s1  }
0x566: {  	[bflag:$0x3] =	sbarrier.arrive $0xFFFF  }
0x567: {  	_ =	shalt  }

</sc_bundles>
